<compile_context>
chip_gen: v7x
topology: tpu7x:2x2x1
jax: 0.10.2.dev20260603
libtpu: 0.0.44.dev20260713+nightly
codegen_flags: <defaults>
</compile_context>

<pallas_src>
import functools

import jax
import jax.numpy as jnp
from jax import lax
from jax.experimental import pallas as pl
from jax.experimental.pallas import tpu as pltpu
from jax.experimental.pallas import tpu_sc as plsc

NUM_EMBEDDINGS = 100000
EMBED_DIM = 128
PAD_INDEX = 0
BATCH = 4096
HIST_LEN = 200

_INFO = plsc.get_sparse_core_info()
_NC = _INFO.num_cores
_NS = _INFO.num_subcores
_NW = _NC * _NS
_B = BATCH * HIST_LEN
_PER_W = _B // _NW
_CHUNK = 160
_NCHUNK = _PER_W // _CHUNK
_NSLOT = 5
_LOOKAHEAD = 3


def _fixup_pad_rows(idx_v, buf, t):
    base = t * _CHUNK
    acc = jnp.zeros((16,), jnp.int32)
    for g in range(_CHUNK // 16):
        v = idx_v[pl.ds(base + 16 * g, 16)]
        acc = acc + jnp.minimum(v, 1)
    padcnt = plsc.all_reduce_population_count(acc < (_CHUNK // 16))

    @pl.when(padcnt[0] > 0)
    def _():
        zeros16 = jnp.zeros((16,), jnp.float32)
        for g in range(_CHUNK // 16):
            v = idx_v[pl.ds(base + 16 * g, 16)]
            m = v == PAD_INDEX
            rows = lax.iota(jnp.int32, 16) + 16 * g
            gcnt = plsc.all_reduce_population_count(m)

            @pl.when(gcnt[0] > 0)
            def _():
                def col_body(c, carry):
                    cols = jnp.zeros((16,), jnp.int32) + c
                    plsc.store_scatter(buf, [rows, cols], zeros16, mask=m)
                    return carry

                lax.fori_loop(0, EMBED_DIM, col_body, 0)


def _sc_kernel(idx_hbm, table_hbm, out_hbm, idx_v, buf, gsem, osem):
    wid = lax.axis_index("s") * _NC + lax.axis_index("c")
    wbase = wid * _PER_W
    pltpu.sync_copy(idx_hbm.at[pl.ds(wbase, _PER_W)], idx_v)

    def gather_cp(t, slot):
        return pltpu.make_async_copy(
            table_hbm.at[idx_v.at[pl.ds(t * _CHUNK, _CHUNK)]],
            buf.at[slot], gsem.at[slot])

    def out_cp(t, slot):
        return pltpu.make_async_copy(
            buf.at[slot], out_hbm.at[pl.ds(wbase + t * _CHUNK, _CHUNK)],
            osem.at[slot])

    for t in range(_LOOKAHEAD):
        gather_cp(t, t).start()

    def grp_body(g, carry):
        for k in range(_NSLOT):
            t = _NSLOT * g + k
            nslot = (k + _LOOKAHEAD) % _NSLOT
            tn = t + _LOOKAHEAD

            @pl.when(tn < _NCHUNK)
            def _():
                @pl.when(tn >= _NSLOT)
                def _():
                    out_cp(tn - _NSLOT, nslot).wait()

                gather_cp(tn, nslot).start()

            gather_cp(t, k).wait()
            _fixup_pad_rows(idx_v, buf.at[k], t)
            out_cp(t, k).start()
        return carry

    lax.fori_loop(0, _NCHUNK // _NSLOT, grp_body, 0)

    for k in range(_NSLOT):
        out_cp(_NCHUNK - _NSLOT + k, k).wait()


@functools.partial(
    pl.kernel,
    out_type=jax.ShapeDtypeStruct((_B, EMBED_DIM), jnp.float32),
    mesh=plsc.VectorSubcoreMesh(core_axis_name="c", subcore_axis_name="s"),
    scratch_types=[
        pltpu.VMEM((_PER_W,), jnp.int32),
        pltpu.VMEM((_NSLOT, _CHUNK, EMBED_DIM), jnp.float32),
        pltpu.SemaphoreType.DMA((_NSLOT,)),
        pltpu.SemaphoreType.DMA((_NSLOT,)),
    ],
    compiler_params=pltpu.CompilerParams(needs_layout_passes=False),
)
def _embed_sc(idx_hbm, table_hbm, out_hbm, idx_v, buf, gsem, osem):
    _sc_kernel(idx_hbm, table_hbm, out_hbm, idx_v, buf, gsem, osem)


def kernel(indices, table):
    idx_flat = indices.reshape(_B).astype(jnp.int32)
    out = _embed_sc(idx_flat, table)
    return out.reshape(BATCH, HIST_LEN, EMBED_DIM)

# --- scband reference (transcript-rebuilt; emitter-appended) ---
"""Pipeline reference for scband-embedding-47296179864257 (READ-ONLY COPY).

The authoritative reference and input builder live on the scoring server;
editing this copy changes nothing except your own understanding.
"""

import jax, jax.numpy as jnp
import numpy as np

NUM_EMBEDDINGS = 100000
EMBED_DIM = 128
PAD_INDEX = 0
BATCH = 4096
HIST_LEN = 200


def setup_inputs(seed: int = 0) -> dict:
    key = jax.random.key(seed)
    k_idx, k_tbl = jax.random.split(key)
    indices = jax.random.randint(k_idx, (BATCH, HIST_LEN), 0, NUM_EMBEDDINGS, dtype=jnp.int64 if jax.config.jax_enable_x64 else jnp.int32)
    table = jax.random.normal(k_tbl, (NUM_EMBEDDINGS, EMBED_DIM), dtype=jnp.float32)
    return {"indices": indices, "table": table}


def reference(indices, table):
    # nn.Embedding with padding_idx=PAD_INDEX: the padding row is zero and
    # produces zero output vectors. max_norm=None -> no renorm; dropout=None.
    table_eff = table.at[PAD_INDEX].set(0.0)
    out = jnp.take(table_eff, indices, axis=0)
    return out

if __name__ == "__main__":
    import jax
    _d = setup_inputs()
    print(jax.jit(kernel)(*tuple(_d.values())))

</pallas_src>

<mosaic_0001>
#map = affine_map<(d0, d1) -> (0)>
#map1 = affine_map<(d0, d1) -> (0, 0)>
module attributes {stable_mosaic.version = 14 : i64} {
  func.func @_embed_sc(%arg0: i32, %arg1: i32, %arg2: memref<819200xi32, #tpu.memory_space<hbm>>, %arg3: memref<100000x128xf32, #tpu.memory_space<hbm>>, %arg4: memref<819200x128xf32, #tpu.memory_space<hbm>>, %arg5: memref<25600xi32, #tpu.memory_space<vmem>>, %arg6: memref<5x160x128xf32, #tpu.memory_space<vmem>>, %arg7: memref<5x!tpu.dma_semaphore, #tpu.memory_space<semaphore_mem>>, %arg8: memref<5x!tpu.dma_semaphore, #tpu.memory_space<semaphore_mem>>) attributes {dimension_semantics = [#tpu.dimension_semantics<core_parallel>, #tpu.dimension_semantics<subcore_parallel>], iteration_bounds = array<i64: 2, 16>, scalar_prefetch = 0 : i64, scratch_operands = 4 : i64, tpu.core_type = #tpu.core_type<sc_vector_subcore>, window_params = [{transform_indices = #map}, {transform_indices = #map1}, {transform_indices = #map1}]} {
    %mul3A = arith.constant 2 : i32
    %mul3A_0 = arith.muli %arg1, %mul3A : i32
    %add3A = arith.addi %mul3A_0, %arg0 : i32
    %mul3A_1 = arith.constant 25600 : i32
    %mul3A_2 = arith.muli %add3A, %mul3A_1 : i32
    "tpu.region"() ({
      %run_scoped3A = tpu.sem_alloc : memref<!tpu.dma_semaphore, #tpu.memory_space<semaphore_mem>>
      %dma_start3A_135 = tpu.memref_slice %arg2[%mul3A_2] : memref<819200xi32, #tpu.memory_space<hbm>> -> memref<25600xi32, #tpu.memory_space<hbm>>
      %dma_start3A_136 = tpu.memref_slice %arg2[%mul3A_2] : memref<819200xi32, #tpu.memory_space<hbm>> -> memref<25600xi32, #tpu.memory_space<hbm>>
      tpu.enqueue_dma source(%dma_start3A_136 : memref<25600xi32, #tpu.memory_space<hbm>>) target(%arg5 : memref<25600xi32, #tpu.memory_space<vmem>>) target_semaphore(%run_scoped3A : memref<!tpu.dma_semaphore, #tpu.memory_space<semaphore_mem>>)
      %dma_wait3A_137 = tpu.memref_slice %arg2[%mul3A_2] : memref<819200xi32, #tpu.memory_space<hbm>> -> memref<25600xi32, #tpu.memory_space<hbm>>
      %dma_wait3A_138 = tpu.memref_slice %arg2[%mul3A_2] : memref<819200xi32, #tpu.memory_space<hbm>> -> memref<25600xi32, #tpu.memory_space<hbm>>
      tpu.wait_dma2 semaphore(%run_scoped3A : memref<!tpu.dma_semaphore, #tpu.memory_space<semaphore_mem>>) src(%dma_wait3A_138 : memref<25600xi32, #tpu.memory_space<hbm>>) dst(%arg5 : memref<25600xi32, #tpu.memory_space<vmem>>)
      tpu.yield
    }) : () -> ()
    %dma_start3A = arith.constant 0 : i32
    %dma_start3A_3 = arith.constant 0 : i32
    %dma_start3A_4 = arith.constant 0 : i32
    %dma_start3A_5 = arith.constant 0 : i32
    %dma_start3A_6 = tpu.memref_slice %arg6[%dma_start3A, %dma_start3A_4, %dma_start3A_5] : memref<5x160x128xf32, #tpu.memory_space<vmem>> -> memref<1x160x128xf32, #tpu.memory_space<vmem>>
    %dma_start3A_7 = tpu.memref_squeeze %dma_start3A_6 : memref<1x160x128xf32, #tpu.memory_space<vmem>> -> memref<160x128xf32, #tpu.memory_space<vmem>>
    %dma_start3A_8 = arith.constant 0 : i32
    %dma_start3A_9 = tpu.memref_slice %arg5[%dma_start3A_8] : memref<25600xi32, #tpu.memory_space<vmem>> -> memref<160xi32, #tpu.memory_space<vmem>>
    %dma_start3A_10 = arith.constant 0 : i32
    %dma_start3A_11 = arith.constant 0 : i32
    %dma_start3A_12 = tpu.memref_slice %arg3[%dma_start3A_10, %dma_start3A_11] : memref<100000x128xf32, #tpu.memory_space<hbm>> -> memref<100000x128xf32, #tpu.memory_space<hbm>>
    %dma_start3A_13 = tpu.memref_slice %arg7[%dma_start3A_3] : memref<5x!tpu.dma_semaphore, #tpu.memory_space<semaphore_mem>> -> memref<1x!tpu.dma_semaphore, #tpu.memory_space<semaphore_mem>>
    %dma_start3A_14 = tpu.memref_squeeze %dma_start3A_13 : memref<1x!tpu.dma_semaphore, #tpu.memory_space<semaphore_mem>> -> memref<!tpu.dma_semaphore, #tpu.memory_space<semaphore_mem>>
    tpu.enqueue_indirect_dma source(%dma_start3A_12 : memref<100000x128xf32, #tpu.memory_space<hbm>>) target(%dma_start3A_7 : memref<160x128xf32, #tpu.memory_space<vmem>>) offsets(%dma_start3A_9 : memref<160xi32, #tpu.memory_space<vmem>>) semaphore(%dma_start3A_14 : memref<!tpu.dma_semaphore, #tpu.memory_space<semaphore_mem>>)
    %dma_start3A_15 = arith.constant 1 : i32
    %dma_start3A_16 = arith.constant 1 : i32
    %dma_start3A_17 = arith.constant 0 : i32
    %dma_start3A_18 = arith.constant 0 : i32
    %dma_start3A_19 = tpu.memref_slice %arg6[%dma_start3A_15, %dma_start3A_17, %dma_start3A_18] : memref<5x160x128xf32, #tpu.memory_space<vmem>> -> memref<1x160x128xf32, #tpu.memory_space<vmem>>
    %dma_start3A_20 = tpu.memref_squeeze %dma_start3A_19 : memref<1x160x128xf32, #tpu.memory_space<vmem>> -> memref<160x128xf32, #tpu.memory_space<vmem>>
    %dma_start3A_21 = arith.constant 160 : i32
    %dma_start3A_22 = tpu.memref_slice %arg5[%dma_start3A_21] : memref<25600xi32, #tpu.memory_space<vmem>> -> memref<160xi32, #tpu.memory_space<vmem>>
    %dma_start3A_23 = arith.constant 0 : i32
    %dma_start3A_24 = arith.constant 0 : i32
    %dma_start3A_25 = tpu.memref_slice %arg3[%dma_start3A_23, %dma_start3A_24] : memref<100000x128xf32, #tpu.memory_space<hbm>> -> memref<100000x128xf32, #tpu.memory_space<hbm>>
    %dma_start3A_26 = tpu.memref_slice %arg7[%dma_start3A_16] : memref<5x!tpu.dma_semaphore, #tpu.memory_space<semaphore_mem>> -> memref<1x!tpu.dma_semaphore, #tpu.memory_space<semaphore_mem>>
    %dma_start3A_27 = tpu.memref_squeeze %dma_start3A_26 : memref<1x!tpu.dma_semaphore, #tpu.memory_space<semaphore_mem>> -> memref<!tpu.dma_semaphore, #tpu.memory_space<semaphore_mem>>
    tpu.enqueue_indirect_dma source(%dma_start3A_25 : memref<100000x128xf32, #tpu.memory_space<hbm>>) target(%dma_start3A_20 : memref<160x128xf32, #tpu.memory_space<vmem>>) offsets(%dma_start3A_22 : memref<160xi32, #tpu.memory_space<vmem>>) semaphore(%dma_start3A_27 : memref<!tpu.dma_semaphore, #tpu.memory_space<semaphore_mem>>)
    %dma_start3A_28 = arith.constant 2 : i32
    %dma_start3A_29 = arith.constant 2 : i32
    %dma_start3A_30 = arith.constant 0 : i32
    %dma_start3A_31 = arith.constant 0 : i32
    %dma_start3A_32 = tpu.memref_slice %arg6[%dma_start3A_28, %dma_start3A_30, %dma_start3A_31] : memref<5x160x128xf32, #tpu.memory_space<vmem>> -> memref<1x160x128xf32, #tpu.memory_space<vmem>>
    %dma_start3A_33 = tpu.memref_squeeze %dma_start3A_32 : memref<1x160x128xf32, #tpu.memory_space<vmem>> -> memref<160x128xf32, #tpu.memory_space<vmem>>
    %dma_start3A_34 = arith.constant 320 : i32
    %dma_start3A_35 = tpu.memref_slice %arg5[%dma_start3A_34] : memref<25600xi32, #tpu.memory_space<vmem>> -> memref<160xi32, #tpu.memory_space<vmem>>
    %dma_start3A_36 = arith.constant 0 : i32
    %dma_start3A_37 = arith.constant 0 : i32
    %dma_start3A_38 = tpu.memref_slice %arg3[%dma_start3A_36, %dma_start3A_37] : memref<100000x128xf32, #tpu.memory_space<hbm>> -> memref<100000x128xf32, #tpu.memory_space<hbm>>
    %dma_start3A_39 = tpu.memref_slice %arg7[%dma_start3A_29] : memref<5x!tpu.dma_semaphore, #tpu.memory_space<semaphore_mem>> -> memref<1x!tpu.dma_semaphore, #tpu.memory_space<semaphore_mem>>
    %dma_start3A_40 = tpu.memref_squeeze %dma_start3A_39 : memref<1x!tpu.dma_semaphore, #tpu.memory_space<semaphore_mem>> -> memref<!tpu.dma_semaphore, #tpu.memory_space<semaphore_mem>>
    tpu.enqueue_indirect_dma source(%dma_start3A_38 : memref<100000x128xf32, #tpu.memory_space<hbm>>) target(%dma_start3A_33 : memref<160x128xf32, #tpu.memory_space<vmem>>) offsets(%dma_start3A_35 : memref<160xi32, #tpu.memory_space<vmem>>) semaphore(%dma_start3A_40 : memref<!tpu.dma_semaphore, #tpu.memory_space<semaphore_mem>>)
    %scan3A = arith.constant 0 : i32
    %scan3A_41 = arith.constant 0 : i32
    %scan3A_42 = arith.constant 32 : i32
    %scan3A_43 = arith.addi %scan3A_41, %scan3A_42 : i32
    %scan3A_44 = arith.constant 1 : i32
    scf.for %scan3A_135 = %scan3A_41 to %scan3A_43 step %scan3A_44  : i32 {
      %mul3A_136 = arith.constant 5 : i32
      %mul3A_137 = arith.muli %mul3A_136, %scan3A_135 : i32
      %add3A_138 = arith.constant 0 : i32
      %add3A_139 = arith.addi %mul3A_137, %add3A_138 : i32
      %add3A_140 = arith.constant 3 : i32
      %add3A_141 = arith.addi %add3A_139, %add3A_140 : i32
      %lt3A = arith.constant 160 : i32
      %lt3A_142 = arith.cmpi slt, %add3A_141, %lt3A : i32
      %convert_element_type3A = arith.extui %lt3A_142 : i1 to i32
      %cond3A = arith.constant 0 : i32
      %cond3A_143 = arith.cmpi ne, %convert_element_type3A, %cond3A : i32
      scf.if %cond3A_143 {
        %ge3A = arith.constant 5 : i32
        %ge3A_826 = arith.cmpi sge, %add3A_141, %ge3A : i32
        %convert_element_type3A_827 = arith.extui %ge3A_826 : i1 to i32
        %cond3A_828 = arith.constant 0 : i32
        %cond3A_829 = arith.cmpi ne, %convert_element_type3A_827, %cond3A_828 : i32
        scf.if %cond3A_829 {
          %sub3A = arith.constant 5 : i32
          %sub3A_844 = arith.subi %add3A_141, %sub3A : i32
          %mul3A_845 = arith.constant 160 : i32
          %mul3A_846 = arith.muli %sub3A_844, %mul3A_845 : i32
          %add3A_847 = arith.addi %mul3A_2, %mul3A_846 : i32
          %dma_wait3A_848 = arith.constant 3 : i32
          %dma_wait3A_849 = arith.constant 3 : i32
          %dma_wait3A_850 = arith.constant 0 : i32
          %dma_wait3A_851 = arith.constant 0 : i32
          %dma_wait3A_852 = tpu.memref_slice %arg6[%dma_wait3A_848, %dma_wait3A_850, %dma_wait3A_851] : memref<5x160x128xf32, #tpu.memory_space<vmem>> -> memref<1x160x128xf32, #tpu.memory_space<vmem>>
          %dma_wait3A_853 = tpu.memref_squeeze %dma_wait3A_852 : memref<1x160x128xf32, #tpu.memory_space<vmem>> -> memref<160x128xf32, #tpu.memory_space<vmem>>
          %dma_wait3A_854 = arith.constant 0 : i32
          %dma_wait3A_855 = tpu.memref_slice %arg4[%add3A_847, %dma_wait3A_854] : memref<819200x128xf32, #tpu.memory_space<hbm>> -> memref<160x128xf32, #tpu.memory_space<hbm>>
          %dma_wait3A_856 = tpu.memref_slice %arg8[%dma_wait3A_849] : memref<5x!tpu.dma_semaphore, #tpu.memory_space<semaphore_mem>> -> memref<1x!tpu.dma_semaphore, #tpu.memory_space<semaphore_mem>>
          %dma_wait3A_857 = tpu.memref_squeeze %dma_wait3A_856 : memref<1x!tpu.dma_semaphore, #tpu.memory_space<semaphore_mem>> -> memref<!tpu.dma_semaphore, #tpu.memory_space<semaphore_mem>>
          %dma_wait3A_858 = arith.constant 0 : i32
          %dma_wait3A_859 = tpu.memref_slice %arg4[%add3A_847, %dma_wait3A_858] : memref<819200x128xf32, #tpu.memory_space<hbm>> -> memref<160x128xf32, #tpu.memory_space<hbm>>
          %dma_wait3A_860 = arith.constant 0 : i32
          %dma_wait3A_861 = arith.constant 0 : i32
          %dma_wait3A_862 = tpu.memref_slice %arg6[%dma_wait3A_848, %dma_wait3A_860, %dma_wait3A_861] : memref<5x160x128xf32, #tpu.memory_space<vmem>> -> memref<1x160x128xf32, #tpu.memory_space<vmem>>
          %dma_wait3A_863 = tpu.memref_squeeze %dma_wait3A_862 : memref<1x160x128xf32, #tpu.memory_space<vmem>> -> memref<160x128xf32, #tpu.memory_space<vmem>>
          tpu.wait_dma2 semaphore(%dma_wait3A_857 : memref<!tpu.dma_semaphore, #tpu.memory_space<semaphore_mem>>) src(%dma_wait3A_863 : memref<160x128xf32, #tpu.memory_space<vmem>>) dst(%dma_wait3A_859 : memref<160x128xf32, #tpu.memory_space<hbm>>)
        } else {
        }
        %mul3A_830 = arith.constant 160 : i32
        %mul3A_831 = arith.muli %add3A_141, %mul3A_830 : i32
        %dma_start3A_832 = arith.constant 3 : i32
        %dma_start3A_833 = arith.constant 3 : i32
        %dma_start3A_834 = arith.constant 0 : i32
        %dma_start3A_835 = arith.constant 0 : i32
        %dma_start3A_836 = tpu.memref_slice %arg6[%dma_start3A_832, %dma_start3A_834, %dma_start3A_835] : memref<5x160x128xf32, #tpu.memory_space<vmem>> -> memref<1x160x128xf32, #tpu.memory_space<vmem>>
        %dma_start3A_837 = tpu.memref_squeeze %dma_start3A_836 : memref<1x160x128xf32, #tpu.memory_space<vmem>> -> memref<160x128xf32, #tpu.memory_space<vmem>>
        %dma_start3A_838 = tpu.memref_slice %arg5[%mul3A_831] : memref<25600xi32, #tpu.memory_space<vmem>> -> memref<160xi32, #tpu.memory_space<vmem>>
        %dma_start3A_839 = arith.constant 0 : i32
        %dma_start3A_840 = arith.constant 0 : i32
        %dma_start3A_841 = tpu.memref_slice %arg3[%dma_start3A_839, %dma_start3A_840] : memref<100000x128xf32, #tpu.memory_space<hbm>> -> memref<100000x128xf32, #tpu.memory_space<hbm>>
        %dma_start3A_842 = tpu.memref_slice %arg7[%dma_start3A_833] : memref<5x!tpu.dma_semaphore, #tpu.memory_space<semaphore_mem>> -> memref<1x!tpu.dma_semaphore, #tpu.memory_space<semaphore_mem>>
        %dma_start3A_843 = tpu.memref_squeeze %dma_start3A_842 : memref<1x!tpu.dma_semaphore, #tpu.memory_space<semaphore_mem>> -> memref<!tpu.dma_semaphore, #tpu.memory_space<semaphore_mem>>
        tpu.enqueue_indirect_dma source(%dma_start3A_841 : memref<100000x128xf32, #tpu.memory_space<hbm>>) target(%dma_start3A_837 : memref<160x128xf32, #tpu.memory_space<vmem>>) offsets(%dma_start3A_838 : memref<160xi32, #tpu.memory_space<vmem>>) semaphore(%dma_start3A_843 : memref<!tpu.dma_semaphore, #tpu.memory_space<semaphore_mem>>)
      } else {
      }
      %mul3A_144 = arith.constant 160 : i32
      %mul3A_145 = arith.muli %add3A_139, %mul3A_144 : i32
      %dma_wait3A_146 = arith.constant 0 : i32
      %dma_wait3A_147 = arith.constant 0 : i32
      %dma_wait3A_148 = arith.constant 0 : i32
      %dma_wait3A_149 = arith.constant 0 : i32
      %dma_wait3A_150 = tpu.memref_slice %arg6[%dma_wait3A_146, %dma_wait3A_148, %dma_wait3A_149] : memref<5x160x128xf32, #tpu.memory_space<vmem>> -> memref<1x160x128xf32, #tpu.memory_space<vmem>>
      %dma_wait3A_151 = tpu.memref_squeeze %dma_wait3A_150 : memref<1x160x128xf32, #tpu.memory_space<vmem>> -> memref<160x128xf32, #tpu.memory_space<vmem>>
      %dma_wait3A_152 = tpu.memref_slice %arg5[%mul3A_145] : memref<25600xi32, #tpu.memory_space<vmem>> -> memref<160xi32, #tpu.memory_space<vmem>>
      %dma_wait3A_153 = arith.constant 0 : i32
      %dma_wait3A_154 = arith.constant 0 : i32
      %dma_wait3A_155 = tpu.memref_slice %arg3[%dma_wait3A_153, %dma_wait3A_154] : memref<100000x128xf32, #tpu.memory_space<hbm>> -> memref<100000x128xf32, #tpu.memory_space<hbm>>
      %dma_wait3A_156 = tpu.memref_slice %arg7[%dma_wait3A_147] : memref<5x!tpu.dma_semaphore, #tpu.memory_space<semaphore_mem>> -> memref<1x!tpu.dma_semaphore, #tpu.memory_space<semaphore_mem>>
      %dma_wait3A_157 = tpu.memref_squeeze %dma_wait3A_156 : memref<1x!tpu.dma_semaphore, #tpu.memory_space<semaphore_mem>> -> memref<!tpu.dma_semaphore, #tpu.memory_space<semaphore_mem>>
      tpu.wait_indirect_dma semaphore(%dma_wait3A_157 : memref<!tpu.dma_semaphore, #tpu.memory_space<semaphore_mem>>) src(%dma_wait3A_155 : memref<100000x128xf32, #tpu.memory_space<hbm>>) dst(%dma_wait3A_151 : memref<160x128xf32, #tpu.memory_space<vmem>>)
      %mul3A_158 = arith.constant 160 : i32
      %mul3A_159 = arith.muli %add3A_139, %mul3A_158 : i32
      %broadcast_in_dim3A = arith.constant 0 : i32
      %broadcast_in_dim3A_160 = vector.broadcast %broadcast_in_dim3A : i32 to vector<16xi32>
      %add3A_161 = arith.constant 0 : i32
      %add3A_162 = arith.addi %mul3A_159, %add3A_161 : i32
      %get3A = arith.index_cast %add3A_162 : i32 to index
      %get3A_163 = tpu.vector_load %arg5[%get3A] {strides = array<i32>} : memref<25600xi32, #tpu.memory_space<vmem>>, vector<16xi32>,
      %min3A = arith.constant 1 : i32
      %min3A_164 = vector.broadcast %min3A : i32 to vector<16xi32>
      %min3A_165 = arith.minsi %get3A_163, %min3A_164 : vector<16xi32>
      %add3A_166 = arith.addi %broadcast_in_dim3A_160, %min3A_165 : vector<16xi32>
      %add3A_167 = arith.constant 16 : i32
      %add3A_168 = arith.addi %mul3A_159, %add3A_167 : i32
      %get3A_169 = arith.index_cast %add3A_168 : i32 to index
      %get3A_170 = tpu.vector_load %arg5[%get3A_169] {strides = array<i32>} : memref<25600xi32, #tpu.memory_space<vmem>>, vector<16xi32>,
      %min3A_171 = arith.constant 1 : i32
      %min3A_172 = vector.broadcast %min3A_171 : i32 to vector<16xi32>
      %min3A_173 = arith.minsi %get3A_170, %min3A_172 : vector<16xi32>
      %add3A_174 = arith.addi %add3A_166, %min3A_173 : vector<16xi32>
      %add3A_175 = arith.constant 32 : i32
      %add3A_176 = arith.addi %mul3A_159, %add3A_175 : i32
      %get3A_177 = arith.index_cast %add3A_176 : i32 to index
      %get3A_178 = tpu.vector_load %arg5[%get3A_177] {strides = array<i32>} : memref<25600xi32, #tpu.memory_space<vmem>>, vector<16xi32>,
      %min3A_179 = arith.constant 1 : i32
      %min3A_180 = vector.broadcast %min3A_179 : i32 to vector<16xi32>
      %min3A_181 = arith.minsi %get3A_178, %min3A_180 : vector<16xi32>
      %add3A_182 = arith.addi %add3A_174, %min3A_181 : vector<16xi32>
      %add3A_183 = arith.constant 48 : i32
      %add3A_184 = arith.addi %mul3A_159, %add3A_183 : i32
      %get3A_185 = arith.index_cast %add3A_184 : i32 to index
      %get3A_186 = tpu.vector_load %arg5[%get3A_185] {strides = array<i32>} : memref<25600xi32, #tpu.memory_space<vmem>>, vector<16xi32>,
      %min3A_187 = arith.constant 1 : i32
      %min3A_188 = vector.broadcast %min3A_187 : i32 to vector<16xi32>
      %min3A_189 = arith.minsi %get3A_186, %min3A_188 : vector<16xi32>
      %add3A_190 = arith.addi %add3A_182, %min3A_189 : vector<16xi32>
      %add3A_191 = arith.constant 64 : i32
      %add3A_192 = arith.addi %mul3A_159, %add3A_191 : i32
      %get3A_193 = arith.index_cast %add3A_192 : i32 to index
      %get3A_194 = tpu.vector_load %arg5[%get3A_193] {strides = array<i32>} : memref<25600xi32, #tpu.memory_space<vmem>>, vector<16xi32>,
      %min3A_195 = arith.constant 1 : i32
      %min3A_196 = vector.broadcast %min3A_195 : i32 to vector<16xi32>
      %min3A_197 = arith.minsi %get3A_194, %min3A_196 : vector<16xi32>
      %add3A_198 = arith.addi %add3A_190, %min3A_197 : vector<16xi32>
      %add3A_199 = arith.constant 80 : i32
      %add3A_200 = arith.addi %mul3A_159, %add3A_199 : i32
      %get3A_201 = arith.index_cast %add3A_200 : i32 to index
      %get3A_202 = tpu.vector_load %arg5[%get3A_201] {strides = array<i32>} : memref<25600xi32, #tpu.memory_space<vmem>>, vector<16xi32>,
      %min3A_203 = arith.constant 1 : i32
      %min3A_204 = vector.broadcast %min3A_203 : i32 to vector<16xi32>
      %min3A_205 = arith.minsi %get3A_202, %min3A_204 : vector<16xi32>
      %add3A_206 = arith.addi %add3A_198, %min3A_205 : vector<16xi32>
      %add3A_207 = arith.constant 96 : i32
      %add3A_208 = arith.addi %mul3A_159, %add3A_207 : i32
      %get3A_209 = arith.index_cast %add3A_208 : i32 to index
      %get3A_210 = tpu.vector_load %arg5[%get3A_209] {strides = array<i32>} : memref<25600xi32, #tpu.memory_space<vmem>>, vector<16xi32>,
      %min3A_211 = arith.constant 1 : i32
      %min3A_212 = vector.broadcast %min3A_211 : i32 to vector<16xi32>
      %min3A_213 = arith.minsi %get3A_210, %min3A_212 : vector<16xi32>
      %add3A_214 = arith.addi %add3A_206, %min3A_213 : vector<16xi32>
      %add3A_215 = arith.constant 112 : i32
      %add3A_216 = arith.addi %mul3A_159, %add3A_215 : i32
      %get3A_217 = arith.index_cast %add3A_216 : i32 to index
      %get3A_218 = tpu.vector_load %arg5[%get3A_217] {strides = array<i32>} : memref<25600xi32, #tpu.memory_space<vmem>>, vector<16xi32>,
      %min3A_219 = arith.constant 1 : i32
      %min3A_220 = vector.broadcast %min3A_219 : i32 to vector<16xi32>
      %min3A_221 = arith.minsi %get3A_218, %min3A_220 : vector<16xi32>
      %add3A_222 = arith.addi %add3A_214, %min3A_221 : vector<16xi32>
      %add3A_223 = arith.constant 128 : i32
      %add3A_224 = arith.addi %mul3A_159, %add3A_223 : i32
      %get3A_225 = arith.index_cast %add3A_224 : i32 to index
      %get3A_226 = tpu.vector_load %arg5[%get3A_225] {strides = array<i32>} : memref<25600xi32, #tpu.memory_space<vmem>>, vector<16xi32>,
      %min3A_227 = arith.constant 1 : i32
      %min3A_228 = vector.broadcast %min3A_227 : i32 to vector<16xi32>
      %min3A_229 = arith.minsi %get3A_226, %min3A_228 : vector<16xi32>
      %add3A_230 = arith.addi %add3A_222, %min3A_229 : vector<16xi32>
      %add3A_231 = arith.constant 144 : i32
      %add3A_232 = arith.addi %mul3A_159, %add3A_231 : i32
      %get3A_233 = arith.index_cast %add3A_232 : i32 to index
      %get3A_234 = tpu.vector_load %arg5[%get3A_233] {strides = array<i32>} : memref<25600xi32, #tpu.memory_space<vmem>>, vector<16xi32>,
      %min3A_235 = arith.constant 1 : i32
      %min3A_236 = vector.broadcast %min3A_235 : i32 to vector<16xi32>
      %min3A_237 = arith.minsi %get3A_234, %min3A_236 : vector<16xi32>
      %add3A_238 = arith.addi %add3A_230, %min3A_237 : vector<16xi32>
      %lt3A_239 = arith.constant 10 : i32
      %lt3A_240 = vector.broadcast %lt3A_239 : i32 to vector<16xi32>
      %lt3A_241 = arith.cmpi slt, %add3A_238, %lt3A_240 : vector<16xi32>
      %all_reduce_population_count3A = tpu.all_reduce %lt3A_241 {dim = 0 : i64, kind = #tpu.reduction_kind<sum>} : vector<16xi1> -> vector<16xi32>
      %slice3A = vector.extract_strided_slice %all_reduce_population_count3A {offsets = [0], sizes = [1], strides = [1]} : vector<16xi32> to vector<1xi32>
      %squeeze3A = vector.extract %slice3A[0] : i32 from vector<1xi32>
      %gt3A = arith.constant 0 : i32
      %gt3A_242 = arith.cmpi sgt, %squeeze3A, %gt3A : i32
      %convert_element_type3A_243 = arith.extui %gt3A_242 : i1 to i32
      %cond3A_244 = arith.constant 0 : i32
      %cond3A_245 = arith.constant 0 : i32
      %cond3A_246 = arith.cmpi ne, %convert_element_type3A_243, %cond3A_245 : i32
      scf.if %cond3A_246 {
        %broadcast_in_dim3A_826 = arith.constant 0.000000e+00 : f32
        %broadcast_in_dim3A_827 = vector.broadcast %broadcast_in_dim3A_826 : f32 to vector<16xf32>
        %add3A_828 = arith.constant 0 : i32
        %add3A_829 = arith.addi %mul3A_159, %add3A_828 : i32
        %get3A_830 = arith.index_cast %add3A_829 : i32 to index
        %get3A_831 = tpu.vector_load %arg5[%get3A_830] {strides = array<i32>} : memref<25600xi32, #tpu.memory_space<vmem>>, vector<16xi32>,
        %eq3A = arith.constant 0 : i32
        %eq3A_832 = vector.broadcast %eq3A : i32 to vector<16xi32>
        %eq3A_833 = arith.cmpi eq, %get3A_831, %eq3A_832 : vector<16xi32>
        %iota3A = tpu.iota {dimensions = array<i32: 0>} : vector<16xi32>
        %add3A_834 = arith.constant 0 : i32
        %add3A_835 = vector.broadcast %add3A_834 : i32 to vector<16xi32>
        %add3A_836 = arith.addi %iota3A, %add3A_835 : vector<16xi32>
        %all_reduce_population_count3A_837 = tpu.all_reduce %eq3A_833 {dim = 0 : i64, kind = #tpu.reduction_kind<sum>} : vector<16xi1> -> vector<16xi32>
        %slice3A_838 = vector.extract_strided_slice %all_reduce_population_count3A_837 {offsets = [0], sizes = [1], strides = [1]} : vector<16xi32> to vector<1xi32>
        %squeeze3A_839 = vector.extract %slice3A_838[0] : i32 from vector<1xi32>
        %gt3A_840 = arith.constant 0 : i32
        %gt3A_841 = arith.cmpi sgt, %squeeze3A_839, %gt3A_840 : i32
        %convert_element_type3A_842 = arith.extui %gt3A_841 : i1 to i32
        %cond3A_843 = arith.constant 0 : i32
        %cond3A_844 = arith.cmpi ne, %convert_element_type3A_842, %cond3A_843 : i32
        scf.if %cond3A_844 {
          %scan3A_1016 = arith.constant 0 : i32
          %scan3A_1017 = arith.constant 0 : i32
          %scan3A_1018 = arith.constant 128 : i32
          %scan3A_1019 = arith.addi %scan3A_1017, %scan3A_1018 : i32
          %scan3A_1020 = arith.constant 1 : i32
          scf.for %scan3A_1022 = %scan3A_1017 to %scan3A_1019 step %scan3A_1020  : i32 {
            %broadcast_in_dim3A_1023 = arith.constant 0 : i32
            %broadcast_in_dim3A_1024 = vector.broadcast %broadcast_in_dim3A_1023 : i32 to vector<16xi32>
            %add3A_1025 = vector.broadcast %scan3A_1022 : i32 to vector<16xi32>
            %add3A_1026 = arith.addi %broadcast_in_dim3A_1024, %add3A_1025 : vector<16xi32>
            %scatter3A = arith.constant 0 : i32
            %scatter3A_1027 = arith.constant 0 : i32
            %scatter3A_1028 = tpu.memref_slice %arg6[%cond3A_244, %scatter3A, %scatter3A_1027] : memref<5x160x128xf32, #tpu.memory_space<vmem>> -> memref<1x160x128xf32, #tpu.memory_space<vmem>>
            %scatter3A_1029 = tpu.memref_squeeze %scatter3A_1028 : memref<1x160x128xf32, #tpu.memory_space<vmem>> -> memref<160x128xf32, #tpu.memory_space<vmem>>
            tpu.vector_store_idx %scatter3A_1029[%add3A_836, %add3A_1026], %broadcast_in_dim3A_827 masked %eq3A_833 : memref<160x128xf32, #tpu.memory_space<vmem>>[vector<16xi32>, vector<16xi32>], vector<16xf32>, vector<16xi1>
          }
          %scan3A_1021 = arith.constant 128 : i32
        } else {
        }
        %add3A_845 = arith.constant 16 : i32
        %add3A_846 = arith.addi %mul3A_159, %add3A_845 : i32
        %get3A_847 = arith.index_cast %add3A_846 : i32 to index
        %get3A_848 = tpu.vector_load %arg5[%get3A_847] {strides = array<i32>} : memref<25600xi32, #tpu.memory_space<vmem>>, vector<16xi32>,
        %eq3A_849 = arith.constant 0 : i32
        %eq3A_850 = vector.broadcast %eq3A_849 : i32 to vector<16xi32>
        %eq3A_851 = arith.cmpi eq, %get3A_848, %eq3A_850 : vector<16xi32>
        %iota3A_852 = tpu.iota {dimensions = array<i32: 0>} : vector<16xi32>
        %add3A_853 = arith.constant 16 : i32
        %add3A_854 = vector.broadcast %add3A_853 : i32 to vector<16xi32>
        %add3A_855 = arith.addi %iota3A_852, %add3A_854 : vector<16xi32>
        %all_reduce_population_count3A_856 = tpu.all_reduce %eq3A_851 {dim = 0 : i64, kind = #tpu.reduction_kind<sum>} : vector<16xi1> -> vector<16xi32>
        %slice3A_857 = vector.extract_strided_slice %all_reduce_population_count3A_856 {offsets = [0], sizes = [1], strides = [1]} : vector<16xi32> to vector<1xi32>
        %squeeze3A_858 = vector.extract %slice3A_857[0] : i32 from vector<1xi32>
        %gt3A_859 = arith.constant 0 : i32
        %gt3A_860 = arith.cmpi sgt, %squeeze3A_858, %gt3A_859 : i32
        %convert_element_type3A_861 = arith.extui %gt3A_860 : i1 to i32
        %cond3A_862 = arith.constant 0 : i32
        %cond3A_863 = arith.cmpi ne, %convert_element_type3A_861, %cond3A_862 : i32
        scf.if %cond3A_863 {
          %scan3A_1016 = arith.constant 0 : i32
          %scan3A_1017 = arith.constant 0 : i32
          %scan3A_1018 = arith.constant 128 : i32
          %scan3A_1019 = arith.addi %scan3A_1017, %scan3A_1018 : i32
          %scan3A_1020 = arith.constant 1 : i32
          scf.for %scan3A_1022 = %scan3A_1017 to %scan3A_1019 step %scan3A_1020  : i32 {
            %broadcast_in_dim3A_1023 = arith.constant 0 : i32
            %broadcast_in_dim3A_1024 = vector.broadcast %broadcast_in_dim3A_1023 : i32 to vector<16xi32>
            %add3A_1025 = vector.broadcast %scan3A_1022 : i32 to vector<16xi32>
            %add3A_1026 = arith.addi %broadcast_in_dim3A_1024, %add3A_1025 : vector<16xi32>
            %scatter3A = arith.constant 0 : i32
            %scatter3A_1027 = arith.constant 0 : i32
            %scatter3A_1028 = tpu.memref_slice %arg6[%cond3A_244, %scatter3A, %scatter3A_1027] : memref<5x160x128xf32, #tpu.memory_space<vmem>> -> memref<1x160x128xf32, #tpu.memory_space<vmem>>
            %scatter3A_1029 = tpu.memref_squeeze %scatter3A_1028 : memref<1x160x128xf32, #tpu.memory_space<vmem>> -> memref<160x128xf32, #tpu.memory_space<vmem>>
            tpu.vector_store_idx %scatter3A_1029[%add3A_855, %add3A_1026], %broadcast_in_dim3A_827 masked %eq3A_851 : memref<160x128xf32, #tpu.memory_space<vmem>>[vector<16xi32>, vector<16xi32>], vector<16xf32>, vector<16xi1>
          }
          %scan3A_1021 = arith.constant 128 : i32
        } else {
        }
        %add3A_864 = arith.constant 32 : i32
        %add3A_865 = arith.addi %mul3A_159, %add3A_864 : i32
        %get3A_866 = arith.index_cast %add3A_865 : i32 to index
        %get3A_867 = tpu.vector_load %arg5[%get3A_866] {strides = array<i32>} : memref<25600xi32, #tpu.memory_space<vmem>>, vector<16xi32>,
        %eq3A_868 = arith.constant 0 : i32
        %eq3A_869 = vector.broadcast %eq3A_868 : i32 to vector<16xi32>
        %eq3A_870 = arith.cmpi eq, %get3A_867, %eq3A_869 : vector<16xi32>
        %iota3A_871 = tpu.iota {dimensions = array<i32: 0>} : vector<16xi32>
        %add3A_872 = arith.constant 32 : i32
        %add3A_873 = vector.broadcast %add3A_872 : i32 to vector<16xi32>
        %add3A_874 = arith.addi %iota3A_871, %add3A_873 : vector<16xi32>
        %all_reduce_population_count3A_875 = tpu.all_reduce %eq3A_870 {dim = 0 : i64, kind = #tpu.reduction_kind<sum>} : vector<16xi1> -> vector<16xi32>
        %slice3A_876 = vector.extract_strided_slice %all_reduce_population_count3A_875 {offsets = [0], sizes = [1], strides = [1]} : vector<16xi32> to vector<1xi32>
        %squeeze3A_877 = vector.extract %slice3A_876[0] : i32 from vector<1xi32>
        %gt3A_878 = arith.constant 0 : i32
        %gt3A_879 = arith.cmpi sgt, %squeeze3A_877, %gt3A_878 : i32
        %convert_element_type3A_880 = arith.extui %gt3A_879 : i1 to i32
        %cond3A_881 = arith.constant 0 : i32
        %cond3A_882 = arith.cmpi ne, %convert_element_type3A_880, %cond3A_881 : i32
        scf.if %cond3A_882 {
          %scan3A_1016 = arith.constant 0 : i32
          %scan3A_1017 = arith.constant 0 : i32
          %scan3A_1018 = arith.constant 128 : i32
          %scan3A_1019 = arith.addi %scan3A_1017, %scan3A_1018 : i32
          %scan3A_1020 = arith.constant 1 : i32
          scf.for %scan3A_1022 = %scan3A_1017 to %scan3A_1019 step %scan3A_1020  : i32 {
            %broadcast_in_dim3A_1023 = arith.constant 0 : i32
            %broadcast_in_dim3A_1024 = vector.broadcast %broadcast_in_dim3A_1023 : i32 to vector<16xi32>
            %add3A_1025 = vector.broadcast %scan3A_1022 : i32 to vector<16xi32>
            %add3A_1026 = arith.addi %broadcast_in_dim3A_1024, %add3A_1025 : vector<16xi32>
            %scatter3A = arith.constant 0 : i32
            %scatter3A_1027 = arith.constant 0 : i32
            %scatter3A_1028 = tpu.memref_slice %arg6[%cond3A_244, %scatter3A, %scatter3A_1027] : memref<5x160x128xf32, #tpu.memory_space<vmem>> -> memref<1x160x128xf32, #tpu.memory_space<vmem>>
            %scatter3A_1029 = tpu.memref_squeeze %scatter3A_1028 : memref<1x160x128xf32, #tpu.memory_space<vmem>> -> memref<160x128xf32, #tpu.memory_space<vmem>>
            tpu.vector_store_idx %scatter3A_1029[%add3A_874, %add3A_1026], %broadcast_in_dim3A_827 masked %eq3A_870 : memref<160x128xf32, #tpu.memory_space<vmem>>[vector<16xi32>, vector<16xi32>], vector<16xf32>, vector<16xi1>
          }
          %scan3A_1021 = arith.constant 128 : i32
        } else {
        }
        %add3A_883 = arith.constant 48 : i32
        %add3A_884 = arith.addi %mul3A_159, %add3A_883 : i32
        %get3A_885 = arith.index_cast %add3A_884 : i32 to index
        %get3A_886 = tpu.vector_load %arg5[%get3A_885] {strides = array<i32>} : memref<25600xi32, #tpu.memory_space<vmem>>, vector<16xi32>,
        %eq3A_887 = arith.constant 0 : i32
        %eq3A_888 = vector.broadcast %eq3A_887 : i32 to vector<16xi32>
        %eq3A_889 = arith.cmpi eq, %get3A_886, %eq3A_888 : vector<16xi32>
        %iota3A_890 = tpu.iota {dimensions = array<i32: 0>} : vector<16xi32>
        %add3A_891 = arith.constant 48 : i32
        %add3A_892 = vector.broadcast %add3A_891 : i32 to vector<16xi32>
        %add3A_893 = arith.addi %iota3A_890, %add3A_892 : vector<16xi32>
        %all_reduce_population_count3A_894 = tpu.all_reduce %eq3A_889 {dim = 0 : i64, kind = #tpu.reduction_kind<sum>} : vector<16xi1> -> vector<16xi32>
        %slice3A_895 = vector.extract_strided_slice %all_reduce_population_count3A_894 {offsets = [0], sizes = [1], strides = [1]} : vector<16xi32> to vector<1xi32>
        %squeeze3A_896 = vector.extract %slice3A_895[0] : i32 from vector<1xi32>
        %gt3A_897 = arith.constant 0 : i32
        %gt3A_898 = arith.cmpi sgt, %squeeze3A_896, %gt3A_897 : i32
        %convert_element_type3A_899 = arith.extui %gt3A_898 : i1 to i32
        %cond3A_900 = arith.constant 0 : i32
        %cond3A_901 = arith.cmpi ne, %convert_element_type3A_899, %cond3A_900 : i32
        scf.if %cond3A_901 {
          %scan3A_1016 = arith.constant 0 : i32
          %scan3A_1017 = arith.constant 0 : i32
          %scan3A_1018 = arith.constant 128 : i32
          %scan3A_1019 = arith.addi %scan3A_1017, %scan3A_1018 : i32
          %scan3A_1020 = arith.constant 1 : i32
          scf.for %scan3A_1022 = %scan3A_1017 to %scan3A_1019 step %scan3A_1020  : i32 {
            %broadcast_in_dim3A_1023 = arith.constant 0 : i32
            %broadcast_in_dim3A_1024 = vector.broadcast %broadcast_in_dim3A_1023 : i32 to vector<16xi32>
            %add3A_1025 = vector.broadcast %scan3A_1022 : i32 to vector<16xi32>
            %add3A_1026 = arith.addi %broadcast_in_dim3A_1024, %add3A_1025 : vector<16xi32>
            %scatter3A = arith.constant 0 : i32
            %scatter3A_1027 = arith.constant 0 : i32
            %scatter3A_1028 = tpu.memref_slice %arg6[%cond3A_244, %scatter3A, %scatter3A_1027] : memref<5x160x128xf32, #tpu.memory_space<vmem>> -> memref<1x160x128xf32, #tpu.memory_space<vmem>>
            %scatter3A_1029 = tpu.memref_squeeze %scatter3A_1028 : memref<1x160x128xf32, #tpu.memory_space<vmem>> -> memref<160x128xf32, #tpu.memory_space<vmem>>
            tpu.vector_store_idx %scatter3A_1029[%add3A_893, %add3A_1026], %broadcast_in_dim3A_827 masked %eq3A_889 : memref<160x128xf32, #tpu.memory_space<vmem>>[vector<16xi32>, vector<16xi32>], vector<16xf32>, vector<16xi1>
          }
          %scan3A_1021 = arith.constant 128 : i32
        } else {
        }
        %add3A_902 = arith.constant 64 : i32
        %add3A_903 = arith.addi %mul3A_159, %add3A_902 : i32
        %get3A_904 = arith.index_cast %add3A_903 : i32 to index
        %get3A_905 = tpu.vector_load %arg5[%get3A_904] {strides = array<i32>} : memref<25600xi32, #tpu.memory_space<vmem>>, vector<16xi32>,
        %eq3A_906 = arith.constant 0 : i32
        %eq3A_907 = vector.broadcast %eq3A_906 : i32 to vector<16xi32>
        %eq3A_908 = arith.cmpi eq, %get3A_905, %eq3A_907 : vector<16xi32>
        %iota3A_909 = tpu.iota {dimensions = array<i32: 0>} : vector<16xi32>
        %add3A_910 = arith.constant 64 : i32
        %add3A_911 = vector.broadcast %add3A_910 : i32 to vector<16xi32>
        %add3A_912 = arith.addi %iota3A_909, %add3A_911 : vector<16xi32>
        %all_reduce_population_count3A_913 = tpu.all_reduce %eq3A_908 {dim = 0 : i64, kind = #tpu.reduction_kind<sum>} : vector<16xi1> -> vector<16xi32>
        %slice3A_914 = vector.extract_strided_slice %all_reduce_population_count3A_913 {offsets = [0], sizes = [1], strides = [1]} : vector<16xi32> to vector<1xi32>
        %squeeze3A_915 = vector.extract %slice3A_914[0] : i32 from vector<1xi32>
        %gt3A_916 = arith.constant 0 : i32
        %gt3A_917 = arith.cmpi sgt, %squeeze3A_915, %gt3A_916 : i32
        %convert_element_type3A_918 = arith.extui %gt3A_917 : i1 to i32
        %cond3A_919 = arith.constant 0 : i32
        %cond3A_920 = arith.cmpi ne, %convert_element_type3A_918, %cond3A_919 : i32
        scf.if %cond3A_920 {
          %scan3A_1016 = arith.constant 0 : i32
          %scan3A_1017 = arith.constant 0 : i32
          %scan3A_1018 = arith.constant 128 : i32
          %scan3A_1019 = arith.addi %scan3A_1017, %scan3A_1018 : i32
          %scan3A_1020 = arith.constant 1 : i32
          scf.for %scan3A_1022 = %scan3A_1017 to %scan3A_1019 step %scan3A_1020  : i32 {
            %broadcast_in_dim3A_1023 = arith.constant 0 : i32
            %broadcast_in_dim3A_1024 = vector.broadcast %broadcast_in_dim3A_1023 : i32 to vector<16xi32>
            %add3A_1025 = vector.broadcast %scan3A_1022 : i32 to vector<16xi32>
            %add3A_1026 = arith.addi %broadcast_in_dim3A_1024, %add3A_1025 : vector<16xi32>
            %scatter3A = arith.constant 0 : i32
            %scatter3A_1027 = arith.constant 0 : i32
            %scatter3A_1028 = tpu.memref_slice %arg6[%cond3A_244, %scatter3A, %scatter3A_1027] : memref<5x160x128xf32, #tpu.memory_space<vmem>> -> memref<1x160x128xf32, #tpu.memory_space<vmem>>
            %scatter3A_1029 = tpu.memref_squeeze %scatter3A_1028 : memref<1x160x128xf32, #tpu.memory_space<vmem>> -> memref<160x128xf32, #tpu.memory_space<vmem>>
            tpu.vector_store_idx %scatter3A_1029[%add3A_912, %add3A_1026], %broadcast_in_dim3A_827 masked %eq3A_908 : memref<160x128xf32, #tpu.memory_space<vmem>>[vector<16xi32>, vector<16xi32>], vector<16xf32>, vector<16xi1>
          }
          %scan3A_1021 = arith.constant 128 : i32
        } else {
        }
        %add3A_921 = arith.constant 80 : i32
        %add3A_922 = arith.addi %mul3A_159, %add3A_921 : i32
        %get3A_923 = arith.index_cast %add3A_922 : i32 to index
        %get3A_924 = tpu.vector_load %arg5[%get3A_923] {strides = array<i32>} : memref<25600xi32, #tpu.memory_space<vmem>>, vector<16xi32>,
        %eq3A_925 = arith.constant 0 : i32
        %eq3A_926 = vector.broadcast %eq3A_925 : i32 to vector<16xi32>
        %eq3A_927 = arith.cmpi eq, %get3A_924, %eq3A_926 : vector<16xi32>
        %iota3A_928 = tpu.iota {dimensions = array<i32: 0>} : vector<16xi32>
        %add3A_929 = arith.constant 80 : i32
        %add3A_930 = vector.broadcast %add3A_929 : i32 to vector<16xi32>
        %add3A_931 = arith.addi %iota3A_928, %add3A_930 : vector<16xi32>
        %all_reduce_population_count3A_932 = tpu.all_reduce %eq3A_927 {dim = 0 : i64, kind = #tpu.reduction_kind<sum>} : vector<16xi1> -> vector<16xi32>
        %slice3A_933 = vector.extract_strided_slice %all_reduce_population_count3A_932 {offsets = [0], sizes = [1], strides = [1]} : vector<16xi32> to vector<1xi32>
        %squeeze3A_934 = vector.extract %slice3A_933[0] : i32 from vector<1xi32>
        %gt3A_935 = arith.constant 0 : i32
        %gt3A_936 = arith.cmpi sgt, %squeeze3A_934, %gt3A_935 : i32
        %convert_element_type3A_937 = arith.extui %gt3A_936 : i1 to i32
        %cond3A_938 = arith.constant 0 : i32
        %cond3A_939 = arith.cmpi ne, %convert_element_type3A_937, %cond3A_938 : i32
        scf.if %cond3A_939 {
          %scan3A_1016 = arith.constant 0 : i32
          %scan3A_1017 = arith.constant 0 : i32
          %scan3A_1018 = arith.constant 128 : i32
          %scan3A_1019 = arith.addi %scan3A_1017, %scan3A_1018 : i32
          %scan3A_1020 = arith.constant 1 : i32
          scf.for %scan3A_1022 = %scan3A_1017 to %scan3A_1019 step %scan3A_1020  : i32 {
            %broadcast_in_dim3A_1023 = arith.constant 0 : i32
            %broadcast_in_dim3A_1024 = vector.broadcast %broadcast_in_dim3A_1023 : i32 to vector<16xi32>
            %add3A_1025 = vector.broadcast %scan3A_1022 : i32 to vector<16xi32>
            %add3A_1026 = arith.addi %broadcast_in_dim3A_1024, %add3A_1025 : vector<16xi32>
            %scatter3A = arith.constant 0 : i32
            %scatter3A_1027 = arith.constant 0 : i32
            %scatter3A_1028 = tpu.memref_slice %arg6[%cond3A_244, %scatter3A, %scatter3A_1027] : memref<5x160x128xf32, #tpu.memory_space<vmem>> -> memref<1x160x128xf32, #tpu.memory_space<vmem>>
            %scatter3A_1029 = tpu.memref_squeeze %scatter3A_1028 : memref<1x160x128xf32, #tpu.memory_space<vmem>> -> memref<160x128xf32, #tpu.memory_space<vmem>>
            tpu.vector_store_idx %scatter3A_1029[%add3A_931, %add3A_1026], %broadcast_in_dim3A_827 masked %eq3A_927 : memref<160x128xf32, #tpu.memory_space<vmem>>[vector<16xi32>, vector<16xi32>], vector<16xf32>, vector<16xi1>
          }
          %scan3A_1021 = arith.constant 128 : i32
        } else {
        }
        %add3A_940 = arith.constant 96 : i32
        %add3A_941 = arith.addi %mul3A_159, %add3A_940 : i32
        %get3A_942 = arith.index_cast %add3A_941 : i32 to index
        %get3A_943 = tpu.vector_load %arg5[%get3A_942] {strides = array<i32>} : memref<25600xi32, #tpu.memory_space<vmem>>, vector<16xi32>,
        %eq3A_944 = arith.constant 0 : i32
        %eq3A_945 = vector.broadcast %eq3A_944 : i32 to vector<16xi32>
        %eq3A_946 = arith.cmpi eq, %get3A_943, %eq3A_945 : vector<16xi32>
        %iota3A_947 = tpu.iota {dimensions = array<i32: 0>} : vector<16xi32>
        %add3A_948 = arith.constant 96 : i32
        %add3A_949 = vector.broadcast %add3A_948 : i32 to vector<16xi32>
        %add3A_950 = arith.addi %iota3A_947, %add3A_949 : vector<16xi32>
        %all_reduce_population_count3A_951 = tpu.all_reduce %eq3A_946 {dim = 0 : i64, kind = #tpu.reduction_kind<sum>} : vector<16xi1> -> vector<16xi32>
        %slice3A_952 = vector.extract_strided_slice %all_reduce_population_count3A_951 {offsets = [0], sizes = [1], strides = [1]} : vector<16xi32> to vector<1xi32>
        %squeeze3A_953 = vector.extract %slice3A_952[0] : i32 from vector<1xi32>
        %gt3A_954 = arith.constant 0 : i32
        %gt3A_955 = arith.cmpi sgt, %squeeze3A_953, %gt3A_954 : i32
        %convert_element_type3A_956 = arith.extui %gt3A_955 : i1 to i32
        %cond3A_957 = arith.constant 0 : i32
        %cond3A_958 = arith.cmpi ne, %convert_element_type3A_956, %cond3A_957 : i32
        scf.if %cond3A_958 {
          %scan3A_1016 = arith.constant 0 : i32
          %scan3A_1017 = arith.constant 0 : i32
          %scan3A_1018 = arith.constant 128 : i32
          %scan3A_1019 = arith.addi %scan3A_1017, %scan3A_1018 : i32
          %scan3A_1020 = arith.constant 1 : i32
          scf.for %scan3A_1022 = %scan3A_1017 to %scan3A_1019 step %scan3A_1020  : i32 {
            %broadcast_in_dim3A_1023 = arith.constant 0 : i32
            %broadcast_in_dim3A_1024 = vector.broadcast %broadcast_in_dim3A_1023 : i32 to vector<16xi32>
            %add3A_1025 = vector.broadcast %scan3A_1022 : i32 to vector<16xi32>
            %add3A_1026 = arith.addi %broadcast_in_dim3A_1024, %add3A_1025 : vector<16xi32>
            %scatter3A = arith.constant 0 : i32
            %scatter3A_1027 = arith.constant 0 : i32
            %scatter3A_1028 = tpu.memref_slice %arg6[%cond3A_244, %scatter3A, %scatter3A_1027] : memref<5x160x128xf32, #tpu.memory_space<vmem>> -> memref<1x160x128xf32, #tpu.memory_space<vmem>>
            %scatter3A_1029 = tpu.memref_squeeze %scatter3A_1028 : memref<1x160x128xf32, #tpu.memory_space<vmem>> -> memref<160x128xf32, #tpu.memory_space<vmem>>
            tpu.vector_store_idx %scatter3A_1029[%add3A_950, %add3A_1026], %broadcast_in_dim3A_827 masked %eq3A_946 : memref<160x128xf32, #tpu.memory_space<vmem>>[vector<16xi32>, vector<16xi32>], vector<16xf32>, vector<16xi1>
          }
          %scan3A_1021 = arith.constant 128 : i32
        } else {
        }
        %add3A_959 = arith.constant 112 : i32
        %add3A_960 = arith.addi %mul3A_159, %add3A_959 : i32
        %get3A_961 = arith.index_cast %add3A_960 : i32 to index
        %get3A_962 = tpu.vector_load %arg5[%get3A_961] {strides = array<i32>} : memref<25600xi32, #tpu.memory_space<vmem>>, vector<16xi32>,
        %eq3A_963 = arith.constant 0 : i32
        %eq3A_964 = vector.broadcast %eq3A_963 : i32 to vector<16xi32>
        %eq3A_965 = arith.cmpi eq, %get3A_962, %eq3A_964 : vector<16xi32>
        %iota3A_966 = tpu.iota {dimensions = array<i32: 0>} : vector<16xi32>
        %add3A_967 = arith.constant 112 : i32
        %add3A_968 = vector.broadcast %add3A_967 : i32 to vector<16xi32>
        %add3A_969 = arith.addi %iota3A_966, %add3A_968 : vector<16xi32>
        %all_reduce_population_count3A_970 = tpu.all_reduce %eq3A_965 {dim = 0 : i64, kind = #tpu.reduction_kind<sum>} : vector<16xi1> -> vector<16xi32>
        %slice3A_971 = vector.extract_strided_slice %all_reduce_population_count3A_970 {offsets = [0], sizes = [1], strides = [1]} : vector<16xi32> to vector<1xi32>
        %squeeze3A_972 = vector.extract %slice3A_971[0] : i32 from vector<1xi32>
        %gt3A_973 = arith.constant 0 : i32
        %gt3A_974 = arith.cmpi sgt, %squeeze3A_972, %gt3A_973 : i32
        %convert_element_type3A_975 = arith.extui %gt3A_974 : i1 to i32
        %cond3A_976 = arith.constant 0 : i32
        %cond3A_977 = arith.cmpi ne, %convert_element_type3A_975, %cond3A_976 : i32
        scf.if %cond3A_977 {
          %scan3A_1016 = arith.constant 0 : i32
          %scan3A_1017 = arith.constant 0 : i32
          %scan3A_1018 = arith.constant 128 : i32
          %scan3A_1019 = arith.addi %scan3A_1017, %scan3A_1018 : i32
          %scan3A_1020 = arith.constant 1 : i32
          scf.for %scan3A_1022 = %scan3A_1017 to %scan3A_1019 step %scan3A_1020  : i32 {
            %broadcast_in_dim3A_1023 = arith.constant 0 : i32
            %broadcast_in_dim3A_1024 = vector.broadcast %broadcast_in_dim3A_1023 : i32 to vector<16xi32>
            %add3A_1025 = vector.broadcast %scan3A_1022 : i32 to vector<16xi32>
            %add3A_1026 = arith.addi %broadcast_in_dim3A_1024, %add3A_1025 : vector<16xi32>
            %scatter3A = arith.constant 0 : i32
            %scatter3A_1027 = arith.constant 0 : i32
            %scatter3A_1028 = tpu.memref_slice %arg6[%cond3A_244, %scatter3A, %scatter3A_1027] : memref<5x160x128xf32, #tpu.memory_space<vmem>> -> memref<1x160x128xf32, #tpu.memory_space<vmem>>
            %scatter3A_1029 = tpu.memref_squeeze %scatter3A_1028 : memref<1x160x128xf32, #tpu.memory_space<vmem>> -> memref<160x128xf32, #tpu.memory_space<vmem>>
            tpu.vector_store_idx %scatter3A_1029[%add3A_969, %add3A_1026], %broadcast_in_dim3A_827 masked %eq3A_965 : memref<160x128xf32, #tpu.memory_space<vmem>>[vector<16xi32>, vector<16xi32>], vector<16xf32>, vector<16xi1>
          }
          %scan3A_1021 = arith.constant 128 : i32
        } else {
        }
        %add3A_978 = arith.constant 128 : i32
        %add3A_979 = arith.addi %mul3A_159, %add3A_978 : i32
        %get3A_980 = arith.index_cast %add3A_979 : i32 to index
        %get3A_981 = tpu.vector_load %arg5[%get3A_980] {strides = array<i32>} : memref<25600xi32, #tpu.memory_space<vmem>>, vector<16xi32>,
        %eq3A_982 = arith.constant 0 : i32
        %eq3A_983 = vector.broadcast %eq3A_982 : i32 to vector<16xi32>
        %eq3A_984 = arith.cmpi eq, %get3A_981, %eq3A_983 : vector<16xi32>
        %iota3A_985 = tpu.iota {dimensions = array<i32: 0>} : vector<16xi32>
        %add3A_986 = arith.constant 128 : i32
        %add3A_987 = vector.broadcast %add3A_986 : i32 to vector<16xi32>
        %add3A_988 = arith.addi %iota3A_985, %add3A_987 : vector<16xi32>
        %all_reduce_population_count3A_989 = tpu.all_reduce %eq3A_984 {dim = 0 : i64, kind = #tpu.reduction_kind<sum>} : vector<16xi1> -> vector<16xi32>
        %slice3A_990 = vector.extract_strided_slice %all_reduce_population_count3A_989 {offsets = [0], sizes = [1], strides = [1]} : vector<16xi32> to vector<1xi32>
        %squeeze3A_991 = vector.extract %slice3A_990[0] : i32 from vector<1xi32>
        %gt3A_992 = arith.constant 0 : i32
        %gt3A_993 = arith.cmpi sgt, %squeeze3A_991, %gt3A_992 : i32
        %convert_element_type3A_994 = arith.extui %gt3A_993 : i1 to i32
        %cond3A_995 = arith.constant 0 : i32
        %cond3A_996 = arith.cmpi ne, %convert_element_type3A_994, %cond3A_995 : i32
        scf.if %cond3A_996 {
          %scan3A_1016 = arith.constant 0 : i32
          %scan3A_1017 = arith.constant 0 : i32
          %scan3A_1018 = arith.constant 128 : i32
          %scan3A_1019 = arith.addi %scan3A_1017, %scan3A_1018 : i32
          %scan3A_1020 = arith.constant 1 : i32
          scf.for %scan3A_1022 = %scan3A_1017 to %scan3A_1019 step %scan3A_1020  : i32 {
            %broadcast_in_dim3A_1023 = arith.constant 0 : i32
            %broadcast_in_dim3A_1024 = vector.broadcast %broadcast_in_dim3A_1023 : i32 to vector<16xi32>
            %add3A_1025 = vector.broadcast %scan3A_1022 : i32 to vector<16xi32>
            %add3A_1026 = arith.addi %broadcast_in_dim3A_1024, %add3A_1025 : vector<16xi32>
            %scatter3A = arith.constant 0 : i32
            %scatter3A_1027 = arith.constant 0 : i32
            %scatter3A_1028 = tpu.memref_slice %arg6[%cond3A_244, %scatter3A, %scatter3A_1027] : memref<5x160x128xf32, #tpu.memory_space<vmem>> -> memref<1x160x128xf32, #tpu.memory_space<vmem>>
            %scatter3A_1029 = tpu.memref_squeeze %scatter3A_1028 : memref<1x160x128xf32, #tpu.memory_space<vmem>> -> memref<160x128xf32, #tpu.memory_space<vmem>>
            tpu.vector_store_idx %scatter3A_1029[%add3A_988, %add3A_1026], %broadcast_in_dim3A_827 masked %eq3A_984 : memref<160x128xf32, #tpu.memory_space<vmem>>[vector<16xi32>, vector<16xi32>], vector<16xf32>, vector<16xi1>
          }
          %scan3A_1021 = arith.constant 128 : i32
        } else {
        }
        %add3A_997 = arith.constant 144 : i32
        %add3A_998 = arith.addi %mul3A_159, %add3A_997 : i32
        %get3A_999 = arith.index_cast %add3A_998 : i32 to index
        %get3A_1000 = tpu.vector_load %arg5[%get3A_999] {strides = array<i32>} : memref<25600xi32, #tpu.memory_space<vmem>>, vector<16xi32>,
        %eq3A_1001 = arith.constant 0 : i32
        %eq3A_1002 = vector.broadcast %eq3A_1001 : i32 to vector<16xi32>
        %eq3A_1003 = arith.cmpi eq, %get3A_1000, %eq3A_1002 : vector<16xi32>
        %iota3A_1004 = tpu.iota {dimensions = array<i32: 0>} : vector<16xi32>
        %add3A_1005 = arith.constant 144 : i32
        %add3A_1006 = vector.broadcast %add3A_1005 : i32 to vector<16xi32>
        %add3A_1007 = arith.addi %iota3A_1004, %add3A_1006 : vector<16xi32>
        %all_reduce_population_count3A_1008 = tpu.all_reduce %eq3A_1003 {dim = 0 : i64, kind = #tpu.reduction_kind<sum>} : vector<16xi1> -> vector<16xi32>
        %slice3A_1009 = vector.extract_strided_slice %all_reduce_population_count3A_1008 {offsets = [0], sizes = [1], strides = [1]} : vector<16xi32> to vector<1xi32>
        %squeeze3A_1010 = vector.extract %slice3A_1009[0] : i32 from vector<1xi32>
        %gt3A_1011 = arith.constant 0 : i32
        %gt3A_1012 = arith.cmpi sgt, %squeeze3A_1010, %gt3A_1011 : i32
        %convert_element_type3A_1013 = arith.extui %gt3A_1012 : i1 to i32
        %cond3A_1014 = arith.constant 0 : i32
        %cond3A_1015 = arith.cmpi ne, %convert_element_type3A_1013, %cond3A_1014 : i32
        scf.if %cond3A_1015 {
          %scan3A_1016 = arith.constant 0 : i32
          %scan3A_1017 = arith.constant 0 : i32
          %scan3A_1018 = arith.constant 128 : i32
          %scan3A_1019 = arith.addi %scan3A_1017, %scan3A_1018 : i32
          %scan3A_1020 = arith.constant 1 : i32
          scf.for %scan3A_1022 = %scan3A_1017 to %scan3A_1019 step %scan3A_1020  : i32 {
            %broadcast_in_dim3A_1023 = arith.constant 0 : i32
            %broadcast_in_dim3A_1024 = vector.broadcast %broadcast_in_dim3A_1023 : i32 to vector<16xi32>
            %add3A_1025 = vector.broadcast %scan3A_1022 : i32 to vector<16xi32>
            %add3A_1026 = arith.addi %broadcast_in_dim3A_1024, %add3A_1025 : vector<16xi32>
            %scatter3A = arith.constant 0 : i32
            %scatter3A_1027 = arith.constant 0 : i32
            %scatter3A_1028 = tpu.memref_slice %arg6[%cond3A_244, %scatter3A, %scatter3A_1027] : memref<5x160x128xf32, #tpu.memory_space<vmem>> -> memref<1x160x128xf32, #tpu.memory_space<vmem>>
            %scatter3A_1029 = tpu.memref_squeeze %scatter3A_1028 : memref<1x160x128xf32, #tpu.memory_space<vmem>> -> memref<160x128xf32, #tpu.memory_space<vmem>>
            tpu.vector_store_idx %scatter3A_1029[%add3A_1007, %add3A_1026], %broadcast_in_dim3A_827 masked %eq3A_1003 : memref<160x128xf32, #tpu.memory_space<vmem>>[vector<16xi32>, vector<16xi32>], vector<16xf32>, vector<16xi1>
          }
          %scan3A_1021 = arith.constant 128 : i32
        } else {
        }
      } else {
      }
      %mul3A_247 = arith.constant 160 : i32
      %mul3A_248 = arith.muli %add3A_139, %mul3A_247 : i32
      %add3A_249 = arith.addi %mul3A_2, %mul3A_248 : i32
      %dma_start3A_250 = arith.constant 0 : i32
      %dma_start3A_251 = arith.constant 0 : i32
      %dma_start3A_252 = arith.constant 0 : i32
      %dma_start3A_253 = arith.constant 0 : i32
      %dma_start3A_254 = tpu.memref_slice %arg6[%dma_start3A_250, %dma_start3A_252, %dma_start3A_253] : memref<5x160x128xf32, #tpu.memory_space<vmem>> -> memref<1x160x128xf32, #tpu.memory_space<vmem>>
      %dma_start3A_255 = tpu.memref_squeeze %dma_start3A_254 : memref<1x160x128xf32, #tpu.memory_space<vmem>> -> memref<160x128xf32, #tpu.memory_space<vmem>>
      %dma_start3A_256 = arith.constant 0 : i32
      %dma_start3A_257 = tpu.memref_slice %arg4[%add3A_249, %dma_start3A_256] : memref<819200x128xf32, #tpu.memory_space<hbm>> -> memref<160x128xf32, #tpu.memory_space<hbm>>
      %dma_start3A_258 = tpu.memref_slice %arg8[%dma_start3A_251] : memref<5x!tpu.dma_semaphore, #tpu.memory_space<semaphore_mem>> -> memref<1x!tpu.dma_semaphore, #tpu.memory_space<semaphore_mem>>
      %dma_start3A_259 = tpu.memref_squeeze %dma_start3A_258 : memref<1x!tpu.dma_semaphore, #tpu.memory_space<semaphore_mem>> -> memref<!tpu.dma_semaphore, #tpu.memory_space<semaphore_mem>>
      %dma_start3A_260 = arith.constant 0 : i32
      %dma_start3A_261 = tpu.memref_slice %arg4[%add3A_249, %dma_start3A_260] : memref<819200x128xf32, #tpu.memory_space<hbm>> -> memref<160x128xf32, #tpu.memory_space<hbm>>
      %dma_start3A_262 = arith.constant 0 : i32
      %dma_start3A_263 = arith.constant 0 : i32
      %dma_start3A_264 = tpu.memref_slice %arg6[%dma_start3A_250, %dma_start3A_262, %dma_start3A_263] : memref<5x160x128xf32, #tpu.memory_space<vmem>> -> memref<1x160x128xf32, #tpu.memory_space<vmem>>
      %dma_start3A_265 = tpu.memref_squeeze %dma_start3A_264 : memref<1x160x128xf32, #tpu.memory_space<vmem>> -> memref<160x128xf32, #tpu.memory_space<vmem>>
      tpu.enqueue_dma source(%dma_start3A_265 : memref<160x128xf32, #tpu.memory_space<vmem>>) target(%dma_start3A_261 : memref<160x128xf32, #tpu.memory_space<hbm>>) target_semaphore(%dma_start3A_259 : memref<!tpu.dma_semaphore, #tpu.memory_space<semaphore_mem>>)
      %mul3A_266 = arith.constant 5 : i32
      %mul3A_267 = arith.muli %mul3A_266, %scan3A_135 : i32
      %add3A_268 = arith.constant 1 : i32
      %add3A_269 = arith.addi %mul3A_267, %add3A_268 : i32
      %add3A_270 = arith.constant 3 : i32
      %add3A_271 = arith.addi %add3A_269, %add3A_270 : i32
      %lt3A_272 = arith.constant 160 : i32
      %lt3A_273 = arith.cmpi slt, %add3A_271, %lt3A_272 : i32
      %convert_element_type3A_274 = arith.extui %lt3A_273 : i1 to i32
      %cond3A_275 = arith.constant 0 : i32
      %cond3A_276 = arith.cmpi ne, %convert_element_type3A_274, %cond3A_275 : i32
      scf.if %cond3A_276 {
        %ge3A = arith.constant 5 : i32
        %ge3A_826 = arith.cmpi sge, %add3A_271, %ge3A : i32
        %convert_element_type3A_827 = arith.extui %ge3A_826 : i1 to i32
        %cond3A_828 = arith.constant 0 : i32
        %cond3A_829 = arith.cmpi ne, %convert_element_type3A_827, %cond3A_828 : i32
        scf.if %cond3A_829 {
          %sub3A = arith.constant 5 : i32
          %sub3A_844 = arith.subi %add3A_271, %sub3A : i32
          %mul3A_845 = arith.constant 160 : i32
          %mul3A_846 = arith.muli %sub3A_844, %mul3A_845 : i32
          %add3A_847 = arith.addi %mul3A_2, %mul3A_846 : i32
          %dma_wait3A_848 = arith.constant 4 : i32
          %dma_wait3A_849 = arith.constant 4 : i32
          %dma_wait3A_850 = arith.constant 0 : i32
          %dma_wait3A_851 = arith.constant 0 : i32
          %dma_wait3A_852 = tpu.memref_slice %arg6[%dma_wait3A_848, %dma_wait3A_850, %dma_wait3A_851] : memref<5x160x128xf32, #tpu.memory_space<vmem>> -> memref<1x160x128xf32, #tpu.memory_space<vmem>>
          %dma_wait3A_853 = tpu.memref_squeeze %dma_wait3A_852 : memref<1x160x128xf32, #tpu.memory_space<vmem>> -> memref<160x128xf32, #tpu.memory_space<vmem>>
          %dma_wait3A_854 = arith.constant 0 : i32
          %dma_wait3A_855 = tpu.memref_slice %arg4[%add3A_847, %dma_wait3A_854] : memref<819200x128xf32, #tpu.memory_space<hbm>> -> memref<160x128xf32, #tpu.memory_space<hbm>>
          %dma_wait3A_856 = tpu.memref_slice %arg8[%dma_wait3A_849] : memref<5x!tpu.dma_semaphore, #tpu.memory_space<semaphore_mem>> -> memref<1x!tpu.dma_semaphore, #tpu.memory_space<semaphore_mem>>
          %dma_wait3A_857 = tpu.memref_squeeze %dma_wait3A_856 : memref<1x!tpu.dma_semaphore, #tpu.memory_space<semaphore_mem>> -> memref<!tpu.dma_semaphore, #tpu.memory_space<semaphore_mem>>
          %dma_wait3A_858 = arith.constant 0 : i32
          %dma_wait3A_859 = tpu.memref_slice %arg4[%add3A_847, %dma_wait3A_858] : memref<819200x128xf32, #tpu.memory_space<hbm>> -> memref<160x128xf32, #tpu.memory_space<hbm>>
          %dma_wait3A_860 = arith.constant 0 : i32
          %dma_wait3A_861 = arith.constant 0 : i32
          %dma_wait3A_862 = tpu.memref_slice %arg6[%dma_wait3A_848, %dma_wait3A_860, %dma_wait3A_861] : memref<5x160x128xf32, #tpu.memory_space<vmem>> -> memref<1x160x128xf32, #tpu.memory_space<vmem>>
          %dma_wait3A_863 = tpu.memref_squeeze %dma_wait3A_862 : memref<1x160x128xf32, #tpu.memory_space<vmem>> -> memref<160x128xf32, #tpu.memory_space<vmem>>
          tpu.wait_dma2 semaphore(%dma_wait3A_857 : memref<!tpu.dma_semaphore, #tpu.memory_space<semaphore_mem>>) src(%dma_wait3A_863 : memref<160x128xf32, #tpu.memory_space<vmem>>) dst(%dma_wait3A_859 : memref<160x128xf32, #tpu.memory_space<hbm>>)
        } else {
        }
        %mul3A_830 = arith.constant 160 : i32
        %mul3A_831 = arith.muli %add3A_271, %mul3A_830 : i32
        %dma_start3A_832 = arith.constant 4 : i32
        %dma_start3A_833 = arith.constant 4 : i32
        %dma_start3A_834 = arith.constant 0 : i32
        %dma_start3A_835 = arith.constant 0 : i32
        %dma_start3A_836 = tpu.memref_slice %arg6[%dma_start3A_832, %dma_start3A_834, %dma_start3A_835] : memref<5x160x128xf32, #tpu.memory_space<vmem>> -> memref<1x160x128xf32, #tpu.memory_space<vmem>>
        %dma_start3A_837 = tpu.memref_squeeze %dma_start3A_836 : memref<1x160x128xf32, #tpu.memory_space<vmem>> -> memref<160x128xf32, #tpu.memory_space<vmem>>
        %dma_start3A_838 = tpu.memref_slice %arg5[%mul3A_831] : memref<25600xi32, #tpu.memory_space<vmem>> -> memref<160xi32, #tpu.memory_space<vmem>>
        %dma_start3A_839 = arith.constant 0 : i32
        %dma_start3A_840 = arith.constant 0 : i32
        %dma_start3A_841 = tpu.memref_slice %arg3[%dma_start3A_839, %dma_start3A_840] : memref<100000x128xf32, #tpu.memory_space<hbm>> -> memref<100000x128xf32, #tpu.memory_space<hbm>>
        %dma_start3A_842 = tpu.memref_slice %arg7[%dma_start3A_833] : memref<5x!tpu.dma_semaphore, #tpu.memory_space<semaphore_mem>> -> memref<1x!tpu.dma_semaphore, #tpu.memory_space<semaphore_mem>>
        %dma_start3A_843 = tpu.memref_squeeze %dma_start3A_842 : memref<1x!tpu.dma_semaphore, #tpu.memory_space<semaphore_mem>> -> memref<!tpu.dma_semaphore, #tpu.memory_space<semaphore_mem>>
        tpu.enqueue_indirect_dma source(%dma_start3A_841 : memref<100000x128xf32, #tpu.memory_space<hbm>>) target(%dma_start3A_837 : memref<160x128xf32, #tpu.memory_space<vmem>>) offsets(%dma_start3A_838 : memref<160xi32, #tpu.memory_space<vmem>>) semaphore(%dma_start3A_843 : memref<!tpu.dma_semaphore, #tpu.memory_space<semaphore_mem>>)
      } else {
      }
      %mul3A_277 = arith.constant 160 : i32
      %mul3A_278 = arith.muli %add3A_269, %mul3A_277 : i32
      %dma_wait3A_279 = arith.constant 1 : i32
      %dma_wait3A_280 = arith.constant 1 : i32
      %dma_wait3A_281 = arith.constant 0 : i32
      %dma_wait3A_282 = arith.constant 0 : i32
      %dma_wait3A_283 = tpu.memref_slice %arg6[%dma_wait3A_279, %dma_wait3A_281, %dma_wait3A_282] : memref<5x160x128xf32, #tpu.memory_space<vmem>> -> memref<1x160x128xf32, #tpu.memory_space<vmem>>
      %dma_wait3A_284 = tpu.memref_squeeze %dma_wait3A_283 : memref<1x160x128xf32, #tpu.memory_space<vmem>> -> memref<160x128xf32, #tpu.memory_space<vmem>>
      %dma_wait3A_285 = tpu.memref_slice %arg5[%mul3A_278] : memref<25600xi32, #tpu.memory_space<vmem>> -> memref<160xi32, #tpu.memory_space<vmem>>
      %dma_wait3A_286 = arith.constant 0 : i32
      %dma_wait3A_287 = arith.constant 0 : i32
      %dma_wait3A_288 = tpu.memref_slice %arg3[%dma_wait3A_286, %dma_wait3A_287] : memref<100000x128xf32, #tpu.memory_space<hbm>> -> memref<100000x128xf32, #tpu.memory_space<hbm>>
      %dma_wait3A_289 = tpu.memref_slice %arg7[%dma_wait3A_280] : memref<5x!tpu.dma_semaphore, #tpu.memory_space<semaphore_mem>> -> memref<1x!tpu.dma_semaphore, #tpu.memory_space<semaphore_mem>>
      %dma_wait3A_290 = tpu.memref_squeeze %dma_wait3A_289 : memref<1x!tpu.dma_semaphore, #tpu.memory_space<semaphore_mem>> -> memref<!tpu.dma_semaphore, #tpu.memory_space<semaphore_mem>>
      tpu.wait_indirect_dma semaphore(%dma_wait3A_290 : memref<!tpu.dma_semaphore, #tpu.memory_space<semaphore_mem>>) src(%dma_wait3A_288 : memref<100000x128xf32, #tpu.memory_space<hbm>>) dst(%dma_wait3A_284 : memref<160x128xf32, #tpu.memory_space<vmem>>)
      %mul3A_291 = arith.constant 160 : i32
      %mul3A_292 = arith.muli %add3A_269, %mul3A_291 : i32
      %broadcast_in_dim3A_293 = arith.constant 0 : i32
      %broadcast_in_dim3A_294 = vector.broadcast %broadcast_in_dim3A_293 : i32 to vector<16xi32>
      %add3A_295 = arith.constant 0 : i32
      %add3A_296 = arith.addi %mul3A_292, %add3A_295 : i32
      %get3A_297 = arith.index_cast %add3A_296 : i32 to index
      %get3A_298 = tpu.vector_load %arg5[%get3A_297] {strides = array<i32>} : memref<25600xi32, #tpu.memory_space<vmem>>, vector<16xi32>,
      %min3A_299 = arith.constant 1 : i32
      %min3A_300 = vector.broadcast %min3A_299 : i32 to vector<16xi32>
      %min3A_301 = arith.minsi %get3A_298, %min3A_300 : vector<16xi32>
      %add3A_302 = arith.addi %broadcast_in_dim3A_294, %min3A_301 : vector<16xi32>
      %add3A_303 = arith.constant 16 : i32
      %add3A_304 = arith.addi %mul3A_292, %add3A_303 : i32
      %get3A_305 = arith.index_cast %add3A_304 : i32 to index
      %get3A_306 = tpu.vector_load %arg5[%get3A_305] {strides = array<i32>} : memref<25600xi32, #tpu.memory_space<vmem>>, vector<16xi32>,
      %min3A_307 = arith.constant 1 : i32
      %min3A_308 = vector.broadcast %min3A_307 : i32 to vector<16xi32>
      %min3A_309 = arith.minsi %get3A_306, %min3A_308 : vector<16xi32>
      %add3A_310 = arith.addi %add3A_302, %min3A_309 : vector<16xi32>
      %add3A_311 = arith.constant 32 : i32
      %add3A_312 = arith.addi %mul3A_292, %add3A_311 : i32
      %get3A_313 = arith.index_cast %add3A_312 : i32 to index
      %get3A_314 = tpu.vector_load %arg5[%get3A_313] {strides = array<i32>} : memref<25600xi32, #tpu.memory_space<vmem>>, vector<16xi32>,
      %min3A_315 = arith.constant 1 : i32
      %min3A_316 = vector.broadcast %min3A_315 : i32 to vector<16xi32>
      %min3A_317 = arith.minsi %get3A_314, %min3A_316 : vector<16xi32>
      %add3A_318 = arith.addi %add3A_310, %min3A_317 : vector<16xi32>
      %add3A_319 = arith.constant 48 : i32
      %add3A_320 = arith.addi %mul3A_292, %add3A_319 : i32
      %get3A_321 = arith.index_cast %add3A_320 : i32 to index
      %get3A_322 = tpu.vector_load %arg5[%get3A_321] {strides = array<i32>} : memref<25600xi32, #tpu.memory_space<vmem>>, vector<16xi32>,
      %min3A_323 = arith.constant 1 : i32
      %min3A_324 = vector.broadcast %min3A_323 : i32 to vector<16xi32>
      %min3A_325 = arith.minsi %get3A_322, %min3A_324 : vector<16xi32>
      %add3A_326 = arith.addi %add3A_318, %min3A_325 : vector<16xi32>
      %add3A_327 = arith.constant 64 : i32
      %add3A_328 = arith.addi %mul3A_292, %add3A_327 : i32
      %get3A_329 = arith.index_cast %add3A_328 : i32 to index
      %get3A_330 = tpu.vector_load %arg5[%get3A_329] {strides = array<i32>} : memref<25600xi32, #tpu.memory_space<vmem>>, vector<16xi32>,
      %min3A_331 = arith.constant 1 : i32
      %min3A_332 = vector.broadcast %min3A_331 : i32 to vector<16xi32>
      %min3A_333 = arith.minsi %get3A_330, %min3A_332 : vector<16xi32>
      %add3A_334 = arith.addi %add3A_326, %min3A_333 : vector<16xi32>
      %add3A_335 = arith.constant 80 : i32
      %add3A_336 = arith.addi %mul3A_292, %add3A_335 : i32
      %get3A_337 = arith.index_cast %add3A_336 : i32 to index
      %get3A_338 = tpu.vector_load %arg5[%get3A_337] {strides = array<i32>} : memref<25600xi32, #tpu.memory_space<vmem>>, vector<16xi32>,
      %min3A_339 = arith.constant 1 : i32
      %min3A_340 = vector.broadcast %min3A_339 : i32 to vector<16xi32>
      %min3A_341 = arith.minsi %get3A_338, %min3A_340 : vector<16xi32>
      %add3A_342 = arith.addi %add3A_334, %min3A_341 : vector<16xi32>
      %add3A_343 = arith.constant 96 : i32
      %add3A_344 = arith.addi %mul3A_292, %add3A_343 : i32
      %get3A_345 = arith.index_cast %add3A_344 : i32 to index
      %get3A_346 = tpu.vector_load %arg5[%get3A_345] {strides = array<i32>} : memref<25600xi32, #tpu.memory_space<vmem>>, vector<16xi32>,
      %min3A_347 = arith.constant 1 : i32
      %min3A_348 = vector.broadcast %min3A_347 : i32 to vector<16xi32>
      %min3A_349 = arith.minsi %get3A_346, %min3A_348 : vector<16xi32>
      %add3A_350 = arith.addi %add3A_342, %min3A_349 : vector<16xi32>
      %add3A_351 = arith.constant 112 : i32
      %add3A_352 = arith.addi %mul3A_292, %add3A_351 : i32
      %get3A_353 = arith.index_cast %add3A_352 : i32 to index
      %get3A_354 = tpu.vector_load %arg5[%get3A_353] {strides = array<i32>} : memref<25600xi32, #tpu.memory_space<vmem>>, vector<16xi32>,
      %min3A_355 = arith.constant 1 : i32
      %min3A_356 = vector.broadcast %min3A_355 : i32 to vector<16xi32>
      %min3A_357 = arith.minsi %get3A_354, %min3A_356 : vector<16xi32>
      %add3A_358 = arith.addi %add3A_350, %min3A_357 : vector<16xi32>
      %add3A_359 = arith.constant 128 : i32
      %add3A_360 = arith.addi %mul3A_292, %add3A_359 : i32
      %get3A_361 = arith.index_cast %add3A_360 : i32 to index
      %get3A_362 = tpu.vector_load %arg5[%get3A_361] {strides = array<i32>} : memref<25600xi32, #tpu.memory_space<vmem>>, vector<16xi32>,
      %min3A_363 = arith.constant 1 : i32
      %min3A_364 = vector.broadcast %min3A_363 : i32 to vector<16xi32>
      %min3A_365 = arith.minsi %get3A_362, %min3A_364 : vector<16xi32>
      %add3A_366 = arith.addi %add3A_358, %min3A_365 : vector<16xi32>
      %add3A_367 = arith.constant 144 : i32
      %add3A_368 = arith.addi %mul3A_292, %add3A_367 : i32
      %get3A_369 = arith.index_cast %add3A_368 : i32 to index
      %get3A_370 = tpu.vector_load %arg5[%get3A_369] {strides = array<i32>} : memref<25600xi32, #tpu.memory_space<vmem>>, vector<16xi32>,
      %min3A_371 = arith.constant 1 : i32
      %min3A_372 = vector.broadcast %min3A_371 : i32 to vector<16xi32>
      %min3A_373 = arith.minsi %get3A_370, %min3A_372 : vector<16xi32>
      %add3A_374 = arith.addi %add3A_366, %min3A_373 : vector<16xi32>
      %lt3A_375 = arith.constant 10 : i32
      %lt3A_376 = vector.broadcast %lt3A_375 : i32 to vector<16xi32>
      %lt3A_377 = arith.cmpi slt, %add3A_374, %lt3A_376 : vector<16xi32>
      %all_reduce_population_count3A_378 = tpu.all_reduce %lt3A_377 {dim = 0 : i64, kind = #tpu.reduction_kind<sum>} : vector<16xi1> -> vector<16xi32>
      %slice3A_379 = vector.extract_strided_slice %all_reduce_population_count3A_378 {offsets = [0], sizes = [1], strides = [1]} : vector<16xi32> to vector<1xi32>
      %squeeze3A_380 = vector.extract %slice3A_379[0] : i32 from vector<1xi32>
      %gt3A_381 = arith.constant 0 : i32
      %gt3A_382 = arith.cmpi sgt, %squeeze3A_380, %gt3A_381 : i32
      %convert_element_type3A_383 = arith.extui %gt3A_382 : i1 to i32
      %cond3A_384 = arith.constant 1 : i32
      %cond3A_385 = arith.constant 0 : i32
      %cond3A_386 = arith.cmpi ne, %convert_element_type3A_383, %cond3A_385 : i32
      scf.if %cond3A_386 {
        %broadcast_in_dim3A_826 = arith.constant 0.000000e+00 : f32
        %broadcast_in_dim3A_827 = vector.broadcast %broadcast_in_dim3A_826 : f32 to vector<16xf32>
        %add3A_828 = arith.constant 0 : i32
        %add3A_829 = arith.addi %mul3A_292, %add3A_828 : i32
        %get3A_830 = arith.index_cast %add3A_829 : i32 to index
        %get3A_831 = tpu.vector_load %arg5[%get3A_830] {strides = array<i32>} : memref<25600xi32, #tpu.memory_space<vmem>>, vector<16xi32>,
        %eq3A = arith.constant 0 : i32
        %eq3A_832 = vector.broadcast %eq3A : i32 to vector<16xi32>
        %eq3A_833 = arith.cmpi eq, %get3A_831, %eq3A_832 : vector<16xi32>
        %iota3A = tpu.iota {dimensions = array<i32: 0>} : vector<16xi32>
        %add3A_834 = arith.constant 0 : i32
        %add3A_835 = vector.broadcast %add3A_834 : i32 to vector<16xi32>
        %add3A_836 = arith.addi %iota3A, %add3A_835 : vector<16xi32>
        %all_reduce_population_count3A_837 = tpu.all_reduce %eq3A_833 {dim = 0 : i64, kind = #tpu.reduction_kind<sum>} : vector<16xi1> -> vector<16xi32>
        %slice3A_838 = vector.extract_strided_slice %all_reduce_population_count3A_837 {offsets = [0], sizes = [1], strides = [1]} : vector<16xi32> to vector<1xi32>
        %squeeze3A_839 = vector.extract %slice3A_838[0] : i32 from vector<1xi32>
        %gt3A_840 = arith.constant 0 : i32
        %gt3A_841 = arith.cmpi sgt, %squeeze3A_839, %gt3A_840 : i32
        %convert_element_type3A_842 = arith.extui %gt3A_841 : i1 to i32
        %cond3A_843 = arith.constant 0 : i32
        %cond3A_844 = arith.cmpi ne, %convert_element_type3A_842, %cond3A_843 : i32
        scf.if %cond3A_844 {
          %scan3A_1016 = arith.constant 0 : i32
          %scan3A_1017 = arith.constant 0 : i32
          %scan3A_1018 = arith.constant 128 : i32
          %scan3A_1019 = arith.addi %scan3A_1017, %scan3A_1018 : i32
          %scan3A_1020 = arith.constant 1 : i32
          scf.for %scan3A_1022 = %scan3A_1017 to %scan3A_1019 step %scan3A_1020  : i32 {
            %broadcast_in_dim3A_1023 = arith.constant 0 : i32
            %broadcast_in_dim3A_1024 = vector.broadcast %broadcast_in_dim3A_1023 : i32 to vector<16xi32>
            %add3A_1025 = vector.broadcast %scan3A_1022 : i32 to vector<16xi32>
            %add3A_1026 = arith.addi %broadcast_in_dim3A_1024, %add3A_1025 : vector<16xi32>
            %scatter3A = arith.constant 0 : i32
            %scatter3A_1027 = arith.constant 0 : i32
            %scatter3A_1028 = tpu.memref_slice %arg6[%cond3A_384, %scatter3A, %scatter3A_1027] : memref<5x160x128xf32, #tpu.memory_space<vmem>> -> memref<1x160x128xf32, #tpu.memory_space<vmem>>
            %scatter3A_1029 = tpu.memref_squeeze %scatter3A_1028 : memref<1x160x128xf32, #tpu.memory_space<vmem>> -> memref<160x128xf32, #tpu.memory_space<vmem>>
            tpu.vector_store_idx %scatter3A_1029[%add3A_836, %add3A_1026], %broadcast_in_dim3A_827 masked %eq3A_833 : memref<160x128xf32, #tpu.memory_space<vmem>>[vector<16xi32>, vector<16xi32>], vector<16xf32>, vector<16xi1>
          }
          %scan3A_1021 = arith.constant 128 : i32
        } else {
        }
        %add3A_845 = arith.constant 16 : i32
        %add3A_846 = arith.addi %mul3A_292, %add3A_845 : i32
        %get3A_847 = arith.index_cast %add3A_846 : i32 to index
        %get3A_848 = tpu.vector_load %arg5[%get3A_847] {strides = array<i32>} : memref<25600xi32, #tpu.memory_space<vmem>>, vector<16xi32>,
        %eq3A_849 = arith.constant 0 : i32
        %eq3A_850 = vector.broadcast %eq3A_849 : i32 to vector<16xi32>
        %eq3A_851 = arith.cmpi eq, %get3A_848, %eq3A_850 : vector<16xi32>
        %iota3A_852 = tpu.iota {dimensions = array<i32: 0>} : vector<16xi32>
        %add3A_853 = arith.constant 16 : i32
        %add3A_854 = vector.broadcast %add3A_853 : i32 to vector<16xi32>
        %add3A_855 = arith.addi %iota3A_852, %add3A_854 : vector<16xi32>
        %all_reduce_population_count3A_856 = tpu.all_reduce %eq3A_851 {dim = 0 : i64, kind = #tpu.reduction_kind<sum>} : vector<16xi1> -> vector<16xi32>
        %slice3A_857 = vector.extract_strided_slice %all_reduce_population_count3A_856 {offsets = [0], sizes = [1], strides = [1]} : vector<16xi32> to vector<1xi32>
        %squeeze3A_858 = vector.extract %slice3A_857[0] : i32 from vector<1xi32>
        %gt3A_859 = arith.constant 0 : i32
        %gt3A_860 = arith.cmpi sgt, %squeeze3A_858, %gt3A_859 : i32
        %convert_element_type3A_861 = arith.extui %gt3A_860 : i1 to i32
        %cond3A_862 = arith.constant 0 : i32
        %cond3A_863 = arith.cmpi ne, %convert_element_type3A_861, %cond3A_862 : i32
        scf.if %cond3A_863 {
          %scan3A_1016 = arith.constant 0 : i32
          %scan3A_1017 = arith.constant 0 : i32
          %scan3A_1018 = arith.constant 128 : i32
          %scan3A_1019 = arith.addi %scan3A_1017, %scan3A_1018 : i32
          %scan3A_1020 = arith.constant 1 : i32
          scf.for %scan3A_1022 = %scan3A_1017 to %scan3A_1019 step %scan3A_1020  : i32 {
            %broadcast_in_dim3A_1023 = arith.constant 0 : i32
            %broadcast_in_dim3A_1024 = vector.broadcast %broadcast_in_dim3A_1023 : i32 to vector<16xi32>
            %add3A_1025 = vector.broadcast %scan3A_1022 : i32 to vector<16xi32>
            %add3A_1026 = arith.addi %broadcast_in_dim3A_1024, %add3A_1025 : vector<16xi32>
            %scatter3A = arith.constant 0 : i32
            %scatter3A_1027 = arith.constant 0 : i32
            %scatter3A_1028 = tpu.memref_slice %arg6[%cond3A_384, %scatter3A, %scatter3A_1027] : memref<5x160x128xf32, #tpu.memory_space<vmem>> -> memref<1x160x128xf32, #tpu.memory_space<vmem>>
            %scatter3A_1029 = tpu.memref_squeeze %scatter3A_1028 : memref<1x160x128xf32, #tpu.memory_space<vmem>> -> memref<160x128xf32, #tpu.memory_space<vmem>>
            tpu.vector_store_idx %scatter3A_1029[%add3A_855, %add3A_1026], %broadcast_in_dim3A_827 masked %eq3A_851 : memref<160x128xf32, #tpu.memory_space<vmem>>[vector<16xi32>, vector<16xi32>], vector<16xf32>, vector<16xi1>
          }
          %scan3A_1021 = arith.constant 128 : i32
        } else {
        }
        %add3A_864 = arith.constant 32 : i32
        %add3A_865 = arith.addi %mul3A_292, %add3A_864 : i32
        %get3A_866 = arith.index_cast %add3A_865 : i32 to index
        %get3A_867 = tpu.vector_load %arg5[%get3A_866] {strides = array<i32>} : memref<25600xi32, #tpu.memory_space<vmem>>, vector<16xi32>,
        %eq3A_868 = arith.constant 0 : i32
        %eq3A_869 = vector.broadcast %eq3A_868 : i32 to vector<16xi32>
        %eq3A_870 = arith.cmpi eq, %get3A_867, %eq3A_869 : vector<16xi32>
        %iota3A_871 = tpu.iota {dimensions = array<i32: 0>} : vector<16xi32>
        %add3A_872 = arith.constant 32 : i32
        %add3A_873 = vector.broadcast %add3A_872 : i32 to vector<16xi32>
        %add3A_874 = arith.addi %iota3A_871, %add3A_873 : vector<16xi32>
        %all_reduce_population_count3A_875 = tpu.all_reduce %eq3A_870 {dim = 0 : i64, kind = #tpu.reduction_kind<sum>} : vector<16xi1> -> vector<16xi32>
        %slice3A_876 = vector.extract_strided_slice %all_reduce_population_count3A_875 {offsets = [0], sizes = [1], strides = [1]} : vector<16xi32> to vector<1xi32>
        %squeeze3A_877 = vector.extract %slice3A_876[0] : i32 from vector<1xi32>
        %gt3A_878 = arith.constant 0 : i32
        %gt3A_879 = arith.cmpi sgt, %squeeze3A_877, %gt3A_878 : i32
        %convert_element_type3A_880 = arith.extui %gt3A_879 : i1 to i32
        %cond3A_881 = arith.constant 0 : i32
        %cond3A_882 = arith.cmpi ne, %convert_element_type3A_880, %cond3A_881 : i32
        scf.if %cond3A_882 {
          %scan3A_1016 = arith.constant 0 : i32
          %scan3A_1017 = arith.constant 0 : i32
          %scan3A_1018 = arith.constant 128 : i32
          %scan3A_1019 = arith.addi %scan3A_1017, %scan3A_1018 : i32
          %scan3A_1020 = arith.constant 1 : i32
          scf.for %scan3A_1022 = %scan3A_1017 to %scan3A_1019 step %scan3A_1020  : i32 {
            %broadcast_in_dim3A_1023 = arith.constant 0 : i32
            %broadcast_in_dim3A_1024 = vector.broadcast %broadcast_in_dim3A_1023 : i32 to vector<16xi32>
            %add3A_1025 = vector.broadcast %scan3A_1022 : i32 to vector<16xi32>
            %add3A_1026 = arith.addi %broadcast_in_dim3A_1024, %add3A_1025 : vector<16xi32>
            %scatter3A = arith.constant 0 : i32
            %scatter3A_1027 = arith.constant 0 : i32
            %scatter3A_1028 = tpu.memref_slice %arg6[%cond3A_384, %scatter3A, %scatter3A_1027] : memref<5x160x128xf32, #tpu.memory_space<vmem>> -> memref<1x160x128xf32, #tpu.memory_space<vmem>>
            %scatter3A_1029 = tpu.memref_squeeze %scatter3A_1028 : memref<1x160x128xf32, #tpu.memory_space<vmem>> -> memref<160x128xf32, #tpu.memory_space<vmem>>
            tpu.vector_store_idx %scatter3A_1029[%add3A_874, %add3A_1026], %broadcast_in_dim3A_827 masked %eq3A_870 : memref<160x128xf32, #tpu.memory_space<vmem>>[vector<16xi32>, vector<16xi32>], vector<16xf32>, vector<16xi1>
          }
          %scan3A_1021 = arith.constant 128 : i32
        } else {
        }
        %add3A_883 = arith.constant 48 : i32
        %add3A_884 = arith.addi %mul3A_292, %add3A_883 : i32
        %get3A_885 = arith.index_cast %add3A_884 : i32 to index
        %get3A_886 = tpu.vector_load %arg5[%get3A_885] {strides = array<i32>} : memref<25600xi32, #tpu.memory_space<vmem>>, vector<16xi32>,
        %eq3A_887 = arith.constant 0 : i32
        %eq3A_888 = vector.broadcast %eq3A_887 : i32 to vector<16xi32>
        %eq3A_889 = arith.cmpi eq, %get3A_886, %eq3A_888 : vector<16xi32>
        %iota3A_890 = tpu.iota {dimensions = array<i32: 0>} : vector<16xi32>
        %add3A_891 = arith.constant 48 : i32
        %add3A_892 = vector.broadcast %add3A_891 : i32 to vector<16xi32>
        %add3A_893 = arith.addi %iota3A_890, %add3A_892 : vector<16xi32>
        %all_reduce_population_count3A_894 = tpu.all_reduce %eq3A_889 {dim = 0 : i64, kind = #tpu.reduction_kind<sum>} : vector<16xi1> -> vector<16xi32>
        %slice3A_895 = vector.extract_strided_slice %all_reduce_population_count3A_894 {offsets = [0], sizes = [1], strides = [1]} : vector<16xi32> to vector<1xi32>
        %squeeze3A_896 = vector.extract %slice3A_895[0] : i32 from vector<1xi32>
        %gt3A_897 = arith.constant 0 : i32
        %gt3A_898 = arith.cmpi sgt, %squeeze3A_896, %gt3A_897 : i32
        %convert_element_type3A_899 = arith.extui %gt3A_898 : i1 to i32
        %cond3A_900 = arith.constant 0 : i32
        %cond3A_901 = arith.cmpi ne, %convert_element_type3A_899, %cond3A_900 : i32
        scf.if %cond3A_901 {
          %scan3A_1016 = arith.constant 0 : i32
          %scan3A_1017 = arith.constant 0 : i32
          %scan3A_1018 = arith.constant 128 : i32
          %scan3A_1019 = arith.addi %scan3A_1017, %scan3A_1018 : i32
          %scan3A_1020 = arith.constant 1 : i32
          scf.for %scan3A_1022 = %scan3A_1017 to %scan3A_1019 step %scan3A_1020  : i32 {
            %broadcast_in_dim3A_1023 = arith.constant 0 : i32
            %broadcast_in_dim3A_1024 = vector.broadcast %broadcast_in_dim3A_1023 : i32 to vector<16xi32>
            %add3A_1025 = vector.broadcast %scan3A_1022 : i32 to vector<16xi32>
            %add3A_1026 = arith.addi %broadcast_in_dim3A_1024, %add3A_1025 : vector<16xi32>
            %scatter3A = arith.constant 0 : i32
            %scatter3A_1027 = arith.constant 0 : i32
            %scatter3A_1028 = tpu.memref_slice %arg6[%cond3A_384, %scatter3A, %scatter3A_1027] : memref<5x160x128xf32, #tpu.memory_space<vmem>> -> memref<1x160x128xf32, #tpu.memory_space<vmem>>
            %scatter3A_1029 = tpu.memref_squeeze %scatter3A_1028 : memref<1x160x128xf32, #tpu.memory_space<vmem>> -> memref<160x128xf32, #tpu.memory_space<vmem>>
            tpu.vector_store_idx %scatter3A_1029[%add3A_893, %add3A_1026], %broadcast_in_dim3A_827 masked %eq3A_889 : memref<160x128xf32, #tpu.memory_space<vmem>>[vector<16xi32>, vector<16xi32>], vector<16xf32>, vector<16xi1>
          }
          %scan3A_1021 = arith.constant 128 : i32
        } else {
        }
        %add3A_902 = arith.constant 64 : i32
        %add3A_903 = arith.addi %mul3A_292, %add3A_902 : i32
        %get3A_904 = arith.index_cast %add3A_903 : i32 to index
        %get3A_905 = tpu.vector_load %arg5[%get3A_904] {strides = array<i32>} : memref<25600xi32, #tpu.memory_space<vmem>>, vector<16xi32>,
        %eq3A_906 = arith.constant 0 : i32
        %eq3A_907 = vector.broadcast %eq3A_906 : i32 to vector<16xi32>
        %eq3A_908 = arith.cmpi eq, %get3A_905, %eq3A_907 : vector<16xi32>
        %iota3A_909 = tpu.iota {dimensions = array<i32: 0>} : vector<16xi32>
        %add3A_910 = arith.constant 64 : i32
        %add3A_911 = vector.broadcast %add3A_910 : i32 to vector<16xi32>
        %add3A_912 = arith.addi %iota3A_909, %add3A_911 : vector<16xi32>
        %all_reduce_population_count3A_913 = tpu.all_reduce %eq3A_908 {dim = 0 : i64, kind = #tpu.reduction_kind<sum>} : vector<16xi1> -> vector<16xi32>
        %slice3A_914 = vector.extract_strided_slice %all_reduce_population_count3A_913 {offsets = [0], sizes = [1], strides = [1]} : vector<16xi32> to vector<1xi32>
        %squeeze3A_915 = vector.extract %slice3A_914[0] : i32 from vector<1xi32>
        %gt3A_916 = arith.constant 0 : i32
        %gt3A_917 = arith.cmpi sgt, %squeeze3A_915, %gt3A_916 : i32
        %convert_element_type3A_918 = arith.extui %gt3A_917 : i1 to i32
        %cond3A_919 = arith.constant 0 : i32
        %cond3A_920 = arith.cmpi ne, %convert_element_type3A_918, %cond3A_919 : i32
        scf.if %cond3A_920 {
          %scan3A_1016 = arith.constant 0 : i32
          %scan3A_1017 = arith.constant 0 : i32
          %scan3A_1018 = arith.constant 128 : i32
          %scan3A_1019 = arith.addi %scan3A_1017, %scan3A_1018 : i32
          %scan3A_1020 = arith.constant 1 : i32
          scf.for %scan3A_1022 = %scan3A_1017 to %scan3A_1019 step %scan3A_1020  : i32 {
            %broadcast_in_dim3A_1023 = arith.constant 0 : i32
            %broadcast_in_dim3A_1024 = vector.broadcast %broadcast_in_dim3A_1023 : i32 to vector<16xi32>
            %add3A_1025 = vector.broadcast %scan3A_1022 : i32 to vector<16xi32>
            %add3A_1026 = arith.addi %broadcast_in_dim3A_1024, %add3A_1025 : vector<16xi32>
            %scatter3A = arith.constant 0 : i32
            %scatter3A_1027 = arith.constant 0 : i32
            %scatter3A_1028 = tpu.memref_slice %arg6[%cond3A_384, %scatter3A, %scatter3A_1027] : memref<5x160x128xf32, #tpu.memory_space<vmem>> -> memref<1x160x128xf32, #tpu.memory_space<vmem>>
            %scatter3A_1029 = tpu.memref_squeeze %scatter3A_1028 : memref<1x160x128xf32, #tpu.memory_space<vmem>> -> memref<160x128xf32, #tpu.memory_space<vmem>>
            tpu.vector_store_idx %scatter3A_1029[%add3A_912, %add3A_1026], %broadcast_in_dim3A_827 masked %eq3A_908 : memref<160x128xf32, #tpu.memory_space<vmem>>[vector<16xi32>, vector<16xi32>], vector<16xf32>, vector<16xi1>
          }
          %scan3A_1021 = arith.constant 128 : i32
        } else {
        }
        %add3A_921 = arith.constant 80 : i32
        %add3A_922 = arith.addi %mul3A_292, %add3A_921 : i32
        %get3A_923 = arith.index_cast %add3A_922 : i32 to index
        %get3A_924 = tpu.vector_load %arg5[%get3A_923] {strides = array<i32>} : memref<25600xi32, #tpu.memory_space<vmem>>, vector<16xi32>,
        %eq3A_925 = arith.constant 0 : i32
        %eq3A_926 = vector.broadcast %eq3A_925 : i32 to vector<16xi32>
        %eq3A_927 = arith.cmpi eq, %get3A_924, %eq3A_926 : vector<16xi32>
        %iota3A_928 = tpu.iota {dimensions = array<i32: 0>} : vector<16xi32>
        %add3A_929 = arith.constant 80 : i32
        %add3A_930 = vector.broadcast %add3A_929 : i32 to vector<16xi32>
        %add3A_931 = arith.addi %iota3A_928, %add3A_930 : vector<16xi32>
        %all_reduce_population_count3A_932 = tpu.all_reduce %eq3A_927 {dim = 0 : i64, kind = #tpu.reduction_kind<sum>} : vector<16xi1> -> vector<16xi32>
        %slice3A_933 = vector.extract_strided_slice %all_reduce_population_count3A_932 {offsets = [0], sizes = [1], strides = [1]} : vector<16xi32> to vector<1xi32>
        %squeeze3A_934 = vector.extract %slice3A_933[0] : i32 from vector<1xi32>
        %gt3A_935 = arith.constant 0 : i32
        %gt3A_936 = arith.cmpi sgt, %squeeze3A_934, %gt3A_935 : i32
        %convert_element_type3A_937 = arith.extui %gt3A_936 : i1 to i32
        %cond3A_938 = arith.constant 0 : i32
        %cond3A_939 = arith.cmpi ne, %convert_element_type3A_937, %cond3A_938 : i32
        scf.if %cond3A_939 {
          %scan3A_1016 = arith.constant 0 : i32
          %scan3A_1017 = arith.constant 0 : i32
          %scan3A_1018 = arith.constant 128 : i32
          %scan3A_1019 = arith.addi %scan3A_1017, %scan3A_1018 : i32
          %scan3A_1020 = arith.constant 1 : i32
          scf.for %scan3A_1022 = %scan3A_1017 to %scan3A_1019 step %scan3A_1020  : i32 {
            %broadcast_in_dim3A_1023 = arith.constant 0 : i32
            %broadcast_in_dim3A_1024 = vector.broadcast %broadcast_in_dim3A_1023 : i32 to vector<16xi32>
            %add3A_1025 = vector.broadcast %scan3A_1022 : i32 to vector<16xi32>
            %add3A_1026 = arith.addi %broadcast_in_dim3A_1024, %add3A_1025 : vector<16xi32>
            %scatter3A = arith.constant 0 : i32
            %scatter3A_1027 = arith.constant 0 : i32
            %scatter3A_1028 = tpu.memref_slice %arg6[%cond3A_384, %scatter3A, %scatter3A_1027] : memref<5x160x128xf32, #tpu.memory_space<vmem>> -> memref<1x160x128xf32, #tpu.memory_space<vmem>>
            %scatter3A_1029 = tpu.memref_squeeze %scatter3A_1028 : memref<1x160x128xf32, #tpu.memory_space<vmem>> -> memref<160x128xf32, #tpu.memory_space<vmem>>
            tpu.vector_store_idx %scatter3A_1029[%add3A_931, %add3A_1026], %broadcast_in_dim3A_827 masked %eq3A_927 : memref<160x128xf32, #tpu.memory_space<vmem>>[vector<16xi32>, vector<16xi32>], vector<16xf32>, vector<16xi1>
          }
          %scan3A_1021 = arith.constant 128 : i32
        } else {
        }
        %add3A_940 = arith.constant 96 : i32
        %add3A_941 = arith.addi %mul3A_292, %add3A_940 : i32
        %get3A_942 = arith.index_cast %add3A_941 : i32 to index
        %get3A_943 = tpu.vector_load %arg5[%get3A_942] {strides = array<i32>} : memref<25600xi32, #tpu.memory_space<vmem>>, vector<16xi32>,
        %eq3A_944 = arith.constant 0 : i32
        %eq3A_945 = vector.broadcast %eq3A_944 : i32 to vector<16xi32>
        %eq3A_946 = arith.cmpi eq, %get3A_943, %eq3A_945 : vector<16xi32>
        %iota3A_947 = tpu.iota {dimensions = array<i32: 0>} : vector<16xi32>
        %add3A_948 = arith.constant 96 : i32
        %add3A_949 = vector.broadcast %add3A_948 : i32 to vector<16xi32>
        %add3A_950 = arith.addi %iota3A_947, %add3A_949 : vector<16xi32>
        %all_reduce_population_count3A_951 = tpu.all_reduce %eq3A_946 {dim = 0 : i64, kind = #tpu.reduction_kind<sum>} : vector<16xi1> -> vector<16xi32>
        %slice3A_952 = vector.extract_strided_slice %all_reduce_population_count3A_951 {offsets = [0], sizes = [1], strides = [1]} : vector<16xi32> to vector<1xi32>
        %squeeze3A_953 = vector.extract %slice3A_952[0] : i32 from vector<1xi32>
        %gt3A_954 = arith.constant 0 : i32
        %gt3A_955 = arith.cmpi sgt, %squeeze3A_953, %gt3A_954 : i32
        %convert_element_type3A_956 = arith.extui %gt3A_955 : i1 to i32
        %cond3A_957 = arith.constant 0 : i32
        %cond3A_958 = arith.cmpi ne, %convert_element_type3A_956, %cond3A_957 : i32
        scf.if %cond3A_958 {
          %scan3A_1016 = arith.constant 0 : i32
          %scan3A_1017 = arith.constant 0 : i32
          %scan3A_1018 = arith.constant 128 : i32
          %scan3A_1019 = arith.addi %scan3A_1017, %scan3A_1018 : i32
          %scan3A_1020 = arith.constant 1 : i32
          scf.for %scan3A_1022 = %scan3A_1017 to %scan3A_1019 step %scan3A_1020  : i32 {
            %broadcast_in_dim3A_1023 = arith.constant 0 : i32
            %broadcast_in_dim3A_1024 = vector.broadcast %broadcast_in_dim3A_1023 : i32 to vector<16xi32>
            %add3A_1025 = vector.broadcast %scan3A_1022 : i32 to vector<16xi32>
            %add3A_1026 = arith.addi %broadcast_in_dim3A_1024, %add3A_1025 : vector<16xi32>
            %scatter3A = arith.constant 0 : i32
            %scatter3A_1027 = arith.constant 0 : i32
            %scatter3A_1028 = tpu.memref_slice %arg6[%cond3A_384, %scatter3A, %scatter3A_1027] : memref<5x160x128xf32, #tpu.memory_space<vmem>> -> memref<1x160x128xf32, #tpu.memory_space<vmem>>
            %scatter3A_1029 = tpu.memref_squeeze %scatter3A_1028 : memref<1x160x128xf32, #tpu.memory_space<vmem>> -> memref<160x128xf32, #tpu.memory_space<vmem>>
            tpu.vector_store_idx %scatter3A_1029[%add3A_950, %add3A_1026], %broadcast_in_dim3A_827 masked %eq3A_946 : memref<160x128xf32, #tpu.memory_space<vmem>>[vector<16xi32>, vector<16xi32>], vector<16xf32>, vector<16xi1>
          }
          %scan3A_1021 = arith.constant 128 : i32
        } else {
        }
        %add3A_959 = arith.constant 112 : i32
        %add3A_960 = arith.addi %mul3A_292, %add3A_959 : i32
        %get3A_961 = arith.index_cast %add3A_960 : i32 to index
        %get3A_962 = tpu.vector_load %arg5[%get3A_961] {strides = array<i32>} : memref<25600xi32, #tpu.memory_space<vmem>>, vector<16xi32>,
        %eq3A_963 = arith.constant 0 : i32
        %eq3A_964 = vector.broadcast %eq3A_963 : i32 to vector<16xi32>
        %eq3A_965 = arith.cmpi eq, %get3A_962, %eq3A_964 : vector<16xi32>
        %iota3A_966 = tpu.iota {dimensions = array<i32: 0>} : vector<16xi32>
        %add3A_967 = arith.constant 112 : i32
        %add3A_968 = vector.broadcast %add3A_967 : i32 to vector<16xi32>
        %add3A_969 = arith.addi %iota3A_966, %add3A_968 : vector<16xi32>
        %all_reduce_population_count3A_970 = tpu.all_reduce %eq3A_965 {dim = 0 : i64, kind = #tpu.reduction_kind<sum>} : vector<16xi1> -> vector<16xi32>
        %slice3A_971 = vector.extract_strided_slice %all_reduce_population_count3A_970 {offsets = [0], sizes = [1], strides = [1]} : vector<16xi32> to vector<1xi32>
        %squeeze3A_972 = vector.extract %slice3A_971[0] : i32 from vector<1xi32>
        %gt3A_973 = arith.constant 0 : i32
        %gt3A_974 = arith.cmpi sgt, %squeeze3A_972, %gt3A_973 : i32
        %convert_element_type3A_975 = arith.extui %gt3A_974 : i1 to i32
        %cond3A_976 = arith.constant 0 : i32
        %cond3A_977 = arith.cmpi ne, %convert_element_type3A_975, %cond3A_976 : i32
        scf.if %cond3A_977 {
          %scan3A_1016 = arith.constant 0 : i32
          %scan3A_1017 = arith.constant 0 : i32
          %scan3A_1018 = arith.constant 128 : i32
          %scan3A_1019 = arith.addi %scan3A_1017, %scan3A_1018 : i32
          %scan3A_1020 = arith.constant 1 : i32
          scf.for %scan3A_1022 = %scan3A_1017 to %scan3A_1019 step %scan3A_1020  : i32 {
            %broadcast_in_dim3A_1023 = arith.constant 0 : i32
            %broadcast_in_dim3A_1024 = vector.broadcast %broadcast_in_dim3A_1023 : i32 to vector<16xi32>
            %add3A_1025 = vector.broadcast %scan3A_1022 : i32 to vector<16xi32>
            %add3A_1026 = arith.addi %broadcast_in_dim3A_1024, %add3A_1025 : vector<16xi32>
            %scatter3A = arith.constant 0 : i32
            %scatter3A_1027 = arith.constant 0 : i32
            %scatter3A_1028 = tpu.memref_slice %arg6[%cond3A_384, %scatter3A, %scatter3A_1027] : memref<5x160x128xf32, #tpu.memory_space<vmem>> -> memref<1x160x128xf32, #tpu.memory_space<vmem>>
            %scatter3A_1029 = tpu.memref_squeeze %scatter3A_1028 : memref<1x160x128xf32, #tpu.memory_space<vmem>> -> memref<160x128xf32, #tpu.memory_space<vmem>>
            tpu.vector_store_idx %scatter3A_1029[%add3A_969, %add3A_1026], %broadcast_in_dim3A_827 masked %eq3A_965 : memref<160x128xf32, #tpu.memory_space<vmem>>[vector<16xi32>, vector<16xi32>], vector<16xf32>, vector<16xi1>
          }
          %scan3A_1021 = arith.constant 128 : i32
        } else {
        }
        %add3A_978 = arith.constant 128 : i32
        %add3A_979 = arith.addi %mul3A_292, %add3A_978 : i32
        %get3A_980 = arith.index_cast %add3A_979 : i32 to index
        %get3A_981 = tpu.vector_load %arg5[%get3A_980] {strides = array<i32>} : memref<25600xi32, #tpu.memory_space<vmem>>, vector<16xi32>,
        %eq3A_982 = arith.constant 0 : i32
        %eq3A_983 = vector.broadcast %eq3A_982 : i32 to vector<16xi32>
        %eq3A_984 = arith.cmpi eq, %get3A_981, %eq3A_983 : vector<16xi32>
        %iota3A_985 = tpu.iota {dimensions = array<i32: 0>} : vector<16xi32>
        %add3A_986 = arith.constant 128 : i32
        %add3A_987 = vector.broadcast %add3A_986 : i32 to vector<16xi32>
        %add3A_988 = arith.addi %iota3A_985, %add3A_987 : vector<16xi32>
        %all_reduce_population_count3A_989 = tpu.all_reduce %eq3A_984 {dim = 0 : i64, kind = #tpu.reduction_kind<sum>} : vector<16xi1> -> vector<16xi32>
        %slice3A_990 = vector.extract_strided_slice %all_reduce_population_count3A_989 {offsets = [0], sizes = [1], strides = [1]} : vector<16xi32> to vector<1xi32>
        %squeeze3A_991 = vector.extract %slice3A_990[0] : i32 from vector<1xi32>
        %gt3A_992 = arith.constant 0 : i32
        %gt3A_993 = arith.cmpi sgt, %squeeze3A_991, %gt3A_992 : i32
        %convert_element_type3A_994 = arith.extui %gt3A_993 : i1 to i32
        %cond3A_995 = arith.constant 0 : i32
        %cond3A_996 = arith.cmpi ne, %convert_element_type3A_994, %cond3A_995 : i32
        scf.if %cond3A_996 {
          %scan3A_1016 = arith.constant 0 : i32
          %scan3A_1017 = arith.constant 0 : i32
          %scan3A_1018 = arith.constant 128 : i32
          %scan3A_1019 = arith.addi %scan3A_1017, %scan3A_1018 : i32
          %scan3A_1020 = arith.constant 1 : i32
          scf.for %scan3A_1022 = %scan3A_1017 to %scan3A_1019 step %scan3A_1020  : i32 {
            %broadcast_in_dim3A_1023 = arith.constant 0 : i32
            %broadcast_in_dim3A_1024 = vector.broadcast %broadcast_in_dim3A_1023 : i32 to vector<16xi32>
            %add3A_1025 = vector.broadcast %scan3A_1022 : i32 to vector<16xi32>
            %add3A_1026 = arith.addi %broadcast_in_dim3A_1024, %add3A_1025 : vector<16xi32>
            %scatter3A = arith.constant 0 : i32
            %scatter3A_1027 = arith.constant 0 : i32
            %scatter3A_1028 = tpu.memref_slice %arg6[%cond3A_384, %scatter3A, %scatter3A_1027] : memref<5x160x128xf32, #tpu.memory_space<vmem>> -> memref<1x160x128xf32, #tpu.memory_space<vmem>>
            %scatter3A_1029 = tpu.memref_squeeze %scatter3A_1028 : memref<1x160x128xf32, #tpu.memory_space<vmem>> -> memref<160x128xf32, #tpu.memory_space<vmem>>
            tpu.vector_store_idx %scatter3A_1029[%add3A_988, %add3A_1026], %broadcast_in_dim3A_827 masked %eq3A_984 : memref<160x128xf32, #tpu.memory_space<vmem>>[vector<16xi32>, vector<16xi32>], vector<16xf32>, vector<16xi1>
          }
          %scan3A_1021 = arith.constant 128 : i32
        } else {
        }
        %add3A_997 = arith.constant 144 : i32
        %add3A_998 = arith.addi %mul3A_292, %add3A_997 : i32
        %get3A_999 = arith.index_cast %add3A_998 : i32 to index
        %get3A_1000 = tpu.vector_load %arg5[%get3A_999] {strides = array<i32>} : memref<25600xi32, #tpu.memory_space<vmem>>, vector<16xi32>,
        %eq3A_1001 = arith.constant 0 : i32
        %eq3A_1002 = vector.broadcast %eq3A_1001 : i32 to vector<16xi32>
        %eq3A_1003 = arith.cmpi eq, %get3A_1000, %eq3A_1002 : vector<16xi32>
        %iota3A_1004 = tpu.iota {dimensions = array<i32: 0>} : vector<16xi32>
        %add3A_1005 = arith.constant 144 : i32
        %add3A_1006 = vector.broadcast %add3A_1005 : i32 to vector<16xi32>
        %add3A_1007 = arith.addi %iota3A_1004, %add3A_1006 : vector<16xi32>
        %all_reduce_population_count3A_1008 = tpu.all_reduce %eq3A_1003 {dim = 0 : i64, kind = #tpu.reduction_kind<sum>} : vector<16xi1> -> vector<16xi32>
        %slice3A_1009 = vector.extract_strided_slice %all_reduce_population_count3A_1008 {offsets = [0], sizes = [1], strides = [1]} : vector<16xi32> to vector<1xi32>
        %squeeze3A_1010 = vector.extract %slice3A_1009[0] : i32 from vector<1xi32>
        %gt3A_1011 = arith.constant 0 : i32
        %gt3A_1012 = arith.cmpi sgt, %squeeze3A_1010, %gt3A_1011 : i32
        %convert_element_type3A_1013 = arith.extui %gt3A_1012 : i1 to i32
        %cond3A_1014 = arith.constant 0 : i32
        %cond3A_1015 = arith.cmpi ne, %convert_element_type3A_1013, %cond3A_1014 : i32
        scf.if %cond3A_1015 {
          %scan3A_1016 = arith.constant 0 : i32
          %scan3A_1017 = arith.constant 0 : i32
          %scan3A_1018 = arith.constant 128 : i32
          %scan3A_1019 = arith.addi %scan3A_1017, %scan3A_1018 : i32
          %scan3A_1020 = arith.constant 1 : i32
          scf.for %scan3A_1022 = %scan3A_1017 to %scan3A_1019 step %scan3A_1020  : i32 {
            %broadcast_in_dim3A_1023 = arith.constant 0 : i32
            %broadcast_in_dim3A_1024 = vector.broadcast %broadcast_in_dim3A_1023 : i32 to vector<16xi32>
            %add3A_1025 = vector.broadcast %scan3A_1022 : i32 to vector<16xi32>
            %add3A_1026 = arith.addi %broadcast_in_dim3A_1024, %add3A_1025 : vector<16xi32>
            %scatter3A = arith.constant 0 : i32
            %scatter3A_1027 = arith.constant 0 : i32
            %scatter3A_1028 = tpu.memref_slice %arg6[%cond3A_384, %scatter3A, %scatter3A_1027] : memref<5x160x128xf32, #tpu.memory_space<vmem>> -> memref<1x160x128xf32, #tpu.memory_space<vmem>>
            %scatter3A_1029 = tpu.memref_squeeze %scatter3A_1028 : memref<1x160x128xf32, #tpu.memory_space<vmem>> -> memref<160x128xf32, #tpu.memory_space<vmem>>
            tpu.vector_store_idx %scatter3A_1029[%add3A_1007, %add3A_1026], %broadcast_in_dim3A_827 masked %eq3A_1003 : memref<160x128xf32, #tpu.memory_space<vmem>>[vector<16xi32>, vector<16xi32>], vector<16xf32>, vector<16xi1>
          }
          %scan3A_1021 = arith.constant 128 : i32
        } else {
        }
      } else {
      }
      %mul3A_387 = arith.constant 160 : i32
      %mul3A_388 = arith.muli %add3A_269, %mul3A_387 : i32
      %add3A_389 = arith.addi %mul3A_2, %mul3A_388 : i32
      %dma_start3A_390 = arith.constant 1 : i32
      %dma_start3A_391 = arith.constant 1 : i32
      %dma_start3A_392 = arith.constant 0 : i32
      %dma_start3A_393 = arith.constant 0 : i32
      %dma_start3A_394 = tpu.memref_slice %arg6[%dma_start3A_390, %dma_start3A_392, %dma_start3A_393] : memref<5x160x128xf32, #tpu.memory_space<vmem>> -> memref<1x160x128xf32, #tpu.memory_space<vmem>>
      %dma_start3A_395 = tpu.memref_squeeze %dma_start3A_394 : memref<1x160x128xf32, #tpu.memory_space<vmem>> -> memref<160x128xf32, #tpu.memory_space<vmem>>
      %dma_start3A_396 = arith.constant 0 : i32
      %dma_start3A_397 = tpu.memref_slice %arg4[%add3A_389, %dma_start3A_396] : memref<819200x128xf32, #tpu.memory_space<hbm>> -> memref<160x128xf32, #tpu.memory_space<hbm>>
      %dma_start3A_398 = tpu.memref_slice %arg8[%dma_start3A_391] : memref<5x!tpu.dma_semaphore, #tpu.memory_space<semaphore_mem>> -> memref<1x!tpu.dma_semaphore, #tpu.memory_space<semaphore_mem>>
      %dma_start3A_399 = tpu.memref_squeeze %dma_start3A_398 : memref<1x!tpu.dma_semaphore, #tpu.memory_space<semaphore_mem>> -> memref<!tpu.dma_semaphore, #tpu.memory_space<semaphore_mem>>
      %dma_start3A_400 = arith.constant 0 : i32
      %dma_start3A_401 = tpu.memref_slice %arg4[%add3A_389, %dma_start3A_400] : memref<819200x128xf32, #tpu.memory_space<hbm>> -> memref<160x128xf32, #tpu.memory_space<hbm>>
      %dma_start3A_402 = arith.constant 0 : i32
      %dma_start3A_403 = arith.constant 0 : i32
      %dma_start3A_404 = tpu.memref_slice %arg6[%dma_start3A_390, %dma_start3A_402, %dma_start3A_403] : memref<5x160x128xf32, #tpu.memory_space<vmem>> -> memref<1x160x128xf32, #tpu.memory_space<vmem>>
      %dma_start3A_405 = tpu.memref_squeeze %dma_start3A_404 : memref<1x160x128xf32, #tpu.memory_space<vmem>> -> memref<160x128xf32, #tpu.memory_space<vmem>>
      tpu.enqueue_dma source(%dma_start3A_405 : memref<160x128xf32, #tpu.memory_space<vmem>>) target(%dma_start3A_401 : memref<160x128xf32, #tpu.memory_space<hbm>>) target_semaphore(%dma_start3A_399 : memref<!tpu.dma_semaphore, #tpu.memory_space<semaphore_mem>>)
      %mul3A_406 = arith.constant 5 : i32
      %mul3A_407 = arith.muli %mul3A_406, %scan3A_135 : i32
      %add3A_408 = arith.constant 2 : i32
      %add3A_409 = arith.addi %mul3A_407, %add3A_408 : i32
      %add3A_410 = arith.constant 3 : i32
      %add3A_411 = arith.addi %add3A_409, %add3A_410 : i32
      %lt3A_412 = arith.constant 160 : i32
      %lt3A_413 = arith.cmpi slt, %add3A_411, %lt3A_412 : i32
      %convert_element_type3A_414 = arith.extui %lt3A_413 : i1 to i32
      %cond3A_415 = arith.constant 0 : i32
      %cond3A_416 = arith.cmpi ne, %convert_element_type3A_414, %cond3A_415 : i32
      scf.if %cond3A_416 {
        %ge3A = arith.constant 5 : i32
        %ge3A_826 = arith.cmpi sge, %add3A_411, %ge3A : i32
        %convert_element_type3A_827 = arith.extui %ge3A_826 : i1 to i32
        %cond3A_828 = arith.constant 0 : i32
        %cond3A_829 = arith.cmpi ne, %convert_element_type3A_827, %cond3A_828 : i32
        scf.if %cond3A_829 {
          %sub3A = arith.constant 5 : i32
          %sub3A_844 = arith.subi %add3A_411, %sub3A : i32
          %mul3A_845 = arith.constant 160 : i32
          %mul3A_846 = arith.muli %sub3A_844, %mul3A_845 : i32
          %add3A_847 = arith.addi %mul3A_2, %mul3A_846 : i32
          %dma_wait3A_848 = arith.constant 0 : i32
          %dma_wait3A_849 = arith.constant 0 : i32
          %dma_wait3A_850 = arith.constant 0 : i32
          %dma_wait3A_851 = arith.constant 0 : i32
          %dma_wait3A_852 = tpu.memref_slice %arg6[%dma_wait3A_848, %dma_wait3A_850, %dma_wait3A_851] : memref<5x160x128xf32, #tpu.memory_space<vmem>> -> memref<1x160x128xf32, #tpu.memory_space<vmem>>
          %dma_wait3A_853 = tpu.memref_squeeze %dma_wait3A_852 : memref<1x160x128xf32, #tpu.memory_space<vmem>> -> memref<160x128xf32, #tpu.memory_space<vmem>>
          %dma_wait3A_854 = arith.constant 0 : i32
          %dma_wait3A_855 = tpu.memref_slice %arg4[%add3A_847, %dma_wait3A_854] : memref<819200x128xf32, #tpu.memory_space<hbm>> -> memref<160x128xf32, #tpu.memory_space<hbm>>
          %dma_wait3A_856 = tpu.memref_slice %arg8[%dma_wait3A_849] : memref<5x!tpu.dma_semaphore, #tpu.memory_space<semaphore_mem>> -> memref<1x!tpu.dma_semaphore, #tpu.memory_space<semaphore_mem>>
          %dma_wait3A_857 = tpu.memref_squeeze %dma_wait3A_856 : memref<1x!tpu.dma_semaphore, #tpu.memory_space<semaphore_mem>> -> memref<!tpu.dma_semaphore, #tpu.memory_space<semaphore_mem>>
          %dma_wait3A_858 = arith.constant 0 : i32
          %dma_wait3A_859 = tpu.memref_slice %arg4[%add3A_847, %dma_wait3A_858] : memref<819200x128xf32, #tpu.memory_space<hbm>> -> memref<160x128xf32, #tpu.memory_space<hbm>>
          %dma_wait3A_860 = arith.constant 0 : i32
          %dma_wait3A_861 = arith.constant 0 : i32
          %dma_wait3A_862 = tpu.memref_slice %arg6[%dma_wait3A_848, %dma_wait3A_860, %dma_wait3A_861] : memref<5x160x128xf32, #tpu.memory_space<vmem>> -> memref<1x160x128xf32, #tpu.memory_space<vmem>>
          %dma_wait3A_863 = tpu.memref_squeeze %dma_wait3A_862 : memref<1x160x128xf32, #tpu.memory_space<vmem>> -> memref<160x128xf32, #tpu.memory_space<vmem>>
          tpu.wait_dma2 semaphore(%dma_wait3A_857 : memref<!tpu.dma_semaphore, #tpu.memory_space<semaphore_mem>>) src(%dma_wait3A_863 : memref<160x128xf32, #tpu.memory_space<vmem>>) dst(%dma_wait3A_859 : memref<160x128xf32, #tpu.memory_space<hbm>>)
        } else {
        }
        %mul3A_830 = arith.constant 160 : i32
        %mul3A_831 = arith.muli %add3A_411, %mul3A_830 : i32
        %dma_start3A_832 = arith.constant 0 : i32
        %dma_start3A_833 = arith.constant 0 : i32
        %dma_start3A_834 = arith.constant 0 : i32
        %dma_start3A_835 = arith.constant 0 : i32
        %dma_start3A_836 = tpu.memref_slice %arg6[%dma_start3A_832, %dma_start3A_834, %dma_start3A_835] : memref<5x160x128xf32, #tpu.memory_space<vmem>> -> memref<1x160x128xf32, #tpu.memory_space<vmem>>
        %dma_start3A_837 = tpu.memref_squeeze %dma_start3A_836 : memref<1x160x128xf32, #tpu.memory_space<vmem>> -> memref<160x128xf32, #tpu.memory_space<vmem>>
        %dma_start3A_838 = tpu.memref_slice %arg5[%mul3A_831] : memref<25600xi32, #tpu.memory_space<vmem>> -> memref<160xi32, #tpu.memory_space<vmem>>
        %dma_start3A_839 = arith.constant 0 : i32
        %dma_start3A_840 = arith.constant 0 : i32
        %dma_start3A_841 = tpu.memref_slice %arg3[%dma_start3A_839, %dma_start3A_840] : memref<100000x128xf32, #tpu.memory_space<hbm>> -> memref<100000x128xf32, #tpu.memory_space<hbm>>
        %dma_start3A_842 = tpu.memref_slice %arg7[%dma_start3A_833] : memref<5x!tpu.dma_semaphore, #tpu.memory_space<semaphore_mem>> -> memref<1x!tpu.dma_semaphore, #tpu.memory_space<semaphore_mem>>
        %dma_start3A_843 = tpu.memref_squeeze %dma_start3A_842 : memref<1x!tpu.dma_semaphore, #tpu.memory_space<semaphore_mem>> -> memref<!tpu.dma_semaphore, #tpu.memory_space<semaphore_mem>>
        tpu.enqueue_indirect_dma source(%dma_start3A_841 : memref<100000x128xf32, #tpu.memory_space<hbm>>) target(%dma_start3A_837 : memref<160x128xf32, #tpu.memory_space<vmem>>) offsets(%dma_start3A_838 : memref<160xi32, #tpu.memory_space<vmem>>) semaphore(%dma_start3A_843 : memref<!tpu.dma_semaphore, #tpu.memory_space<semaphore_mem>>)
      } else {
      }
      %mul3A_417 = arith.constant 160 : i32
      %mul3A_418 = arith.muli %add3A_409, %mul3A_417 : i32
      %dma_wait3A_419 = arith.constant 2 : i32
      %dma_wait3A_420 = arith.constant 2 : i32
      %dma_wait3A_421 = arith.constant 0 : i32
      %dma_wait3A_422 = arith.constant 0 : i32
      %dma_wait3A_423 = tpu.memref_slice %arg6[%dma_wait3A_419, %dma_wait3A_421, %dma_wait3A_422] : memref<5x160x128xf32, #tpu.memory_space<vmem>> -> memref<1x160x128xf32, #tpu.memory_space<vmem>>
      %dma_wait3A_424 = tpu.memref_squeeze %dma_wait3A_423 : memref<1x160x128xf32, #tpu.memory_space<vmem>> -> memref<160x128xf32, #tpu.memory_space<vmem>>
      %dma_wait3A_425 = tpu.memref_slice %arg5[%mul3A_418] : memref<25600xi32, #tpu.memory_space<vmem>> -> memref<160xi32, #tpu.memory_space<vmem>>
      %dma_wait3A_426 = arith.constant 0 : i32
      %dma_wait3A_427 = arith.constant 0 : i32
      %dma_wait3A_428 = tpu.memref_slice %arg3[%dma_wait3A_426, %dma_wait3A_427] : memref<100000x128xf32, #tpu.memory_space<hbm>> -> memref<100000x128xf32, #tpu.memory_space<hbm>>
      %dma_wait3A_429 = tpu.memref_slice %arg7[%dma_wait3A_420] : memref<5x!tpu.dma_semaphore, #tpu.memory_space<semaphore_mem>> -> memref<1x!tpu.dma_semaphore, #tpu.memory_space<semaphore_mem>>
      %dma_wait3A_430 = tpu.memref_squeeze %dma_wait3A_429 : memref<1x!tpu.dma_semaphore, #tpu.memory_space<semaphore_mem>> -> memref<!tpu.dma_semaphore, #tpu.memory_space<semaphore_mem>>
      tpu.wait_indirect_dma semaphore(%dma_wait3A_430 : memref<!tpu.dma_semaphore, #tpu.memory_space<semaphore_mem>>) src(%dma_wait3A_428 : memref<100000x128xf32, #tpu.memory_space<hbm>>) dst(%dma_wait3A_424 : memref<160x128xf32, #tpu.memory_space<vmem>>)
      %mul3A_431 = arith.constant 160 : i32
      %mul3A_432 = arith.muli %add3A_409, %mul3A_431 : i32
      %broadcast_in_dim3A_433 = arith.constant 0 : i32
      %broadcast_in_dim3A_434 = vector.broadcast %broadcast_in_dim3A_433 : i32 to vector<16xi32>
      %add3A_435 = arith.constant 0 : i32
      %add3A_436 = arith.addi %mul3A_432, %add3A_435 : i32
      %get3A_437 = arith.index_cast %add3A_436 : i32 to index
      %get3A_438 = tpu.vector_load %arg5[%get3A_437] {strides = array<i32>} : memref<25600xi32, #tpu.memory_space<vmem>>, vector<16xi32>,
      %min3A_439 = arith.constant 1 : i32
      %min3A_440 = vector.broadcast %min3A_439 : i32 to vector<16xi32>
      %min3A_441 = arith.minsi %get3A_438, %min3A_440 : vector<16xi32>
      %add3A_442 = arith.addi %broadcast_in_dim3A_434, %min3A_441 : vector<16xi32>
      %add3A_443 = arith.constant 16 : i32
      %add3A_444 = arith.addi %mul3A_432, %add3A_443 : i32
      %get3A_445 = arith.index_cast %add3A_444 : i32 to index
      %get3A_446 = tpu.vector_load %arg5[%get3A_445] {strides = array<i32>} : memref<25600xi32, #tpu.memory_space<vmem>>, vector<16xi32>,
      %min3A_447 = arith.constant 1 : i32
      %min3A_448 = vector.broadcast %min3A_447 : i32 to vector<16xi32>
      %min3A_449 = arith.minsi %get3A_446, %min3A_448 : vector<16xi32>
      %add3A_450 = arith.addi %add3A_442, %min3A_449 : vector<16xi32>
      %add3A_451 = arith.constant 32 : i32
      %add3A_452 = arith.addi %mul3A_432, %add3A_451 : i32
      %get3A_453 = arith.index_cast %add3A_452 : i32 to index
      %get3A_454 = tpu.vector_load %arg5[%get3A_453] {strides = array<i32>} : memref<25600xi32, #tpu.memory_space<vmem>>, vector<16xi32>,
      %min3A_455 = arith.constant 1 : i32
      %min3A_456 = vector.broadcast %min3A_455 : i32 to vector<16xi32>
      %min3A_457 = arith.minsi %get3A_454, %min3A_456 : vector<16xi32>
      %add3A_458 = arith.addi %add3A_450, %min3A_457 : vector<16xi32>
      %add3A_459 = arith.constant 48 : i32
      %add3A_460 = arith.addi %mul3A_432, %add3A_459 : i32
      %get3A_461 = arith.index_cast %add3A_460 : i32 to index
      %get3A_462 = tpu.vector_load %arg5[%get3A_461] {strides = array<i32>} : memref<25600xi32, #tpu.memory_space<vmem>>, vector<16xi32>,
      %min3A_463 = arith.constant 1 : i32
      %min3A_464 = vector.broadcast %min3A_463 : i32 to vector<16xi32>
      %min3A_465 = arith.minsi %get3A_462, %min3A_464 : vector<16xi32>
      %add3A_466 = arith.addi %add3A_458, %min3A_465 : vector<16xi32>
      %add3A_467 = arith.constant 64 : i32
      %add3A_468 = arith.addi %mul3A_432, %add3A_467 : i32
      %get3A_469 = arith.index_cast %add3A_468 : i32 to index
      %get3A_470 = tpu.vector_load %arg5[%get3A_469] {strides = array<i32>} : memref<25600xi32, #tpu.memory_space<vmem>>, vector<16xi32>,
      %min3A_471 = arith.constant 1 : i32
      %min3A_472 = vector.broadcast %min3A_471 : i32 to vector<16xi32>
      %min3A_473 = arith.minsi %get3A_470, %min3A_472 : vector<16xi32>
      %add3A_474 = arith.addi %add3A_466, %min3A_473 : vector<16xi32>
      %add3A_475 = arith.constant 80 : i32
      %add3A_476 = arith.addi %mul3A_432, %add3A_475 : i32
      %get3A_477 = arith.index_cast %add3A_476 : i32 to index
      %get3A_478 = tpu.vector_load %arg5[%get3A_477] {strides = array<i32>} : memref<25600xi32, #tpu.memory_space<vmem>>, vector<16xi32>,
      %min3A_479 = arith.constant 1 : i32
      %min3A_480 = vector.broadcast %min3A_479 : i32 to vector<16xi32>
      %min3A_481 = arith.minsi %get3A_478, %min3A_480 : vector<16xi32>
      %add3A_482 = arith.addi %add3A_474, %min3A_481 : vector<16xi32>
      %add3A_483 = arith.constant 96 : i32
      %add3A_484 = arith.addi %mul3A_432, %add3A_483 : i32
      %get3A_485 = arith.index_cast %add3A_484 : i32 to index
      %get3A_486 = tpu.vector_load %arg5[%get3A_485] {strides = array<i32>} : memref<25600xi32, #tpu.memory_space<vmem>>, vector<16xi32>,
      %min3A_487 = arith.constant 1 : i32
      %min3A_488 = vector.broadcast %min3A_487 : i32 to vector<16xi32>
      %min3A_489 = arith.minsi %get3A_486, %min3A_488 : vector<16xi32>
      %add3A_490 = arith.addi %add3A_482, %min3A_489 : vector<16xi32>
      %add3A_491 = arith.constant 112 : i32
      %add3A_492 = arith.addi %mul3A_432, %add3A_491 : i32
      %get3A_493 = arith.index_cast %add3A_492 : i32 to index
      %get3A_494 = tpu.vector_load %arg5[%get3A_493] {strides = array<i32>} : memref<25600xi32, #tpu.memory_space<vmem>>, vector<16xi32>,
      %min3A_495 = arith.constant 1 : i32
      %min3A_496 = vector.broadcast %min3A_495 : i32 to vector<16xi32>
      %min3A_497 = arith.minsi %get3A_494, %min3A_496 : vector<16xi32>
      %add3A_498 = arith.addi %add3A_490, %min3A_497 : vector<16xi32>
      %add3A_499 = arith.constant 128 : i32
      %add3A_500 = arith.addi %mul3A_432, %add3A_499 : i32
      %get3A_501 = arith.index_cast %add3A_500 : i32 to index
      %get3A_502 = tpu.vector_load %arg5[%get3A_501] {strides = array<i32>} : memref<25600xi32, #tpu.memory_space<vmem>>, vector<16xi32>,
      %min3A_503 = arith.constant 1 : i32
      %min3A_504 = vector.broadcast %min3A_503 : i32 to vector<16xi32>
      %min3A_505 = arith.minsi %get3A_502, %min3A_504 : vector<16xi32>
      %add3A_506 = arith.addi %add3A_498, %min3A_505 : vector<16xi32>
      %add3A_507 = arith.constant 144 : i32
      %add3A_508 = arith.addi %mul3A_432, %add3A_507 : i32
      %get3A_509 = arith.index_cast %add3A_508 : i32 to index
      %get3A_510 = tpu.vector_load %arg5[%get3A_509] {strides = array<i32>} : memref<25600xi32, #tpu.memory_space<vmem>>, vector<16xi32>,
      %min3A_511 = arith.constant 1 : i32
      %min3A_512 = vector.broadcast %min3A_511 : i32 to vector<16xi32>
      %min3A_513 = arith.minsi %get3A_510, %min3A_512 : vector<16xi32>
      %add3A_514 = arith.addi %add3A_506, %min3A_513 : vector<16xi32>
      %lt3A_515 = arith.constant 10 : i32
      %lt3A_516 = vector.broadcast %lt3A_515 : i32 to vector<16xi32>
      %lt3A_517 = arith.cmpi slt, %add3A_514, %lt3A_516 : vector<16xi32>
      %all_reduce_population_count3A_518 = tpu.all_reduce %lt3A_517 {dim = 0 : i64, kind = #tpu.reduction_kind<sum>} : vector<16xi1> -> vector<16xi32>
      %slice3A_519 = vector.extract_strided_slice %all_reduce_population_count3A_518 {offsets = [0], sizes = [1], strides = [1]} : vector<16xi32> to vector<1xi32>
      %squeeze3A_520 = vector.extract %slice3A_519[0] : i32 from vector<1xi32>
      %gt3A_521 = arith.constant 0 : i32
      %gt3A_522 = arith.cmpi sgt, %squeeze3A_520, %gt3A_521 : i32
      %convert_element_type3A_523 = arith.extui %gt3A_522 : i1 to i32
      %cond3A_524 = arith.constant 2 : i32
      %cond3A_525 = arith.constant 0 : i32
      %cond3A_526 = arith.cmpi ne, %convert_element_type3A_523, %cond3A_525 : i32
      scf.if %cond3A_526 {
        %broadcast_in_dim3A_826 = arith.constant 0.000000e+00 : f32
        %broadcast_in_dim3A_827 = vector.broadcast %broadcast_in_dim3A_826 : f32 to vector<16xf32>
        %add3A_828 = arith.constant 0 : i32
        %add3A_829 = arith.addi %mul3A_432, %add3A_828 : i32
        %get3A_830 = arith.index_cast %add3A_829 : i32 to index
        %get3A_831 = tpu.vector_load %arg5[%get3A_830] {strides = array<i32>} : memref<25600xi32, #tpu.memory_space<vmem>>, vector<16xi32>,
        %eq3A = arith.constant 0 : i32
        %eq3A_832 = vector.broadcast %eq3A : i32 to vector<16xi32>
        %eq3A_833 = arith.cmpi eq, %get3A_831, %eq3A_832 : vector<16xi32>
        %iota3A = tpu.iota {dimensions = array<i32: 0>} : vector<16xi32>
        %add3A_834 = arith.constant 0 : i32
        %add3A_835 = vector.broadcast %add3A_834 : i32 to vector<16xi32>
        %add3A_836 = arith.addi %iota3A, %add3A_835 : vector<16xi32>
        %all_reduce_population_count3A_837 = tpu.all_reduce %eq3A_833 {dim = 0 : i64, kind = #tpu.reduction_kind<sum>} : vector<16xi1> -> vector<16xi32>
        %slice3A_838 = vector.extract_strided_slice %all_reduce_population_count3A_837 {offsets = [0], sizes = [1], strides = [1]} : vector<16xi32> to vector<1xi32>
        %squeeze3A_839 = vector.extract %slice3A_838[0] : i32 from vector<1xi32>
        %gt3A_840 = arith.constant 0 : i32
        %gt3A_841 = arith.cmpi sgt, %squeeze3A_839, %gt3A_840 : i32
        %convert_element_type3A_842 = arith.extui %gt3A_841 : i1 to i32
        %cond3A_843 = arith.constant 0 : i32
        %cond3A_844 = arith.cmpi ne, %convert_element_type3A_842, %cond3A_843 : i32
        scf.if %cond3A_844 {
          %scan3A_1016 = arith.constant 0 : i32
          %scan3A_1017 = arith.constant 0 : i32
          %scan3A_1018 = arith.constant 128 : i32
          %scan3A_1019 = arith.addi %scan3A_1017, %scan3A_1018 : i32
          %scan3A_1020 = arith.constant 1 : i32
          scf.for %scan3A_1022 = %scan3A_1017 to %scan3A_1019 step %scan3A_1020  : i32 {
            %broadcast_in_dim3A_1023 = arith.constant 0 : i32
            %broadcast_in_dim3A_1024 = vector.broadcast %broadcast_in_dim3A_1023 : i32 to vector<16xi32>
            %add3A_1025 = vector.broadcast %scan3A_1022 : i32 to vector<16xi32>
            %add3A_1026 = arith.addi %broadcast_in_dim3A_1024, %add3A_1025 : vector<16xi32>
            %scatter3A = arith.constant 0 : i32
            %scatter3A_1027 = arith.constant 0 : i32
            %scatter3A_1028 = tpu.memref_slice %arg6[%cond3A_524, %scatter3A, %scatter3A_1027] : memref<5x160x128xf32, #tpu.memory_space<vmem>> -> memref<1x160x128xf32, #tpu.memory_space<vmem>>
            %scatter3A_1029 = tpu.memref_squeeze %scatter3A_1028 : memref<1x160x128xf32, #tpu.memory_space<vmem>> -> memref<160x128xf32, #tpu.memory_space<vmem>>
            tpu.vector_store_idx %scatter3A_1029[%add3A_836, %add3A_1026], %broadcast_in_dim3A_827 masked %eq3A_833 : memref<160x128xf32, #tpu.memory_space<vmem>>[vector<16xi32>, vector<16xi32>], vector<16xf32>, vector<16xi1>
          }
          %scan3A_1021 = arith.constant 128 : i32
        } else {
        }
        %add3A_845 = arith.constant 16 : i32
        %add3A_846 = arith.addi %mul3A_432, %add3A_845 : i32
        %get3A_847 = arith.index_cast %add3A_846 : i32 to index
        %get3A_848 = tpu.vector_load %arg5[%get3A_847] {strides = array<i32>} : memref<25600xi32, #tpu.memory_space<vmem>>, vector<16xi32>,
        %eq3A_849 = arith.constant 0 : i32
        %eq3A_850 = vector.broadcast %eq3A_849 : i32 to vector<16xi32>
        %eq3A_851 = arith.cmpi eq, %get3A_848, %eq3A_850 : vector<16xi32>
        %iota3A_852 = tpu.iota {dimensions = array<i32: 0>} : vector<16xi32>
        %add3A_853 = arith.constant 16 : i32
        %add3A_854 = vector.broadcast %add3A_853 : i32 to vector<16xi32>
        %add3A_855 = arith.addi %iota3A_852, %add3A_854 : vector<16xi32>
        %all_reduce_population_count3A_856 = tpu.all_reduce %eq3A_851 {dim = 0 : i64, kind = #tpu.reduction_kind<sum>} : vector<16xi1> -> vector<16xi32>
        %slice3A_857 = vector.extract_strided_slice %all_reduce_population_count3A_856 {offsets = [0], sizes = [1], strides = [1]} : vector<16xi32> to vector<1xi32>
        %squeeze3A_858 = vector.extract %slice3A_857[0] : i32 from vector<1xi32>
        %gt3A_859 = arith.constant 0 : i32
        %gt3A_860 = arith.cmpi sgt, %squeeze3A_858, %gt3A_859 : i32
        %convert_element_type3A_861 = arith.extui %gt3A_860 : i1 to i32
        %cond3A_862 = arith.constant 0 : i32
        %cond3A_863 = arith.cmpi ne, %convert_element_type3A_861, %cond3A_862 : i32
        scf.if %cond3A_863 {
          %scan3A_1016 = arith.constant 0 : i32
          %scan3A_1017 = arith.constant 0 : i32
          %scan3A_1018 = arith.constant 128 : i32
          %scan3A_1019 = arith.addi %scan3A_1017, %scan3A_1018 : i32
          %scan3A_1020 = arith.constant 1 : i32
          scf.for %scan3A_1022 = %scan3A_1017 to %scan3A_1019 step %scan3A_1020  : i32 {
            %broadcast_in_dim3A_1023 = arith.constant 0 : i32
            %broadcast_in_dim3A_1024 = vector.broadcast %broadcast_in_dim3A_1023 : i32 to vector<16xi32>
            %add3A_1025 = vector.broadcast %scan3A_1022 : i32 to vector<16xi32>
            %add3A_1026 = arith.addi %broadcast_in_dim3A_1024, %add3A_1025 : vector<16xi32>
            %scatter3A = arith.constant 0 : i32
            %scatter3A_1027 = arith.constant 0 : i32
            %scatter3A_1028 = tpu.memref_slice %arg6[%cond3A_524, %scatter3A, %scatter3A_1027] : memref<5x160x128xf32, #tpu.memory_space<vmem>> -> memref<1x160x128xf32, #tpu.memory_space<vmem>>
            %scatter3A_1029 = tpu.memref_squeeze %scatter3A_1028 : memref<1x160x128xf32, #tpu.memory_space<vmem>> -> memref<160x128xf32, #tpu.memory_space<vmem>>
            tpu.vector_store_idx %scatter3A_1029[%add3A_855, %add3A_1026], %broadcast_in_dim3A_827 masked %eq3A_851 : memref<160x128xf32, #tpu.memory_space<vmem>>[vector<16xi32>, vector<16xi32>], vector<16xf32>, vector<16xi1>
          }
          %scan3A_1021 = arith.constant 128 : i32
        } else {
        }
        %add3A_864 = arith.constant 32 : i32
        %add3A_865 = arith.addi %mul3A_432, %add3A_864 : i32
        %get3A_866 = arith.index_cast %add3A_865 : i32 to index
        %get3A_867 = tpu.vector_load %arg5[%get3A_866] {strides = array<i32>} : memref<25600xi32, #tpu.memory_space<vmem>>, vector<16xi32>,
        %eq3A_868 = arith.constant 0 : i32
        %eq3A_869 = vector.broadcast %eq3A_868 : i32 to vector<16xi32>
        %eq3A_870 = arith.cmpi eq, %get3A_867, %eq3A_869 : vector<16xi32>
        %iota3A_871 = tpu.iota {dimensions = array<i32: 0>} : vector<16xi32>
        %add3A_872 = arith.constant 32 : i32
        %add3A_873 = vector.broadcast %add3A_872 : i32 to vector<16xi32>
        %add3A_874 = arith.addi %iota3A_871, %add3A_873 : vector<16xi32>
        %all_reduce_population_count3A_875 = tpu.all_reduce %eq3A_870 {dim = 0 : i64, kind = #tpu.reduction_kind<sum>} : vector<16xi1> -> vector<16xi32>
        %slice3A_876 = vector.extract_strided_slice %all_reduce_population_count3A_875 {offsets = [0], sizes = [1], strides = [1]} : vector<16xi32> to vector<1xi32>
        %squeeze3A_877 = vector.extract %slice3A_876[0] : i32 from vector<1xi32>
        %gt3A_878 = arith.constant 0 : i32
        %gt3A_879 = arith.cmpi sgt, %squeeze3A_877, %gt3A_878 : i32
        %convert_element_type3A_880 = arith.extui %gt3A_879 : i1 to i32
        %cond3A_881 = arith.constant 0 : i32
        %cond3A_882 = arith.cmpi ne, %convert_element_type3A_880, %cond3A_881 : i32
        scf.if %cond3A_882 {
          %scan3A_1016 = arith.constant 0 : i32
          %scan3A_1017 = arith.constant 0 : i32
          %scan3A_1018 = arith.constant 128 : i32
          %scan3A_1019 = arith.addi %scan3A_1017, %scan3A_1018 : i32
          %scan3A_1020 = arith.constant 1 : i32
          scf.for %scan3A_1022 = %scan3A_1017 to %scan3A_1019 step %scan3A_1020  : i32 {
            %broadcast_in_dim3A_1023 = arith.constant 0 : i32
            %broadcast_in_dim3A_1024 = vector.broadcast %broadcast_in_dim3A_1023 : i32 to vector<16xi32>
            %add3A_1025 = vector.broadcast %scan3A_1022 : i32 to vector<16xi32>
            %add3A_1026 = arith.addi %broadcast_in_dim3A_1024, %add3A_1025 : vector<16xi32>
            %scatter3A = arith.constant 0 : i32
            %scatter3A_1027 = arith.constant 0 : i32
            %scatter3A_1028 = tpu.memref_slice %arg6[%cond3A_524, %scatter3A, %scatter3A_1027] : memref<5x160x128xf32, #tpu.memory_space<vmem>> -> memref<1x160x128xf32, #tpu.memory_space<vmem>>
            %scatter3A_1029 = tpu.memref_squeeze %scatter3A_1028 : memref<1x160x128xf32, #tpu.memory_space<vmem>> -> memref<160x128xf32, #tpu.memory_space<vmem>>
            tpu.vector_store_idx %scatter3A_1029[%add3A_874, %add3A_1026], %broadcast_in_dim3A_827 masked %eq3A_870 : memref<160x128xf32, #tpu.memory_space<vmem>>[vector<16xi32>, vector<16xi32>], vector<16xf32>, vector<16xi1>
          }
          %scan3A_1021 = arith.constant 128 : i32
        } else {
        }
        %add3A_883 = arith.constant 48 : i32
        %add3A_884 = arith.addi %mul3A_432, %add3A_883 : i32
        %get3A_885 = arith.index_cast %add3A_884 : i32 to index
        %get3A_886 = tpu.vector_load %arg5[%get3A_885] {strides = array<i32>} : memref<25600xi32, #tpu.memory_space<vmem>>, vector<16xi32>,
        %eq3A_887 = arith.constant 0 : i32
        %eq3A_888 = vector.broadcast %eq3A_887 : i32 to vector<16xi32>
        %eq3A_889 = arith.cmpi eq, %get3A_886, %eq3A_888 : vector<16xi32>
        %iota3A_890 = tpu.iota {dimensions = array<i32: 0>} : vector<16xi32>
        %add3A_891 = arith.constant 48 : i32
        %add3A_892 = vector.broadcast %add3A_891 : i32 to vector<16xi32>
        %add3A_893 = arith.addi %iota3A_890, %add3A_892 : vector<16xi32>
        %all_reduce_population_count3A_894 = tpu.all_reduce %eq3A_889 {dim = 0 : i64, kind = #tpu.reduction_kind<sum>} : vector<16xi1> -> vector<16xi32>
        %slice3A_895 = vector.extract_strided_slice %all_reduce_population_count3A_894 {offsets = [0], sizes = [1], strides = [1]} : vector<16xi32> to vector<1xi32>
        %squeeze3A_896 = vector.extract %slice3A_895[0] : i32 from vector<1xi32>
        %gt3A_897 = arith.constant 0 : i32
        %gt3A_898 = arith.cmpi sgt, %squeeze3A_896, %gt3A_897 : i32
        %convert_element_type3A_899 = arith.extui %gt3A_898 : i1 to i32
        %cond3A_900 = arith.constant 0 : i32
        %cond3A_901 = arith.cmpi ne, %convert_element_type3A_899, %cond3A_900 : i32
        scf.if %cond3A_901 {
          %scan3A_1016 = arith.constant 0 : i32
          %scan3A_1017 = arith.constant 0 : i32
          %scan3A_1018 = arith.constant 128 : i32
          %scan3A_1019 = arith.addi %scan3A_1017, %scan3A_1018 : i32
          %scan3A_1020 = arith.constant 1 : i32
          scf.for %scan3A_1022 = %scan3A_1017 to %scan3A_1019 step %scan3A_1020  : i32 {
            %broadcast_in_dim3A_1023 = arith.constant 0 : i32
            %broadcast_in_dim3A_1024 = vector.broadcast %broadcast_in_dim3A_1023 : i32 to vector<16xi32>
            %add3A_1025 = vector.broadcast %scan3A_1022 : i32 to vector<16xi32>
            %add3A_1026 = arith.addi %broadcast_in_dim3A_1024, %add3A_1025 : vector<16xi32>
            %scatter3A = arith.constant 0 : i32
            %scatter3A_1027 = arith.constant 0 : i32
            %scatter3A_1028 = tpu.memref_slice %arg6[%cond3A_524, %scatter3A, %scatter3A_1027] : memref<5x160x128xf32, #tpu.memory_space<vmem>> -> memref<1x160x128xf32, #tpu.memory_space<vmem>>
            %scatter3A_1029 = tpu.memref_squeeze %scatter3A_1028 : memref<1x160x128xf32, #tpu.memory_space<vmem>> -> memref<160x128xf32, #tpu.memory_space<vmem>>
            tpu.vector_store_idx %scatter3A_1029[%add3A_893, %add3A_1026], %broadcast_in_dim3A_827 masked %eq3A_889 : memref<160x128xf32, #tpu.memory_space<vmem>>[vector<16xi32>, vector<16xi32>], vector<16xf32>, vector<16xi1>
          }
          %scan3A_1021 = arith.constant 128 : i32
        } else {
        }
        %add3A_902 = arith.constant 64 : i32
        %add3A_903 = arith.addi %mul3A_432, %add3A_902 : i32
        %get3A_904 = arith.index_cast %add3A_903 : i32 to index
        %get3A_905 = tpu.vector_load %arg5[%get3A_904] {strides = array<i32>} : memref<25600xi32, #tpu.memory_space<vmem>>, vector<16xi32>,
        %eq3A_906 = arith.constant 0 : i32
        %eq3A_907 = vector.broadcast %eq3A_906 : i32 to vector<16xi32>
        %eq3A_908 = arith.cmpi eq, %get3A_905, %eq3A_907 : vector<16xi32>
        %iota3A_909 = tpu.iota {dimensions = array<i32: 0>} : vector<16xi32>
        %add3A_910 = arith.constant 64 : i32
        %add3A_911 = vector.broadcast %add3A_910 : i32 to vector<16xi32>
        %add3A_912 = arith.addi %iota3A_909, %add3A_911 : vector<16xi32>
        %all_reduce_population_count3A_913 = tpu.all_reduce %eq3A_908 {dim = 0 : i64, kind = #tpu.reduction_kind<sum>} : vector<16xi1> -> vector<16xi32>
        %slice3A_914 = vector.extract_strided_slice %all_reduce_population_count3A_913 {offsets = [0], sizes = [1], strides = [1]} : vector<16xi32> to vector<1xi32>
        %squeeze3A_915 = vector.extract %slice3A_914[0] : i32 from vector<1xi32>
        %gt3A_916 = arith.constant 0 : i32
        %gt3A_917 = arith.cmpi sgt, %squeeze3A_915, %gt3A_916 : i32
        %convert_element_type3A_918 = arith.extui %gt3A_917 : i1 to i32
        %cond3A_919 = arith.constant 0 : i32
        %cond3A_920 = arith.cmpi ne, %convert_element_type3A_918, %cond3A_919 : i32
        scf.if %cond3A_920 {
          %scan3A_1016 = arith.constant 0 : i32
          %scan3A_1017 = arith.constant 0 : i32
          %scan3A_1018 = arith.constant 128 : i32
          %scan3A_1019 = arith.addi %scan3A_1017, %scan3A_1018 : i32
          %scan3A_1020 = arith.constant 1 : i32
          scf.for %scan3A_1022 = %scan3A_1017 to %scan3A_1019 step %scan3A_1020  : i32 {
            %broadcast_in_dim3A_1023 = arith.constant 0 : i32
            %broadcast_in_dim3A_1024 = vector.broadcast %broadcast_in_dim3A_1023 : i32 to vector<16xi32>
            %add3A_1025 = vector.broadcast %scan3A_1022 : i32 to vector<16xi32>
            %add3A_1026 = arith.addi %broadcast_in_dim3A_1024, %add3A_1025 : vector<16xi32>
            %scatter3A = arith.constant 0 : i32
            %scatter3A_1027 = arith.constant 0 : i32
            %scatter3A_1028 = tpu.memref_slice %arg6[%cond3A_524, %scatter3A, %scatter3A_1027] : memref<5x160x128xf32, #tpu.memory_space<vmem>> -> memref<1x160x128xf32, #tpu.memory_space<vmem>>
            %scatter3A_1029 = tpu.memref_squeeze %scatter3A_1028 : memref<1x160x128xf32, #tpu.memory_space<vmem>> -> memref<160x128xf32, #tpu.memory_space<vmem>>
            tpu.vector_store_idx %scatter3A_1029[%add3A_912, %add3A_1026], %broadcast_in_dim3A_827 masked %eq3A_908 : memref<160x128xf32, #tpu.memory_space<vmem>>[vector<16xi32>, vector<16xi32>], vector<16xf32>, vector<16xi1>
          }
          %scan3A_1021 = arith.constant 128 : i32
        } else {
        }
        %add3A_921 = arith.constant 80 : i32
        %add3A_922 = arith.addi %mul3A_432, %add3A_921 : i32
        %get3A_923 = arith.index_cast %add3A_922 : i32 to index
        %get3A_924 = tpu.vector_load %arg5[%get3A_923] {strides = array<i32>} : memref<25600xi32, #tpu.memory_space<vmem>>, vector<16xi32>,
        %eq3A_925 = arith.constant 0 : i32
        %eq3A_926 = vector.broadcast %eq3A_925 : i32 to vector<16xi32>
        %eq3A_927 = arith.cmpi eq, %get3A_924, %eq3A_926 : vector<16xi32>
        %iota3A_928 = tpu.iota {dimensions = array<i32: 0>} : vector<16xi32>
        %add3A_929 = arith.constant 80 : i32
        %add3A_930 = vector.broadcast %add3A_929 : i32 to vector<16xi32>
        %add3A_931 = arith.addi %iota3A_928, %add3A_930 : vector<16xi32>
        %all_reduce_population_count3A_932 = tpu.all_reduce %eq3A_927 {dim = 0 : i64, kind = #tpu.reduction_kind<sum>} : vector<16xi1> -> vector<16xi32>
        %slice3A_933 = vector.extract_strided_slice %all_reduce_population_count3A_932 {offsets = [0], sizes = [1], strides = [1]} : vector<16xi32> to vector<1xi32>
        %squeeze3A_934 = vector.extract %slice3A_933[0] : i32 from vector<1xi32>
        %gt3A_935 = arith.constant 0 : i32
        %gt3A_936 = arith.cmpi sgt, %squeeze3A_934, %gt3A_935 : i32
        %convert_element_type3A_937 = arith.extui %gt3A_936 : i1 to i32
        %cond3A_938 = arith.constant 0 : i32
        %cond3A_939 = arith.cmpi ne, %convert_element_type3A_937, %cond3A_938 : i32
        scf.if %cond3A_939 {
          %scan3A_1016 = arith.constant 0 : i32
          %scan3A_1017 = arith.constant 0 : i32
          %scan3A_1018 = arith.constant 128 : i32
          %scan3A_1019 = arith.addi %scan3A_1017, %scan3A_1018 : i32
          %scan3A_1020 = arith.constant 1 : i32
          scf.for %scan3A_1022 = %scan3A_1017 to %scan3A_1019 step %scan3A_1020  : i32 {
            %broadcast_in_dim3A_1023 = arith.constant 0 : i32
            %broadcast_in_dim3A_1024 = vector.broadcast %broadcast_in_dim3A_1023 : i32 to vector<16xi32>
            %add3A_1025 = vector.broadcast %scan3A_1022 : i32 to vector<16xi32>
            %add3A_1026 = arith.addi %broadcast_in_dim3A_1024, %add3A_1025 : vector<16xi32>
            %scatter3A = arith.constant 0 : i32
            %scatter3A_1027 = arith.constant 0 : i32
            %scatter3A_1028 = tpu.memref_slice %arg6[%cond3A_524, %scatter3A, %scatter3A_1027] : memref<5x160x128xf32, #tpu.memory_space<vmem>> -> memref<1x160x128xf32, #tpu.memory_space<vmem>>
            %scatter3A_1029 = tpu.memref_squeeze %scatter3A_1028 : memref<1x160x128xf32, #tpu.memory_space<vmem>> -> memref<160x128xf32, #tpu.memory_space<vmem>>
            tpu.vector_store_idx %scatter3A_1029[%add3A_931, %add3A_1026], %broadcast_in_dim3A_827 masked %eq3A_927 : memref<160x128xf32, #tpu.memory_space<vmem>>[vector<16xi32>, vector<16xi32>], vector<16xf32>, vector<16xi1>
          }
          %scan3A_1021 = arith.constant 128 : i32
        } else {
        }
        %add3A_940 = arith.constant 96 : i32
        %add3A_941 = arith.addi %mul3A_432, %add3A_940 : i32
        %get3A_942 = arith.index_cast %add3A_941 : i32 to index
        %get3A_943 = tpu.vector_load %arg5[%get3A_942] {strides = array<i32>} : memref<25600xi32, #tpu.memory_space<vmem>>, vector<16xi32>,
        %eq3A_944 = arith.constant 0 : i32
        %eq3A_945 = vector.broadcast %eq3A_944 : i32 to vector<16xi32>
        %eq3A_946 = arith.cmpi eq, %get3A_943, %eq3A_945 : vector<16xi32>
        %iota3A_947 = tpu.iota {dimensions = array<i32: 0>} : vector<16xi32>
        %add3A_948 = arith.constant 96 : i32
        %add3A_949 = vector.broadcast %add3A_948 : i32 to vector<16xi32>
        %add3A_950 = arith.addi %iota3A_947, %add3A_949 : vector<16xi32>
        %all_reduce_population_count3A_951 = tpu.all_reduce %eq3A_946 {dim = 0 : i64, kind = #tpu.reduction_kind<sum>} : vector<16xi1> -> vector<16xi32>
        %slice3A_952 = vector.extract_strided_slice %all_reduce_population_count3A_951 {offsets = [0], sizes = [1], strides = [1]} : vector<16xi32> to vector<1xi32>
        %squeeze3A_953 = vector.extract %slice3A_952[0] : i32 from vector<1xi32>
        %gt3A_954 = arith.constant 0 : i32
        %gt3A_955 = arith.cmpi sgt, %squeeze3A_953, %gt3A_954 : i32
        %convert_element_type3A_956 = arith.extui %gt3A_955 : i1 to i32
        %cond3A_957 = arith.constant 0 : i32
        %cond3A_958 = arith.cmpi ne, %convert_element_type3A_956, %cond3A_957 : i32
        scf.if %cond3A_958 {
          %scan3A_1016 = arith.constant 0 : i32
          %scan3A_1017 = arith.constant 0 : i32
          %scan3A_1018 = arith.constant 128 : i32
          %scan3A_1019 = arith.addi %scan3A_1017, %scan3A_1018 : i32
          %scan3A_1020 = arith.constant 1 : i32
          scf.for %scan3A_1022 = %scan3A_1017 to %scan3A_1019 step %scan3A_1020  : i32 {
            %broadcast_in_dim3A_1023 = arith.constant 0 : i32
            %broadcast_in_dim3A_1024 = vector.broadcast %broadcast_in_dim3A_1023 : i32 to vector<16xi32>
            %add3A_1025 = vector.broadcast %scan3A_1022 : i32 to vector<16xi32>
            %add3A_1026 = arith.addi %broadcast_in_dim3A_1024, %add3A_1025 : vector<16xi32>
            %scatter3A = arith.constant 0 : i32
            %scatter3A_1027 = arith.constant 0 : i32
            %scatter3A_1028 = tpu.memref_slice %arg6[%cond3A_524, %scatter3A, %scatter3A_1027] : memref<5x160x128xf32, #tpu.memory_space<vmem>> -> memref<1x160x128xf32, #tpu.memory_space<vmem>>
            %scatter3A_1029 = tpu.memref_squeeze %scatter3A_1028 : memref<1x160x128xf32, #tpu.memory_space<vmem>> -> memref<160x128xf32, #tpu.memory_space<vmem>>
            tpu.vector_store_idx %scatter3A_1029[%add3A_950, %add3A_1026], %broadcast_in_dim3A_827 masked %eq3A_946 : memref<160x128xf32, #tpu.memory_space<vmem>>[vector<16xi32>, vector<16xi32>], vector<16xf32>, vector<16xi1>
          }
          %scan3A_1021 = arith.constant 128 : i32
        } else {
        }
        %add3A_959 = arith.constant 112 : i32
        %add3A_960 = arith.addi %mul3A_432, %add3A_959 : i32
        %get3A_961 = arith.index_cast %add3A_960 : i32 to index
        %get3A_962 = tpu.vector_load %arg5[%get3A_961] {strides = array<i32>} : memref<25600xi32, #tpu.memory_space<vmem>>, vector<16xi32>,
        %eq3A_963 = arith.constant 0 : i32
        %eq3A_964 = vector.broadcast %eq3A_963 : i32 to vector<16xi32>
        %eq3A_965 = arith.cmpi eq, %get3A_962, %eq3A_964 : vector<16xi32>
        %iota3A_966 = tpu.iota {dimensions = array<i32: 0>} : vector<16xi32>
        %add3A_967 = arith.constant 112 : i32
        %add3A_968 = vector.broadcast %add3A_967 : i32 to vector<16xi32>
        %add3A_969 = arith.addi %iota3A_966, %add3A_968 : vector<16xi32>
        %all_reduce_population_count3A_970 = tpu.all_reduce %eq3A_965 {dim = 0 : i64, kind = #tpu.reduction_kind<sum>} : vector<16xi1> -> vector<16xi32>
        %slice3A_971 = vector.extract_strided_slice %all_reduce_population_count3A_970 {offsets = [0], sizes = [1], strides = [1]} : vector<16xi32> to vector<1xi32>
        %squeeze3A_972 = vector.extract %slice3A_971[0] : i32 from vector<1xi32>
        %gt3A_973 = arith.constant 0 : i32
        %gt3A_974 = arith.cmpi sgt, %squeeze3A_972, %gt3A_973 : i32
        %convert_element_type3A_975 = arith.extui %gt3A_974 : i1 to i32
        %cond3A_976 = arith.constant 0 : i32
        %cond3A_977 = arith.cmpi ne, %convert_element_type3A_975, %cond3A_976 : i32
        scf.if %cond3A_977 {
          %scan3A_1016 = arith.constant 0 : i32
          %scan3A_1017 = arith.constant 0 : i32
          %scan3A_1018 = arith.constant 128 : i32
          %scan3A_1019 = arith.addi %scan3A_1017, %scan3A_1018 : i32
          %scan3A_1020 = arith.constant 1 : i32
          scf.for %scan3A_1022 = %scan3A_1017 to %scan3A_1019 step %scan3A_1020  : i32 {
            %broadcast_in_dim3A_1023 = arith.constant 0 : i32
            %broadcast_in_dim3A_1024 = vector.broadcast %broadcast_in_dim3A_1023 : i32 to vector<16xi32>
            %add3A_1025 = vector.broadcast %scan3A_1022 : i32 to vector<16xi32>
            %add3A_1026 = arith.addi %broadcast_in_dim3A_1024, %add3A_1025 : vector<16xi32>
            %scatter3A = arith.constant 0 : i32
            %scatter3A_1027 = arith.constant 0 : i32
            %scatter3A_1028 = tpu.memref_slice %arg6[%cond3A_524, %scatter3A, %scatter3A_1027] : memref<5x160x128xf32, #tpu.memory_space<vmem>> -> memref<1x160x128xf32, #tpu.memory_space<vmem>>
            %scatter3A_1029 = tpu.memref_squeeze %scatter3A_1028 : memref<1x160x128xf32, #tpu.memory_space<vmem>> -> memref<160x128xf32, #tpu.memory_space<vmem>>
            tpu.vector_store_idx %scatter3A_1029[%add3A_969, %add3A_1026], %broadcast_in_dim3A_827 masked %eq3A_965 : memref<160x128xf32, #tpu.memory_space<vmem>>[vector<16xi32>, vector<16xi32>], vector<16xf32>, vector<16xi1>
          }
          %scan3A_1021 = arith.constant 128 : i32
        } else {
        }
        %add3A_978 = arith.constant 128 : i32
        %add3A_979 = arith.addi %mul3A_432, %add3A_978 : i32
        %get3A_980 = arith.index_cast %add3A_979 : i32 to index
        %get3A_981 = tpu.vector_load %arg5[%get3A_980] {strides = array<i32>} : memref<25600xi32, #tpu.memory_space<vmem>>, vector<16xi32>,
        %eq3A_982 = arith.constant 0 : i32
        %eq3A_983 = vector.broadcast %eq3A_982 : i32 to vector<16xi32>
        %eq3A_984 = arith.cmpi eq, %get3A_981, %eq3A_983 : vector<16xi32>
        %iota3A_985 = tpu.iota {dimensions = array<i32: 0>} : vector<16xi32>
        %add3A_986 = arith.constant 128 : i32
        %add3A_987 = vector.broadcast %add3A_986 : i32 to vector<16xi32>
        %add3A_988 = arith.addi %iota3A_985, %add3A_987 : vector<16xi32>
        %all_reduce_population_count3A_989 = tpu.all_reduce %eq3A_984 {dim = 0 : i64, kind = #tpu.reduction_kind<sum>} : vector<16xi1> -> vector<16xi32>
        %slice3A_990 = vector.extract_strided_slice %all_reduce_population_count3A_989 {offsets = [0], sizes = [1], strides = [1]} : vector<16xi32> to vector<1xi32>
        %squeeze3A_991 = vector.extract %slice3A_990[0] : i32 from vector<1xi32>
        %gt3A_992 = arith.constant 0 : i32
        %gt3A_993 = arith.cmpi sgt, %squeeze3A_991, %gt3A_992 : i32
        %convert_element_type3A_994 = arith.extui %gt3A_993 : i1 to i32
        %cond3A_995 = arith.constant 0 : i32
        %cond3A_996 = arith.cmpi ne, %convert_element_type3A_994, %cond3A_995 : i32
        scf.if %cond3A_996 {
          %scan3A_1016 = arith.constant 0 : i32
          %scan3A_1017 = arith.constant 0 : i32
          %scan3A_1018 = arith.constant 128 : i32
          %scan3A_1019 = arith.addi %scan3A_1017, %scan3A_1018 : i32
          %scan3A_1020 = arith.constant 1 : i32
          scf.for %scan3A_1022 = %scan3A_1017 to %scan3A_1019 step %scan3A_1020  : i32 {
            %broadcast_in_dim3A_1023 = arith.constant 0 : i32
            %broadcast_in_dim3A_1024 = vector.broadcast %broadcast_in_dim3A_1023 : i32 to vector<16xi32>
            %add3A_1025 = vector.broadcast %scan3A_1022 : i32 to vector<16xi32>
            %add3A_1026 = arith.addi %broadcast_in_dim3A_1024, %add3A_1025 : vector<16xi32>
            %scatter3A = arith.constant 0 : i32
            %scatter3A_1027 = arith.constant 0 : i32
            %scatter3A_1028 = tpu.memref_slice %arg6[%cond3A_524, %scatter3A, %scatter3A_1027] : memref<5x160x128xf32, #tpu.memory_space<vmem>> -> memref<1x160x128xf32, #tpu.memory_space<vmem>>
            %scatter3A_1029 = tpu.memref_squeeze %scatter3A_1028 : memref<1x160x128xf32, #tpu.memory_space<vmem>> -> memref<160x128xf32, #tpu.memory_space<vmem>>
            tpu.vector_store_idx %scatter3A_1029[%add3A_988, %add3A_1026], %broadcast_in_dim3A_827 masked %eq3A_984 : memref<160x128xf32, #tpu.memory_space<vmem>>[vector<16xi32>, vector<16xi32>], vector<16xf32>, vector<16xi1>
          }
          %scan3A_1021 = arith.constant 128 : i32
        } else {
        }
        %add3A_997 = arith.constant 144 : i32
        %add3A_998 = arith.addi %mul3A_432, %add3A_997 : i32
        %get3A_999 = arith.index_cast %add3A_998 : i32 to index
        %get3A_1000 = tpu.vector_load %arg5[%get3A_999] {strides = array<i32>} : memref<25600xi32, #tpu.memory_space<vmem>>, vector<16xi32>,
        %eq3A_1001 = arith.constant 0 : i32
        %eq3A_1002 = vector.broadcast %eq3A_1001 : i32 to vector<16xi32>
        %eq3A_1003 = arith.cmpi eq, %get3A_1000, %eq3A_1002 : vector<16xi32>
        %iota3A_1004 = tpu.iota {dimensions = array<i32: 0>} : vector<16xi32>
        %add3A_1005 = arith.constant 144 : i32
        %add3A_1006 = vector.broadcast %add3A_1005 : i32 to vector<16xi32>
        %add3A_1007 = arith.addi %iota3A_1004, %add3A_1006 : vector<16xi32>
        %all_reduce_population_count3A_1008 = tpu.all_reduce %eq3A_1003 {dim = 0 : i64, kind = #tpu.reduction_kind<sum>} : vector<16xi1> -> vector<16xi32>
        %slice3A_1009 = vector.extract_strided_slice %all_reduce_population_count3A_1008 {offsets = [0], sizes = [1], strides = [1]} : vector<16xi32> to vector<1xi32>
        %squeeze3A_1010 = vector.extract %slice3A_1009[0] : i32 from vector<1xi32>
        %gt3A_1011 = arith.constant 0 : i32
        %gt3A_1012 = arith.cmpi sgt, %squeeze3A_1010, %gt3A_1011 : i32
        %convert_element_type3A_1013 = arith.extui %gt3A_1012 : i1 to i32
        %cond3A_1014 = arith.constant 0 : i32
        %cond3A_1015 = arith.cmpi ne, %convert_element_type3A_1013, %cond3A_1014 : i32
        scf.if %cond3A_1015 {
          %scan3A_1016 = arith.constant 0 : i32
          %scan3A_1017 = arith.constant 0 : i32
          %scan3A_1018 = arith.constant 128 : i32
          %scan3A_1019 = arith.addi %scan3A_1017, %scan3A_1018 : i32
          %scan3A_1020 = arith.constant 1 : i32
          scf.for %scan3A_1022 = %scan3A_1017 to %scan3A_1019 step %scan3A_1020  : i32 {
            %broadcast_in_dim3A_1023 = arith.constant 0 : i32
            %broadcast_in_dim3A_1024 = vector.broadcast %broadcast_in_dim3A_1023 : i32 to vector<16xi32>
            %add3A_1025 = vector.broadcast %scan3A_1022 : i32 to vector<16xi32>
            %add3A_1026 = arith.addi %broadcast_in_dim3A_1024, %add3A_1025 : vector<16xi32>
            %scatter3A = arith.constant 0 : i32
            %scatter3A_1027 = arith.constant 0 : i32
            %scatter3A_1028 = tpu.memref_slice %arg6[%cond3A_524, %scatter3A, %scatter3A_1027] : memref<5x160x128xf32, #tpu.memory_space<vmem>> -> memref<1x160x128xf32, #tpu.memory_space<vmem>>
            %scatter3A_1029 = tpu.memref_squeeze %scatter3A_1028 : memref<1x160x128xf32, #tpu.memory_space<vmem>> -> memref<160x128xf32, #tpu.memory_space<vmem>>
            tpu.vector_store_idx %scatter3A_1029[%add3A_1007, %add3A_1026], %broadcast_in_dim3A_827 masked %eq3A_1003 : memref<160x128xf32, #tpu.memory_space<vmem>>[vector<16xi32>, vector<16xi32>], vector<16xf32>, vector<16xi1>
          }
          %scan3A_1021 = arith.constant 128 : i32
        } else {
        }
      } else {
      }
      %mul3A_527 = arith.constant 160 : i32
      %mul3A_528 = arith.muli %add3A_409, %mul3A_527 : i32
      %add3A_529 = arith.addi %mul3A_2, %mul3A_528 : i32
      %dma_start3A_530 = arith.constant 2 : i32
      %dma_start3A_531 = arith.constant 2 : i32
      %dma_start3A_532 = arith.constant 0 : i32
      %dma_start3A_533 = arith.constant 0 : i32
      %dma_start3A_534 = tpu.memref_slice %arg6[%dma_start3A_530, %dma_start3A_532, %dma_start3A_533] : memref<5x160x128xf32, #tpu.memory_space<vmem>> -> memref<1x160x128xf32, #tpu.memory_space<vmem>>
      %dma_start3A_535 = tpu.memref_squeeze %dma_start3A_534 : memref<1x160x128xf32, #tpu.memory_space<vmem>> -> memref<160x128xf32, #tpu.memory_space<vmem>>
      %dma_start3A_536 = arith.constant 0 : i32
      %dma_start3A_537 = tpu.memref_slice %arg4[%add3A_529, %dma_start3A_536] : memref<819200x128xf32, #tpu.memory_space<hbm>> -> memref<160x128xf32, #tpu.memory_space<hbm>>
      %dma_start3A_538 = tpu.memref_slice %arg8[%dma_start3A_531] : memref<5x!tpu.dma_semaphore, #tpu.memory_space<semaphore_mem>> -> memref<1x!tpu.dma_semaphore, #tpu.memory_space<semaphore_mem>>
      %dma_start3A_539 = tpu.memref_squeeze %dma_start3A_538 : memref<1x!tpu.dma_semaphore, #tpu.memory_space<semaphore_mem>> -> memref<!tpu.dma_semaphore, #tpu.memory_space<semaphore_mem>>
      %dma_start3A_540 = arith.constant 0 : i32
      %dma_start3A_541 = tpu.memref_slice %arg4[%add3A_529, %dma_start3A_540] : memref<819200x128xf32, #tpu.memory_space<hbm>> -> memref<160x128xf32, #tpu.memory_space<hbm>>
      %dma_start3A_542 = arith.constant 0 : i32
      %dma_start3A_543 = arith.constant 0 : i32
      %dma_start3A_544 = tpu.memref_slice %arg6[%dma_start3A_530, %dma_start3A_542, %dma_start3A_543] : memref<5x160x128xf32, #tpu.memory_space<vmem>> -> memref<1x160x128xf32, #tpu.memory_space<vmem>>
      %dma_start3A_545 = tpu.memref_squeeze %dma_start3A_544 : memref<1x160x128xf32, #tpu.memory_space<vmem>> -> memref<160x128xf32, #tpu.memory_space<vmem>>
      tpu.enqueue_dma source(%dma_start3A_545 : memref<160x128xf32, #tpu.memory_space<vmem>>) target(%dma_start3A_541 : memref<160x128xf32, #tpu.memory_space<hbm>>) target_semaphore(%dma_start3A_539 : memref<!tpu.dma_semaphore, #tpu.memory_space<semaphore_mem>>)
      %mul3A_546 = arith.constant 5 : i32
      %mul3A_547 = arith.muli %mul3A_546, %scan3A_135 : i32
      %add3A_548 = arith.constant 3 : i32
      %add3A_549 = arith.addi %mul3A_547, %add3A_548 : i32
      %add3A_550 = arith.constant 3 : i32
      %add3A_551 = arith.addi %add3A_549, %add3A_550 : i32
      %lt3A_552 = arith.constant 160 : i32
      %lt3A_553 = arith.cmpi slt, %add3A_551, %lt3A_552 : i32
      %convert_element_type3A_554 = arith.extui %lt3A_553 : i1 to i32
      %cond3A_555 = arith.constant 0 : i32
      %cond3A_556 = arith.cmpi ne, %convert_element_type3A_554, %cond3A_555 : i32
      scf.if %cond3A_556 {
        %ge3A = arith.constant 5 : i32
        %ge3A_826 = arith.cmpi sge, %add3A_551, %ge3A : i32
        %convert_element_type3A_827 = arith.extui %ge3A_826 : i1 to i32
        %cond3A_828 = arith.constant 0 : i32
        %cond3A_829 = arith.cmpi ne, %convert_element_type3A_827, %cond3A_828 : i32
        scf.if %cond3A_829 {
          %sub3A = arith.constant 5 : i32
          %sub3A_844 = arith.subi %add3A_551, %sub3A : i32
          %mul3A_845 = arith.constant 160 : i32
          %mul3A_846 = arith.muli %sub3A_844, %mul3A_845 : i32
          %add3A_847 = arith.addi %mul3A_2, %mul3A_846 : i32
          %dma_wait3A_848 = arith.constant 1 : i32
          %dma_wait3A_849 = arith.constant 1 : i32
          %dma_wait3A_850 = arith.constant 0 : i32
          %dma_wait3A_851 = arith.constant 0 : i32
          %dma_wait3A_852 = tpu.memref_slice %arg6[%dma_wait3A_848, %dma_wait3A_850, %dma_wait3A_851] : memref<5x160x128xf32, #tpu.memory_space<vmem>> -> memref<1x160x128xf32, #tpu.memory_space<vmem>>
          %dma_wait3A_853 = tpu.memref_squeeze %dma_wait3A_852 : memref<1x160x128xf32, #tpu.memory_space<vmem>> -> memref<160x128xf32, #tpu.memory_space<vmem>>
          %dma_wait3A_854 = arith.constant 0 : i32
          %dma_wait3A_855 = tpu.memref_slice %arg4[%add3A_847, %dma_wait3A_854] : memref<819200x128xf32, #tpu.memory_space<hbm>> -> memref<160x128xf32, #tpu.memory_space<hbm>>
          %dma_wait3A_856 = tpu.memref_slice %arg8[%dma_wait3A_849] : memref<5x!tpu.dma_semaphore, #tpu.memory_space<semaphore_mem>> -> memref<1x!tpu.dma_semaphore, #tpu.memory_space<semaphore_mem>>
          %dma_wait3A_857 = tpu.memref_squeeze %dma_wait3A_856 : memref<1x!tpu.dma_semaphore, #tpu.memory_space<semaphore_mem>> -> memref<!tpu.dma_semaphore, #tpu.memory_space<semaphore_mem>>
          %dma_wait3A_858 = arith.constant 0 : i32
          %dma_wait3A_859 = tpu.memref_slice %arg4[%add3A_847, %dma_wait3A_858] : memref<819200x128xf32, #tpu.memory_space<hbm>> -> memref<160x128xf32, #tpu.memory_space<hbm>>
          %dma_wait3A_860 = arith.constant 0 : i32
          %dma_wait3A_861 = arith.constant 0 : i32
          %dma_wait3A_862 = tpu.memref_slice %arg6[%dma_wait3A_848, %dma_wait3A_860, %dma_wait3A_861] : memref<5x160x128xf32, #tpu.memory_space<vmem>> -> memref<1x160x128xf32, #tpu.memory_space<vmem>>
          %dma_wait3A_863 = tpu.memref_squeeze %dma_wait3A_862 : memref<1x160x128xf32, #tpu.memory_space<vmem>> -> memref<160x128xf32, #tpu.memory_space<vmem>>
          tpu.wait_dma2 semaphore(%dma_wait3A_857 : memref<!tpu.dma_semaphore, #tpu.memory_space<semaphore_mem>>) src(%dma_wait3A_863 : memref<160x128xf32, #tpu.memory_space<vmem>>) dst(%dma_wait3A_859 : memref<160x128xf32, #tpu.memory_space<hbm>>)
        } else {
        }
        %mul3A_830 = arith.constant 160 : i32
        %mul3A_831 = arith.muli %add3A_551, %mul3A_830 : i32
        %dma_start3A_832 = arith.constant 1 : i32
        %dma_start3A_833 = arith.constant 1 : i32
        %dma_start3A_834 = arith.constant 0 : i32
        %dma_start3A_835 = arith.constant 0 : i32
        %dma_start3A_836 = tpu.memref_slice %arg6[%dma_start3A_832, %dma_start3A_834, %dma_start3A_835] : memref<5x160x128xf32, #tpu.memory_space<vmem>> -> memref<1x160x128xf32, #tpu.memory_space<vmem>>
        %dma_start3A_837 = tpu.memref_squeeze %dma_start3A_836 : memref<1x160x128xf32, #tpu.memory_space<vmem>> -> memref<160x128xf32, #tpu.memory_space<vmem>>
        %dma_start3A_838 = tpu.memref_slice %arg5[%mul3A_831] : memref<25600xi32, #tpu.memory_space<vmem>> -> memref<160xi32, #tpu.memory_space<vmem>>
        %dma_start3A_839 = arith.constant 0 : i32
        %dma_start3A_840 = arith.constant 0 : i32
        %dma_start3A_841 = tpu.memref_slice %arg3[%dma_start3A_839, %dma_start3A_840] : memref<100000x128xf32, #tpu.memory_space<hbm>> -> memref<100000x128xf32, #tpu.memory_space<hbm>>
        %dma_start3A_842 = tpu.memref_slice %arg7[%dma_start3A_833] : memref<5x!tpu.dma_semaphore, #tpu.memory_space<semaphore_mem>> -> memref<1x!tpu.dma_semaphore, #tpu.memory_space<semaphore_mem>>
        %dma_start3A_843 = tpu.memref_squeeze %dma_start3A_842 : memref<1x!tpu.dma_semaphore, #tpu.memory_space<semaphore_mem>> -> memref<!tpu.dma_semaphore, #tpu.memory_space<semaphore_mem>>
        tpu.enqueue_indirect_dma source(%dma_start3A_841 : memref<100000x128xf32, #tpu.memory_space<hbm>>) target(%dma_start3A_837 : memref<160x128xf32, #tpu.memory_space<vmem>>) offsets(%dma_start3A_838 : memref<160xi32, #tpu.memory_space<vmem>>) semaphore(%dma_start3A_843 : memref<!tpu.dma_semaphore, #tpu.memory_space<semaphore_mem>>)
      } else {
      }
      %mul3A_557 = arith.constant 160 : i32
      %mul3A_558 = arith.muli %add3A_549, %mul3A_557 : i32
      %dma_wait3A_559 = arith.constant 3 : i32
      %dma_wait3A_560 = arith.constant 3 : i32
      %dma_wait3A_561 = arith.constant 0 : i32
      %dma_wait3A_562 = arith.constant 0 : i32
      %dma_wait3A_563 = tpu.memref_slice %arg6[%dma_wait3A_559, %dma_wait3A_561, %dma_wait3A_562] : memref<5x160x128xf32, #tpu.memory_space<vmem>> -> memref<1x160x128xf32, #tpu.memory_space<vmem>>
      %dma_wait3A_564 = tpu.memref_squeeze %dma_wait3A_563 : memref<1x160x128xf32, #tpu.memory_space<vmem>> -> memref<160x128xf32, #tpu.memory_space<vmem>>
      %dma_wait3A_565 = tpu.memref_slice %arg5[%mul3A_558] : memref<25600xi32, #tpu.memory_space<vmem>> -> memref<160xi32, #tpu.memory_space<vmem>>
      %dma_wait3A_566 = arith.constant 0 : i32
      %dma_wait3A_567 = arith.constant 0 : i32
      %dma_wait3A_568 = tpu.memref_slice %arg3[%dma_wait3A_566, %dma_wait3A_567] : memref<100000x128xf32, #tpu.memory_space<hbm>> -> memref<100000x128xf32, #tpu.memory_space<hbm>>
      %dma_wait3A_569 = tpu.memref_slice %arg7[%dma_wait3A_560] : memref<5x!tpu.dma_semaphore, #tpu.memory_space<semaphore_mem>> -> memref<1x!tpu.dma_semaphore, #tpu.memory_space<semaphore_mem>>
      %dma_wait3A_570 = tpu.memref_squeeze %dma_wait3A_569 : memref<1x!tpu.dma_semaphore, #tpu.memory_space<semaphore_mem>> -> memref<!tpu.dma_semaphore, #tpu.memory_space<semaphore_mem>>
      tpu.wait_indirect_dma semaphore(%dma_wait3A_570 : memref<!tpu.dma_semaphore, #tpu.memory_space<semaphore_mem>>) src(%dma_wait3A_568 : memref<100000x128xf32, #tpu.memory_space<hbm>>) dst(%dma_wait3A_564 : memref<160x128xf32, #tpu.memory_space<vmem>>)
      %mul3A_571 = arith.constant 160 : i32
      %mul3A_572 = arith.muli %add3A_549, %mul3A_571 : i32
      %broadcast_in_dim3A_573 = arith.constant 0 : i32
      %broadcast_in_dim3A_574 = vector.broadcast %broadcast_in_dim3A_573 : i32 to vector<16xi32>
      %add3A_575 = arith.constant 0 : i32
      %add3A_576 = arith.addi %mul3A_572, %add3A_575 : i32
      %get3A_577 = arith.index_cast %add3A_576 : i32 to index
      %get3A_578 = tpu.vector_load %arg5[%get3A_577] {strides = array<i32>} : memref<25600xi32, #tpu.memory_space<vmem>>, vector<16xi32>,
      %min3A_579 = arith.constant 1 : i32
      %min3A_580 = vector.broadcast %min3A_579 : i32 to vector<16xi32>
      %min3A_581 = arith.minsi %get3A_578, %min3A_580 : vector<16xi32>
      %add3A_582 = arith.addi %broadcast_in_dim3A_574, %min3A_581 : vector<16xi32>
      %add3A_583 = arith.constant 16 : i32
      %add3A_584 = arith.addi %mul3A_572, %add3A_583 : i32
      %get3A_585 = arith.index_cast %add3A_584 : i32 to index
      %get3A_586 = tpu.vector_load %arg5[%get3A_585] {strides = array<i32>} : memref<25600xi32, #tpu.memory_space<vmem>>, vector<16xi32>,
      %min3A_587 = arith.constant 1 : i32
      %min3A_588 = vector.broadcast %min3A_587 : i32 to vector<16xi32>
      %min3A_589 = arith.minsi %get3A_586, %min3A_588 : vector<16xi32>
      %add3A_590 = arith.addi %add3A_582, %min3A_589 : vector<16xi32>
      %add3A_591 = arith.constant 32 : i32
      %add3A_592 = arith.addi %mul3A_572, %add3A_591 : i32
      %get3A_593 = arith.index_cast %add3A_592 : i32 to index
      %get3A_594 = tpu.vector_load %arg5[%get3A_593] {strides = array<i32>} : memref<25600xi32, #tpu.memory_space<vmem>>, vector<16xi32>,
      %min3A_595 = arith.constant 1 : i32
      %min3A_596 = vector.broadcast %min3A_595 : i32 to vector<16xi32>
      %min3A_597 = arith.minsi %get3A_594, %min3A_596 : vector<16xi32>
      %add3A_598 = arith.addi %add3A_590, %min3A_597 : vector<16xi32>
      %add3A_599 = arith.constant 48 : i32
      %add3A_600 = arith.addi %mul3A_572, %add3A_599 : i32
      %get3A_601 = arith.index_cast %add3A_600 : i32 to index
      %get3A_602 = tpu.vector_load %arg5[%get3A_601] {strides = array<i32>} : memref<25600xi32, #tpu.memory_space<vmem>>, vector<16xi32>,
      %min3A_603 = arith.constant 1 : i32
      %min3A_604 = vector.broadcast %min3A_603 : i32 to vector<16xi32>
      %min3A_605 = arith.minsi %get3A_602, %min3A_604 : vector<16xi32>
      %add3A_606 = arith.addi %add3A_598, %min3A_605 : vector<16xi32>
      %add3A_607 = arith.constant 64 : i32
      %add3A_608 = arith.addi %mul3A_572, %add3A_607 : i32
      %get3A_609 = arith.index_cast %add3A_608 : i32 to index
      %get3A_610 = tpu.vector_load %arg5[%get3A_609] {strides = array<i32>} : memref<25600xi32, #tpu.memory_space<vmem>>, vector<16xi32>,
      %min3A_611 = arith.constant 1 : i32
      %min3A_612 = vector.broadcast %min3A_611 : i32 to vector<16xi32>
      %min3A_613 = arith.minsi %get3A_610, %min3A_612 : vector<16xi32>
      %add3A_614 = arith.addi %add3A_606, %min3A_613 : vector<16xi32>
      %add3A_615 = arith.constant 80 : i32
      %add3A_616 = arith.addi %mul3A_572, %add3A_615 : i32
      %get3A_617 = arith.index_cast %add3A_616 : i32 to index
      %get3A_618 = tpu.vector_load %arg5[%get3A_617] {strides = array<i32>} : memref<25600xi32, #tpu.memory_space<vmem>>, vector<16xi32>,
      %min3A_619 = arith.constant 1 : i32
      %min3A_620 = vector.broadcast %min3A_619 : i32 to vector<16xi32>
      %min3A_621 = arith.minsi %get3A_618, %min3A_620 : vector<16xi32>
      %add3A_622 = arith.addi %add3A_614, %min3A_621 : vector<16xi32>
      %add3A_623 = arith.constant 96 : i32
      %add3A_624 = arith.addi %mul3A_572, %add3A_623 : i32
      %get3A_625 = arith.index_cast %add3A_624 : i32 to index
      %get3A_626 = tpu.vector_load %arg5[%get3A_625] {strides = array<i32>} : memref<25600xi32, #tpu.memory_space<vmem>>, vector<16xi32>,
      %min3A_627 = arith.constant 1 : i32
      %min3A_628 = vector.broadcast %min3A_627 : i32 to vector<16xi32>
      %min3A_629 = arith.minsi %get3A_626, %min3A_628 : vector<16xi32>
      %add3A_630 = arith.addi %add3A_622, %min3A_629 : vector<16xi32>
      %add3A_631 = arith.constant 112 : i32
      %add3A_632 = arith.addi %mul3A_572, %add3A_631 : i32
      %get3A_633 = arith.index_cast %add3A_632 : i32 to index
      %get3A_634 = tpu.vector_load %arg5[%get3A_633] {strides = array<i32>} : memref<25600xi32, #tpu.memory_space<vmem>>, vector<16xi32>,
      %min3A_635 = arith.constant 1 : i32
      %min3A_636 = vector.broadcast %min3A_635 : i32 to vector<16xi32>
      %min3A_637 = arith.minsi %get3A_634, %min3A_636 : vector<16xi32>
      %add3A_638 = arith.addi %add3A_630, %min3A_637 : vector<16xi32>
      %add3A_639 = arith.constant 128 : i32
      %add3A_640 = arith.addi %mul3A_572, %add3A_639 : i32
      %get3A_641 = arith.index_cast %add3A_640 : i32 to index
      %get3A_642 = tpu.vector_load %arg5[%get3A_641] {strides = array<i32>} : memref<25600xi32, #tpu.memory_space<vmem>>, vector<16xi32>,
      %min3A_643 = arith.constant 1 : i32
      %min3A_644 = vector.broadcast %min3A_643 : i32 to vector<16xi32>
      %min3A_645 = arith.minsi %get3A_642, %min3A_644 : vector<16xi32>
      %add3A_646 = arith.addi %add3A_638, %min3A_645 : vector<16xi32>
      %add3A_647 = arith.constant 144 : i32
      %add3A_648 = arith.addi %mul3A_572, %add3A_647 : i32
      %get3A_649 = arith.index_cast %add3A_648 : i32 to index
      %get3A_650 = tpu.vector_load %arg5[%get3A_649] {strides = array<i32>} : memref<25600xi32, #tpu.memory_space<vmem>>, vector<16xi32>,
      %min3A_651 = arith.constant 1 : i32
      %min3A_652 = vector.broadcast %min3A_651 : i32 to vector<16xi32>
      %min3A_653 = arith.minsi %get3A_650, %min3A_652 : vector<16xi32>
      %add3A_654 = arith.addi %add3A_646, %min3A_653 : vector<16xi32>
      %lt3A_655 = arith.constant 10 : i32
      %lt3A_656 = vector.broadcast %lt3A_655 : i32 to vector<16xi32>
      %lt3A_657 = arith.cmpi slt, %add3A_654, %lt3A_656 : vector<16xi32>
      %all_reduce_population_count3A_658 = tpu.all_reduce %lt3A_657 {dim = 0 : i64, kind = #tpu.reduction_kind<sum>} : vector<16xi1> -> vector<16xi32>
      %slice3A_659 = vector.extract_strided_slice %all_reduce_population_count3A_658 {offsets = [0], sizes = [1], strides = [1]} : vector<16xi32> to vector<1xi32>
      %squeeze3A_660 = vector.extract %slice3A_659[0] : i32 from vector<1xi32>
      %gt3A_661 = arith.constant 0 : i32
      %gt3A_662 = arith.cmpi sgt, %squeeze3A_660, %gt3A_661 : i32
      %convert_element_type3A_663 = arith.extui %gt3A_662 : i1 to i32
      %cond3A_664 = arith.constant 3 : i32
      %cond3A_665 = arith.constant 0 : i32
      %cond3A_666 = arith.cmpi ne, %convert_element_type3A_663, %cond3A_665 : i32
      scf.if %cond3A_666 {
        %broadcast_in_dim3A_826 = arith.constant 0.000000e+00 : f32
        %broadcast_in_dim3A_827 = vector.broadcast %broadcast_in_dim3A_826 : f32 to vector<16xf32>
        %add3A_828 = arith.constant 0 : i32
        %add3A_829 = arith.addi %mul3A_572, %add3A_828 : i32
        %get3A_830 = arith.index_cast %add3A_829 : i32 to index
        %get3A_831 = tpu.vector_load %arg5[%get3A_830] {strides = array<i32>} : memref<25600xi32, #tpu.memory_space<vmem>>, vector<16xi32>,
        %eq3A = arith.constant 0 : i32
        %eq3A_832 = vector.broadcast %eq3A : i32 to vector<16xi32>
        %eq3A_833 = arith.cmpi eq, %get3A_831, %eq3A_832 : vector<16xi32>
        %iota3A = tpu.iota {dimensions = array<i32: 0>} : vector<16xi32>
        %add3A_834 = arith.constant 0 : i32
        %add3A_835 = vector.broadcast %add3A_834 : i32 to vector<16xi32>
        %add3A_836 = arith.addi %iota3A, %add3A_835 : vector<16xi32>
        %all_reduce_population_count3A_837 = tpu.all_reduce %eq3A_833 {dim = 0 : i64, kind = #tpu.reduction_kind<sum>} : vector<16xi1> -> vector<16xi32>
        %slice3A_838 = vector.extract_strided_slice %all_reduce_population_count3A_837 {offsets = [0], sizes = [1], strides = [1]} : vector<16xi32> to vector<1xi32>
        %squeeze3A_839 = vector.extract %slice3A_838[0] : i32 from vector<1xi32>
        %gt3A_840 = arith.constant 0 : i32
        %gt3A_841 = arith.cmpi sgt, %squeeze3A_839, %gt3A_840 : i32
        %convert_element_type3A_842 = arith.extui %gt3A_841 : i1 to i32
        %cond3A_843 = arith.constant 0 : i32
        %cond3A_844 = arith.cmpi ne, %convert_element_type3A_842, %cond3A_843 : i32
        scf.if %cond3A_844 {
          %scan3A_1016 = arith.constant 0 : i32
          %scan3A_1017 = arith.constant 0 : i32
          %scan3A_1018 = arith.constant 128 : i32
          %scan3A_1019 = arith.addi %scan3A_1017, %scan3A_1018 : i32
          %scan3A_1020 = arith.constant 1 : i32
          scf.for %scan3A_1022 = %scan3A_1017 to %scan3A_1019 step %scan3A_1020  : i32 {
            %broadcast_in_dim3A_1023 = arith.constant 0 : i32
            %broadcast_in_dim3A_1024 = vector.broadcast %broadcast_in_dim3A_1023 : i32 to vector<16xi32>
            %add3A_1025 = vector.broadcast %scan3A_1022 : i32 to vector<16xi32>
            %add3A_1026 = arith.addi %broadcast_in_dim3A_1024, %add3A_1025 : vector<16xi32>
            %scatter3A = arith.constant 0 : i32
            %scatter3A_1027 = arith.constant 0 : i32
            %scatter3A_1028 = tpu.memref_slice %arg6[%cond3A_664, %scatter3A, %scatter3A_1027] : memref<5x160x128xf32, #tpu.memory_space<vmem>> -> memref<1x160x128xf32, #tpu.memory_space<vmem>>
            %scatter3A_1029 = tpu.memref_squeeze %scatter3A_1028 : memref<1x160x128xf32, #tpu.memory_space<vmem>> -> memref<160x128xf32, #tpu.memory_space<vmem>>
            tpu.vector_store_idx %scatter3A_1029[%add3A_836, %add3A_1026], %broadcast_in_dim3A_827 masked %eq3A_833 : memref<160x128xf32, #tpu.memory_space<vmem>>[vector<16xi32>, vector<16xi32>], vector<16xf32>, vector<16xi1>
          }
          %scan3A_1021 = arith.constant 128 : i32
        } else {
        }
        %add3A_845 = arith.constant 16 : i32
        %add3A_846 = arith.addi %mul3A_572, %add3A_845 : i32
        %get3A_847 = arith.index_cast %add3A_846 : i32 to index
        %get3A_848 = tpu.vector_load %arg5[%get3A_847] {strides = array<i32>} : memref<25600xi32, #tpu.memory_space<vmem>>, vector<16xi32>,
        %eq3A_849 = arith.constant 0 : i32
        %eq3A_850 = vector.broadcast %eq3A_849 : i32 to vector<16xi32>
        %eq3A_851 = arith.cmpi eq, %get3A_848, %eq3A_850 : vector<16xi32>
        %iota3A_852 = tpu.iota {dimensions = array<i32: 0>} : vector<16xi32>
        %add3A_853 = arith.constant 16 : i32
        %add3A_854 = vector.broadcast %add3A_853 : i32 to vector<16xi32>
        %add3A_855 = arith.addi %iota3A_852, %add3A_854 : vector<16xi32>
        %all_reduce_population_count3A_856 = tpu.all_reduce %eq3A_851 {dim = 0 : i64, kind = #tpu.reduction_kind<sum>} : vector<16xi1> -> vector<16xi32>
        %slice3A_857 = vector.extract_strided_slice %all_reduce_population_count3A_856 {offsets = [0], sizes = [1], strides = [1]} : vector<16xi32> to vector<1xi32>
        %squeeze3A_858 = vector.extract %slice3A_857[0] : i32 from vector<1xi32>
        %gt3A_859 = arith.constant 0 : i32
        %gt3A_860 = arith.cmpi sgt, %squeeze3A_858, %gt3A_859 : i32
        %convert_element_type3A_861 = arith.extui %gt3A_860 : i1 to i32
        %cond3A_862 = arith.constant 0 : i32
        %cond3A_863 = arith.cmpi ne, %convert_element_type3A_861, %cond3A_862 : i32
        scf.if %cond3A_863 {
          %scan3A_1016 = arith.constant 0 : i32
          %scan3A_1017 = arith.constant 0 : i32
          %scan3A_1018 = arith.constant 128 : i32
          %scan3A_1019 = arith.addi %scan3A_1017, %scan3A_1018 : i32
          %scan3A_1020 = arith.constant 1 : i32
          scf.for %scan3A_1022 = %scan3A_1017 to %scan3A_1019 step %scan3A_1020  : i32 {
            %broadcast_in_dim3A_1023 = arith.constant 0 : i32
            %broadcast_in_dim3A_1024 = vector.broadcast %broadcast_in_dim3A_1023 : i32 to vector<16xi32>
            %add3A_1025 = vector.broadcast %scan3A_1022 : i32 to vector<16xi32>
            %add3A_1026 = arith.addi %broadcast_in_dim3A_1024, %add3A_1025 : vector<16xi32>
            %scatter3A = arith.constant 0 : i32
            %scatter3A_1027 = arith.constant 0 : i32
            %scatter3A_1028 = tpu.memref_slice %arg6[%cond3A_664, %scatter3A, %scatter3A_1027] : memref<5x160x128xf32, #tpu.memory_space<vmem>> -> memref<1x160x128xf32, #tpu.memory_space<vmem>>
            %scatter3A_1029 = tpu.memref_squeeze %scatter3A_1028 : memref<1x160x128xf32, #tpu.memory_space<vmem>> -> memref<160x128xf32, #tpu.memory_space<vmem>>
            tpu.vector_store_idx %scatter3A_1029[%add3A_855, %add3A_1026], %broadcast_in_dim3A_827 masked %eq3A_851 : memref<160x128xf32, #tpu.memory_space<vmem>>[vector<16xi32>, vector<16xi32>], vector<16xf32>, vector<16xi1>
          }
          %scan3A_1021 = arith.constant 128 : i32
        } else {
        }
        %add3A_864 = arith.constant 32 : i32
        %add3A_865 = arith.addi %mul3A_572, %add3A_864 : i32
        %get3A_866 = arith.index_cast %add3A_865 : i32 to index
        %get3A_867 = tpu.vector_load %arg5[%get3A_866] {strides = array<i32>} : memref<25600xi32, #tpu.memory_space<vmem>>, vector<16xi32>,
        %eq3A_868 = arith.constant 0 : i32
        %eq3A_869 = vector.broadcast %eq3A_868 : i32 to vector<16xi32>
        %eq3A_870 = arith.cmpi eq, %get3A_867, %eq3A_869 : vector<16xi32>
        %iota3A_871 = tpu.iota {dimensions = array<i32: 0>} : vector<16xi32>
        %add3A_872 = arith.constant 32 : i32
        %add3A_873 = vector.broadcast %add3A_872 : i32 to vector<16xi32>
        %add3A_874 = arith.addi %iota3A_871, %add3A_873 : vector<16xi32>
        %all_reduce_population_count3A_875 = tpu.all_reduce %eq3A_870 {dim = 0 : i64, kind = #tpu.reduction_kind<sum>} : vector<16xi1> -> vector<16xi32>
        %slice3A_876 = vector.extract_strided_slice %all_reduce_population_count3A_875 {offsets = [0], sizes = [1], strides = [1]} : vector<16xi32> to vector<1xi32>
        %squeeze3A_877 = vector.extract %slice3A_876[0] : i32 from vector<1xi32>
        %gt3A_878 = arith.constant 0 : i32
        %gt3A_879 = arith.cmpi sgt, %squeeze3A_877, %gt3A_878 : i32
        %convert_element_type3A_880 = arith.extui %gt3A_879 : i1 to i32
        %cond3A_881 = arith.constant 0 : i32
        %cond3A_882 = arith.cmpi ne, %convert_element_type3A_880, %cond3A_881 : i32
        scf.if %cond3A_882 {
          %scan3A_1016 = arith.constant 0 : i32
          %scan3A_1017 = arith.constant 0 : i32
          %scan3A_1018 = arith.constant 128 : i32
          %scan3A_1019 = arith.addi %scan3A_1017, %scan3A_1018 : i32
          %scan3A_1020 = arith.constant 1 : i32
          scf.for %scan3A_1022 = %scan3A_1017 to %scan3A_1019 step %scan3A_1020  : i32 {
            %broadcast_in_dim3A_1023 = arith.constant 0 : i32
            %broadcast_in_dim3A_1024 = vector.broadcast %broadcast_in_dim3A_1023 : i32 to vector<16xi32>
            %add3A_1025 = vector.broadcast %scan3A_1022 : i32 to vector<16xi32>
            %add3A_1026 = arith.addi %broadcast_in_dim3A_1024, %add3A_1025 : vector<16xi32>
            %scatter3A = arith.constant 0 : i32
            %scatter3A_1027 = arith.constant 0 : i32
            %scatter3A_1028 = tpu.memref_slice %arg6[%cond3A_664, %scatter3A, %scatter3A_1027] : memref<5x160x128xf32, #tpu.memory_space<vmem>> -> memref<1x160x128xf32, #tpu.memory_space<vmem>>
            %scatter3A_1029 = tpu.memref_squeeze %scatter3A_1028 : memref<1x160x128xf32, #tpu.memory_space<vmem>> -> memref<160x128xf32, #tpu.memory_space<vmem>>
            tpu.vector_store_idx %scatter3A_1029[%add3A_874, %add3A_1026], %broadcast_in_dim3A_827 masked %eq3A_870 : memref<160x128xf32, #tpu.memory_space<vmem>>[vector<16xi32>, vector<16xi32>], vector<16xf32>, vector<16xi1>
          }
          %scan3A_1021 = arith.constant 128 : i32
        } else {
        }
        %add3A_883 = arith.constant 48 : i32
        %add3A_884 = arith.addi %mul3A_572, %add3A_883 : i32
        %get3A_885 = arith.index_cast %add3A_884 : i32 to index
        %get3A_886 = tpu.vector_load %arg5[%get3A_885] {strides = array<i32>} : memref<25600xi32, #tpu.memory_space<vmem>>, vector<16xi32>,
        %eq3A_887 = arith.constant 0 : i32
        %eq3A_888 = vector.broadcast %eq3A_887 : i32 to vector<16xi32>
        %eq3A_889 = arith.cmpi eq, %get3A_886, %eq3A_888 : vector<16xi32>
        %iota3A_890 = tpu.iota {dimensions = array<i32: 0>} : vector<16xi32>
        %add3A_891 = arith.constant 48 : i32
        %add3A_892 = vector.broadcast %add3A_891 : i32 to vector<16xi32>
        %add3A_893 = arith.addi %iota3A_890, %add3A_892 : vector<16xi32>
        %all_reduce_population_count3A_894 = tpu.all_reduce %eq3A_889 {dim = 0 : i64, kind = #tpu.reduction_kind<sum>} : vector<16xi1> -> vector<16xi32>
        %slice3A_895 = vector.extract_strided_slice %all_reduce_population_count3A_894 {offsets = [0], sizes = [1], strides = [1]} : vector<16xi32> to vector<1xi32>
        %squeeze3A_896 = vector.extract %slice3A_895[0] : i32 from vector<1xi32>
        %gt3A_897 = arith.constant 0 : i32
        %gt3A_898 = arith.cmpi sgt, %squeeze3A_896, %gt3A_897 : i32
        %convert_element_type3A_899 = arith.extui %gt3A_898 : i1 to i32
        %cond3A_900 = arith.constant 0 : i32
        %cond3A_901 = arith.cmpi ne, %convert_element_type3A_899, %cond3A_900 : i32
        scf.if %cond3A_901 {
          %scan3A_1016 = arith.constant 0 : i32
          %scan3A_1017 = arith.constant 0 : i32
          %scan3A_1018 = arith.constant 128 : i32
          %scan3A_1019 = arith.addi %scan3A_1017, %scan3A_1018 : i32
          %scan3A_1020 = arith.constant 1 : i32
          scf.for %scan3A_1022 = %scan3A_1017 to %scan3A_1019 step %scan3A_1020  : i32 {
            %broadcast_in_dim3A_1023 = arith.constant 0 : i32
            %broadcast_in_dim3A_1024 = vector.broadcast %broadcast_in_dim3A_1023 : i32 to vector<16xi32>
            %add3A_1025 = vector.broadcast %scan3A_1022 : i32 to vector<16xi32>
            %add3A_1026 = arith.addi %broadcast_in_dim3A_1024, %add3A_1025 : vector<16xi32>
            %scatter3A = arith.constant 0 : i32
            %scatter3A_1027 = arith.constant 0 : i32
            %scatter3A_1028 = tpu.memref_slice %arg6[%cond3A_664, %scatter3A, %scatter3A_1027] : memref<5x160x128xf32, #tpu.memory_space<vmem>> -> memref<1x160x128xf32, #tpu.memory_space<vmem>>
            %scatter3A_1029 = tpu.memref_squeeze %scatter3A_1028 : memref<1x160x128xf32, #tpu.memory_space<vmem>> -> memref<160x128xf32, #tpu.memory_space<vmem>>
            tpu.vector_store_idx %scatter3A_1029[%add3A_893, %add3A_1026], %broadcast_in_dim3A_827 masked %eq3A_889 : memref<160x128xf32, #tpu.memory_space<vmem>>[vector<16xi32>, vector<16xi32>], vector<16xf32>, vector<16xi1>
          }
          %scan3A_1021 = arith.constant 128 : i32
        } else {
        }
        %add3A_902 = arith.constant 64 : i32
        %add3A_903 = arith.addi %mul3A_572, %add3A_902 : i32
        %get3A_904 = arith.index_cast %add3A_903 : i32 to index
        %get3A_905 = tpu.vector_load %arg5[%get3A_904] {strides = array<i32>} : memref<25600xi32, #tpu.memory_space<vmem>>, vector<16xi32>,
        %eq3A_906 = arith.constant 0 : i32
        %eq3A_907 = vector.broadcast %eq3A_906 : i32 to vector<16xi32>
        %eq3A_908 = arith.cmpi eq, %get3A_905, %eq3A_907 : vector<16xi32>
        %iota3A_909 = tpu.iota {dimensions = array<i32: 0>} : vector<16xi32>
        %add3A_910 = arith.constant 64 : i32
        %add3A_911 = vector.broadcast %add3A_910 : i32 to vector<16xi32>
        %add3A_912 = arith.addi %iota3A_909, %add3A_911 : vector<16xi32>
        %all_reduce_population_count3A_913 = tpu.all_reduce %eq3A_908 {dim = 0 : i64, kind = #tpu.reduction_kind<sum>} : vector<16xi1> -> vector<16xi32>
        %slice3A_914 = vector.extract_strided_slice %all_reduce_population_count3A_913 {offsets = [0], sizes = [1], strides = [1]} : vector<16xi32> to vector<1xi32>
        %squeeze3A_915 = vector.extract %slice3A_914[0] : i32 from vector<1xi32>
        %gt3A_916 = arith.constant 0 : i32
        %gt3A_917 = arith.cmpi sgt, %squeeze3A_915, %gt3A_916 : i32
        %convert_element_type3A_918 = arith.extui %gt3A_917 : i1 to i32
        %cond3A_919 = arith.constant 0 : i32
        %cond3A_920 = arith.cmpi ne, %convert_element_type3A_918, %cond3A_919 : i32
        scf.if %cond3A_920 {
          %scan3A_1016 = arith.constant 0 : i32
          %scan3A_1017 = arith.constant 0 : i32
          %scan3A_1018 = arith.constant 128 : i32
          %scan3A_1019 = arith.addi %scan3A_1017, %scan3A_1018 : i32
          %scan3A_1020 = arith.constant 1 : i32
          scf.for %scan3A_1022 = %scan3A_1017 to %scan3A_1019 step %scan3A_1020  : i32 {
            %broadcast_in_dim3A_1023 = arith.constant 0 : i32
            %broadcast_in_dim3A_1024 = vector.broadcast %broadcast_in_dim3A_1023 : i32 to vector<16xi32>
            %add3A_1025 = vector.broadcast %scan3A_1022 : i32 to vector<16xi32>
            %add3A_1026 = arith.addi %broadcast_in_dim3A_1024, %add3A_1025 : vector<16xi32>
            %scatter3A = arith.constant 0 : i32
            %scatter3A_1027 = arith.constant 0 : i32
            %scatter3A_1028 = tpu.memref_slice %arg6[%cond3A_664, %scatter3A, %scatter3A_1027] : memref<5x160x128xf32, #tpu.memory_space<vmem>> -> memref<1x160x128xf32, #tpu.memory_space<vmem>>
            %scatter3A_1029 = tpu.memref_squeeze %scatter3A_1028 : memref<1x160x128xf32, #tpu.memory_space<vmem>> -> memref<160x128xf32, #tpu.memory_space<vmem>>
            tpu.vector_store_idx %scatter3A_1029[%add3A_912, %add3A_1026], %broadcast_in_dim3A_827 masked %eq3A_908 : memref<160x128xf32, #tpu.memory_space<vmem>>[vector<16xi32>, vector<16xi32>], vector<16xf32>, vector<16xi1>
          }
          %scan3A_1021 = arith.constant 128 : i32
        } else {
        }
        %add3A_921 = arith.constant 80 : i32
        %add3A_922 = arith.addi %mul3A_572, %add3A_921 : i32
        %get3A_923 = arith.index_cast %add3A_922 : i32 to index
        %get3A_924 = tpu.vector_load %arg5[%get3A_923] {strides = array<i32>} : memref<25600xi32, #tpu.memory_space<vmem>>, vector<16xi32>,
        %eq3A_925 = arith.constant 0 : i32
        %eq3A_926 = vector.broadcast %eq3A_925 : i32 to vector<16xi32>
        %eq3A_927 = arith.cmpi eq, %get3A_924, %eq3A_926 : vector<16xi32>
        %iota3A_928 = tpu.iota {dimensions = array<i32: 0>} : vector<16xi32>
        %add3A_929 = arith.constant 80 : i32
        %add3A_930 = vector.broadcast %add3A_929 : i32 to vector<16xi32>
        %add3A_931 = arith.addi %iota3A_928, %add3A_930 : vector<16xi32>
        %all_reduce_population_count3A_932 = tpu.all_reduce %eq3A_927 {dim = 0 : i64, kind = #tpu.reduction_kind<sum>} : vector<16xi1> -> vector<16xi32>
        %slice3A_933 = vector.extract_strided_slice %all_reduce_population_count3A_932 {offsets = [0], sizes = [1], strides = [1]} : vector<16xi32> to vector<1xi32>
        %squeeze3A_934 = vector.extract %slice3A_933[0] : i32 from vector<1xi32>
        %gt3A_935 = arith.constant 0 : i32
        %gt3A_936 = arith.cmpi sgt, %squeeze3A_934, %gt3A_935 : i32
        %convert_element_type3A_937 = arith.extui %gt3A_936 : i1 to i32
        %cond3A_938 = arith.constant 0 : i32
        %cond3A_939 = arith.cmpi ne, %convert_element_type3A_937, %cond3A_938 : i32
        scf.if %cond3A_939 {
          %scan3A_1016 = arith.constant 0 : i32
          %scan3A_1017 = arith.constant 0 : i32
          %scan3A_1018 = arith.constant 128 : i32
          %scan3A_1019 = arith.addi %scan3A_1017, %scan3A_1018 : i32
          %scan3A_1020 = arith.constant 1 : i32
          scf.for %scan3A_1022 = %scan3A_1017 to %scan3A_1019 step %scan3A_1020  : i32 {
            %broadcast_in_dim3A_1023 = arith.constant 0 : i32
            %broadcast_in_dim3A_1024 = vector.broadcast %broadcast_in_dim3A_1023 : i32 to vector<16xi32>
            %add3A_1025 = vector.broadcast %scan3A_1022 : i32 to vector<16xi32>
            %add3A_1026 = arith.addi %broadcast_in_dim3A_1024, %add3A_1025 : vector<16xi32>
            %scatter3A = arith.constant 0 : i32
            %scatter3A_1027 = arith.constant 0 : i32
            %scatter3A_1028 = tpu.memref_slice %arg6[%cond3A_664, %scatter3A, %scatter3A_1027] : memref<5x160x128xf32, #tpu.memory_space<vmem>> -> memref<1x160x128xf32, #tpu.memory_space<vmem>>
            %scatter3A_1029 = tpu.memref_squeeze %scatter3A_1028 : memref<1x160x128xf32, #tpu.memory_space<vmem>> -> memref<160x128xf32, #tpu.memory_space<vmem>>
            tpu.vector_store_idx %scatter3A_1029[%add3A_931, %add3A_1026], %broadcast_in_dim3A_827 masked %eq3A_927 : memref<160x128xf32, #tpu.memory_space<vmem>>[vector<16xi32>, vector<16xi32>], vector<16xf32>, vector<16xi1>
          }
          %scan3A_1021 = arith.constant 128 : i32
        } else {
        }
        %add3A_940 = arith.constant 96 : i32
        %add3A_941 = arith.addi %mul3A_572, %add3A_940 : i32
        %get3A_942 = arith.index_cast %add3A_941 : i32 to index
        %get3A_943 = tpu.vector_load %arg5[%get3A_942] {strides = array<i32>} : memref<25600xi32, #tpu.memory_space<vmem>>, vector<16xi32>,
        %eq3A_944 = arith.constant 0 : i32
        %eq3A_945 = vector.broadcast %eq3A_944 : i32 to vector<16xi32>
        %eq3A_946 = arith.cmpi eq, %get3A_943, %eq3A_945 : vector<16xi32>
        %iota3A_947 = tpu.iota {dimensions = array<i32: 0>} : vector<16xi32>
        %add3A_948 = arith.constant 96 : i32
        %add3A_949 = vector.broadcast %add3A_948 : i32 to vector<16xi32>
        %add3A_950 = arith.addi %iota3A_947, %add3A_949 : vector<16xi32>
        %all_reduce_population_count3A_951 = tpu.all_reduce %eq3A_946 {dim = 0 : i64, kind = #tpu.reduction_kind<sum>} : vector<16xi1> -> vector<16xi32>
        %slice3A_952 = vector.extract_strided_slice %all_reduce_population_count3A_951 {offsets = [0], sizes = [1], strides = [1]} : vector<16xi32> to vector<1xi32>
        %squeeze3A_953 = vector.extract %slice3A_952[0] : i32 from vector<1xi32>
        %gt3A_954 = arith.constant 0 : i32
        %gt3A_955 = arith.cmpi sgt, %squeeze3A_953, %gt3A_954 : i32
        %convert_element_type3A_956 = arith.extui %gt3A_955 : i1 to i32
        %cond3A_957 = arith.constant 0 : i32
        %cond3A_958 = arith.cmpi ne, %convert_element_type3A_956, %cond3A_957 : i32
        scf.if %cond3A_958 {
          %scan3A_1016 = arith.constant 0 : i32
          %scan3A_1017 = arith.constant 0 : i32
          %scan3A_1018 = arith.constant 128 : i32
          %scan3A_1019 = arith.addi %scan3A_1017, %scan3A_1018 : i32
          %scan3A_1020 = arith.constant 1 : i32
          scf.for %scan3A_1022 = %scan3A_1017 to %scan3A_1019 step %scan3A_1020  : i32 {
            %broadcast_in_dim3A_1023 = arith.constant 0 : i32
            %broadcast_in_dim3A_1024 = vector.broadcast %broadcast_in_dim3A_1023 : i32 to vector<16xi32>
            %add3A_1025 = vector.broadcast %scan3A_1022 : i32 to vector<16xi32>
            %add3A_1026 = arith.addi %broadcast_in_dim3A_1024, %add3A_1025 : vector<16xi32>
            %scatter3A = arith.constant 0 : i32
            %scatter3A_1027 = arith.constant 0 : i32
            %scatter3A_1028 = tpu.memref_slice %arg6[%cond3A_664, %scatter3A, %scatter3A_1027] : memref<5x160x128xf32, #tpu.memory_space<vmem>> -> memref<1x160x128xf32, #tpu.memory_space<vmem>>
            %scatter3A_1029 = tpu.memref_squeeze %scatter3A_1028 : memref<1x160x128xf32, #tpu.memory_space<vmem>> -> memref<160x128xf32, #tpu.memory_space<vmem>>
            tpu.vector_store_idx %scatter3A_1029[%add3A_950, %add3A_1026], %broadcast_in_dim3A_827 masked %eq3A_946 : memref<160x128xf32, #tpu.memory_space<vmem>>[vector<16xi32>, vector<16xi32>], vector<16xf32>, vector<16xi1>
          }
          %scan3A_1021 = arith.constant 128 : i32
        } else {
        }
        %add3A_959 = arith.constant 112 : i32
        %add3A_960 = arith.addi %mul3A_572, %add3A_959 : i32
        %get3A_961 = arith.index_cast %add3A_960 : i32 to index
        %get3A_962 = tpu.vector_load %arg5[%get3A_961] {strides = array<i32>} : memref<25600xi32, #tpu.memory_space<vmem>>, vector<16xi32>,
        %eq3A_963 = arith.constant 0 : i32
        %eq3A_964 = vector.broadcast %eq3A_963 : i32 to vector<16xi32>
        %eq3A_965 = arith.cmpi eq, %get3A_962, %eq3A_964 : vector<16xi32>
        %iota3A_966 = tpu.iota {dimensions = array<i32: 0>} : vector<16xi32>
        %add3A_967 = arith.constant 112 : i32
        %add3A_968 = vector.broadcast %add3A_967 : i32 to vector<16xi32>
        %add3A_969 = arith.addi %iota3A_966, %add3A_968 : vector<16xi32>
        %all_reduce_population_count3A_970 = tpu.all_reduce %eq3A_965 {dim = 0 : i64, kind = #tpu.reduction_kind<sum>} : vector<16xi1> -> vector<16xi32>
        %slice3A_971 = vector.extract_strided_slice %all_reduce_population_count3A_970 {offsets = [0], sizes = [1], strides = [1]} : vector<16xi32> to vector<1xi32>
        %squeeze3A_972 = vector.extract %slice3A_971[0] : i32 from vector<1xi32>
        %gt3A_973 = arith.constant 0 : i32
        %gt3A_974 = arith.cmpi sgt, %squeeze3A_972, %gt3A_973 : i32
        %convert_element_type3A_975 = arith.extui %gt3A_974 : i1 to i32
        %cond3A_976 = arith.constant 0 : i32
        %cond3A_977 = arith.cmpi ne, %convert_element_type3A_975, %cond3A_976 : i32
        scf.if %cond3A_977 {
          %scan3A_1016 = arith.constant 0 : i32
          %scan3A_1017 = arith.constant 0 : i32
          %scan3A_1018 = arith.constant 128 : i32
          %scan3A_1019 = arith.addi %scan3A_1017, %scan3A_1018 : i32
          %scan3A_1020 = arith.constant 1 : i32
          scf.for %scan3A_1022 = %scan3A_1017 to %scan3A_1019 step %scan3A_1020  : i32 {
            %broadcast_in_dim3A_1023 = arith.constant 0 : i32
            %broadcast_in_dim3A_1024 = vector.broadcast %broadcast_in_dim3A_1023 : i32 to vector<16xi32>
            %add3A_1025 = vector.broadcast %scan3A_1022 : i32 to vector<16xi32>
            %add3A_1026 = arith.addi %broadcast_in_dim3A_1024, %add3A_1025 : vector<16xi32>
            %scatter3A = arith.constant 0 : i32
            %scatter3A_1027 = arith.constant 0 : i32
            %scatter3A_1028 = tpu.memref_slice %arg6[%cond3A_664, %scatter3A, %scatter3A_1027] : memref<5x160x128xf32, #tpu.memory_space<vmem>> -> memref<1x160x128xf32, #tpu.memory_space<vmem>>
            %scatter3A_1029 = tpu.memref_squeeze %scatter3A_1028 : memref<1x160x128xf32, #tpu.memory_space<vmem>> -> memref<160x128xf32, #tpu.memory_space<vmem>>
            tpu.vector_store_idx %scatter3A_1029[%add3A_969, %add3A_1026], %broadcast_in_dim3A_827 masked %eq3A_965 : memref<160x128xf32, #tpu.memory_space<vmem>>[vector<16xi32>, vector<16xi32>], vector<16xf32>, vector<16xi1>
          }
          %scan3A_1021 = arith.constant 128 : i32
        } else {
        }
        %add3A_978 = arith.constant 128 : i32
        %add3A_979 = arith.addi %mul3A_572, %add3A_978 : i32
        %get3A_980 = arith.index_cast %add3A_979 : i32 to index
        %get3A_981 = tpu.vector_load %arg5[%get3A_980] {strides = array<i32>} : memref<25600xi32, #tpu.memory_space<vmem>>, vector<16xi32>,
        %eq3A_982 = arith.constant 0 : i32
        %eq3A_983 = vector.broadcast %eq3A_982 : i32 to vector<16xi32>
        %eq3A_984 = arith.cmpi eq, %get3A_981, %eq3A_983 : vector<16xi32>
        %iota3A_985 = tpu.iota {dimensions = array<i32: 0>} : vector<16xi32>
        %add3A_986 = arith.constant 128 : i32
        %add3A_987 = vector.broadcast %add3A_986 : i32 to vector<16xi32>
        %add3A_988 = arith.addi %iota3A_985, %add3A_987 : vector<16xi32>
        %all_reduce_population_count3A_989 = tpu.all_reduce %eq3A_984 {dim = 0 : i64, kind = #tpu.reduction_kind<sum>} : vector<16xi1> -> vector<16xi32>
        %slice3A_990 = vector.extract_strided_slice %all_reduce_population_count3A_989 {offsets = [0], sizes = [1], strides = [1]} : vector<16xi32> to vector<1xi32>
        %squeeze3A_991 = vector.extract %slice3A_990[0] : i32 from vector<1xi32>
        %gt3A_992 = arith.constant 0 : i32
        %gt3A_993 = arith.cmpi sgt, %squeeze3A_991, %gt3A_992 : i32
        %convert_element_type3A_994 = arith.extui %gt3A_993 : i1 to i32
        %cond3A_995 = arith.constant 0 : i32
        %cond3A_996 = arith.cmpi ne, %convert_element_type3A_994, %cond3A_995 : i32
        scf.if %cond3A_996 {
          %scan3A_1016 = arith.constant 0 : i32
          %scan3A_1017 = arith.constant 0 : i32
          %scan3A_1018 = arith.constant 128 : i32
          %scan3A_1019 = arith.addi %scan3A_1017, %scan3A_1018 : i32
          %scan3A_1020 = arith.constant 1 : i32
          scf.for %scan3A_1022 = %scan3A_1017 to %scan3A_1019 step %scan3A_1020  : i32 {
            %broadcast_in_dim3A_1023 = arith.constant 0 : i32
            %broadcast_in_dim3A_1024 = vector.broadcast %broadcast_in_dim3A_1023 : i32 to vector<16xi32>
            %add3A_1025 = vector.broadcast %scan3A_1022 : i32 to vector<16xi32>
            %add3A_1026 = arith.addi %broadcast_in_dim3A_1024, %add3A_1025 : vector<16xi32>
            %scatter3A = arith.constant 0 : i32
            %scatter3A_1027 = arith.constant 0 : i32
            %scatter3A_1028 = tpu.memref_slice %arg6[%cond3A_664, %scatter3A, %scatter3A_1027] : memref<5x160x128xf32, #tpu.memory_space<vmem>> -> memref<1x160x128xf32, #tpu.memory_space<vmem>>
            %scatter3A_1029 = tpu.memref_squeeze %scatter3A_1028 : memref<1x160x128xf32, #tpu.memory_space<vmem>> -> memref<160x128xf32, #tpu.memory_space<vmem>>
            tpu.vector_store_idx %scatter3A_1029[%add3A_988, %add3A_1026], %broadcast_in_dim3A_827 masked %eq3A_984 : memref<160x128xf32, #tpu.memory_space<vmem>>[vector<16xi32>, vector<16xi32>], vector<16xf32>, vector<16xi1>
          }
          %scan3A_1021 = arith.constant 128 : i32
        } else {
        }
        %add3A_997 = arith.constant 144 : i32
        %add3A_998 = arith.addi %mul3A_572, %add3A_997 : i32
        %get3A_999 = arith.index_cast %add3A_998 : i32 to index
        %get3A_1000 = tpu.vector_load %arg5[%get3A_999] {strides = array<i32>} : memref<25600xi32, #tpu.memory_space<vmem>>, vector<16xi32>,
        %eq3A_1001 = arith.constant 0 : i32
        %eq3A_1002 = vector.broadcast %eq3A_1001 : i32 to vector<16xi32>
        %eq3A_1003 = arith.cmpi eq, %get3A_1000, %eq3A_1002 : vector<16xi32>
        %iota3A_1004 = tpu.iota {dimensions = array<i32: 0>} : vector<16xi32>
        %add3A_1005 = arith.constant 144 : i32
        %add3A_1006 = vector.broadcast %add3A_1005 : i32 to vector<16xi32>
        %add3A_1007 = arith.addi %iota3A_1004, %add3A_1006 : vector<16xi32>
        %all_reduce_population_count3A_1008 = tpu.all_reduce %eq3A_1003 {dim = 0 : i64, kind = #tpu.reduction_kind<sum>} : vector<16xi1> -> vector<16xi32>
        %slice3A_1009 = vector.extract_strided_slice %all_reduce_population_count3A_1008 {offsets = [0], sizes = [1], strides = [1]} : vector<16xi32> to vector<1xi32>
        %squeeze3A_1010 = vector.extract %slice3A_1009[0] : i32 from vector<1xi32>
        %gt3A_1011 = arith.constant 0 : i32
        %gt3A_1012 = arith.cmpi sgt, %squeeze3A_1010, %gt3A_1011 : i32
        %convert_element_type3A_1013 = arith.extui %gt3A_1012 : i1 to i32
        %cond3A_1014 = arith.constant 0 : i32
        %cond3A_1015 = arith.cmpi ne, %convert_element_type3A_1013, %cond3A_1014 : i32
        scf.if %cond3A_1015 {
          %scan3A_1016 = arith.constant 0 : i32
          %scan3A_1017 = arith.constant 0 : i32
          %scan3A_1018 = arith.constant 128 : i32
          %scan3A_1019 = arith.addi %scan3A_1017, %scan3A_1018 : i32
          %scan3A_1020 = arith.constant 1 : i32
          scf.for %scan3A_1022 = %scan3A_1017 to %scan3A_1019 step %scan3A_1020  : i32 {
            %broadcast_in_dim3A_1023 = arith.constant 0 : i32
            %broadcast_in_dim3A_1024 = vector.broadcast %broadcast_in_dim3A_1023 : i32 to vector<16xi32>
            %add3A_1025 = vector.broadcast %scan3A_1022 : i32 to vector<16xi32>
            %add3A_1026 = arith.addi %broadcast_in_dim3A_1024, %add3A_1025 : vector<16xi32>
            %scatter3A = arith.constant 0 : i32
            %scatter3A_1027 = arith.constant 0 : i32
            %scatter3A_1028 = tpu.memref_slice %arg6[%cond3A_664, %scatter3A, %scatter3A_1027] : memref<5x160x128xf32, #tpu.memory_space<vmem>> -> memref<1x160x128xf32, #tpu.memory_space<vmem>>
            %scatter3A_1029 = tpu.memref_squeeze %scatter3A_1028 : memref<1x160x128xf32, #tpu.memory_space<vmem>> -> memref<160x128xf32, #tpu.memory_space<vmem>>
            tpu.vector_store_idx %scatter3A_1029[%add3A_1007, %add3A_1026], %broadcast_in_dim3A_827 masked %eq3A_1003 : memref<160x128xf32, #tpu.memory_space<vmem>>[vector<16xi32>, vector<16xi32>], vector<16xf32>, vector<16xi1>
          }
          %scan3A_1021 = arith.constant 128 : i32
        } else {
        }
      } else {
      }
      %mul3A_667 = arith.constant 160 : i32
      %mul3A_668 = arith.muli %add3A_549, %mul3A_667 : i32
      %add3A_669 = arith.addi %mul3A_2, %mul3A_668 : i32
      %dma_start3A_670 = arith.constant 3 : i32
      %dma_start3A_671 = arith.constant 3 : i32
      %dma_start3A_672 = arith.constant 0 : i32
      %dma_start3A_673 = arith.constant 0 : i32
      %dma_start3A_674 = tpu.memref_slice %arg6[%dma_start3A_670, %dma_start3A_672, %dma_start3A_673] : memref<5x160x128xf32, #tpu.memory_space<vmem>> -> memref<1x160x128xf32, #tpu.memory_space<vmem>>
      %dma_start3A_675 = tpu.memref_squeeze %dma_start3A_674 : memref<1x160x128xf32, #tpu.memory_space<vmem>> -> memref<160x128xf32, #tpu.memory_space<vmem>>
      %dma_start3A_676 = arith.constant 0 : i32
      %dma_start3A_677 = tpu.memref_slice %arg4[%add3A_669, %dma_start3A_676] : memref<819200x128xf32, #tpu.memory_space<hbm>> -> memref<160x128xf32, #tpu.memory_space<hbm>>
      %dma_start3A_678 = tpu.memref_slice %arg8[%dma_start3A_671] : memref<5x!tpu.dma_semaphore, #tpu.memory_space<semaphore_mem>> -> memref<1x!tpu.dma_semaphore, #tpu.memory_space<semaphore_mem>>
      %dma_start3A_679 = tpu.memref_squeeze %dma_start3A_678 : memref<1x!tpu.dma_semaphore, #tpu.memory_space<semaphore_mem>> -> memref<!tpu.dma_semaphore, #tpu.memory_space<semaphore_mem>>
      %dma_start3A_680 = arith.constant 0 : i32
      %dma_start3A_681 = tpu.memref_slice %arg4[%add3A_669, %dma_start3A_680] : memref<819200x128xf32, #tpu.memory_space<hbm>> -> memref<160x128xf32, #tpu.memory_space<hbm>>
      %dma_start3A_682 = arith.constant 0 : i32
      %dma_start3A_683 = arith.constant 0 : i32
      %dma_start3A_684 = tpu.memref_slice %arg6[%dma_start3A_670, %dma_start3A_682, %dma_start3A_683] : memref<5x160x128xf32, #tpu.memory_space<vmem>> -> memref<1x160x128xf32, #tpu.memory_space<vmem>>
      %dma_start3A_685 = tpu.memref_squeeze %dma_start3A_684 : memref<1x160x128xf32, #tpu.memory_space<vmem>> -> memref<160x128xf32, #tpu.memory_space<vmem>>
      tpu.enqueue_dma source(%dma_start3A_685 : memref<160x128xf32, #tpu.memory_space<vmem>>) target(%dma_start3A_681 : memref<160x128xf32, #tpu.memory_space<hbm>>) target_semaphore(%dma_start3A_679 : memref<!tpu.dma_semaphore, #tpu.memory_space<semaphore_mem>>)
      %mul3A_686 = arith.constant 5 : i32
      %mul3A_687 = arith.muli %mul3A_686, %scan3A_135 : i32
      %add3A_688 = arith.constant 4 : i32
      %add3A_689 = arith.addi %mul3A_687, %add3A_688 : i32
      %add3A_690 = arith.constant 3 : i32
      %add3A_691 = arith.addi %add3A_689, %add3A_690 : i32
      %lt3A_692 = arith.constant 160 : i32
      %lt3A_693 = arith.cmpi slt, %add3A_691, %lt3A_692 : i32
      %convert_element_type3A_694 = arith.extui %lt3A_693 : i1 to i32
      %cond3A_695 = arith.constant 0 : i32
      %cond3A_696 = arith.cmpi ne, %convert_element_type3A_694, %cond3A_695 : i32
      scf.if %cond3A_696 {
        %ge3A = arith.constant 5 : i32
        %ge3A_826 = arith.cmpi sge, %add3A_691, %ge3A : i32
        %convert_element_type3A_827 = arith.extui %ge3A_826 : i1 to i32
        %cond3A_828 = arith.constant 0 : i32
        %cond3A_829 = arith.cmpi ne, %convert_element_type3A_827, %cond3A_828 : i32
        scf.if %cond3A_829 {
          %sub3A = arith.constant 5 : i32
          %sub3A_844 = arith.subi %add3A_691, %sub3A : i32
          %mul3A_845 = arith.constant 160 : i32
          %mul3A_846 = arith.muli %sub3A_844, %mul3A_845 : i32
          %add3A_847 = arith.addi %mul3A_2, %mul3A_846 : i32
          %dma_wait3A_848 = arith.constant 2 : i32
          %dma_wait3A_849 = arith.constant 2 : i32
          %dma_wait3A_850 = arith.constant 0 : i32
          %dma_wait3A_851 = arith.constant 0 : i32
          %dma_wait3A_852 = tpu.memref_slice %arg6[%dma_wait3A_848, %dma_wait3A_850, %dma_wait3A_851] : memref<5x160x128xf32, #tpu.memory_space<vmem>> -> memref<1x160x128xf32, #tpu.memory_space<vmem>>
          %dma_wait3A_853 = tpu.memref_squeeze %dma_wait3A_852 : memref<1x160x128xf32, #tpu.memory_space<vmem>> -> memref<160x128xf32, #tpu.memory_space<vmem>>
          %dma_wait3A_854 = arith.constant 0 : i32
          %dma_wait3A_855 = tpu.memref_slice %arg4[%add3A_847, %dma_wait3A_854] : memref<819200x128xf32, #tpu.memory_space<hbm>> -> memref<160x128xf32, #tpu.memory_space<hbm>>
          %dma_wait3A_856 = tpu.memref_slice %arg8[%dma_wait3A_849] : memref<5x!tpu.dma_semaphore, #tpu.memory_space<semaphore_mem>> -> memref<1x!tpu.dma_semaphore, #tpu.memory_space<semaphore_mem>>
          %dma_wait3A_857 = tpu.memref_squeeze %dma_wait3A_856 : memref<1x!tpu.dma_semaphore, #tpu.memory_space<semaphore_mem>> -> memref<!tpu.dma_semaphore, #tpu.memory_space<semaphore_mem>>
          %dma_wait3A_858 = arith.constant 0 : i32
          %dma_wait3A_859 = tpu.memref_slice %arg4[%add3A_847, %dma_wait3A_858] : memref<819200x128xf32, #tpu.memory_space<hbm>> -> memref<160x128xf32, #tpu.memory_space<hbm>>
          %dma_wait3A_860 = arith.constant 0 : i32
          %dma_wait3A_861 = arith.constant 0 : i32
          %dma_wait3A_862 = tpu.memref_slice %arg6[%dma_wait3A_848, %dma_wait3A_860, %dma_wait3A_861] : memref<5x160x128xf32, #tpu.memory_space<vmem>> -> memref<1x160x128xf32, #tpu.memory_space<vmem>>
          %dma_wait3A_863 = tpu.memref_squeeze %dma_wait3A_862 : memref<1x160x128xf32, #tpu.memory_space<vmem>> -> memref<160x128xf32, #tpu.memory_space<vmem>>
          tpu.wait_dma2 semaphore(%dma_wait3A_857 : memref<!tpu.dma_semaphore, #tpu.memory_space<semaphore_mem>>) src(%dma_wait3A_863 : memref<160x128xf32, #tpu.memory_space<vmem>>) dst(%dma_wait3A_859 : memref<160x128xf32, #tpu.memory_space<hbm>>)
        } else {
        }
        %mul3A_830 = arith.constant 160 : i32
        %mul3A_831 = arith.muli %add3A_691, %mul3A_830 : i32
        %dma_start3A_832 = arith.constant 2 : i32
        %dma_start3A_833 = arith.constant 2 : i32
        %dma_start3A_834 = arith.constant 0 : i32
        %dma_start3A_835 = arith.constant 0 : i32
        %dma_start3A_836 = tpu.memref_slice %arg6[%dma_start3A_832, %dma_start3A_834, %dma_start3A_835] : memref<5x160x128xf32, #tpu.memory_space<vmem>> -> memref<1x160x128xf32, #tpu.memory_space<vmem>>
        %dma_start3A_837 = tpu.memref_squeeze %dma_start3A_836 : memref<1x160x128xf32, #tpu.memory_space<vmem>> -> memref<160x128xf32, #tpu.memory_space<vmem>>
        %dma_start3A_838 = tpu.memref_slice %arg5[%mul3A_831] : memref<25600xi32, #tpu.memory_space<vmem>> -> memref<160xi32, #tpu.memory_space<vmem>>
        %dma_start3A_839 = arith.constant 0 : i32
        %dma_start3A_840 = arith.constant 0 : i32
        %dma_start3A_841 = tpu.memref_slice %arg3[%dma_start3A_839, %dma_start3A_840] : memref<100000x128xf32, #tpu.memory_space<hbm>> -> memref<100000x128xf32, #tpu.memory_space<hbm>>
        %dma_start3A_842 = tpu.memref_slice %arg7[%dma_start3A_833] : memref<5x!tpu.dma_semaphore, #tpu.memory_space<semaphore_mem>> -> memref<1x!tpu.dma_semaphore, #tpu.memory_space<semaphore_mem>>
        %dma_start3A_843 = tpu.memref_squeeze %dma_start3A_842 : memref<1x!tpu.dma_semaphore, #tpu.memory_space<semaphore_mem>> -> memref<!tpu.dma_semaphore, #tpu.memory_space<semaphore_mem>>
        tpu.enqueue_indirect_dma source(%dma_start3A_841 : memref<100000x128xf32, #tpu.memory_space<hbm>>) target(%dma_start3A_837 : memref<160x128xf32, #tpu.memory_space<vmem>>) offsets(%dma_start3A_838 : memref<160xi32, #tpu.memory_space<vmem>>) semaphore(%dma_start3A_843 : memref<!tpu.dma_semaphore, #tpu.memory_space<semaphore_mem>>)
      } else {
      }
      %mul3A_697 = arith.constant 160 : i32
      %mul3A_698 = arith.muli %add3A_689, %mul3A_697 : i32
      %dma_wait3A_699 = arith.constant 4 : i32
      %dma_wait3A_700 = arith.constant 4 : i32
      %dma_wait3A_701 = arith.constant 0 : i32
      %dma_wait3A_702 = arith.constant 0 : i32
      %dma_wait3A_703 = tpu.memref_slice %arg6[%dma_wait3A_699, %dma_wait3A_701, %dma_wait3A_702] : memref<5x160x128xf32, #tpu.memory_space<vmem>> -> memref<1x160x128xf32, #tpu.memory_space<vmem>>
      %dma_wait3A_704 = tpu.memref_squeeze %dma_wait3A_703 : memref<1x160x128xf32, #tpu.memory_space<vmem>> -> memref<160x128xf32, #tpu.memory_space<vmem>>
      %dma_wait3A_705 = tpu.memref_slice %arg5[%mul3A_698] : memref<25600xi32, #tpu.memory_space<vmem>> -> memref<160xi32, #tpu.memory_space<vmem>>
      %dma_wait3A_706 = arith.constant 0 : i32
      %dma_wait3A_707 = arith.constant 0 : i32
      %dma_wait3A_708 = tpu.memref_slice %arg3[%dma_wait3A_706, %dma_wait3A_707] : memref<100000x128xf32, #tpu.memory_space<hbm>> -> memref<100000x128xf32, #tpu.memory_space<hbm>>
      %dma_wait3A_709 = tpu.memref_slice %arg7[%dma_wait3A_700] : memref<5x!tpu.dma_semaphore, #tpu.memory_space<semaphore_mem>> -> memref<1x!tpu.dma_semaphore, #tpu.memory_space<semaphore_mem>>
      %dma_wait3A_710 = tpu.memref_squeeze %dma_wait3A_709 : memref<1x!tpu.dma_semaphore, #tpu.memory_space<semaphore_mem>> -> memref<!tpu.dma_semaphore, #tpu.memory_space<semaphore_mem>>
      tpu.wait_indirect_dma semaphore(%dma_wait3A_710 : memref<!tpu.dma_semaphore, #tpu.memory_space<semaphore_mem>>) src(%dma_wait3A_708 : memref<100000x128xf32, #tpu.memory_space<hbm>>) dst(%dma_wait3A_704 : memref<160x128xf32, #tpu.memory_space<vmem>>)
      %mul3A_711 = arith.constant 160 : i32
      %mul3A_712 = arith.muli %add3A_689, %mul3A_711 : i32
      %broadcast_in_dim3A_713 = arith.constant 0 : i32
      %broadcast_in_dim3A_714 = vector.broadcast %broadcast_in_dim3A_713 : i32 to vector<16xi32>
      %add3A_715 = arith.constant 0 : i32
      %add3A_716 = arith.addi %mul3A_712, %add3A_715 : i32
      %get3A_717 = arith.index_cast %add3A_716 : i32 to index
      %get3A_718 = tpu.vector_load %arg5[%get3A_717] {strides = array<i32>} : memref<25600xi32, #tpu.memory_space<vmem>>, vector<16xi32>,
      %min3A_719 = arith.constant 1 : i32
      %min3A_720 = vector.broadcast %min3A_719 : i32 to vector<16xi32>
      %min3A_721 = arith.minsi %get3A_718, %min3A_720 : vector<16xi32>
      %add3A_722 = arith.addi %broadcast_in_dim3A_714, %min3A_721 : vector<16xi32>
      %add3A_723 = arith.constant 16 : i32
      %add3A_724 = arith.addi %mul3A_712, %add3A_723 : i32
      %get3A_725 = arith.index_cast %add3A_724 : i32 to index
      %get3A_726 = tpu.vector_load %arg5[%get3A_725] {strides = array<i32>} : memref<25600xi32, #tpu.memory_space<vmem>>, vector<16xi32>,
      %min3A_727 = arith.constant 1 : i32
      %min3A_728 = vector.broadcast %min3A_727 : i32 to vector<16xi32>
      %min3A_729 = arith.minsi %get3A_726, %min3A_728 : vector<16xi32>
      %add3A_730 = arith.addi %add3A_722, %min3A_729 : vector<16xi32>
      %add3A_731 = arith.constant 32 : i32
      %add3A_732 = arith.addi %mul3A_712, %add3A_731 : i32
      %get3A_733 = arith.index_cast %add3A_732 : i32 to index
      %get3A_734 = tpu.vector_load %arg5[%get3A_733] {strides = array<i32>} : memref<25600xi32, #tpu.memory_space<vmem>>, vector<16xi32>,
      %min3A_735 = arith.constant 1 : i32
      %min3A_736 = vector.broadcast %min3A_735 : i32 to vector<16xi32>
      %min3A_737 = arith.minsi %get3A_734, %min3A_736 : vector<16xi32>
      %add3A_738 = arith.addi %add3A_730, %min3A_737 : vector<16xi32>
      %add3A_739 = arith.constant 48 : i32
      %add3A_740 = arith.addi %mul3A_712, %add3A_739 : i32
      %get3A_741 = arith.index_cast %add3A_740 : i32 to index
      %get3A_742 = tpu.vector_load %arg5[%get3A_741] {strides = array<i32>} : memref<25600xi32, #tpu.memory_space<vmem>>, vector<16xi32>,
      %min3A_743 = arith.constant 1 : i32
      %min3A_744 = vector.broadcast %min3A_743 : i32 to vector<16xi32>
      %min3A_745 = arith.minsi %get3A_742, %min3A_744 : vector<16xi32>
      %add3A_746 = arith.addi %add3A_738, %min3A_745 : vector<16xi32>
      %add3A_747 = arith.constant 64 : i32
      %add3A_748 = arith.addi %mul3A_712, %add3A_747 : i32
      %get3A_749 = arith.index_cast %add3A_748 : i32 to index
      %get3A_750 = tpu.vector_load %arg5[%get3A_749] {strides = array<i32>} : memref<25600xi32, #tpu.memory_space<vmem>>, vector<16xi32>,
      %min3A_751 = arith.constant 1 : i32
      %min3A_752 = vector.broadcast %min3A_751 : i32 to vector<16xi32>
      %min3A_753 = arith.minsi %get3A_750, %min3A_752 : vector<16xi32>
      %add3A_754 = arith.addi %add3A_746, %min3A_753 : vector<16xi32>
      %add3A_755 = arith.constant 80 : i32
      %add3A_756 = arith.addi %mul3A_712, %add3A_755 : i32
      %get3A_757 = arith.index_cast %add3A_756 : i32 to index
      %get3A_758 = tpu.vector_load %arg5[%get3A_757] {strides = array<i32>} : memref<25600xi32, #tpu.memory_space<vmem>>, vector<16xi32>,
      %min3A_759 = arith.constant 1 : i32
      %min3A_760 = vector.broadcast %min3A_759 : i32 to vector<16xi32>
      %min3A_761 = arith.minsi %get3A_758, %min3A_760 : vector<16xi32>
      %add3A_762 = arith.addi %add3A_754, %min3A_761 : vector<16xi32>
      %add3A_763 = arith.constant 96 : i32
      %add3A_764 = arith.addi %mul3A_712, %add3A_763 : i32
      %get3A_765 = arith.index_cast %add3A_764 : i32 to index
      %get3A_766 = tpu.vector_load %arg5[%get3A_765] {strides = array<i32>} : memref<25600xi32, #tpu.memory_space<vmem>>, vector<16xi32>,
      %min3A_767 = arith.constant 1 : i32
      %min3A_768 = vector.broadcast %min3A_767 : i32 to vector<16xi32>
      %min3A_769 = arith.minsi %get3A_766, %min3A_768 : vector<16xi32>
      %add3A_770 = arith.addi %add3A_762, %min3A_769 : vector<16xi32>
      %add3A_771 = arith.constant 112 : i32
      %add3A_772 = arith.addi %mul3A_712, %add3A_771 : i32
      %get3A_773 = arith.index_cast %add3A_772 : i32 to index
      %get3A_774 = tpu.vector_load %arg5[%get3A_773] {strides = array<i32>} : memref<25600xi32, #tpu.memory_space<vmem>>, vector<16xi32>,
      %min3A_775 = arith.constant 1 : i32
      %min3A_776 = vector.broadcast %min3A_775 : i32 to vector<16xi32>
      %min3A_777 = arith.minsi %get3A_774, %min3A_776 : vector<16xi32>
      %add3A_778 = arith.addi %add3A_770, %min3A_777 : vector<16xi32>
      %add3A_779 = arith.constant 128 : i32
      %add3A_780 = arith.addi %mul3A_712, %add3A_779 : i32
      %get3A_781 = arith.index_cast %add3A_780 : i32 to index
      %get3A_782 = tpu.vector_load %arg5[%get3A_781] {strides = array<i32>} : memref<25600xi32, #tpu.memory_space<vmem>>, vector<16xi32>,
      %min3A_783 = arith.constant 1 : i32
      %min3A_784 = vector.broadcast %min3A_783 : i32 to vector<16xi32>
      %min3A_785 = arith.minsi %get3A_782, %min3A_784 : vector<16xi32>
      %add3A_786 = arith.addi %add3A_778, %min3A_785 : vector<16xi32>
      %add3A_787 = arith.constant 144 : i32
      %add3A_788 = arith.addi %mul3A_712, %add3A_787 : i32
      %get3A_789 = arith.index_cast %add3A_788 : i32 to index
      %get3A_790 = tpu.vector_load %arg5[%get3A_789] {strides = array<i32>} : memref<25600xi32, #tpu.memory_space<vmem>>, vector<16xi32>,
      %min3A_791 = arith.constant 1 : i32
      %min3A_792 = vector.broadcast %min3A_791 : i32 to vector<16xi32>
      %min3A_793 = arith.minsi %get3A_790, %min3A_792 : vector<16xi32>
      %add3A_794 = arith.addi %add3A_786, %min3A_793 : vector<16xi32>
      %lt3A_795 = arith.constant 10 : i32
      %lt3A_796 = vector.broadcast %lt3A_795 : i32 to vector<16xi32>
      %lt3A_797 = arith.cmpi slt, %add3A_794, %lt3A_796 : vector<16xi32>
      %all_reduce_population_count3A_798 = tpu.all_reduce %lt3A_797 {dim = 0 : i64, kind = #tpu.reduction_kind<sum>} : vector<16xi1> -> vector<16xi32>
      %slice3A_799 = vector.extract_strided_slice %all_reduce_population_count3A_798 {offsets = [0], sizes = [1], strides = [1]} : vector<16xi32> to vector<1xi32>
      %squeeze3A_800 = vector.extract %slice3A_799[0] : i32 from vector<1xi32>
      %gt3A_801 = arith.constant 0 : i32
      %gt3A_802 = arith.cmpi sgt, %squeeze3A_800, %gt3A_801 : i32
      %convert_element_type3A_803 = arith.extui %gt3A_802 : i1 to i32
      %cond3A_804 = arith.constant 4 : i32
      %cond3A_805 = arith.constant 0 : i32
      %cond3A_806 = arith.cmpi ne, %convert_element_type3A_803, %cond3A_805 : i32
      scf.if %cond3A_806 {
        %broadcast_in_dim3A_826 = arith.constant 0.000000e+00 : f32
        %broadcast_in_dim3A_827 = vector.broadcast %broadcast_in_dim3A_826 : f32 to vector<16xf32>
        %add3A_828 = arith.constant 0 : i32
        %add3A_829 = arith.addi %mul3A_712, %add3A_828 : i32
        %get3A_830 = arith.index_cast %add3A_829 : i32 to index
        %get3A_831 = tpu.vector_load %arg5[%get3A_830] {strides = array<i32>} : memref<25600xi32, #tpu.memory_space<vmem>>, vector<16xi32>,
        %eq3A = arith.constant 0 : i32
        %eq3A_832 = vector.broadcast %eq3A : i32 to vector<16xi32>
        %eq3A_833 = arith.cmpi eq, %get3A_831, %eq3A_832 : vector<16xi32>
        %iota3A = tpu.iota {dimensions = array<i32: 0>} : vector<16xi32>
        %add3A_834 = arith.constant 0 : i32
        %add3A_835 = vector.broadcast %add3A_834 : i32 to vector<16xi32>
        %add3A_836 = arith.addi %iota3A, %add3A_835 : vector<16xi32>
        %all_reduce_population_count3A_837 = tpu.all_reduce %eq3A_833 {dim = 0 : i64, kind = #tpu.reduction_kind<sum>} : vector<16xi1> -> vector<16xi32>
        %slice3A_838 = vector.extract_strided_slice %all_reduce_population_count3A_837 {offsets = [0], sizes = [1], strides = [1]} : vector<16xi32> to vector<1xi32>
        %squeeze3A_839 = vector.extract %slice3A_838[0] : i32 from vector<1xi32>
        %gt3A_840 = arith.constant 0 : i32
        %gt3A_841 = arith.cmpi sgt, %squeeze3A_839, %gt3A_840 : i32
        %convert_element_type3A_842 = arith.extui %gt3A_841 : i1 to i32
        %cond3A_843 = arith.constant 0 : i32
        %cond3A_844 = arith.cmpi ne, %convert_element_type3A_842, %cond3A_843 : i32
        scf.if %cond3A_844 {
          %scan3A_1016 = arith.constant 0 : i32
          %scan3A_1017 = arith.constant 0 : i32
          %scan3A_1018 = arith.constant 128 : i32
          %scan3A_1019 = arith.addi %scan3A_1017, %scan3A_1018 : i32
          %scan3A_1020 = arith.constant 1 : i32
          scf.for %scan3A_1022 = %scan3A_1017 to %scan3A_1019 step %scan3A_1020  : i32 {
            %broadcast_in_dim3A_1023 = arith.constant 0 : i32
            %broadcast_in_dim3A_1024 = vector.broadcast %broadcast_in_dim3A_1023 : i32 to vector<16xi32>
            %add3A_1025 = vector.broadcast %scan3A_1022 : i32 to vector<16xi32>
            %add3A_1026 = arith.addi %broadcast_in_dim3A_1024, %add3A_1025 : vector<16xi32>
            %scatter3A = arith.constant 0 : i32
            %scatter3A_1027 = arith.constant 0 : i32
            %scatter3A_1028 = tpu.memref_slice %arg6[%cond3A_804, %scatter3A, %scatter3A_1027] : memref<5x160x128xf32, #tpu.memory_space<vmem>> -> memref<1x160x128xf32, #tpu.memory_space<vmem>>
            %scatter3A_1029 = tpu.memref_squeeze %scatter3A_1028 : memref<1x160x128xf32, #tpu.memory_space<vmem>> -> memref<160x128xf32, #tpu.memory_space<vmem>>
            tpu.vector_store_idx %scatter3A_1029[%add3A_836, %add3A_1026], %broadcast_in_dim3A_827 masked %eq3A_833 : memref<160x128xf32, #tpu.memory_space<vmem>>[vector<16xi32>, vector<16xi32>], vector<16xf32>, vector<16xi1>
          }
          %scan3A_1021 = arith.constant 128 : i32
        } else {
        }
        %add3A_845 = arith.constant 16 : i32
        %add3A_846 = arith.addi %mul3A_712, %add3A_845 : i32
        %get3A_847 = arith.index_cast %add3A_846 : i32 to index
        %get3A_848 = tpu.vector_load %arg5[%get3A_847] {strides = array<i32>} : memref<25600xi32, #tpu.memory_space<vmem>>, vector<16xi32>,
        %eq3A_849 = arith.constant 0 : i32
        %eq3A_850 = vector.broadcast %eq3A_849 : i32 to vector<16xi32>
        %eq3A_851 = arith.cmpi eq, %get3A_848, %eq3A_850 : vector<16xi32>
        %iota3A_852 = tpu.iota {dimensions = array<i32: 0>} : vector<16xi32>
        %add3A_853 = arith.constant 16 : i32
        %add3A_854 = vector.broadcast %add3A_853 : i32 to vector<16xi32>
        %add3A_855 = arith.addi %iota3A_852, %add3A_854 : vector<16xi32>
        %all_reduce_population_count3A_856 = tpu.all_reduce %eq3A_851 {dim = 0 : i64, kind = #tpu.reduction_kind<sum>} : vector<16xi1> -> vector<16xi32>
        %slice3A_857 = vector.extract_strided_slice %all_reduce_population_count3A_856 {offsets = [0], sizes = [1], strides = [1]} : vector<16xi32> to vector<1xi32>
        %squeeze3A_858 = vector.extract %slice3A_857[0] : i32 from vector<1xi32>
        %gt3A_859 = arith.constant 0 : i32
        %gt3A_860 = arith.cmpi sgt, %squeeze3A_858, %gt3A_859 : i32
        %convert_element_type3A_861 = arith.extui %gt3A_860 : i1 to i32
        %cond3A_862 = arith.constant 0 : i32
        %cond3A_863 = arith.cmpi ne, %convert_element_type3A_861, %cond3A_862 : i32
        scf.if %cond3A_863 {
          %scan3A_1016 = arith.constant 0 : i32
          %scan3A_1017 = arith.constant 0 : i32
          %scan3A_1018 = arith.constant 128 : i32
          %scan3A_1019 = arith.addi %scan3A_1017, %scan3A_1018 : i32
          %scan3A_1020 = arith.constant 1 : i32
          scf.for %scan3A_1022 = %scan3A_1017 to %scan3A_1019 step %scan3A_1020  : i32 {
            %broadcast_in_dim3A_1023 = arith.constant 0 : i32
            %broadcast_in_dim3A_1024 = vector.broadcast %broadcast_in_dim3A_1023 : i32 to vector<16xi32>
            %add3A_1025 = vector.broadcast %scan3A_1022 : i32 to vector<16xi32>
            %add3A_1026 = arith.addi %broadcast_in_dim3A_1024, %add3A_1025 : vector<16xi32>
            %scatter3A = arith.constant 0 : i32
            %scatter3A_1027 = arith.constant 0 : i32
            %scatter3A_1028 = tpu.memref_slice %arg6[%cond3A_804, %scatter3A, %scatter3A_1027] : memref<5x160x128xf32, #tpu.memory_space<vmem>> -> memref<1x160x128xf32, #tpu.memory_space<vmem>>
            %scatter3A_1029 = tpu.memref_squeeze %scatter3A_1028 : memref<1x160x128xf32, #tpu.memory_space<vmem>> -> memref<160x128xf32, #tpu.memory_space<vmem>>
            tpu.vector_store_idx %scatter3A_1029[%add3A_855, %add3A_1026], %broadcast_in_dim3A_827 masked %eq3A_851 : memref<160x128xf32, #tpu.memory_space<vmem>>[vector<16xi32>, vector<16xi32>], vector<16xf32>, vector<16xi1>
          }
          %scan3A_1021 = arith.constant 128 : i32
        } else {
        }
        %add3A_864 = arith.constant 32 : i32
        %add3A_865 = arith.addi %mul3A_712, %add3A_864 : i32
        %get3A_866 = arith.index_cast %add3A_865 : i32 to index
        %get3A_867 = tpu.vector_load %arg5[%get3A_866] {strides = array<i32>} : memref<25600xi32, #tpu.memory_space<vmem>>, vector<16xi32>,
        %eq3A_868 = arith.constant 0 : i32
        %eq3A_869 = vector.broadcast %eq3A_868 : i32 to vector<16xi32>
        %eq3A_870 = arith.cmpi eq, %get3A_867, %eq3A_869 : vector<16xi32>
        %iota3A_871 = tpu.iota {dimensions = array<i32: 0>} : vector<16xi32>
        %add3A_872 = arith.constant 32 : i32
        %add3A_873 = vector.broadcast %add3A_872 : i32 to vector<16xi32>
        %add3A_874 = arith.addi %iota3A_871, %add3A_873 : vector<16xi32>
        %all_reduce_population_count3A_875 = tpu.all_reduce %eq3A_870 {dim = 0 : i64, kind = #tpu.reduction_kind<sum>} : vector<16xi1> -> vector<16xi32>
        %slice3A_876 = vector.extract_strided_slice %all_reduce_population_count3A_875 {offsets = [0], sizes = [1], strides = [1]} : vector<16xi32> to vector<1xi32>
        %squeeze3A_877 = vector.extract %slice3A_876[0] : i32 from vector<1xi32>
        %gt3A_878 = arith.constant 0 : i32
        %gt3A_879 = arith.cmpi sgt, %squeeze3A_877, %gt3A_878 : i32
        %convert_element_type3A_880 = arith.extui %gt3A_879 : i1 to i32
        %cond3A_881 = arith.constant 0 : i32
        %cond3A_882 = arith.cmpi ne, %convert_element_type3A_880, %cond3A_881 : i32
        scf.if %cond3A_882 {
          %scan3A_1016 = arith.constant 0 : i32
          %scan3A_1017 = arith.constant 0 : i32
          %scan3A_1018 = arith.constant 128 : i32
          %scan3A_1019 = arith.addi %scan3A_1017, %scan3A_1018 : i32
          %scan3A_1020 = arith.constant 1 : i32
          scf.for %scan3A_1022 = %scan3A_1017 to %scan3A_1019 step %scan3A_1020  : i32 {
            %broadcast_in_dim3A_1023 = arith.constant 0 : i32
            %broadcast_in_dim3A_1024 = vector.broadcast %broadcast_in_dim3A_1023 : i32 to vector<16xi32>
            %add3A_1025 = vector.broadcast %scan3A_1022 : i32 to vector<16xi32>
            %add3A_1026 = arith.addi %broadcast_in_dim3A_1024, %add3A_1025 : vector<16xi32>
            %scatter3A = arith.constant 0 : i32
            %scatter3A_1027 = arith.constant 0 : i32
            %scatter3A_1028 = tpu.memref_slice %arg6[%cond3A_804, %scatter3A, %scatter3A_1027] : memref<5x160x128xf32, #tpu.memory_space<vmem>> -> memref<1x160x128xf32, #tpu.memory_space<vmem>>
            %scatter3A_1029 = tpu.memref_squeeze %scatter3A_1028 : memref<1x160x128xf32, #tpu.memory_space<vmem>> -> memref<160x128xf32, #tpu.memory_space<vmem>>
            tpu.vector_store_idx %scatter3A_1029[%add3A_874, %add3A_1026], %broadcast_in_dim3A_827 masked %eq3A_870 : memref<160x128xf32, #tpu.memory_space<vmem>>[vector<16xi32>, vector<16xi32>], vector<16xf32>, vector<16xi1>
          }
          %scan3A_1021 = arith.constant 128 : i32
        } else {
        }
        %add3A_883 = arith.constant 48 : i32
        %add3A_884 = arith.addi %mul3A_712, %add3A_883 : i32
        %get3A_885 = arith.index_cast %add3A_884 : i32 to index
        %get3A_886 = tpu.vector_load %arg5[%get3A_885] {strides = array<i32>} : memref<25600xi32, #tpu.memory_space<vmem>>, vector<16xi32>,
        %eq3A_887 = arith.constant 0 : i32
        %eq3A_888 = vector.broadcast %eq3A_887 : i32 to vector<16xi32>
        %eq3A_889 = arith.cmpi eq, %get3A_886, %eq3A_888 : vector<16xi32>
        %iota3A_890 = tpu.iota {dimensions = array<i32: 0>} : vector<16xi32>
        %add3A_891 = arith.constant 48 : i32
        %add3A_892 = vector.broadcast %add3A_891 : i32 to vector<16xi32>
        %add3A_893 = arith.addi %iota3A_890, %add3A_892 : vector<16xi32>
        %all_reduce_population_count3A_894 = tpu.all_reduce %eq3A_889 {dim = 0 : i64, kind = #tpu.reduction_kind<sum>} : vector<16xi1> -> vector<16xi32>
        %slice3A_895 = vector.extract_strided_slice %all_reduce_population_count3A_894 {offsets = [0], sizes = [1], strides = [1]} : vector<16xi32> to vector<1xi32>
        %squeeze3A_896 = vector.extract %slice3A_895[0] : i32 from vector<1xi32>
        %gt3A_897 = arith.constant 0 : i32
        %gt3A_898 = arith.cmpi sgt, %squeeze3A_896, %gt3A_897 : i32
        %convert_element_type3A_899 = arith.extui %gt3A_898 : i1 to i32
        %cond3A_900 = arith.constant 0 : i32
        %cond3A_901 = arith.cmpi ne, %convert_element_type3A_899, %cond3A_900 : i32
        scf.if %cond3A_901 {
          %scan3A_1016 = arith.constant 0 : i32
          %scan3A_1017 = arith.constant 0 : i32
          %scan3A_1018 = arith.constant 128 : i32
          %scan3A_1019 = arith.addi %scan3A_1017, %scan3A_1018 : i32
          %scan3A_1020 = arith.constant 1 : i32
          scf.for %scan3A_1022 = %scan3A_1017 to %scan3A_1019 step %scan3A_1020  : i32 {
            %broadcast_in_dim3A_1023 = arith.constant 0 : i32
            %broadcast_in_dim3A_1024 = vector.broadcast %broadcast_in_dim3A_1023 : i32 to vector<16xi32>
            %add3A_1025 = vector.broadcast %scan3A_1022 : i32 to vector<16xi32>
            %add3A_1026 = arith.addi %broadcast_in_dim3A_1024, %add3A_1025 : vector<16xi32>
            %scatter3A = arith.constant 0 : i32
            %scatter3A_1027 = arith.constant 0 : i32
            %scatter3A_1028 = tpu.memref_slice %arg6[%cond3A_804, %scatter3A, %scatter3A_1027] : memref<5x160x128xf32, #tpu.memory_space<vmem>> -> memref<1x160x128xf32, #tpu.memory_space<vmem>>
            %scatter3A_1029 = tpu.memref_squeeze %scatter3A_1028 : memref<1x160x128xf32, #tpu.memory_space<vmem>> -> memref<160x128xf32, #tpu.memory_space<vmem>>
            tpu.vector_store_idx %scatter3A_1029[%add3A_893, %add3A_1026], %broadcast_in_dim3A_827 masked %eq3A_889 : memref<160x128xf32, #tpu.memory_space<vmem>>[vector<16xi32>, vector<16xi32>], vector<16xf32>, vector<16xi1>
          }
          %scan3A_1021 = arith.constant 128 : i32
        } else {
        }
        %add3A_902 = arith.constant 64 : i32
        %add3A_903 = arith.addi %mul3A_712, %add3A_902 : i32
        %get3A_904 = arith.index_cast %add3A_903 : i32 to index
        %get3A_905 = tpu.vector_load %arg5[%get3A_904] {strides = array<i32>} : memref<25600xi32, #tpu.memory_space<vmem>>, vector<16xi32>,
        %eq3A_906 = arith.constant 0 : i32
        %eq3A_907 = vector.broadcast %eq3A_906 : i32 to vector<16xi32>
        %eq3A_908 = arith.cmpi eq, %get3A_905, %eq3A_907 : vector<16xi32>
        %iota3A_909 = tpu.iota {dimensions = array<i32: 0>} : vector<16xi32>
        %add3A_910 = arith.constant 64 : i32
        %add3A_911 = vector.broadcast %add3A_910 : i32 to vector<16xi32>
        %add3A_912 = arith.addi %iota3A_909, %add3A_911 : vector<16xi32>
        %all_reduce_population_count3A_913 = tpu.all_reduce %eq3A_908 {dim = 0 : i64, kind = #tpu.reduction_kind<sum>} : vector<16xi1> -> vector<16xi32>
        %slice3A_914 = vector.extract_strided_slice %all_reduce_population_count3A_913 {offsets = [0], sizes = [1], strides = [1]} : vector<16xi32> to vector<1xi32>
        %squeeze3A_915 = vector.extract %slice3A_914[0] : i32 from vector<1xi32>
        %gt3A_916 = arith.constant 0 : i32
        %gt3A_917 = arith.cmpi sgt, %squeeze3A_915, %gt3A_916 : i32
        %convert_element_type3A_918 = arith.extui %gt3A_917 : i1 to i32
        %cond3A_919 = arith.constant 0 : i32
        %cond3A_920 = arith.cmpi ne, %convert_element_type3A_918, %cond3A_919 : i32
        scf.if %cond3A_920 {
          %scan3A_1016 = arith.constant 0 : i32
          %scan3A_1017 = arith.constant 0 : i32
          %scan3A_1018 = arith.constant 128 : i32
          %scan3A_1019 = arith.addi %scan3A_1017, %scan3A_1018 : i32
          %scan3A_1020 = arith.constant 1 : i32
          scf.for %scan3A_1022 = %scan3A_1017 to %scan3A_1019 step %scan3A_1020  : i32 {
            %broadcast_in_dim3A_1023 = arith.constant 0 : i32
            %broadcast_in_dim3A_1024 = vector.broadcast %broadcast_in_dim3A_1023 : i32 to vector<16xi32>
            %add3A_1025 = vector.broadcast %scan3A_1022 : i32 to vector<16xi32>
            %add3A_1026 = arith.addi %broadcast_in_dim3A_1024, %add3A_1025 : vector<16xi32>
            %scatter3A = arith.constant 0 : i32
            %scatter3A_1027 = arith.constant 0 : i32
            %scatter3A_1028 = tpu.memref_slice %arg6[%cond3A_804, %scatter3A, %scatter3A_1027] : memref<5x160x128xf32, #tpu.memory_space<vmem>> -> memref<1x160x128xf32, #tpu.memory_space<vmem>>
            %scatter3A_1029 = tpu.memref_squeeze %scatter3A_1028 : memref<1x160x128xf32, #tpu.memory_space<vmem>> -> memref<160x128xf32, #tpu.memory_space<vmem>>
            tpu.vector_store_idx %scatter3A_1029[%add3A_912, %add3A_1026], %broadcast_in_dim3A_827 masked %eq3A_908 : memref<160x128xf32, #tpu.memory_space<vmem>>[vector<16xi32>, vector<16xi32>], vector<16xf32>, vector<16xi1>
          }
          %scan3A_1021 = arith.constant 128 : i32
        } else {
        }
        %add3A_921 = arith.constant 80 : i32
        %add3A_922 = arith.addi %mul3A_712, %add3A_921 : i32
        %get3A_923 = arith.index_cast %add3A_922 : i32 to index
        %get3A_924 = tpu.vector_load %arg5[%get3A_923] {strides = array<i32>} : memref<25600xi32, #tpu.memory_space<vmem>>, vector<16xi32>,
        %eq3A_925 = arith.constant 0 : i32
        %eq3A_926 = vector.broadcast %eq3A_925 : i32 to vector<16xi32>
        %eq3A_927 = arith.cmpi eq, %get3A_924, %eq3A_926 : vector<16xi32>
        %iota3A_928 = tpu.iota {dimensions = array<i32: 0>} : vector<16xi32>
        %add3A_929 = arith.constant 80 : i32
        %add3A_930 = vector.broadcast %add3A_929 : i32 to vector<16xi32>
        %add3A_931 = arith.addi %iota3A_928, %add3A_930 : vector<16xi32>
        %all_reduce_population_count3A_932 = tpu.all_reduce %eq3A_927 {dim = 0 : i64, kind = #tpu.reduction_kind<sum>} : vector<16xi1> -> vector<16xi32>
        %slice3A_933 = vector.extract_strided_slice %all_reduce_population_count3A_932 {offsets = [0], sizes = [1], strides = [1]} : vector<16xi32> to vector<1xi32>
        %squeeze3A_934 = vector.extract %slice3A_933[0] : i32 from vector<1xi32>
        %gt3A_935 = arith.constant 0 : i32
        %gt3A_936 = arith.cmpi sgt, %squeeze3A_934, %gt3A_935 : i32
        %convert_element_type3A_937 = arith.extui %gt3A_936 : i1 to i32
        %cond3A_938 = arith.constant 0 : i32
        %cond3A_939 = arith.cmpi ne, %convert_element_type3A_937, %cond3A_938 : i32
        scf.if %cond3A_939 {
          %scan3A_1016 = arith.constant 0 : i32
          %scan3A_1017 = arith.constant 0 : i32
          %scan3A_1018 = arith.constant 128 : i32
          %scan3A_1019 = arith.addi %scan3A_1017, %scan3A_1018 : i32
          %scan3A_1020 = arith.constant 1 : i32
          scf.for %scan3A_1022 = %scan3A_1017 to %scan3A_1019 step %scan3A_1020  : i32 {
            %broadcast_in_dim3A_1023 = arith.constant 0 : i32
            %broadcast_in_dim3A_1024 = vector.broadcast %broadcast_in_dim3A_1023 : i32 to vector<16xi32>
            %add3A_1025 = vector.broadcast %scan3A_1022 : i32 to vector<16xi32>
            %add3A_1026 = arith.addi %broadcast_in_dim3A_1024, %add3A_1025 : vector<16xi32>
            %scatter3A = arith.constant 0 : i32
            %scatter3A_1027 = arith.constant 0 : i32
            %scatter3A_1028 = tpu.memref_slice %arg6[%cond3A_804, %scatter3A, %scatter3A_1027] : memref<5x160x128xf32, #tpu.memory_space<vmem>> -> memref<1x160x128xf32, #tpu.memory_space<vmem>>
            %scatter3A_1029 = tpu.memref_squeeze %scatter3A_1028 : memref<1x160x128xf32, #tpu.memory_space<vmem>> -> memref<160x128xf32, #tpu.memory_space<vmem>>
            tpu.vector_store_idx %scatter3A_1029[%add3A_931, %add3A_1026], %broadcast_in_dim3A_827 masked %eq3A_927 : memref<160x128xf32, #tpu.memory_space<vmem>>[vector<16xi32>, vector<16xi32>], vector<16xf32>, vector<16xi1>
          }
          %scan3A_1021 = arith.constant 128 : i32
        } else {
        }
        %add3A_940 = arith.constant 96 : i32
        %add3A_941 = arith.addi %mul3A_712, %add3A_940 : i32
        %get3A_942 = arith.index_cast %add3A_941 : i32 to index
        %get3A_943 = tpu.vector_load %arg5[%get3A_942] {strides = array<i32>} : memref<25600xi32, #tpu.memory_space<vmem>>, vector<16xi32>,
        %eq3A_944 = arith.constant 0 : i32
        %eq3A_945 = vector.broadcast %eq3A_944 : i32 to vector<16xi32>
        %eq3A_946 = arith.cmpi eq, %get3A_943, %eq3A_945 : vector<16xi32>
        %iota3A_947 = tpu.iota {dimensions = array<i32: 0>} : vector<16xi32>
        %add3A_948 = arith.constant 96 : i32
        %add3A_949 = vector.broadcast %add3A_948 : i32 to vector<16xi32>
        %add3A_950 = arith.addi %iota3A_947, %add3A_949 : vector<16xi32>
        %all_reduce_population_count3A_951 = tpu.all_reduce %eq3A_946 {dim = 0 : i64, kind = #tpu.reduction_kind<sum>} : vector<16xi1> -> vector<16xi32>
        %slice3A_952 = vector.extract_strided_slice %all_reduce_population_count3A_951 {offsets = [0], sizes = [1], strides = [1]} : vector<16xi32> to vector<1xi32>
        %squeeze3A_953 = vector.extract %slice3A_952[0] : i32 from vector<1xi32>
        %gt3A_954 = arith.constant 0 : i32
        %gt3A_955 = arith.cmpi sgt, %squeeze3A_953, %gt3A_954 : i32
        %convert_element_type3A_956 = arith.extui %gt3A_955 : i1 to i32
        %cond3A_957 = arith.constant 0 : i32
        %cond3A_958 = arith.cmpi ne, %convert_element_type3A_956, %cond3A_957 : i32
        scf.if %cond3A_958 {
          %scan3A_1016 = arith.constant 0 : i32
          %scan3A_1017 = arith.constant 0 : i32
          %scan3A_1018 = arith.constant 128 : i32
          %scan3A_1019 = arith.addi %scan3A_1017, %scan3A_1018 : i32
          %scan3A_1020 = arith.constant 1 : i32
          scf.for %scan3A_1022 = %scan3A_1017 to %scan3A_1019 step %scan3A_1020  : i32 {
            %broadcast_in_dim3A_1023 = arith.constant 0 : i32
            %broadcast_in_dim3A_1024 = vector.broadcast %broadcast_in_dim3A_1023 : i32 to vector<16xi32>
            %add3A_1025 = vector.broadcast %scan3A_1022 : i32 to vector<16xi32>
            %add3A_1026 = arith.addi %broadcast_in_dim3A_1024, %add3A_1025 : vector<16xi32>
            %scatter3A = arith.constant 0 : i32
            %scatter3A_1027 = arith.constant 0 : i32
            %scatter3A_1028 = tpu.memref_slice %arg6[%cond3A_804, %scatter3A, %scatter3A_1027] : memref<5x160x128xf32, #tpu.memory_space<vmem>> -> memref<1x160x128xf32, #tpu.memory_space<vmem>>
            %scatter3A_1029 = tpu.memref_squeeze %scatter3A_1028 : memref<1x160x128xf32, #tpu.memory_space<vmem>> -> memref<160x128xf32, #tpu.memory_space<vmem>>
            tpu.vector_store_idx %scatter3A_1029[%add3A_950, %add3A_1026], %broadcast_in_dim3A_827 masked %eq3A_946 : memref<160x128xf32, #tpu.memory_space<vmem>>[vector<16xi32>, vector<16xi32>], vector<16xf32>, vector<16xi1>
          }
          %scan3A_1021 = arith.constant 128 : i32
        } else {
        }
        %add3A_959 = arith.constant 112 : i32
        %add3A_960 = arith.addi %mul3A_712, %add3A_959 : i32
        %get3A_961 = arith.index_cast %add3A_960 : i32 to index
        %get3A_962 = tpu.vector_load %arg5[%get3A_961] {strides = array<i32>} : memref<25600xi32, #tpu.memory_space<vmem>>, vector<16xi32>,
        %eq3A_963 = arith.constant 0 : i32
        %eq3A_964 = vector.broadcast %eq3A_963 : i32 to vector<16xi32>
        %eq3A_965 = arith.cmpi eq, %get3A_962, %eq3A_964 : vector<16xi32>
        %iota3A_966 = tpu.iota {dimensions = array<i32: 0>} : vector<16xi32>
        %add3A_967 = arith.constant 112 : i32
        %add3A_968 = vector.broadcast %add3A_967 : i32 to vector<16xi32>
        %add3A_969 = arith.addi %iota3A_966, %add3A_968 : vector<16xi32>
        %all_reduce_population_count3A_970 = tpu.all_reduce %eq3A_965 {dim = 0 : i64, kind = #tpu.reduction_kind<sum>} : vector<16xi1> -> vector<16xi32>
        %slice3A_971 = vector.extract_strided_slice %all_reduce_population_count3A_970 {offsets = [0], sizes = [1], strides = [1]} : vector<16xi32> to vector<1xi32>
        %squeeze3A_972 = vector.extract %slice3A_971[0] : i32 from vector<1xi32>
        %gt3A_973 = arith.constant 0 : i32
        %gt3A_974 = arith.cmpi sgt, %squeeze3A_972, %gt3A_973 : i32
        %convert_element_type3A_975 = arith.extui %gt3A_974 : i1 to i32
        %cond3A_976 = arith.constant 0 : i32
        %cond3A_977 = arith.cmpi ne, %convert_element_type3A_975, %cond3A_976 : i32
        scf.if %cond3A_977 {
          %scan3A_1016 = arith.constant 0 : i32
          %scan3A_1017 = arith.constant 0 : i32
          %scan3A_1018 = arith.constant 128 : i32
          %scan3A_1019 = arith.addi %scan3A_1017, %scan3A_1018 : i32
          %scan3A_1020 = arith.constant 1 : i32
          scf.for %scan3A_1022 = %scan3A_1017 to %scan3A_1019 step %scan3A_1020  : i32 {
            %broadcast_in_dim3A_1023 = arith.constant 0 : i32
            %broadcast_in_dim3A_1024 = vector.broadcast %broadcast_in_dim3A_1023 : i32 to vector<16xi32>
            %add3A_1025 = vector.broadcast %scan3A_1022 : i32 to vector<16xi32>
            %add3A_1026 = arith.addi %broadcast_in_dim3A_1024, %add3A_1025 : vector<16xi32>
            %scatter3A = arith.constant 0 : i32
            %scatter3A_1027 = arith.constant 0 : i32
            %scatter3A_1028 = tpu.memref_slice %arg6[%cond3A_804, %scatter3A, %scatter3A_1027] : memref<5x160x128xf32, #tpu.memory_space<vmem>> -> memref<1x160x128xf32, #tpu.memory_space<vmem>>
            %scatter3A_1029 = tpu.memref_squeeze %scatter3A_1028 : memref<1x160x128xf32, #tpu.memory_space<vmem>> -> memref<160x128xf32, #tpu.memory_space<vmem>>
            tpu.vector_store_idx %scatter3A_1029[%add3A_969, %add3A_1026], %broadcast_in_dim3A_827 masked %eq3A_965 : memref<160x128xf32, #tpu.memory_space<vmem>>[vector<16xi32>, vector<16xi32>], vector<16xf32>, vector<16xi1>
          }
          %scan3A_1021 = arith.constant 128 : i32
        } else {
        }
        %add3A_978 = arith.constant 128 : i32
        %add3A_979 = arith.addi %mul3A_712, %add3A_978 : i32
        %get3A_980 = arith.index_cast %add3A_979 : i32 to index
        %get3A_981 = tpu.vector_load %arg5[%get3A_980] {strides = array<i32>} : memref<25600xi32, #tpu.memory_space<vmem>>, vector<16xi32>,
        %eq3A_982 = arith.constant 0 : i32
        %eq3A_983 = vector.broadcast %eq3A_982 : i32 to vector<16xi32>
        %eq3A_984 = arith.cmpi eq, %get3A_981, %eq3A_983 : vector<16xi32>
        %iota3A_985 = tpu.iota {dimensions = array<i32: 0>} : vector<16xi32>
        %add3A_986 = arith.constant 128 : i32
        %add3A_987 = vector.broadcast %add3A_986 : i32 to vector<16xi32>
        %add3A_988 = arith.addi %iota3A_985, %add3A_987 : vector<16xi32>
        %all_reduce_population_count3A_989 = tpu.all_reduce %eq3A_984 {dim = 0 : i64, kind = #tpu.reduction_kind<sum>} : vector<16xi1> -> vector<16xi32>
        %slice3A_990 = vector.extract_strided_slice %all_reduce_population_count3A_989 {offsets = [0], sizes = [1], strides = [1]} : vector<16xi32> to vector<1xi32>
        %squeeze3A_991 = vector.extract %slice3A_990[0] : i32 from vector<1xi32>
        %gt3A_992 = arith.constant 0 : i32
        %gt3A_993 = arith.cmpi sgt, %squeeze3A_991, %gt3A_992 : i32
        %convert_element_type3A_994 = arith.extui %gt3A_993 : i1 to i32
        %cond3A_995 = arith.constant 0 : i32
        %cond3A_996 = arith.cmpi ne, %convert_element_type3A_994, %cond3A_995 : i32
        scf.if %cond3A_996 {
          %scan3A_1016 = arith.constant 0 : i32
          %scan3A_1017 = arith.constant 0 : i32
          %scan3A_1018 = arith.constant 128 : i32
          %scan3A_1019 = arith.addi %scan3A_1017, %scan3A_1018 : i32
          %scan3A_1020 = arith.constant 1 : i32
          scf.for %scan3A_1022 = %scan3A_1017 to %scan3A_1019 step %scan3A_1020  : i32 {
            %broadcast_in_dim3A_1023 = arith.constant 0 : i32
            %broadcast_in_dim3A_1024 = vector.broadcast %broadcast_in_dim3A_1023 : i32 to vector<16xi32>
            %add3A_1025 = vector.broadcast %scan3A_1022 : i32 to vector<16xi32>
            %add3A_1026 = arith.addi %broadcast_in_dim3A_1024, %add3A_1025 : vector<16xi32>
            %scatter3A = arith.constant 0 : i32
            %scatter3A_1027 = arith.constant 0 : i32
            %scatter3A_1028 = tpu.memref_slice %arg6[%cond3A_804, %scatter3A, %scatter3A_1027] : memref<5x160x128xf32, #tpu.memory_space<vmem>> -> memref<1x160x128xf32, #tpu.memory_space<vmem>>
            %scatter3A_1029 = tpu.memref_squeeze %scatter3A_1028 : memref<1x160x128xf32, #tpu.memory_space<vmem>> -> memref<160x128xf32, #tpu.memory_space<vmem>>
            tpu.vector_store_idx %scatter3A_1029[%add3A_988, %add3A_1026], %broadcast_in_dim3A_827 masked %eq3A_984 : memref<160x128xf32, #tpu.memory_space<vmem>>[vector<16xi32>, vector<16xi32>], vector<16xf32>, vector<16xi1>
          }
          %scan3A_1021 = arith.constant 128 : i32
        } else {
        }
        %add3A_997 = arith.constant 144 : i32
        %add3A_998 = arith.addi %mul3A_712, %add3A_997 : i32
        %get3A_999 = arith.index_cast %add3A_998 : i32 to index
        %get3A_1000 = tpu.vector_load %arg5[%get3A_999] {strides = array<i32>} : memref<25600xi32, #tpu.memory_space<vmem>>, vector<16xi32>,
        %eq3A_1001 = arith.constant 0 : i32
        %eq3A_1002 = vector.broadcast %eq3A_1001 : i32 to vector<16xi32>
        %eq3A_1003 = arith.cmpi eq, %get3A_1000, %eq3A_1002 : vector<16xi32>
        %iota3A_1004 = tpu.iota {dimensions = array<i32: 0>} : vector<16xi32>
        %add3A_1005 = arith.constant 144 : i32
        %add3A_1006 = vector.broadcast %add3A_1005 : i32 to vector<16xi32>
        %add3A_1007 = arith.addi %iota3A_1004, %add3A_1006 : vector<16xi32>
        %all_reduce_population_count3A_1008 = tpu.all_reduce %eq3A_1003 {dim = 0 : i64, kind = #tpu.reduction_kind<sum>} : vector<16xi1> -> vector<16xi32>
        %slice3A_1009 = vector.extract_strided_slice %all_reduce_population_count3A_1008 {offsets = [0], sizes = [1], strides = [1]} : vector<16xi32> to vector<1xi32>
        %squeeze3A_1010 = vector.extract %slice3A_1009[0] : i32 from vector<1xi32>
        %gt3A_1011 = arith.constant 0 : i32
        %gt3A_1012 = arith.cmpi sgt, %squeeze3A_1010, %gt3A_1011 : i32
        %convert_element_type3A_1013 = arith.extui %gt3A_1012 : i1 to i32
        %cond3A_1014 = arith.constant 0 : i32
        %cond3A_1015 = arith.cmpi ne, %convert_element_type3A_1013, %cond3A_1014 : i32
        scf.if %cond3A_1015 {
          %scan3A_1016 = arith.constant 0 : i32
          %scan3A_1017 = arith.constant 0 : i32
          %scan3A_1018 = arith.constant 128 : i32
          %scan3A_1019 = arith.addi %scan3A_1017, %scan3A_1018 : i32
          %scan3A_1020 = arith.constant 1 : i32
          scf.for %scan3A_1022 = %scan3A_1017 to %scan3A_1019 step %scan3A_1020  : i32 {
            %broadcast_in_dim3A_1023 = arith.constant 0 : i32
            %broadcast_in_dim3A_1024 = vector.broadcast %broadcast_in_dim3A_1023 : i32 to vector<16xi32>
            %add3A_1025 = vector.broadcast %scan3A_1022 : i32 to vector<16xi32>
            %add3A_1026 = arith.addi %broadcast_in_dim3A_1024, %add3A_1025 : vector<16xi32>
            %scatter3A = arith.constant 0 : i32
            %scatter3A_1027 = arith.constant 0 : i32
            %scatter3A_1028 = tpu.memref_slice %arg6[%cond3A_804, %scatter3A, %scatter3A_1027] : memref<5x160x128xf32, #tpu.memory_space<vmem>> -> memref<1x160x128xf32, #tpu.memory_space<vmem>>
            %scatter3A_1029 = tpu.memref_squeeze %scatter3A_1028 : memref<1x160x128xf32, #tpu.memory_space<vmem>> -> memref<160x128xf32, #tpu.memory_space<vmem>>
            tpu.vector_store_idx %scatter3A_1029[%add3A_1007, %add3A_1026], %broadcast_in_dim3A_827 masked %eq3A_1003 : memref<160x128xf32, #tpu.memory_space<vmem>>[vector<16xi32>, vector<16xi32>], vector<16xf32>, vector<16xi1>
          }
          %scan3A_1021 = arith.constant 128 : i32
        } else {
        }
      } else {
      }
      %mul3A_807 = arith.constant 160 : i32
      %mul3A_808 = arith.muli %add3A_689, %mul3A_807 : i32
      %add3A_809 = arith.addi %mul3A_2, %mul3A_808 : i32
      %dma_start3A_810 = arith.constant 4 : i32
      %dma_start3A_811 = arith.constant 4 : i32
      %dma_start3A_812 = arith.constant 0 : i32
      %dma_start3A_813 = arith.constant 0 : i32
      %dma_start3A_814 = tpu.memref_slice %arg6[%dma_start3A_810, %dma_start3A_812, %dma_start3A_813] : memref<5x160x128xf32, #tpu.memory_space<vmem>> -> memref<1x160x128xf32, #tpu.memory_space<vmem>>
      %dma_start3A_815 = tpu.memref_squeeze %dma_start3A_814 : memref<1x160x128xf32, #tpu.memory_space<vmem>> -> memref<160x128xf32, #tpu.memory_space<vmem>>
      %dma_start3A_816 = arith.constant 0 : i32
      %dma_start3A_817 = tpu.memref_slice %arg4[%add3A_809, %dma_start3A_816] : memref<819200x128xf32, #tpu.memory_space<hbm>> -> memref<160x128xf32, #tpu.memory_space<hbm>>
      %dma_start3A_818 = tpu.memref_slice %arg8[%dma_start3A_811] : memref<5x!tpu.dma_semaphore, #tpu.memory_space<semaphore_mem>> -> memref<1x!tpu.dma_semaphore, #tpu.memory_space<semaphore_mem>>
      %dma_start3A_819 = tpu.memref_squeeze %dma_start3A_818 : memref<1x!tpu.dma_semaphore, #tpu.memory_space<semaphore_mem>> -> memref<!tpu.dma_semaphore, #tpu.memory_space<semaphore_mem>>
      %dma_start3A_820 = arith.constant 0 : i32
      %dma_start3A_821 = tpu.memref_slice %arg4[%add3A_809, %dma_start3A_820] : memref<819200x128xf32, #tpu.memory_space<hbm>> -> memref<160x128xf32, #tpu.memory_space<hbm>>
      %dma_start3A_822 = arith.constant 0 : i32
      %dma_start3A_823 = arith.constant 0 : i32
      %dma_start3A_824 = tpu.memref_slice %arg6[%dma_start3A_810, %dma_start3A_822, %dma_start3A_823] : memref<5x160x128xf32, #tpu.memory_space<vmem>> -> memref<1x160x128xf32, #tpu.memory_space<vmem>>
      %dma_start3A_825 = tpu.memref_squeeze %dma_start3A_824 : memref<1x160x128xf32, #tpu.memory_space<vmem>> -> memref<160x128xf32, #tpu.memory_space<vmem>>
      tpu.enqueue_dma source(%dma_start3A_825 : memref<160x128xf32, #tpu.memory_space<vmem>>) target(%dma_start3A_821 : memref<160x128xf32, #tpu.memory_space<hbm>>) target_semaphore(%dma_start3A_819 : memref<!tpu.dma_semaphore, #tpu.memory_space<semaphore_mem>>)
    }
    %scan3A_45 = arith.constant 32 : i32
    %add3A_46 = arith.constant 24800 : i32
    %add3A_47 = arith.addi %mul3A_2, %add3A_46 : i32
    %dma_wait3A = arith.constant 0 : i32
    %dma_wait3A_48 = arith.constant 0 : i32
    %dma_wait3A_49 = arith.constant 0 : i32
    %dma_wait3A_50 = arith.constant 0 : i32
    %dma_wait3A_51 = tpu.memref_slice %arg6[%dma_wait3A, %dma_wait3A_49, %dma_wait3A_50] : memref<5x160x128xf32, #tpu.memory_space<vmem>> -> memref<1x160x128xf32, #tpu.memory_space<vmem>>
    %dma_wait3A_52 = tpu.memref_squeeze %dma_wait3A_51 : memref<1x160x128xf32, #tpu.memory_space<vmem>> -> memref<160x128xf32, #tpu.memory_space<vmem>>
    %dma_wait3A_53 = arith.constant 0 : i32
    %dma_wait3A_54 = tpu.memref_slice %arg4[%add3A_47, %dma_wait3A_53] : memref<819200x128xf32, #tpu.memory_space<hbm>> -> memref<160x128xf32, #tpu.memory_space<hbm>>
    %dma_wait3A_55 = tpu.memref_slice %arg8[%dma_wait3A_48] : memref<5x!tpu.dma_semaphore, #tpu.memory_space<semaphore_mem>> -> memref<1x!tpu.dma_semaphore, #tpu.memory_space<semaphore_mem>>
    %dma_wait3A_56 = tpu.memref_squeeze %dma_wait3A_55 : memref<1x!tpu.dma_semaphore, #tpu.memory_space<semaphore_mem>> -> memref<!tpu.dma_semaphore, #tpu.memory_space<semaphore_mem>>
    %dma_wait3A_57 = arith.constant 0 : i32
    %dma_wait3A_58 = tpu.memref_slice %arg4[%add3A_47, %dma_wait3A_57] : memref<819200x128xf32, #tpu.memory_space<hbm>> -> memref<160x128xf32, #tpu.memory_space<hbm>>
    %dma_wait3A_59 = arith.constant 0 : i32
    %dma_wait3A_60 = arith.constant 0 : i32
    %dma_wait3A_61 = tpu.memref_slice %arg6[%dma_wait3A, %dma_wait3A_59, %dma_wait3A_60] : memref<5x160x128xf32, #tpu.memory_space<vmem>> -> memref<1x160x128xf32, #tpu.memory_space<vmem>>
    %dma_wait3A_62 = tpu.memref_squeeze %dma_wait3A_61 : memref<1x160x128xf32, #tpu.memory_space<vmem>> -> memref<160x128xf32, #tpu.memory_space<vmem>>
    tpu.wait_dma2 semaphore(%dma_wait3A_56 : memref<!tpu.dma_semaphore, #tpu.memory_space<semaphore_mem>>) src(%dma_wait3A_62 : memref<160x128xf32, #tpu.memory_space<vmem>>) dst(%dma_wait3A_58 : memref<160x128xf32, #tpu.memory_space<hbm>>)
    %add3A_63 = arith.constant 24960 : i32
    %add3A_64 = arith.addi %mul3A_2, %add3A_63 : i32
    %dma_wait3A_65 = arith.constant 1 : i32
    %dma_wait3A_66 = arith.constant 1 : i32
    %dma_wait3A_67 = arith.constant 0 : i32
    %dma_wait3A_68 = arith.constant 0 : i32
    %dma_wait3A_69 = tpu.memref_slice %arg6[%dma_wait3A_65, %dma_wait3A_67, %dma_wait3A_68] : memref<5x160x128xf32, #tpu.memory_space<vmem>> -> memref<1x160x128xf32, #tpu.memory_space<vmem>>
    %dma_wait3A_70 = tpu.memref_squeeze %dma_wait3A_69 : memref<1x160x128xf32, #tpu.memory_space<vmem>> -> memref<160x128xf32, #tpu.memory_space<vmem>>
    %dma_wait3A_71 = arith.constant 0 : i32
    %dma_wait3A_72 = tpu.memref_slice %arg4[%add3A_64, %dma_wait3A_71] : memref<819200x128xf32, #tpu.memory_space<hbm>> -> memref<160x128xf32, #tpu.memory_space<hbm>>
    %dma_wait3A_73 = tpu.memref_slice %arg8[%dma_wait3A_66] : memref<5x!tpu.dma_semaphore, #tpu.memory_space<semaphore_mem>> -> memref<1x!tpu.dma_semaphore, #tpu.memory_space<semaphore_mem>>
    %dma_wait3A_74 = tpu.memref_squeeze %dma_wait3A_73 : memref<1x!tpu.dma_semaphore, #tpu.memory_space<semaphore_mem>> -> memref<!tpu.dma_semaphore, #tpu.memory_space<semaphore_mem>>
    %dma_wait3A_75 = arith.constant 0 : i32
    %dma_wait3A_76 = tpu.memref_slice %arg4[%add3A_64, %dma_wait3A_75] : memref<819200x128xf32, #tpu.memory_space<hbm>> -> memref<160x128xf32, #tpu.memory_space<hbm>>
    %dma_wait3A_77 = arith.constant 0 : i32
    %dma_wait3A_78 = arith.constant 0 : i32
    %dma_wait3A_79 = tpu.memref_slice %arg6[%dma_wait3A_65, %dma_wait3A_77, %dma_wait3A_78] : memref<5x160x128xf32, #tpu.memory_space<vmem>> -> memref<1x160x128xf32, #tpu.memory_space<vmem>>
    %dma_wait3A_80 = tpu.memref_squeeze %dma_wait3A_79 : memref<1x160x128xf32, #tpu.memory_space<vmem>> -> memref<160x128xf32, #tpu.memory_space<vmem>>
    tpu.wait_dma2 semaphore(%dma_wait3A_74 : memref<!tpu.dma_semaphore, #tpu.memory_space<semaphore_mem>>) src(%dma_wait3A_80 : memref<160x128xf32, #tpu.memory_space<vmem>>) dst(%dma_wait3A_76 : memref<160x128xf32, #tpu.memory_space<hbm>>)
    %add3A_81 = arith.constant 25120 : i32
    %add3A_82 = arith.addi %mul3A_2, %add3A_81 : i32
    %dma_wait3A_83 = arith.constant 2 : i32
    %dma_wait3A_84 = arith.constant 2 : i32
    %dma_wait3A_85 = arith.constant 0 : i32
    %dma_wait3A_86 = arith.constant 0 : i32
    %dma_wait3A_87 = tpu.memref_slice %arg6[%dma_wait3A_83, %dma_wait3A_85, %dma_wait3A_86] : memref<5x160x128xf32, #tpu.memory_space<vmem>> -> memref<1x160x128xf32, #tpu.memory_space<vmem>>
    %dma_wait3A_88 = tpu.memref_squeeze %dma_wait3A_87 : memref<1x160x128xf32, #tpu.memory_space<vmem>> -> memref<160x128xf32, #tpu.memory_space<vmem>>
    %dma_wait3A_89 = arith.constant 0 : i32
    %dma_wait3A_90 = tpu.memref_slice %arg4[%add3A_82, %dma_wait3A_89] : memref<819200x128xf32, #tpu.memory_space<hbm>> -> memref<160x128xf32, #tpu.memory_space<hbm>>
    %dma_wait3A_91 = tpu.memref_slice %arg8[%dma_wait3A_84] : memref<5x!tpu.dma_semaphore, #tpu.memory_space<semaphore_mem>> -> memref<1x!tpu.dma_semaphore, #tpu.memory_space<semaphore_mem>>
    %dma_wait3A_92 = tpu.memref_squeeze %dma_wait3A_91 : memref<1x!tpu.dma_semaphore, #tpu.memory_space<semaphore_mem>> -> memref<!tpu.dma_semaphore, #tpu.memory_space<semaphore_mem>>
    %dma_wait3A_93 = arith.constant 0 : i32
    %dma_wait3A_94 = tpu.memref_slice %arg4[%add3A_82, %dma_wait3A_93] : memref<819200x128xf32, #tpu.memory_space<hbm>> -> memref<160x128xf32, #tpu.memory_space<hbm>>
    %dma_wait3A_95 = arith.constant 0 : i32
    %dma_wait3A_96 = arith.constant 0 : i32
    %dma_wait3A_97 = tpu.memref_slice %arg6[%dma_wait3A_83, %dma_wait3A_95, %dma_wait3A_96] : memref<5x160x128xf32, #tpu.memory_space<vmem>> -> memref<1x160x128xf32, #tpu.memory_space<vmem>>
    %dma_wait3A_98 = tpu.memref_squeeze %dma_wait3A_97 : memref<1x160x128xf32, #tpu.memory_space<vmem>> -> memref<160x128xf32, #tpu.memory_space<vmem>>
    tpu.wait_dma2 semaphore(%dma_wait3A_92 : memref<!tpu.dma_semaphore, #tpu.memory_space<semaphore_mem>>) src(%dma_wait3A_98 : memref<160x128xf32, #tpu.memory_space<vmem>>) dst(%dma_wait3A_94 : memref<160x128xf32, #tpu.memory_space<hbm>>)
    %add3A_99 = arith.constant 25280 : i32
    %add3A_100 = arith.addi %mul3A_2, %add3A_99 : i32
    %dma_wait3A_101 = arith.constant 3 : i32
    %dma_wait3A_102 = arith.constant 3 : i32
    %dma_wait3A_103 = arith.constant 0 : i32
    %dma_wait3A_104 = arith.constant 0 : i32
    %dma_wait3A_105 = tpu.memref_slice %arg6[%dma_wait3A_101, %dma_wait3A_103, %dma_wait3A_104] : memref<5x160x128xf32, #tpu.memory_space<vmem>> -> memref<1x160x128xf32, #tpu.memory_space<vmem>>
    %dma_wait3A_106 = tpu.memref_squeeze %dma_wait3A_105 : memref<1x160x128xf32, #tpu.memory_space<vmem>> -> memref<160x128xf32, #tpu.memory_space<vmem>>
    %dma_wait3A_107 = arith.constant 0 : i32
    %dma_wait3A_108 = tpu.memref_slice %arg4[%add3A_100, %dma_wait3A_107] : memref<819200x128xf32, #tpu.memory_space<hbm>> -> memref<160x128xf32, #tpu.memory_space<hbm>>
    %dma_wait3A_109 = tpu.memref_slice %arg8[%dma_wait3A_102] : memref<5x!tpu.dma_semaphore, #tpu.memory_space<semaphore_mem>> -> memref<1x!tpu.dma_semaphore, #tpu.memory_space<semaphore_mem>>
    %dma_wait3A_110 = tpu.memref_squeeze %dma_wait3A_109 : memref<1x!tpu.dma_semaphore, #tpu.memory_space<semaphore_mem>> -> memref<!tpu.dma_semaphore, #tpu.memory_space<semaphore_mem>>
    %dma_wait3A_111 = arith.constant 0 : i32
    %dma_wait3A_112 = tpu.memref_slice %arg4[%add3A_100, %dma_wait3A_111] : memref<819200x128xf32, #tpu.memory_space<hbm>> -> memref<160x128xf32, #tpu.memory_space<hbm>>
    %dma_wait3A_113 = arith.constant 0 : i32
    %dma_wait3A_114 = arith.constant 0 : i32
    %dma_wait3A_115 = tpu.memref_slice %arg6[%dma_wait3A_101, %dma_wait3A_113, %dma_wait3A_114] : memref<5x160x128xf32, #tpu.memory_space<vmem>> -> memref<1x160x128xf32, #tpu.memory_space<vmem>>
    %dma_wait3A_116 = tpu.memref_squeeze %dma_wait3A_115 : memref<1x160x128xf32, #tpu.memory_space<vmem>> -> memref<160x128xf32, #tpu.memory_space<vmem>>
    tpu.wait_dma2 semaphore(%dma_wait3A_110 : memref<!tpu.dma_semaphore, #tpu.memory_space<semaphore_mem>>) src(%dma_wait3A_116 : memref<160x128xf32, #tpu.memory_space<vmem>>) dst(%dma_wait3A_112 : memref<160x128xf32, #tpu.memory_space<hbm>>)
    %add3A_117 = arith.constant 25440 : i32
    %add3A_118 = arith.addi %mul3A_2, %add3A_117 : i32
    %dma_wait3A_119 = arith.constant 4 : i32
    %dma_wait3A_120 = arith.constant 4 : i32
    %dma_wait3A_121 = arith.constant 0 : i32
    %dma_wait3A_122 = arith.constant 0 : i32
    %dma_wait3A_123 = tpu.memref_slice %arg6[%dma_wait3A_119, %dma_wait3A_121, %dma_wait3A_122] : memref<5x160x128xf32, #tpu.memory_space<vmem>> -> memref<1x160x128xf32, #tpu.memory_space<vmem>>
    %dma_wait3A_124 = tpu.memref_squeeze %dma_wait3A_123 : memref<1x160x128xf32, #tpu.memory_space<vmem>> -> memref<160x128xf32, #tpu.memory_space<vmem>>
    %dma_wait3A_125 = arith.constant 0 : i32
    %dma_wait3A_126 = tpu.memref_slice %arg4[%add3A_118, %dma_wait3A_125] : memref<819200x128xf32, #tpu.memory_space<hbm>> -> memref<160x128xf32, #tpu.memory_space<hbm>>
    %dma_wait3A_127 = tpu.memref_slice %arg8[%dma_wait3A_120] : memref<5x!tpu.dma_semaphore, #tpu.memory_space<semaphore_mem>> -> memref<1x!tpu.dma_semaphore, #tpu.memory_space<semaphore_mem>>
    %dma_wait3A_128 = tpu.memref_squeeze %dma_wait3A_127 : memref<1x!tpu.dma_semaphore, #tpu.memory_space<semaphore_mem>> -> memref<!tpu.dma_semaphore, #tpu.memory_space<semaphore_mem>>
    %dma_wait3A_129 = arith.constant 0 : i32
    %dma_wait3A_130 = tpu.memref_slice %arg4[%add3A_118, %dma_wait3A_129] : memref<819200x128xf32, #tpu.memory_space<hbm>> -> memref<160x128xf32, #tpu.memory_space<hbm>>
    %dma_wait3A_131 = arith.constant 0 : i32
    %dma_wait3A_132 = arith.constant 0 : i32
    %dma_wait3A_133 = tpu.memref_slice %arg6[%dma_wait3A_119, %dma_wait3A_131, %dma_wait3A_132] : memref<5x160x128xf32, #tpu.memory_space<vmem>> -> memref<1x160x128xf32, #tpu.memory_space<vmem>>
    %dma_wait3A_134 = tpu.memref_squeeze %dma_wait3A_133 : memref<1x160x128xf32, #tpu.memory_space<vmem>> -> memref<160x128xf32, #tpu.memory_space<vmem>>
    tpu.wait_dma2 semaphore(%dma_wait3A_128 : memref<!tpu.dma_semaphore, #tpu.memory_space<semaphore_mem>>) src(%dma_wait3A_134 : memref<160x128xf32, #tpu.memory_space<vmem>>) dst(%dma_wait3A_130 : memref<160x128xf32, #tpu.memory_space<hbm>>)
    return
  }
}

</mosaic_0001>

<sc_bundles>
// kernel: kernel.3.cloned.1.call-start
scs
__scs_entry_jumppad:
0x0: {  	(pc) =	sbr.rel $0x88, $3  }
0x1: {  	(tag) =	ssettag $0x0;
	lr =	simm.s32 $0x1  }
0x2: {  	[smem:$0x3F9F] =	sst lr;
	_ =	strace $0xD0000000  }
0x3: {  	_ = 	snop  }
0x4: {  	_ = 	snop  }
0x5: {  	_ = 	snop  }
0x6: {  	_ = 	snop  }
0x7: {  	_ = 	snop  }
__scs_overlays_trampoline_lowered:
0x8: {  	[smem:$0x3FAE] =	sst s0  }
0x9: {  	[smem:$0x3FAF] =	sst s1  }
0xa: {  	[smem:$0x3FB0] =	sst s2  }
0xb: {  	[smem:$0x3FB1] =	sst s3  }
0xc: {  	[smem:$0x3FB2] =	sst s4  }
0xd: {  	[smem:$0x3FB3] =	sst s5  }
0xe: {  	[smem:$0x3FB4] =	sst s6  }
0xf: {  	[smem:$0x3FB5] =	sst s7  }
0x10: {  	[smem:$0x3FB6] =	sst s8  }
0x11: {  	[smem:$0x3FB7] =	sst s9;
	s0 =	simm.s32 @!p0 $0x0  }
0x12: {  	s1 =	sld [smem:$0x3F9D];
	s0 =	simm.s32 @p0 $0x1  }
0x13: {  	[smem:$0x3FB8] =	sst s0;
	s0 =	simm.s32 @!p1 $0x0  }
0x14: {  	s2 =	sld [smem:$0x3F9C];
	s0 =	simm.s32 @p1 $0x1  }
0x15: {  	[smem:$0x3FB9] =	sst s0;
	s0 =	simm.s32 @!p2 $0x0  }
0x16: {  	s3 =	sld [smem:$0x3FDB];
	s0 =	simm.s32 @p2 $0x1  }
0x17: {  	s4 =	simm.s32 $0x1BF5;
	[smem:$0x3FBB] =	sst s0  }
0x18: {  	s0 =	sld [smem:$0x3F9E];
	_ =	swait.ge [sflag:s4], $0x0  }
0x19: {  	s7 =	sld [smem:$0x3F9F]  }
0x1a: {  	s8 =	sadd.s32 $0xFFFFE003, lr  }
0x1b: {  	s9 =	sadd.s32 $0xFFFFFEF7, lr;
	s5 =	simm.s32 $0xFFFFFFFF;
	p2 =	slt.u32 s8, $0xFFFFF086  }
0x1c: {  	p1 =	slt.u32 s9, $0xF7A;
	s5 =	simm.s32 @!p2 $0x0  }
0x1d: {  	s5 =	simm.s32 @p1 $0x1;
	p0 =	seq.s32 s7, s2  }
0x1e: {  	s7 =	smul.u32 @!p0 $0xF7A, s2;
	p2 =	seq.s32 @!p0 s5, $0x0  }
0x1f: {  	s9 =	smul.u32 $0xF7A, s1;
	s8 =	simm.s32 @!p0 $0x1BF5;
	p2 =	por !p2, p0  }
0x20: {  	[sflag:s8] =	ssyncset.s32 @!p0 $0xFFFFF086;
	s6 =	sadd.s32 @!p0 s3, s7;
	s7 =	simm.s32 @!p0 $0x108  }
0x21: {  	s3 =	sadd.s32 s3, s9;
	s6 =	sadd.s32 @!p0 $0x88, s6;
	s7 =	simm.s32 @p2 $0x1082  }
0x22: {  	[simem:s7], [sflag:s8] =	dma.local @!p0 [hbm:s6], $0xF7A  }
0x23: {  	s9 =	sor.u32 $0xD0000000, s2;
	s6 =	simm.s32 $0x108;
	_ =	swait.ge @!p0 [sflag:s8], $0x0  }
0x24: {  	s3 =	sadd.s32 $0x88, s3;
	s6 =	simm.s32 @!p1 $0x1082;
	[sflag:s4] =	ssyncset.s32 $0xFFFFF086  }
0x25: {  	[simem:s6], [sflag:s4] =	dma.local [hbm:s3], $0xF7A  }
0x26: {  	[smem:$0x3F9F] =	sst s1;
	(tag) =	ssettag s2;
	_ =	strace s9  }
0x27: {  	s1 =	sld [smem:$0x3FAF]  }
0x28: {  	s2 =	sld [smem:$0x3FB0]  }
0x29: {  	s4 =	sld [smem:$0x3FB2]  }
0x2a: {  	p0 =	seq.s32 s5, $0x0;
	s5 =	sld [smem:$0x3FB3]  }
0x2b: {  	s6 =	sld [smem:$0x3FB4]  }
0x2c: {  	s7 =	sld [smem:$0x3FB5]  }
0x2d: {  	s3 =	simm.s32 $0x108;
	s8 =	sld [smem:$0x3FB6]  }
0x2e: {  	s3 =	simm.s32 @!p0 $0x1082;
	s9 =	sld [smem:$0x3FB7]  }
0x2f: {  	lr =	sadd.s32 s0, s3;
	s0 =	sld [smem:$0x3FAE]  }
0x30: {  	s3 =	sld [smem:$0x3FB1]  }
0x31: {  	[smem:$0x3FBA] =	sst s10  }
0x32: {  	s10 =	sld [smem:$0x3FB8];
	_ =	sdelay $0x3  }
0x33: {  	p0 =	seq.s32 s10, $0x1;
	s10 =	sld [smem:$0x3FBA];
	_ =	sdelay $0x3  }
0x34: {  	[smem:$0x3FBA] =	sst s10  }
0x35: {  	s10 =	sld [smem:$0x3FB9];
	_ =	sdelay $0x3  }
0x36: {  	p1 =	seq.s32 s10, $0x1;
	s10 =	sld [smem:$0x3FBA];
	_ =	sdelay $0x3  }
0x37: {  	[smem:$0x3FBA] =	sst s10  }
0x38: {  	s10 =	sld [smem:$0x3FBB]  }
0x39: {  	_ = 	snop;
	(pc) =	sbr.ind lr, $3  }
0x3a: {  	_ = 	snop  }
0x3b: {  	_ = 	snop  }
0x3c: {  	p2 =	seq.s32 s10, $0x1;
	s10 =	sld [smem:$0x3FBA]  }
0x3d: {  	_ =	shalt  }
0x3e: {  	_ =	shalt  }
0x3f: {  	_ =	shalt  }
0x40: {  	_ =	shalt  }
0x41: {  	_ =	shalt  }
0x42: {  	_ =	shalt  }
0x43: {  	_ =	shalt  }
0x44: {  	_ =	shalt  }
0x45: {  	_ =	shalt  }
0x46: {  	_ =	shalt  }
0x47: {  	_ =	shalt  }
0x48: {  	_ =	shalt  }
0x49: {  	_ =	shalt  }
0x4a: {  	_ =	shalt  }
0x4b: {  	_ =	shalt  }
0x4c: {  	_ =	shalt  }
0x4d: {  	_ =	shalt  }
0x4e: {  	_ =	shalt  }
0x4f: {  	_ =	shalt  }
0x50: {  	_ =	shalt  }
0x51: {  	_ =	shalt  }
0x52: {  	_ =	shalt  }
0x53: {  	_ =	shalt  }
0x54: {  	_ =	shalt  }
0x55: {  	_ =	shalt  }
0x56: {  	_ =	shalt  }
0x57: {  	_ =	shalt  }
0x58: {  	_ =	shalt  }
0x59: {  	_ =	shalt  }
0x5a: {  	_ =	shalt  }
0x5b: {  	_ =	shalt  }
0x5c: {  	_ =	shalt  }
0x5d: {  	_ =	shalt  }
0x5e: {  	_ =	shalt  }
0x5f: {  	_ =	shalt  }
0x60: {  	_ =	shalt  }
0x61: {  	_ =	shalt  }
0x62: {  	_ =	shalt  }
0x63: {  	_ =	shalt  }
0x64: {  	_ =	shalt  }
0x65: {  	_ =	shalt  }
0x66: {  	_ =	shalt  }
0x67: {  	_ =	shalt  }
0x68: {  	_ =	shalt  }
0x69: {  	_ =	shalt  }
0x6a: {  	_ =	shalt  }
0x6b: {  	_ =	shalt  }
0x6c: {  	_ =	shalt  }
0x6d: {  	_ =	shalt  }
0x6e: {  	_ =	shalt  }
0x6f: {  	_ =	shalt  }
0x70: {  	_ =	shalt  }
0x71: {  	_ =	shalt  }
0x72: {  	_ =	shalt  }
0x73: {  	_ =	shalt  }
0x74: {  	_ =	shalt  }
0x75: {  	_ =	shalt  }
0x76: {  	_ =	shalt  }
0x77: {  	_ =	shalt  }
0x78: {  	_ =	shalt  }
0x79: {  	_ =	shalt  }
0x7a: {  	_ =	shalt  }
0x7b: {  	_ =	shalt  }
0x7c: {  	_ =	shalt  }
0x7d: {  	_ =	shalt  }
0x7e: {  	_ =	shalt  }
0x7f: {  	_ =	shalt  }
0x80: {  	_ =	shalt  }
0x81: {  	_ =	shalt  }
0x82: {  	_ =	shalt  }
0x83: {  	_ =	shalt  }
0x84: {  	_ =	shalt  }
0x85: {  	_ =	shalt  }
0x86: {  	_ =	shalt  }
0x87: {  	_ =	shalt  }
.Lfunc_end0:
.L_simem_size_0:
called_computation_lowered:
.L_overlay_start_0:
0x88: {  	s2 =	sld [smem:$0x3FD9]  }
0x89: {  	s3 =	sld [smem:$0x3FFE];
	_ =	sdelay $0x1  }
0x8a: {  	s1 =	srdreg.scid  }
0x8b: {  	s0 =	sand.u32 $0x1, s1  }
0x8c: {  	s17 =	sshll.u32 s0, $0xA;
	s2 =	sadd.s32 s3, s2  }
0x8d: {  	s2 =	sadd.s32 s2, s17  }
0x8e: {  	[smem:$0x3FC6] =	sst s2  }
0x8f: {  	_ = 	snop  }
0x90: {  	s2 =	sld [smem:$0x3FC8]  }
0x91: {  	s18 =	sld [smem:$0x3FD0];
	(tm) =	ssettm $0x1  }
0x92: {  	s4 =	sld [smem:$0x3FFB];
	_ =	sdelay $0x3  }
0x93: {  	_ =	strace s4  }
0x94: {  	s4 =	sld [smem:$0x3FFC];
	_ =	sdelay $0x3  }
0x95: {  	_ =	strace s4  }
0x96: {  	s4 =	sld [smem:$0x3FFD];
	_ =	sdelay $0x3  }
0x97: {  	_ =	strace s4  }
0x98: {  	_ =	strace $0x8FFFFFFF  }
0x99: {  	s19 =	sld [smem:$0x3FDB];
	_ =	sdelay $0x1  }
0x9a: {  	s5 =	simm.s32 $_scs_section_size  }
0x9b: {  	s6 =	simm.s32 $_size__tile_overlayer_lowered;
	s7 =	simm.s32 $_tile_overlayer_lowered  }
0x9c: {  	s22 =	simm.s32 $0x1BFF;
	s21 =	sshll.u32 s7, $0x1;
	s4 =	sadd.s32 s5, s19  }
0x9d: {  	s8 =	simm.s32 $0x0;
	s20 =	sshll.u32 s6, $0x1;
	s6 =	sadd.s32 s21, s4  }
0x9e: {  	[timem:s8], [sflag:s22] =	dma.local [hbm:s6], s20  }
0x9f: {  	_ =	swait.ge [sflag:s22], s20  }
0xa0: {  	s5 =	ssub.s32 $0x0, s20;
	[sflag:s22] =	ssyncset.done $0x0  }
0xa1: {  	[sflag:s22] =	ssyncadd.s32 s5;
	_ =	sdelay $0x1  }
0xa2: {  	s23 =	simm.s32 $0x1B8B  }
0xa3: {  	_ =	swait.ge [sflag:s23], $0x1  }
0xa4: {  	[sflag:s23] =	ssyncset.done $0x0  }
0xa5: {  	s25 =	simm.s32 $0x1B8E;
	s24 =	sld [smem:$0x3FFE];
	[sflag:s23] =	ssyncadd.s32 $0xFFFFFFFF  }
0xa6: {  	s26 =	simm.s32 $execute0_lowered;
	[smem:$0x3FD2] =	sst s25  }
0xa7: {  	s6 =	sshll.u32 s26, $0x1;
	_ =	strace $0x80000046;
	[dreg:$0x1] =	wrdreg $0xFFFFFFFF  }
0xa8: {  	s28 =	simm.s32 $_size_execute0_lowered;
	s4 =	sadd.s32 s4, s6;
	[dreg:$0x0] =	wrdreg $0x0  }
0xa9: {  	s6 =	sshll.u32 s28, $0x1;
	[dreg:$0x2] =	wrdreg s4  }
0xaa: {  	[dreg:$0x3] =	wrdreg s6  }
0xab: {  	[dreg:$0x4] =	wrdreg $0xC0  }
0xac: {  	_ =	task [dreg:s8], $0x5FFFF  }
0xad: {  	[dreg:$0x1] =	wrdreg $0xFFFFFFFF  }
0xae: {  	[dreg:$0x0] =	wrdreg $0x60  }
0xaf: {  	[dreg:$0x2] =	wrdreg s24  }
0xb0: {  	[dreg:$0x3] =	wrdreg s2  }
0xb1: {  	[dreg:$0x4] =	wrdreg s18  }
0xb2: {  	[dreg:$0x5] =	wrdreg $0x9  }
0xb3: {  	_ =	task.clear_ibuf [dreg:s8], $0x6FFFF;
	_ =	strace $0x90000046  }
0xb4: {  	s29 =	simm.s32 $0x9;
	_ =	strace $0x80000048  }
0xb5: {  	_ =	swait.ge [sflag:s29], $0x1  }
0xb6: {  	[sflag:s29] =	ssyncadd.s32 $0xFFFFFFFF  }
0xb7: {  	_ =	strace $0x90000048  }
0xb8: {  	_ =	sfence  }
0xb9: {  	s30 =	sld [smem:$0x0];
	_ =	sdelay $0x2  }
0xba: {  	s31 =	sshll.u32 s1, $0xD;
	s1 =	sshrl.u32 s1, $0x2  }
0xbb: {  	s3 =	sand.u32 $0x4000, s31;
	s1 =	sadd.s32 s1, s30  }
0xbc: {  	s0 =	sor.u32 s3, s0;
	s1 =	sshll.u32 s1, $0x11  }
0xbd: {  	s0 =	sor.u32 s1, s0  }
0xbe: {  	s0 =	sadd.s32 $0x8F2B, s0  }
0xbf: {  	[sflag:s0] =	ssyncadd.remote.s32 $0x1  }
0xc0: {  	_ =	sfence.sel $0xFFFF  }
0xc1: {  	[dreg:$0x0] =	wrdreg $0xFFFFFFFF;
	(pc) =	sbr.abs _section_cstart, $3  }
0xc2: {  	[dreg:$0x1] =	wrdreg $0xFFFFFFFF  }
0xc3: {  	_ =	task.clear_ibuf [dreg:s8], $0x2FFFF;
	_ =	strace $0x9FFFFFFF  }
0xc4: {  	(tm) =	ssettm $0x7FFFFFFF  }
0xc5: {  	_ =	shalt  }
tec
execute0_lowered:
.L_overlay_start_1:
0x0: {  	(tag) =	ssettag $0x1  }
0x1: {  	s0 =	srdreg.scid  }
0x2: {  	s2 =	stileid.u32;
	s1 =	rddreg [dreg:$0x0];
	s5 =	simm.s32 $0x0  }
0x3: {  	s8 =	simm.s32 $0xB;
	s9 =	simm.s32 $0xA0;
	s10 =	simm.s32 $0x6400  }
0x4: {  	s11 =	simm.s32 $0xB400;
	s13 =	simm.s32 $0x10400;
	s14 =	simm.s32 $0x15400  }
0x5: {  	s15 =	simm.s32 $0x1;
	s16 =	simm.s32 $0x1A400;
	s17 =	simm.s32 $0x2  }
0x6: {  	s18 =	simm.s32 $0x3;
	s19 =	simm.s32 $0x4;
	s20 =	simm.s32 $0x5  }
0x7: {  	s21 =	simm.s32 $0x6;
	s0 =	sand.u32 $0x1, s0;
	s3 =	sshll.u32 s2, $0x1  }
0x8: {  	s22 =	simm.s32 $0x7;
	s23 =	simm.s32 $0x8;
	s4 =	sor.u32 s0, s3  }
0x9: {  	v0 =	vlaneseq.u32;
	s24 =	simm.s32 $0x9;
	s0 =	ssub.s32 $0x2, s0;
	s4 =	smul.u32 $0x6400, s4  }
.Ltmp0:
0xa: {  	s2 =	rddreg [dreg:$0x1];
	v0 =	vmul.u32 $0x80, v0;
	s7 =	sshrl.u32 s0, $0x1;
	(pc) =	sbr.rel .LBB2_1-.Ltmp0, $4  }
0xb: {  	v1 =	vimm.f32 $0.0e+00;
	[smem:$0x7FF] =	sst s5;
	s0 =	ssub.s32 s0, s7;
	s6 =	sshrl.u32 s4, $0x3  }
0xc: {  	s3 =	rddreg [dreg:$0x2];
	v2 =	vor.u32 $0x800, v0;
	v3 =	vor.u32 $0x1000, v0;
	v4 =	vor.u32 $0x1800, v0;
	s0 =	smax.u32 s0, $0x1;
	s1 =	sadd.s32 s6, s1  }
0xd: {  	_ =	strace $0x80000047;
	v5 =	vor.u32 $0x2000, v0;
	v6 =	vor.u32 $0x2800, v0;
	v7 =	vor.u32 $0x3000, v0;
	[dreg:$0x5] =	wrdreg s0;
	s1 =	sadd.s32 $0x400, s1  }
0xe: {  	s25 =	simm.s32 $0xA;
	s26 =	simm.s32 $0x0;
	v8 =	vor.u32 $0x3800, v0;
	v9 =	vor.u32 $0x4000, v0;
	v10 =	vor.u32 $0x4800, v0;
	[dreg:$0x4] =	wrdreg s1  }
.LBB2_208:
0xf: {  	_ =	swait.ge [sflag:s21], $0x5000  }
0x10: {  	[sflag:s21] =	ssyncset.done $0x0  }
0x11: {  	[sflag:s21] =	ssyncadd.s32 $0xFFFFB000  }
0x12: {  	_ =	swait.ge [sflag:s22], $0x5000  }
0x13: {  	[sflag:s22] =	ssyncset.done $0x0  }
0x14: {  	[sflag:s22] =	ssyncadd.s32 $0xFFFFB000  }
0x15: {  	_ =	swait.ge [sflag:s23], $0x5000  }
0x16: {  	[sflag:s23] =	ssyncset.done $0x0  }
0x17: {  	[sflag:s23] =	ssyncadd.s32 $0xFFFFB000  }
0x18: {  	_ =	swait.ge [sflag:s24], $0x5000  }
0x19: {  	[sflag:s24] =	ssyncset.done $0x0  }
0x1a: {  	[sflag:s24] =	ssyncadd.s32 $0xFFFFB000  }
0x1b: {  	_ =	swait.ge [sflag:s25], $0x5000  }
0x1c: {  	s26 =	sadd.s32 $0x1, s26;
	s0 =	rddreg [dreg:$0x5]  }
0x1d: {  	p0 =	sne.s32 s26, s0  }
.Ltmp1:
0x1e: {  	_ = 	snop;
	(pc) =	sbr.rel @!p0 .LBB2_209-.Ltmp1, $3  }
0x1f: {  	_ =	sdelay $0x1  }
0x20: {  	[sflag:s25] =	ssyncset.done $0x0  }
0x21: {  	[sflag:s25] =	ssyncadd.s32 $0xFFFFB000  }
.LBB2_1:
0x22: {  	s0 =	rddreg [dreg:$0x4]  }
0x23: {  	[tilespmem:s5], [sflag:$0xB] =	stream.linear.gather [hbm4b:s0+s5], $0x6400, $0x38;
	[tilespmem:$0x1F400] =	vst v63  }
0x24: {  	_ =	swait.ge [sflag:s8], $0x6400  }
0x25: {  	[sflag:s8] =	ssyncset.done $0x0  }
0x26: {  	[sflag:s8] =	ssyncadd.s32 $0xFFFF9C00  }
0x27: {  	[tilespmem:s10], [sflag:$0x1] =	stream.indirect.gather [hbm4b:s2+s9], $0x80, s5, s9, $0xb8;
	[tilespmem:$0x1F400] =	vst v63  }
.Ltmp2:
0x28: {  	_ = 	snop;
	(pc) =	sbr.rel .LBB2_2-.Ltmp2, $4  }
0x29: {  	_ = 	snop  }
0x2a: {  	[tilespmem:s11], [sflag:$0x2] =	stream.indirect.gather [hbm4b:s2+s9], $0x80, s9, s9, $0xb8;
	[tilespmem:$0x1F400] =	vst v63  }
0x2b: {  	s31 =	simm.s32 $0x140;
	s28 =	simm.s32 $0x0  }
0x2c: {  	[tilespmem:s13], [sflag:$0x3] =	stream.indirect.gather [hbm4b:s2+s9], $0x80, s31, s9, $0xb8;
	[tilespmem:$0x1F400] =	vst v63  }
.LBB2_207:
0x2d: {  	s28 =	sadd.s32 $0x1, s28  }
0x2e: {  	p0 =	sne.s32 s28, $0x20  }
.Ltmp3:
0x2f: {  	_ = 	snop;
	(pc) =	sbr.rel @!p0 .LBB2_208-.Ltmp3, $4  }
0x30: {  	s0 =	sadd.s32 s4, s0  }
0x31: {  	s0 =	sshll.u32 s0, $0x4  }
0x32: {  	s0 =	sadd.s32 s3, s0  }
0x33: {  	[hbm4b:s0+s5] =	stream.linear.scatter [tilespmem:s16], [sflag:$0xA], $0x5000, $0x38;
	[tilespmem:$0x1F400] =	vst v63  }
.LBB2_2:
0x34: {  	s0 =	smul.u32 $0x5, s28  }
0x35: {  	p0 =	seq.s32 s28, $0x0  }
0x36: {  	s1 =	simm.s32 @!p0 $0x9;
	s29 =	sadd.s32 $0x3, s0  }
0x37: {  	_ =	swait.ge @!p0 [sflag:s1], $0x5000;
	s6 =	smul.u32 $0x280, s29  }
0x38: {  	[sflag:s1] =	ssyncset.done @!p0 $0x0  }
0x39: {  	[sflag:s1] =	ssyncadd.s32 @!p0 $0xFFFFB000;
	s6 =	sshra.s32 s6, $0x2  }
0x3a: {  	[tilespmem:s14], [sflag:$0x4] =	stream.indirect.gather [hbm4b:s2+s9], $0x80, s6, s9, $0xb8;
	[tilespmem:$0x1F400] =	vst v63  }
0x3b: {  	_ =	swait.ge [sflag:s15], $0x5000  }
0x3c: {  	s31 =	smul.u32 $0x320, s28;
	[sflag:s15] =	ssyncset.done $0x0  }
0x3d: {  	[sflag:s15] =	ssyncadd.s32 $0xFFFFB000  }
0x3e: {  	v11 =	vld [tilespmem:s31+$0x0]  }
0x3f: {  	v12 =	vld [tilespmem:s31+$0x10]  }
0x40: {  	v13 =	vld [tilespmem:s31+$0x20]  }
0x41: {  	v14 =	vld [tilespmem:s31+$0x30]  }
0x42: {  	v15 =	vld [tilespmem:s31+$0x40]  }
0x43: {  	v16 =	vld [tilespmem:s31+$0x50]  }
0x44: {  	s12 =	sand.u32 $0x60, s31;
	s1 =	sand.u32 $0x7F80, s31;
	v17 =	vld [tilespmem:s31+$0x60];
	vm0 =	vlt.s32 v11, $0x1;
	vm1 =	vlt.s32 v12, $0x1  }
0x45: {  	s30 =	sor.u32 s12, s1;
	v19 =	vld [tilespmem:s31+$0x70];
	vm7 =	vlt.s32 v13, $0x1;
	v18 =	vnsel vm0, $0x1, v11;
	v12 =	vnsel vm1, $0x1, v12  }
0x46: {  	v55 =	vld [tilespmem:s30+$0x80];
	vm8 =	vlt.s32 v14, $0x1;
	v13 =	vnsel vm7, $0x1, v13;
	v12 =	vadd.s32 v18, v12  }
0x47: {  	v57 =	vld [tilespmem:s31+$0x90];
	vm9 =	vlt.s32 v15, $0x1;
	v56 =	vnsel vm8, $0x1, v14;
	v12 =	vadd.s32 v13, v12  }
0x48: {  	vm10 =	vlt.s32 v16, $0x1;
	v58 =	vnsel vm9, $0x1, v15;
	v12 =	vadd.s32 v56, v12  }
0x49: {  	vm11 =	vlt.s32 v17, $0x1;
	v59 =	vnsel vm10, $0x1, v16;
	v12 =	vadd.s32 v58, v12  }
0x4a: {  	vm12 =	vlt.s32 v19, $0x1;
	v60 =	vnsel vm11, $0x1, v17;
	v12 =	vadd.s32 v59, v12  }
0x4b: {  	vm13 =	vlt.s32 v55, $0x1;
	v61 =	vnsel vm12, $0x1, v19;
	v12 =	vadd.s32 v60, v12  }
0x4c: {  	vm14 =	vlt.s32 v57, $0x1;
	v62 =	vnsel vm13, $0x1, v55;
	v12 =	vadd.s32 v61, v12  }
0x4d: {  	v63 =	vnsel vm14, $0x1, v57;
	v12 =	vadd.s32 v62, v12  }
0x4e: {  	v12 =	vadd.s32 v63, v12  }
0x4f: {  	vm15 =	vlt.s32 v12, $0xA  }
0x50: {  	v12 =	vmpcnt.ones.xlane vm15;
	_ =	sdelay $0x1  }
0x51: {  	(v2sf) =	vpush v12, $0x0;
	_ =	sdelay $0xe  }
0x52: {  	s7 =	spop (v2sf)  }
0x53: {  	p1 =	slt.s32 s7, $0x1  }
.Ltmp4:
0x54: {  	_ = 	snop;
	(pc) =	sbr.rel @p1 .LBB2_43-.Ltmp4, $1  }
0x55: {  	_ =	sdelay $0x3  }
0x56: {  	vm0 =	veq.s32 v11, $0x0  }
0x57: {  	v11 =	vmpcnt.ones.xlane vm0;
	_ =	sdelay $0x1  }
0x58: {  	(v2sf) =	vpush v11, $0x0;
	_ =	sdelay $0xe  }
0x59: {  	s6 =	spop (v2sf)  }
0x5a: {  	p1 =	slt.s32 s6, $0x1  }
.Ltmp5:
0x5b: {  	_ = 	snop;
	(pc) =	sbr.rel @p1 .LBB2_7-.Ltmp5, $2  }
0x5c: {  	_ =	sdelay $0x2  }
0x5d: {  	s6 =	simm.s32 $0x0  }
0x5e: {  	v11 =	vmov s6  }
0x5f: {  	v11 =	vand.u32 $0x7F, v11  }
0x60: {  	v11 =	vbroadcast v11, $0x0;
	_ =	sdelay $0x1  }
0x61: {  	s6 =	sadd.s32 $0x1, s6;
	v11 =	vor.u32 v0, v11  }
.LBB2_5:
0x62: {  	p1 =	sne.s32 s6, $0x7F  }
.Ltmp6:
0x63: {  	v12 =	vmov s6;
	s6 =	sadd.s32 $0x1, s6;
	(pc) =	sbr.rel @p1 .LBB2_5-.Ltmp6, $4  }
0x64: {  	v12 =	vand.u32 $0x7F, v12  }
0x65: {  	v12 =	vbroadcast v12, $0x0  }
0x66: {  	[tilespmem:v11+s10+$0x0] =	vst.idx.msk vm0, v1  }
0x67: {  	v11 =	vor.u32 v0, v12  }
0x68: {  	_ =	sdelay $0x4  }
0x69: {  	[tilespmem:v11+s10+$0x0] =	vst.idx.msk vm0, v1  }
.LBB2_7:
0x6a: {  	v11 =	vld [tilespmem:s31+$0x10];
	_ =	sdelay $0x4  }
0x6b: {  	vm0 =	veq.s32 v11, $0x0  }
0x6c: {  	v11 =	vmpcnt.ones.xlane vm0;
	_ =	sdelay $0x1  }
0x6d: {  	(v2sf) =	vpush v11, $0x0;
	_ =	sdelay $0xe  }
0x6e: {  	s6 =	spop (v2sf)  }
0x6f: {  	p1 =	slt.s32 s6, $0x1  }
.Ltmp7:
0x70: {  	_ = 	snop;
	(pc) =	sbr.rel @p1 .LBB2_11-.Ltmp7, $2  }
0x71: {  	_ =	sdelay $0x2  }
0x72: {  	s6 =	simm.s32 $0x0  }
0x73: {  	v11 =	vmov s6  }
0x74: {  	v11 =	vand.u32 $0x7F, v11  }
0x75: {  	v11 =	vbroadcast v11, $0x0;
	_ =	sdelay $0x1  }
0x76: {  	s6 =	sadd.s32 $0x1, s6;
	v11 =	vor.u32 v2, v11  }
.LBB2_9:
0x77: {  	p1 =	sne.s32 s6, $0x7F  }
.Ltmp8:
0x78: {  	v12 =	vmov s6;
	s6 =	sadd.s32 $0x1, s6;
	(pc) =	sbr.rel @p1 .LBB2_9-.Ltmp8, $4  }
0x79: {  	v12 =	vand.u32 $0x7F, v12  }
0x7a: {  	v12 =	vbroadcast v12, $0x0  }
0x7b: {  	[tilespmem:v11+s10+$0x0] =	vst.idx.msk vm0, v1  }
0x7c: {  	v11 =	vor.u32 v2, v12  }
0x7d: {  	_ =	sdelay $0x4  }
0x7e: {  	[tilespmem:v11+s10+$0x0] =	vst.idx.msk vm0, v1  }
.LBB2_11:
0x7f: {  	v11 =	vld [tilespmem:s31+$0x20];
	_ =	sdelay $0x4  }
0x80: {  	vm0 =	veq.s32 v11, $0x0  }
0x81: {  	v11 =	vmpcnt.ones.xlane vm0;
	_ =	sdelay $0x1  }
0x82: {  	(v2sf) =	vpush v11, $0x0;
	_ =	sdelay $0xe  }
0x83: {  	s6 =	spop (v2sf)  }
0x84: {  	p1 =	slt.s32 s6, $0x1  }
.Ltmp9:
0x85: {  	_ = 	snop;
	(pc) =	sbr.rel @p1 .LBB2_15-.Ltmp9, $2  }
0x86: {  	_ =	sdelay $0x2  }
0x87: {  	s6 =	simm.s32 $0x0  }
0x88: {  	v11 =	vmov s6  }
0x89: {  	v11 =	vand.u32 $0x7F, v11  }
0x8a: {  	v11 =	vbroadcast v11, $0x0;
	_ =	sdelay $0x1  }
0x8b: {  	s6 =	sadd.s32 $0x1, s6;
	v11 =	vor.u32 v3, v11  }
.LBB2_13:
0x8c: {  	p1 =	sne.s32 s6, $0x7F  }
.Ltmp10:
0x8d: {  	v12 =	vmov s6;
	s6 =	sadd.s32 $0x1, s6;
	(pc) =	sbr.rel @p1 .LBB2_13-.Ltmp10, $4  }
0x8e: {  	v12 =	vand.u32 $0x7F, v12  }
0x8f: {  	v12 =	vbroadcast v12, $0x0  }
0x90: {  	[tilespmem:v11+s10+$0x0] =	vst.idx.msk vm0, v1  }
0x91: {  	v11 =	vor.u32 v3, v12  }
0x92: {  	_ =	sdelay $0x4  }
0x93: {  	[tilespmem:v11+s10+$0x0] =	vst.idx.msk vm0, v1  }
.LBB2_15:
0x94: {  	v11 =	vld [tilespmem:s31+$0x30];
	_ =	sdelay $0x4  }
0x95: {  	vm0 =	veq.s32 v11, $0x0  }
0x96: {  	v11 =	vmpcnt.ones.xlane vm0;
	_ =	sdelay $0x1  }
0x97: {  	(v2sf) =	vpush v11, $0x0;
	_ =	sdelay $0xe  }
0x98: {  	s6 =	spop (v2sf)  }
0x99: {  	p1 =	slt.s32 s6, $0x1  }
.Ltmp11:
0x9a: {  	_ = 	snop;
	(pc) =	sbr.rel @p1 .LBB2_19-.Ltmp11, $2  }
0x9b: {  	_ =	sdelay $0x2  }
0x9c: {  	s6 =	simm.s32 $0x0  }
0x9d: {  	v11 =	vmov s6  }
0x9e: {  	v11 =	vand.u32 $0x7F, v11  }
0x9f: {  	v11 =	vbroadcast v11, $0x0;
	_ =	sdelay $0x1  }
0xa0: {  	s6 =	sadd.s32 $0x1, s6;
	v11 =	vor.u32 v4, v11  }
.LBB2_17:
0xa1: {  	p1 =	sne.s32 s6, $0x7F  }
.Ltmp12:
0xa2: {  	v12 =	vmov s6;
	s6 =	sadd.s32 $0x1, s6;
	(pc) =	sbr.rel @p1 .LBB2_17-.Ltmp12, $4  }
0xa3: {  	v12 =	vand.u32 $0x7F, v12  }
0xa4: {  	v12 =	vbroadcast v12, $0x0  }
0xa5: {  	[tilespmem:v11+s10+$0x0] =	vst.idx.msk vm0, v1  }
0xa6: {  	v11 =	vor.u32 v4, v12  }
0xa7: {  	_ =	sdelay $0x4  }
0xa8: {  	[tilespmem:v11+s10+$0x0] =	vst.idx.msk vm0, v1  }
.LBB2_19:
0xa9: {  	v11 =	vld [tilespmem:s31+$0x40];
	_ =	sdelay $0x4  }
0xaa: {  	vm0 =	veq.s32 v11, $0x0  }
0xab: {  	v11 =	vmpcnt.ones.xlane vm0;
	_ =	sdelay $0x1  }
0xac: {  	(v2sf) =	vpush v11, $0x0;
	_ =	sdelay $0xe  }
0xad: {  	s6 =	spop (v2sf)  }
0xae: {  	p1 =	slt.s32 s6, $0x1  }
.Ltmp13:
0xaf: {  	_ = 	snop;
	(pc) =	sbr.rel @p1 .LBB2_23-.Ltmp13, $2  }
0xb0: {  	_ =	sdelay $0x2  }
0xb1: {  	s6 =	simm.s32 $0x0  }
0xb2: {  	v11 =	vmov s6  }
0xb3: {  	v11 =	vand.u32 $0x7F, v11  }
0xb4: {  	v11 =	vbroadcast v11, $0x0;
	_ =	sdelay $0x1  }
0xb5: {  	s6 =	sadd.s32 $0x1, s6;
	v11 =	vor.u32 v5, v11  }
.LBB2_21:
0xb6: {  	p1 =	sne.s32 s6, $0x7F  }
.Ltmp14:
0xb7: {  	v12 =	vmov s6;
	s6 =	sadd.s32 $0x1, s6;
	(pc) =	sbr.rel @p1 .LBB2_21-.Ltmp14, $4  }
0xb8: {  	v12 =	vand.u32 $0x7F, v12  }
0xb9: {  	v12 =	vbroadcast v12, $0x0  }
0xba: {  	[tilespmem:v11+s10+$0x0] =	vst.idx.msk vm0, v1  }
0xbb: {  	v11 =	vor.u32 v5, v12  }
0xbc: {  	_ =	sdelay $0x4  }
0xbd: {  	[tilespmem:v11+s10+$0x0] =	vst.idx.msk vm0, v1  }
.LBB2_23:
0xbe: {  	v11 =	vld [tilespmem:s31+$0x50];
	_ =	sdelay $0x4  }
0xbf: {  	vm0 =	veq.s32 v11, $0x0  }
0xc0: {  	v11 =	vmpcnt.ones.xlane vm0;
	_ =	sdelay $0x1  }
0xc1: {  	(v2sf) =	vpush v11, $0x0;
	_ =	sdelay $0xe  }
0xc2: {  	s6 =	spop (v2sf)  }
0xc3: {  	p1 =	slt.s32 s6, $0x1  }
.Ltmp15:
0xc4: {  	_ = 	snop;
	(pc) =	sbr.rel @p1 .LBB2_27-.Ltmp15, $2  }
0xc5: {  	_ =	sdelay $0x2  }
0xc6: {  	s6 =	simm.s32 $0x0  }
0xc7: {  	v11 =	vmov s6  }
0xc8: {  	v11 =	vand.u32 $0x7F, v11  }
0xc9: {  	v11 =	vbroadcast v11, $0x0;
	_ =	sdelay $0x1  }
0xca: {  	s6 =	sadd.s32 $0x1, s6;
	v11 =	vor.u32 v6, v11  }
.LBB2_25:
0xcb: {  	p1 =	sne.s32 s6, $0x7F  }
.Ltmp16:
0xcc: {  	v12 =	vmov s6;
	s6 =	sadd.s32 $0x1, s6;
	(pc) =	sbr.rel @p1 .LBB2_25-.Ltmp16, $4  }
0xcd: {  	v12 =	vand.u32 $0x7F, v12  }
0xce: {  	v12 =	vbroadcast v12, $0x0  }
0xcf: {  	[tilespmem:v11+s10+$0x0] =	vst.idx.msk vm0, v1  }
0xd0: {  	v11 =	vor.u32 v6, v12  }
0xd1: {  	_ =	sdelay $0x4  }
0xd2: {  	[tilespmem:v11+s10+$0x0] =	vst.idx.msk vm0, v1  }
.LBB2_27:
0xd3: {  	v11 =	vld [tilespmem:s31+$0x60];
	_ =	sdelay $0x4  }
0xd4: {  	vm0 =	veq.s32 v11, $0x0  }
0xd5: {  	v11 =	vmpcnt.ones.xlane vm0;
	_ =	sdelay $0x1  }
0xd6: {  	(v2sf) =	vpush v11, $0x0;
	_ =	sdelay $0xe  }
0xd7: {  	s6 =	spop (v2sf)  }
0xd8: {  	p1 =	slt.s32 s6, $0x1  }
.Ltmp17:
0xd9: {  	_ = 	snop;
	(pc) =	sbr.rel @p1 .LBB2_31-.Ltmp17, $2  }
0xda: {  	_ =	sdelay $0x2  }
0xdb: {  	s6 =	simm.s32 $0x0  }
0xdc: {  	v11 =	vmov s6  }
0xdd: {  	v11 =	vand.u32 $0x7F, v11  }
0xde: {  	v11 =	vbroadcast v11, $0x0;
	_ =	sdelay $0x1  }
0xdf: {  	s6 =	sadd.s32 $0x1, s6;
	v11 =	vor.u32 v7, v11  }
.LBB2_29:
0xe0: {  	p1 =	sne.s32 s6, $0x7F  }
.Ltmp18:
0xe1: {  	v12 =	vmov s6;
	s6 =	sadd.s32 $0x1, s6;
	(pc) =	sbr.rel @p1 .LBB2_29-.Ltmp18, $4  }
0xe2: {  	v12 =	vand.u32 $0x7F, v12  }
0xe3: {  	v12 =	vbroadcast v12, $0x0  }
0xe4: {  	[tilespmem:v11+s10+$0x0] =	vst.idx.msk vm0, v1  }
0xe5: {  	v11 =	vor.u32 v7, v12  }
0xe6: {  	_ =	sdelay $0x4  }
0xe7: {  	[tilespmem:v11+s10+$0x0] =	vst.idx.msk vm0, v1  }
.LBB2_31:
0xe8: {  	v11 =	vld [tilespmem:s31+$0x70];
	_ =	sdelay $0x4  }
0xe9: {  	vm0 =	veq.s32 v11, $0x0  }
0xea: {  	v11 =	vmpcnt.ones.xlane vm0;
	_ =	sdelay $0x1  }
0xeb: {  	(v2sf) =	vpush v11, $0x0;
	_ =	sdelay $0xe  }
0xec: {  	s6 =	spop (v2sf)  }
0xed: {  	p1 =	slt.s32 s6, $0x1  }
.Ltmp19:
0xee: {  	_ = 	snop;
	(pc) =	sbr.rel @p1 .LBB2_35-.Ltmp19, $2  }
0xef: {  	_ =	sdelay $0x2  }
0xf0: {  	s6 =	simm.s32 $0x0  }
0xf1: {  	v11 =	vmov s6  }
0xf2: {  	v11 =	vand.u32 $0x7F, v11  }
0xf3: {  	v11 =	vbroadcast v11, $0x0;
	_ =	sdelay $0x1  }
0xf4: {  	s6 =	sadd.s32 $0x1, s6;
	v11 =	vor.u32 v8, v11  }
.LBB2_33:
0xf5: {  	p1 =	sne.s32 s6, $0x7F  }
.Ltmp20:
0xf6: {  	v12 =	vmov s6;
	s6 =	sadd.s32 $0x1, s6;
	(pc) =	sbr.rel @p1 .LBB2_33-.Ltmp20, $4  }
0xf7: {  	v12 =	vand.u32 $0x7F, v12  }
0xf8: {  	v12 =	vbroadcast v12, $0x0  }
0xf9: {  	[tilespmem:v11+s10+$0x0] =	vst.idx.msk vm0, v1  }
0xfa: {  	v11 =	vor.u32 v8, v12  }
0xfb: {  	_ =	sdelay $0x4  }
0xfc: {  	[tilespmem:v11+s10+$0x0] =	vst.idx.msk vm0, v1  }
.LBB2_35:
0xfd: {  	v11 =	vld [tilespmem:s30+$0x80];
	_ =	sdelay $0x4  }
0xfe: {  	vm0 =	veq.s32 v11, $0x0  }
0xff: {  	v11 =	vmpcnt.ones.xlane vm0;
	_ =	sdelay $0x1  }
0x100: {  	(v2sf) =	vpush v11, $0x0;
	_ =	sdelay $0xe  }
0x101: {  	s6 =	spop (v2sf)  }
0x102: {  	p1 =	slt.s32 s6, $0x1  }
.Ltmp21:
0x103: {  	_ = 	snop;
	(pc) =	sbr.rel @p1 .LBB2_39-.Ltmp21, $2  }
0x104: {  	_ =	sdelay $0x2  }
0x105: {  	s6 =	simm.s32 $0x0  }
0x106: {  	v11 =	vmov s6  }
0x107: {  	v11 =	vand.u32 $0x7F, v11  }
0x108: {  	v11 =	vbroadcast v11, $0x0;
	_ =	sdelay $0x1  }
0x109: {  	s6 =	sadd.s32 $0x1, s6;
	v11 =	vor.u32 v9, v11  }
.LBB2_37:
0x10a: {  	p1 =	sne.s32 s6, $0x7F  }
.Ltmp22:
0x10b: {  	v12 =	vmov s6;
	s6 =	sadd.s32 $0x1, s6;
	(pc) =	sbr.rel @p1 .LBB2_37-.Ltmp22, $4  }
0x10c: {  	v12 =	vand.u32 $0x7F, v12  }
0x10d: {  	v12 =	vbroadcast v12, $0x0  }
0x10e: {  	[tilespmem:v11+s10+$0x0] =	vst.idx.msk vm0, v1  }
0x10f: {  	v11 =	vor.u32 v9, v12  }
0x110: {  	_ =	sdelay $0x4  }
0x111: {  	[tilespmem:v11+s10+$0x0] =	vst.idx.msk vm0, v1  }
.LBB2_39:
0x112: {  	v11 =	vld [tilespmem:s31+$0x90];
	_ =	sdelay $0x4  }
0x113: {  	vm0 =	veq.s32 v11, $0x0  }
0x114: {  	v11 =	vmpcnt.ones.xlane vm0;
	_ =	sdelay $0x1  }
0x115: {  	(v2sf) =	vpush v11, $0x0;
	_ =	sdelay $0xe  }
0x116: {  	s6 =	spop (v2sf)  }
0x117: {  	p1 =	slt.s32 s6, $0x1  }
.Ltmp23:
0x118: {  	_ = 	snop;
	(pc) =	sbr.rel @p1 .LBB2_43-.Ltmp23, $2  }
0x119: {  	_ =	sdelay $0x2  }
0x11a: {  	s6 =	simm.s32 $0x0  }
0x11b: {  	v11 =	vmov s6  }
0x11c: {  	v11 =	vand.u32 $0x7F, v11  }
0x11d: {  	v11 =	vbroadcast v11, $0x0;
	_ =	sdelay $0x1  }
0x11e: {  	s6 =	sadd.s32 $0x1, s6;
	v11 =	vor.u32 v10, v11  }
.LBB2_41:
0x11f: {  	p1 =	sne.s32 s6, $0x7F  }
.Ltmp24:
0x120: {  	v12 =	vmov s6;
	s6 =	sadd.s32 $0x1, s6;
	(pc) =	sbr.rel @p1 .LBB2_41-.Ltmp24, $4  }
0x121: {  	v12 =	vand.u32 $0x7F, v12  }
0x122: {  	v12 =	vbroadcast v12, $0x0  }
0x123: {  	[tilespmem:v11+s10+$0x0] =	vst.idx.msk vm0, v1  }
0x124: {  	v11 =	vor.u32 v10, v12  }
0x125: {  	_ =	sdelay $0x4  }
0x126: {  	[tilespmem:v11+s10+$0x0] =	vst.idx.msk vm0, v1  }
.LBB2_43:
0x127: {  	s6 =	sadd.s32 s4, s31  }
0x128: {  	s6 =	sshll.u32 s6, $0x4  }
0x129: {  	s30 =	sadd.s32 $0x4, s0;
	s0 =	simm.s32 @!p0 $0xA;
	s6 =	sadd.s32 s3, s6  }
0x12a: {  	[hbm4b:s6+s5] =	stream.linear.scatter [tilespmem:s10], [sflag:$0x6], $0x5000, $0x38;
	[tilespmem:$0x1F400] =	vst v63  }
0x12b: {  	s7 =	smul.u32 $0x280, s30;
	_ =	swait.ge @!p0 [sflag:s0], $0x5000  }
0x12c: {  	[sflag:s0] =	ssyncset.done @!p0 $0x0  }
0x12d: {  	s7 =	sshra.s32 s7, $0x2;
	[sflag:s0] =	ssyncadd.s32 @!p0 $0xFFFFB000  }
0x12e: {  	[tilespmem:s16], [sflag:$0x5] =	stream.indirect.gather [hbm4b:s2+s9], $0x80, s7, s9, $0xb8;
	[tilespmem:$0x1F400] =	vst v63  }
0x12f: {  	_ =	swait.ge [sflag:s17], $0x5000  }
0x130: {  	[sflag:s17] =	ssyncset.done $0x0  }
0x131: {  	[sflag:s17] =	ssyncadd.s32 $0xFFFFB000  }
0x132: {  	v11 =	vld [tilespmem:s31+$0xA0]  }
0x133: {  	v12 =	vld [tilespmem:s31+$0xB0]  }
0x134: {  	v13 =	vld [tilespmem:s31+$0xC0]  }
0x135: {  	v14 =	vld [tilespmem:s31+$0xD0]  }
0x136: {  	v15 =	vld [tilespmem:s31+$0xE0]  }
0x137: {  	s0 =	sadd.s32 s12, s1;
	v16 =	vld [tilespmem:s31+$0xF0]  }
0x138: {  	v17 =	vld [tilespmem:s0+$0x100];
	vm0 =	vlt.s32 v11, $0x1;
	vm1 =	vlt.s32 v12, $0x1  }
0x139: {  	v19 =	vld [tilespmem:s31+$0x110];
	vm7 =	vlt.s32 v13, $0x1;
	v18 =	vnsel vm0, $0x1, v11;
	v12 =	vnsel vm1, $0x1, v12  }
0x13a: {  	v55 =	vld [tilespmem:s31+$0x120];
	vm8 =	vlt.s32 v14, $0x1;
	v13 =	vnsel vm7, $0x1, v13;
	v12 =	vadd.s32 v18, v12  }
0x13b: {  	v57 =	vld [tilespmem:s31+$0x130];
	vm9 =	vlt.s32 v15, $0x1;
	v56 =	vnsel vm8, $0x1, v14;
	v12 =	vadd.s32 v13, v12  }
0x13c: {  	vm10 =	vlt.s32 v16, $0x1;
	v58 =	vnsel vm9, $0x1, v15;
	v12 =	vadd.s32 v56, v12  }
0x13d: {  	vm11 =	vlt.s32 v17, $0x1;
	v59 =	vnsel vm10, $0x1, v16;
	v12 =	vadd.s32 v58, v12  }
0x13e: {  	vm12 =	vlt.s32 v19, $0x1;
	v60 =	vnsel vm11, $0x1, v17;
	v12 =	vadd.s32 v59, v12  }
0x13f: {  	vm13 =	vlt.s32 v55, $0x1;
	v61 =	vnsel vm12, $0x1, v19;
	v12 =	vadd.s32 v60, v12  }
0x140: {  	vm14 =	vlt.s32 v57, $0x1;
	v62 =	vnsel vm13, $0x1, v55;
	v12 =	vadd.s32 v61, v12  }
0x141: {  	v63 =	vnsel vm14, $0x1, v57;
	v12 =	vadd.s32 v62, v12  }
0x142: {  	v12 =	vadd.s32 v63, v12  }
0x143: {  	vm15 =	vlt.s32 v12, $0xA  }
0x144: {  	v12 =	vmpcnt.ones.xlane vm15;
	_ =	sdelay $0x1  }
0x145: {  	(v2sf) =	vpush v12, $0x0;
	_ =	sdelay $0xe  }
0x146: {  	s12 =	spop (v2sf)  }
0x147: {  	p0 =	slt.s32 s12, $0x1  }
.Ltmp25:
0x148: {  	_ = 	snop;
	(pc) =	sbr.rel @p0 .LBB2_84-.Ltmp25, $1  }
0x149: {  	_ =	sdelay $0x3  }
0x14a: {  	vm0 =	veq.s32 v11, $0x0  }
0x14b: {  	v11 =	vmpcnt.ones.xlane vm0;
	_ =	sdelay $0x1  }
0x14c: {  	(v2sf) =	vpush v11, $0x0;
	_ =	sdelay $0xe  }
0x14d: {  	s1 =	spop (v2sf)  }
0x14e: {  	p0 =	slt.s32 s1, $0x1  }
.Ltmp26:
0x14f: {  	_ = 	snop;
	(pc) =	sbr.rel @p0 .LBB2_48-.Ltmp26, $2  }
0x150: {  	_ =	sdelay $0x2  }
0x151: {  	s1 =	simm.s32 $0x0  }
0x152: {  	v11 =	vmov s1  }
0x153: {  	v11 =	vand.u32 $0x7F, v11  }
0x154: {  	v11 =	vbroadcast v11, $0x0;
	_ =	sdelay $0x1  }
0x155: {  	s1 =	sadd.s32 $0x1, s1;
	v11 =	vor.u32 v0, v11  }
.LBB2_46:
0x156: {  	p0 =	sne.s32 s1, $0x7F  }
.Ltmp27:
0x157: {  	v12 =	vmov s1;
	s1 =	sadd.s32 $0x1, s1;
	(pc) =	sbr.rel @p0 .LBB2_46-.Ltmp27, $4  }
0x158: {  	v12 =	vand.u32 $0x7F, v12  }
0x159: {  	v12 =	vbroadcast v12, $0x0  }
0x15a: {  	[tilespmem:v11+s11+$0x0] =	vst.idx.msk vm0, v1  }
0x15b: {  	v11 =	vor.u32 v0, v12  }
0x15c: {  	_ =	sdelay $0x4  }
0x15d: {  	[tilespmem:v11+s11+$0x0] =	vst.idx.msk vm0, v1  }
.LBB2_48:
0x15e: {  	v11 =	vld [tilespmem:s31+$0xB0];
	_ =	sdelay $0x4  }
0x15f: {  	vm0 =	veq.s32 v11, $0x0  }
0x160: {  	v11 =	vmpcnt.ones.xlane vm0;
	_ =	sdelay $0x1  }
0x161: {  	(v2sf) =	vpush v11, $0x0;
	_ =	sdelay $0xe  }
0x162: {  	s1 =	spop (v2sf)  }
0x163: {  	p0 =	slt.s32 s1, $0x1  }
.Ltmp28:
0x164: {  	_ = 	snop;
	(pc) =	sbr.rel @p0 .LBB2_52-.Ltmp28, $2  }
0x165: {  	_ =	sdelay $0x2  }
0x166: {  	s1 =	simm.s32 $0x0  }
0x167: {  	v11 =	vmov s1  }
0x168: {  	v11 =	vand.u32 $0x7F, v11  }
0x169: {  	v11 =	vbroadcast v11, $0x0;
	_ =	sdelay $0x1  }
0x16a: {  	s1 =	sadd.s32 $0x1, s1;
	v11 =	vor.u32 v2, v11  }
.LBB2_50:
0x16b: {  	p0 =	sne.s32 s1, $0x7F  }
.Ltmp29:
0x16c: {  	v12 =	vmov s1;
	s1 =	sadd.s32 $0x1, s1;
	(pc) =	sbr.rel @p0 .LBB2_50-.Ltmp29, $4  }
0x16d: {  	v12 =	vand.u32 $0x7F, v12  }
0x16e: {  	v12 =	vbroadcast v12, $0x0  }
0x16f: {  	[tilespmem:v11+s11+$0x0] =	vst.idx.msk vm0, v1  }
0x170: {  	v11 =	vor.u32 v2, v12  }
0x171: {  	_ =	sdelay $0x4  }
0x172: {  	[tilespmem:v11+s11+$0x0] =	vst.idx.msk vm0, v1  }
.LBB2_52:
0x173: {  	v11 =	vld [tilespmem:s31+$0xC0];
	_ =	sdelay $0x4  }
0x174: {  	vm0 =	veq.s32 v11, $0x0  }
0x175: {  	v11 =	vmpcnt.ones.xlane vm0;
	_ =	sdelay $0x1  }
0x176: {  	(v2sf) =	vpush v11, $0x0;
	_ =	sdelay $0xe  }
0x177: {  	s1 =	spop (v2sf)  }
0x178: {  	p0 =	slt.s32 s1, $0x1  }
.Ltmp30:
0x179: {  	_ = 	snop;
	(pc) =	sbr.rel @p0 .LBB2_56-.Ltmp30, $2  }
0x17a: {  	_ =	sdelay $0x2  }
0x17b: {  	s1 =	simm.s32 $0x0  }
0x17c: {  	v11 =	vmov s1  }
0x17d: {  	v11 =	vand.u32 $0x7F, v11  }
0x17e: {  	v11 =	vbroadcast v11, $0x0;
	_ =	sdelay $0x1  }
0x17f: {  	s1 =	sadd.s32 $0x1, s1;
	v11 =	vor.u32 v3, v11  }
.LBB2_54:
0x180: {  	p0 =	sne.s32 s1, $0x7F  }
.Ltmp31:
0x181: {  	v12 =	vmov s1;
	s1 =	sadd.s32 $0x1, s1;
	(pc) =	sbr.rel @p0 .LBB2_54-.Ltmp31, $4  }
0x182: {  	v12 =	vand.u32 $0x7F, v12  }
0x183: {  	v12 =	vbroadcast v12, $0x0  }
0x184: {  	[tilespmem:v11+s11+$0x0] =	vst.idx.msk vm0, v1  }
0x185: {  	v11 =	vor.u32 v3, v12  }
0x186: {  	_ =	sdelay $0x4  }
0x187: {  	[tilespmem:v11+s11+$0x0] =	vst.idx.msk vm0, v1  }
.LBB2_56:
0x188: {  	v11 =	vld [tilespmem:s31+$0xD0];
	_ =	sdelay $0x4  }
0x189: {  	vm0 =	veq.s32 v11, $0x0  }
0x18a: {  	v11 =	vmpcnt.ones.xlane vm0;
	_ =	sdelay $0x1  }
0x18b: {  	(v2sf) =	vpush v11, $0x0;
	_ =	sdelay $0xe  }
0x18c: {  	s1 =	spop (v2sf)  }
0x18d: {  	p0 =	slt.s32 s1, $0x1  }
.Ltmp32:
0x18e: {  	_ = 	snop;
	(pc) =	sbr.rel @p0 .LBB2_60-.Ltmp32, $2  }
0x18f: {  	_ =	sdelay $0x2  }
0x190: {  	s1 =	simm.s32 $0x0  }
0x191: {  	v11 =	vmov s1  }
0x192: {  	v11 =	vand.u32 $0x7F, v11  }
0x193: {  	v11 =	vbroadcast v11, $0x0;
	_ =	sdelay $0x1  }
0x194: {  	s1 =	sadd.s32 $0x1, s1;
	v11 =	vor.u32 v4, v11  }
.LBB2_58:
0x195: {  	p0 =	sne.s32 s1, $0x7F  }
.Ltmp33:
0x196: {  	v12 =	vmov s1;
	s1 =	sadd.s32 $0x1, s1;
	(pc) =	sbr.rel @p0 .LBB2_58-.Ltmp33, $4  }
0x197: {  	v12 =	vand.u32 $0x7F, v12  }
0x198: {  	v12 =	vbroadcast v12, $0x0  }
0x199: {  	[tilespmem:v11+s11+$0x0] =	vst.idx.msk vm0, v1  }
0x19a: {  	v11 =	vor.u32 v4, v12  }
0x19b: {  	_ =	sdelay $0x4  }
0x19c: {  	[tilespmem:v11+s11+$0x0] =	vst.idx.msk vm0, v1  }
.LBB2_60:
0x19d: {  	v11 =	vld [tilespmem:s31+$0xE0];
	_ =	sdelay $0x4  }
0x19e: {  	vm0 =	veq.s32 v11, $0x0  }
0x19f: {  	v11 =	vmpcnt.ones.xlane vm0;
	_ =	sdelay $0x1  }
0x1a0: {  	(v2sf) =	vpush v11, $0x0;
	_ =	sdelay $0xe  }
0x1a1: {  	s1 =	spop (v2sf)  }
0x1a2: {  	p0 =	slt.s32 s1, $0x1  }
.Ltmp34:
0x1a3: {  	_ = 	snop;
	(pc) =	sbr.rel @p0 .LBB2_64-.Ltmp34, $2  }
0x1a4: {  	_ =	sdelay $0x2  }
0x1a5: {  	s1 =	simm.s32 $0x0  }
0x1a6: {  	v11 =	vmov s1  }
0x1a7: {  	v11 =	vand.u32 $0x7F, v11  }
0x1a8: {  	v11 =	vbroadcast v11, $0x0;
	_ =	sdelay $0x1  }
0x1a9: {  	s1 =	sadd.s32 $0x1, s1;
	v11 =	vor.u32 v5, v11  }
.LBB2_62:
0x1aa: {  	p0 =	sne.s32 s1, $0x7F  }
.Ltmp35:
0x1ab: {  	v12 =	vmov s1;
	s1 =	sadd.s32 $0x1, s1;
	(pc) =	sbr.rel @p0 .LBB2_62-.Ltmp35, $4  }
0x1ac: {  	v12 =	vand.u32 $0x7F, v12  }
0x1ad: {  	v12 =	vbroadcast v12, $0x0  }
0x1ae: {  	[tilespmem:v11+s11+$0x0] =	vst.idx.msk vm0, v1  }
0x1af: {  	v11 =	vor.u32 v5, v12  }
0x1b0: {  	_ =	sdelay $0x4  }
0x1b1: {  	[tilespmem:v11+s11+$0x0] =	vst.idx.msk vm0, v1  }
.LBB2_64:
0x1b2: {  	v11 =	vld [tilespmem:s31+$0xF0];
	_ =	sdelay $0x4  }
0x1b3: {  	vm0 =	veq.s32 v11, $0x0  }
0x1b4: {  	v11 =	vmpcnt.ones.xlane vm0;
	_ =	sdelay $0x1  }
0x1b5: {  	(v2sf) =	vpush v11, $0x0;
	_ =	sdelay $0xe  }
0x1b6: {  	s1 =	spop (v2sf)  }
0x1b7: {  	p0 =	slt.s32 s1, $0x1  }
.Ltmp36:
0x1b8: {  	_ = 	snop;
	(pc) =	sbr.rel @p0 .LBB2_68-.Ltmp36, $2  }
0x1b9: {  	_ =	sdelay $0x2  }
0x1ba: {  	s1 =	simm.s32 $0x0  }
0x1bb: {  	v11 =	vmov s1  }
0x1bc: {  	v11 =	vand.u32 $0x7F, v11  }
0x1bd: {  	v11 =	vbroadcast v11, $0x0;
	_ =	sdelay $0x1  }
0x1be: {  	s1 =	sadd.s32 $0x1, s1;
	v11 =	vor.u32 v6, v11  }
.LBB2_66:
0x1bf: {  	p0 =	sne.s32 s1, $0x7F  }
.Ltmp37:
0x1c0: {  	v12 =	vmov s1;
	s1 =	sadd.s32 $0x1, s1;
	(pc) =	sbr.rel @p0 .LBB2_66-.Ltmp37, $4  }
0x1c1: {  	v12 =	vand.u32 $0x7F, v12  }
0x1c2: {  	v12 =	vbroadcast v12, $0x0  }
0x1c3: {  	[tilespmem:v11+s11+$0x0] =	vst.idx.msk vm0, v1  }
0x1c4: {  	v11 =	vor.u32 v6, v12  }
0x1c5: {  	_ =	sdelay $0x4  }
0x1c6: {  	[tilespmem:v11+s11+$0x0] =	vst.idx.msk vm0, v1  }
.LBB2_68:
0x1c7: {  	v11 =	vld [tilespmem:s0+$0x100];
	_ =	sdelay $0x4  }
0x1c8: {  	vm0 =	veq.s32 v11, $0x0  }
0x1c9: {  	v11 =	vmpcnt.ones.xlane vm0;
	_ =	sdelay $0x1  }
0x1ca: {  	(v2sf) =	vpush v11, $0x0;
	_ =	sdelay $0xe  }
0x1cb: {  	s1 =	spop (v2sf)  }
0x1cc: {  	p0 =	slt.s32 s1, $0x1  }
.Ltmp38:
0x1cd: {  	_ = 	snop;
	(pc) =	sbr.rel @p0 .LBB2_72-.Ltmp38, $2  }
0x1ce: {  	_ =	sdelay $0x2  }
0x1cf: {  	s1 =	simm.s32 $0x0  }
0x1d0: {  	v11 =	vmov s1  }
0x1d1: {  	v11 =	vand.u32 $0x7F, v11  }
0x1d2: {  	v11 =	vbroadcast v11, $0x0;
	_ =	sdelay $0x1  }
0x1d3: {  	s1 =	sadd.s32 $0x1, s1;
	v11 =	vor.u32 v7, v11  }
.LBB2_70:
0x1d4: {  	p0 =	sne.s32 s1, $0x7F  }
.Ltmp39:
0x1d5: {  	v12 =	vmov s1;
	s1 =	sadd.s32 $0x1, s1;
	(pc) =	sbr.rel @p0 .LBB2_70-.Ltmp39, $4  }
0x1d6: {  	v12 =	vand.u32 $0x7F, v12  }
0x1d7: {  	v12 =	vbroadcast v12, $0x0  }
0x1d8: {  	[tilespmem:v11+s11+$0x0] =	vst.idx.msk vm0, v1  }
0x1d9: {  	v11 =	vor.u32 v7, v12  }
0x1da: {  	_ =	sdelay $0x4  }
0x1db: {  	[tilespmem:v11+s11+$0x0] =	vst.idx.msk vm0, v1  }
.LBB2_72:
0x1dc: {  	v11 =	vld [tilespmem:s31+$0x110];
	_ =	sdelay $0x4  }
0x1dd: {  	vm0 =	veq.s32 v11, $0x0  }
0x1de: {  	v11 =	vmpcnt.ones.xlane vm0;
	_ =	sdelay $0x1  }
0x1df: {  	(v2sf) =	vpush v11, $0x0;
	_ =	sdelay $0xe  }
0x1e0: {  	s1 =	spop (v2sf)  }
0x1e1: {  	p0 =	slt.s32 s1, $0x1  }
.Ltmp40:
0x1e2: {  	_ = 	snop;
	(pc) =	sbr.rel @p0 .LBB2_76-.Ltmp40, $2  }
0x1e3: {  	_ =	sdelay $0x2  }
0x1e4: {  	s1 =	simm.s32 $0x0  }
0x1e5: {  	v11 =	vmov s1  }
0x1e6: {  	v11 =	vand.u32 $0x7F, v11  }
0x1e7: {  	v11 =	vbroadcast v11, $0x0;
	_ =	sdelay $0x1  }
0x1e8: {  	s1 =	sadd.s32 $0x1, s1;
	v11 =	vor.u32 v8, v11  }
.LBB2_74:
0x1e9: {  	p0 =	sne.s32 s1, $0x7F  }
.Ltmp41:
0x1ea: {  	v12 =	vmov s1;
	s1 =	sadd.s32 $0x1, s1;
	(pc) =	sbr.rel @p0 .LBB2_74-.Ltmp41, $4  }
0x1eb: {  	v12 =	vand.u32 $0x7F, v12  }
0x1ec: {  	v12 =	vbroadcast v12, $0x0  }
0x1ed: {  	[tilespmem:v11+s11+$0x0] =	vst.idx.msk vm0, v1  }
0x1ee: {  	v11 =	vor.u32 v8, v12  }
0x1ef: {  	_ =	sdelay $0x4  }
0x1f0: {  	[tilespmem:v11+s11+$0x0] =	vst.idx.msk vm0, v1  }
.LBB2_76:
0x1f1: {  	v11 =	vld [tilespmem:s31+$0x120];
	_ =	sdelay $0x4  }
0x1f2: {  	vm0 =	veq.s32 v11, $0x0  }
0x1f3: {  	v11 =	vmpcnt.ones.xlane vm0;
	_ =	sdelay $0x1  }
0x1f4: {  	(v2sf) =	vpush v11, $0x0;
	_ =	sdelay $0xe  }
0x1f5: {  	s1 =	spop (v2sf)  }
0x1f6: {  	p0 =	slt.s32 s1, $0x1  }
.Ltmp42:
0x1f7: {  	_ = 	snop;
	(pc) =	sbr.rel @p0 .LBB2_80-.Ltmp42, $2  }
0x1f8: {  	_ =	sdelay $0x2  }
0x1f9: {  	s1 =	simm.s32 $0x0  }
0x1fa: {  	v11 =	vmov s1  }
0x1fb: {  	v11 =	vand.u32 $0x7F, v11  }
0x1fc: {  	v11 =	vbroadcast v11, $0x0;
	_ =	sdelay $0x1  }
0x1fd: {  	s1 =	sadd.s32 $0x1, s1;
	v11 =	vor.u32 v9, v11  }
.LBB2_78:
0x1fe: {  	p0 =	sne.s32 s1, $0x7F  }
.Ltmp43:
0x1ff: {  	v12 =	vmov s1;
	s1 =	sadd.s32 $0x1, s1;
	(pc) =	sbr.rel @p0 .LBB2_78-.Ltmp43, $4  }
0x200: {  	v12 =	vand.u32 $0x7F, v12  }
0x201: {  	v12 =	vbroadcast v12, $0x0  }
0x202: {  	[tilespmem:v11+s11+$0x0] =	vst.idx.msk vm0, v1  }
0x203: {  	v11 =	vor.u32 v9, v12  }
0x204: {  	_ =	sdelay $0x4  }
0x205: {  	[tilespmem:v11+s11+$0x0] =	vst.idx.msk vm0, v1  }
.LBB2_80:
0x206: {  	v11 =	vld [tilespmem:s31+$0x130];
	_ =	sdelay $0x4  }
0x207: {  	vm0 =	veq.s32 v11, $0x0  }
0x208: {  	v11 =	vmpcnt.ones.xlane vm0;
	_ =	sdelay $0x1  }
0x209: {  	(v2sf) =	vpush v11, $0x0;
	_ =	sdelay $0xe  }
0x20a: {  	s1 =	spop (v2sf)  }
0x20b: {  	p0 =	slt.s32 s1, $0x1  }
.Ltmp44:
0x20c: {  	_ = 	snop;
	(pc) =	sbr.rel @p0 .LBB2_84-.Ltmp44, $2  }
0x20d: {  	_ =	sdelay $0x2  }
0x20e: {  	s1 =	simm.s32 $0x0  }
0x20f: {  	v11 =	vmov s1  }
0x210: {  	v11 =	vand.u32 $0x7F, v11  }
0x211: {  	v11 =	vbroadcast v11, $0x0;
	_ =	sdelay $0x1  }
0x212: {  	s1 =	sadd.s32 $0x1, s1;
	v11 =	vor.u32 v10, v11  }
.LBB2_82:
0x213: {  	p0 =	sne.s32 s1, $0x7F  }
.Ltmp45:
0x214: {  	v12 =	vmov s1;
	s1 =	sadd.s32 $0x1, s1;
	(pc) =	sbr.rel @p0 .LBB2_82-.Ltmp45, $4  }
0x215: {  	v12 =	vand.u32 $0x7F, v12  }
0x216: {  	v12 =	vbroadcast v12, $0x0  }
0x217: {  	[tilespmem:v11+s11+$0x0] =	vst.idx.msk vm0, v1  }
0x218: {  	v11 =	vor.u32 v10, v12  }
0x219: {  	_ =	sdelay $0x4  }
0x21a: {  	[tilespmem:v11+s11+$0x0] =	vst.idx.msk vm0, v1  }
.LBB2_84:
0x21b: {  	s1 =	sadd.s32 $0xA0, s31  }
0x21c: {  	s1 =	sadd.s32 s4, s1  }
0x21d: {  	s1 =	sshll.u32 s1, $0x4  }
0x21e: {  	p0 =	seq.s32 s28, $0x1F;
	s1 =	sadd.s32 s3, s1  }
0x21f: {  	[hbm4b:s1+s5] =	stream.linear.scatter [tilespmem:s11], [sflag:$0x7], $0x5000, $0x38;
	[tilespmem:$0x1F400] =	vst v63  }
0x220: {  	s1 =	simm.s32 @!p0 $0x6  }
0x221: {  	s6 =	smul.u32 @!p0 $0xC80, s28;
	_ =	swait.ge @!p0 [sflag:s1], $0x5000  }
0x222: {  	[sflag:s1] =	ssyncset.done @!p0 $0x0  }
0x223: {  	[sflag:s1] =	ssyncadd.s32 @!p0 $0xFFFFB000;
	s1 =	sshra.s32 @!p0 s6, $0x2  }
0x224: {  	s12 =	simm.s32 @!p0 $0xA0;
	s7 =	simm.s32 @!p0 $0x6400;
	s6 =	sadd.s32 @!p0 $0x320, s1  }
0x225: {  	[tilespmem:s7], [sflag:$0x1] =	stream.indirect.gather @!p0 [hbm4b:s2+s12], $0x80, s6, s12, $0xb8;
	[tilespmem:$0x1F400] =	vst v63  }
0x226: {  	_ =	swait.ge [sflag:s18], $0x5000  }
0x227: {  	[sflag:s18] =	ssyncset.done $0x0  }
0x228: {  	[sflag:s18] =	ssyncadd.s32 $0xFFFFB000  }
0x229: {  	v11 =	vld [tilespmem:s31+$0x140]  }
0x22a: {  	v12 =	vld [tilespmem:s31+$0x150]  }
0x22b: {  	v13 =	vld [tilespmem:s31+$0x160]  }
0x22c: {  	v14 =	vld [tilespmem:s31+$0x170]  }
0x22d: {  	v15 =	vld [tilespmem:s0+$0x180]  }
0x22e: {  	v16 =	vld [tilespmem:s31+$0x190]  }
0x22f: {  	v17 =	vld [tilespmem:s31+$0x1A0];
	vm0 =	vlt.s32 v11, $0x1;
	vm1 =	vlt.s32 v12, $0x1  }
0x230: {  	v19 =	vld [tilespmem:s31+$0x1B0];
	vm7 =	vlt.s32 v13, $0x1;
	v18 =	vnsel vm0, $0x1, v11;
	v12 =	vnsel vm1, $0x1, v12  }
0x231: {  	v55 =	vld [tilespmem:s31+$0x1C0];
	vm8 =	vlt.s32 v14, $0x1;
	v13 =	vnsel vm7, $0x1, v13;
	v12 =	vadd.s32 v18, v12  }
0x232: {  	v57 =	vld [tilespmem:s31+$0x1D0];
	vm9 =	vlt.s32 v15, $0x1;
	v56 =	vnsel vm8, $0x1, v14;
	v12 =	vadd.s32 v13, v12  }
0x233: {  	vm10 =	vlt.s32 v16, $0x1;
	v58 =	vnsel vm9, $0x1, v15;
	v12 =	vadd.s32 v56, v12  }
0x234: {  	vm11 =	vlt.s32 v17, $0x1;
	v59 =	vnsel vm10, $0x1, v16;
	v12 =	vadd.s32 v58, v12  }
0x235: {  	vm12 =	vlt.s32 v19, $0x1;
	v60 =	vnsel vm11, $0x1, v17;
	v12 =	vadd.s32 v59, v12  }
0x236: {  	vm13 =	vlt.s32 v55, $0x1;
	v61 =	vnsel vm12, $0x1, v19;
	v12 =	vadd.s32 v60, v12  }
0x237: {  	vm14 =	vlt.s32 v57, $0x1;
	v62 =	vnsel vm13, $0x1, v55;
	v12 =	vadd.s32 v61, v12  }
0x238: {  	v63 =	vnsel vm14, $0x1, v57;
	v12 =	vadd.s32 v62, v12  }
0x239: {  	v12 =	vadd.s32 v63, v12  }
0x23a: {  	vm15 =	vlt.s32 v12, $0xA  }
0x23b: {  	v12 =	vmpcnt.ones.xlane vm15;
	_ =	sdelay $0x1  }
0x23c: {  	(v2sf) =	vpush v12, $0x0;
	_ =	sdelay $0xe  }
0x23d: {  	s7 =	spop (v2sf)  }
0x23e: {  	p1 =	slt.s32 s7, $0x1  }
.Ltmp46:
0x23f: {  	_ = 	snop;
	(pc) =	sbr.rel @p1 .LBB2_125-.Ltmp46, $1  }
0x240: {  	_ =	sdelay $0x3  }
0x241: {  	vm0 =	veq.s32 v11, $0x0  }
0x242: {  	v11 =	vmpcnt.ones.xlane vm0;
	_ =	sdelay $0x1  }
0x243: {  	(v2sf) =	vpush v11, $0x0;
	_ =	sdelay $0xe  }
0x244: {  	s6 =	spop (v2sf)  }
0x245: {  	p1 =	slt.s32 s6, $0x1  }
.Ltmp47:
0x246: {  	_ = 	snop;
	(pc) =	sbr.rel @p1 .LBB2_89-.Ltmp47, $2  }
0x247: {  	_ =	sdelay $0x2  }
0x248: {  	s6 =	simm.s32 $0x0  }
0x249: {  	v11 =	vmov s6  }
0x24a: {  	v11 =	vand.u32 $0x7F, v11  }
0x24b: {  	v11 =	vbroadcast v11, $0x0;
	_ =	sdelay $0x1  }
0x24c: {  	s6 =	sadd.s32 $0x1, s6;
	v11 =	vor.u32 v0, v11  }
.LBB2_87:
0x24d: {  	p1 =	sne.s32 s6, $0x7F  }
.Ltmp48:
0x24e: {  	v12 =	vmov s6;
	s6 =	sadd.s32 $0x1, s6;
	(pc) =	sbr.rel @p1 .LBB2_87-.Ltmp48, $4  }
0x24f: {  	v12 =	vand.u32 $0x7F, v12  }
0x250: {  	v12 =	vbroadcast v12, $0x0  }
0x251: {  	[tilespmem:v11+s13+$0x0] =	vst.idx.msk vm0, v1  }
0x252: {  	v11 =	vor.u32 v0, v12  }
0x253: {  	_ =	sdelay $0x4  }
0x254: {  	[tilespmem:v11+s13+$0x0] =	vst.idx.msk vm0, v1  }
.LBB2_89:
0x255: {  	v11 =	vld [tilespmem:s31+$0x150];
	_ =	sdelay $0x4  }
0x256: {  	vm0 =	veq.s32 v11, $0x0  }
0x257: {  	v11 =	vmpcnt.ones.xlane vm0;
	_ =	sdelay $0x1  }
0x258: {  	(v2sf) =	vpush v11, $0x0;
	_ =	sdelay $0xe  }
0x259: {  	s6 =	spop (v2sf)  }
0x25a: {  	p1 =	slt.s32 s6, $0x1  }
.Ltmp49:
0x25b: {  	_ = 	snop;
	(pc) =	sbr.rel @p1 .LBB2_93-.Ltmp49, $2  }
0x25c: {  	_ =	sdelay $0x2  }
0x25d: {  	s6 =	simm.s32 $0x0  }
0x25e: {  	v11 =	vmov s6  }
0x25f: {  	v11 =	vand.u32 $0x7F, v11  }
0x260: {  	v11 =	vbroadcast v11, $0x0;
	_ =	sdelay $0x1  }
0x261: {  	s6 =	sadd.s32 $0x1, s6;
	v11 =	vor.u32 v2, v11  }
.LBB2_91:
0x262: {  	p1 =	sne.s32 s6, $0x7F  }
.Ltmp50:
0x263: {  	v12 =	vmov s6;
	s6 =	sadd.s32 $0x1, s6;
	(pc) =	sbr.rel @p1 .LBB2_91-.Ltmp50, $4  }
0x264: {  	v12 =	vand.u32 $0x7F, v12  }
0x265: {  	v12 =	vbroadcast v12, $0x0  }
0x266: {  	[tilespmem:v11+s13+$0x0] =	vst.idx.msk vm0, v1  }
0x267: {  	v11 =	vor.u32 v2, v12  }
0x268: {  	_ =	sdelay $0x4  }
0x269: {  	[tilespmem:v11+s13+$0x0] =	vst.idx.msk vm0, v1  }
.LBB2_93:
0x26a: {  	v11 =	vld [tilespmem:s31+$0x160];
	_ =	sdelay $0x4  }
0x26b: {  	vm0 =	veq.s32 v11, $0x0  }
0x26c: {  	v11 =	vmpcnt.ones.xlane vm0;
	_ =	sdelay $0x1  }
0x26d: {  	(v2sf) =	vpush v11, $0x0;
	_ =	sdelay $0xe  }
0x26e: {  	s6 =	spop (v2sf)  }
0x26f: {  	p1 =	slt.s32 s6, $0x1  }
.Ltmp51:
0x270: {  	_ = 	snop;
	(pc) =	sbr.rel @p1 .LBB2_97-.Ltmp51, $2  }
0x271: {  	_ =	sdelay $0x2  }
0x272: {  	s6 =	simm.s32 $0x0  }
0x273: {  	v11 =	vmov s6  }
0x274: {  	v11 =	vand.u32 $0x7F, v11  }
0x275: {  	v11 =	vbroadcast v11, $0x0;
	_ =	sdelay $0x1  }
0x276: {  	s6 =	sadd.s32 $0x1, s6;
	v11 =	vor.u32 v3, v11  }
.LBB2_95:
0x277: {  	p1 =	sne.s32 s6, $0x7F  }
.Ltmp52:
0x278: {  	v12 =	vmov s6;
	s6 =	sadd.s32 $0x1, s6;
	(pc) =	sbr.rel @p1 .LBB2_95-.Ltmp52, $4  }
0x279: {  	v12 =	vand.u32 $0x7F, v12  }
0x27a: {  	v12 =	vbroadcast v12, $0x0  }
0x27b: {  	[tilespmem:v11+s13+$0x0] =	vst.idx.msk vm0, v1  }
0x27c: {  	v11 =	vor.u32 v3, v12  }
0x27d: {  	_ =	sdelay $0x4  }
0x27e: {  	[tilespmem:v11+s13+$0x0] =	vst.idx.msk vm0, v1  }
.LBB2_97:
0x27f: {  	v11 =	vld [tilespmem:s31+$0x170];
	_ =	sdelay $0x4  }
0x280: {  	vm0 =	veq.s32 v11, $0x0  }
0x281: {  	v11 =	vmpcnt.ones.xlane vm0;
	_ =	sdelay $0x1  }
0x282: {  	(v2sf) =	vpush v11, $0x0;
	_ =	sdelay $0xe  }
0x283: {  	s6 =	spop (v2sf)  }
0x284: {  	p1 =	slt.s32 s6, $0x1  }
.Ltmp53:
0x285: {  	_ = 	snop;
	(pc) =	sbr.rel @p1 .LBB2_101-.Ltmp53, $2  }
0x286: {  	_ =	sdelay $0x2  }
0x287: {  	s6 =	simm.s32 $0x0  }
0x288: {  	v11 =	vmov s6  }
0x289: {  	v11 =	vand.u32 $0x7F, v11  }
0x28a: {  	v11 =	vbroadcast v11, $0x0;
	_ =	sdelay $0x1  }
0x28b: {  	s6 =	sadd.s32 $0x1, s6;
	v11 =	vor.u32 v4, v11  }
.LBB2_99:
0x28c: {  	p1 =	sne.s32 s6, $0x7F  }
.Ltmp54:
0x28d: {  	v12 =	vmov s6;
	s6 =	sadd.s32 $0x1, s6;
	(pc) =	sbr.rel @p1 .LBB2_99-.Ltmp54, $4  }
0x28e: {  	v12 =	vand.u32 $0x7F, v12  }
0x28f: {  	v12 =	vbroadcast v12, $0x0  }
0x290: {  	[tilespmem:v11+s13+$0x0] =	vst.idx.msk vm0, v1  }
0x291: {  	v11 =	vor.u32 v4, v12  }
0x292: {  	_ =	sdelay $0x4  }
0x293: {  	[tilespmem:v11+s13+$0x0] =	vst.idx.msk vm0, v1  }
.LBB2_101:
0x294: {  	v11 =	vld [tilespmem:s0+$0x180];
	_ =	sdelay $0x4  }
0x295: {  	vm0 =	veq.s32 v11, $0x0  }
0x296: {  	v11 =	vmpcnt.ones.xlane vm0;
	_ =	sdelay $0x1  }
0x297: {  	(v2sf) =	vpush v11, $0x0;
	_ =	sdelay $0xe  }
0x298: {  	s7 =	spop (v2sf)  }
0x299: {  	p1 =	slt.s32 s7, $0x1  }
.Ltmp55:
0x29a: {  	_ = 	snop;
	(pc) =	sbr.rel @p1 .LBB2_105-.Ltmp55, $2  }
0x29b: {  	_ =	sdelay $0x2  }
0x29c: {  	s0 =	simm.s32 $0x0  }
0x29d: {  	v11 =	vmov s0  }
0x29e: {  	v11 =	vand.u32 $0x7F, v11  }
0x29f: {  	v11 =	vbroadcast v11, $0x0;
	_ =	sdelay $0x1  }
0x2a0: {  	s0 =	sadd.s32 $0x1, s0;
	v11 =	vor.u32 v5, v11  }
.LBB2_103:
0x2a1: {  	p1 =	sne.s32 s0, $0x7F  }
.Ltmp56:
0x2a2: {  	v12 =	vmov s0;
	s0 =	sadd.s32 $0x1, s0;
	(pc) =	sbr.rel @p1 .LBB2_103-.Ltmp56, $4  }
0x2a3: {  	v12 =	vand.u32 $0x7F, v12  }
0x2a4: {  	v12 =	vbroadcast v12, $0x0  }
0x2a5: {  	[tilespmem:v11+s13+$0x0] =	vst.idx.msk vm0, v1  }
0x2a6: {  	v11 =	vor.u32 v5, v12  }
0x2a7: {  	_ =	sdelay $0x4  }
0x2a8: {  	[tilespmem:v11+s13+$0x0] =	vst.idx.msk vm0, v1  }
.LBB2_105:
0x2a9: {  	v11 =	vld [tilespmem:s31+$0x190];
	_ =	sdelay $0x4  }
0x2aa: {  	vm0 =	veq.s32 v11, $0x0  }
0x2ab: {  	v11 =	vmpcnt.ones.xlane vm0;
	_ =	sdelay $0x1  }
0x2ac: {  	(v2sf) =	vpush v11, $0x0;
	_ =	sdelay $0xe  }
0x2ad: {  	s0 =	spop (v2sf)  }
0x2ae: {  	p1 =	slt.s32 s0, $0x1  }
.Ltmp57:
0x2af: {  	_ = 	snop;
	(pc) =	sbr.rel @p1 .LBB2_109-.Ltmp57, $2  }
0x2b0: {  	_ =	sdelay $0x2  }
0x2b1: {  	s0 =	simm.s32 $0x0  }
0x2b2: {  	v11 =	vmov s0  }
0x2b3: {  	v11 =	vand.u32 $0x7F, v11  }
0x2b4: {  	v11 =	vbroadcast v11, $0x0;
	_ =	sdelay $0x1  }
0x2b5: {  	s0 =	sadd.s32 $0x1, s0;
	v11 =	vor.u32 v6, v11  }
.LBB2_107:
0x2b6: {  	p1 =	sne.s32 s0, $0x7F  }
.Ltmp58:
0x2b7: {  	v12 =	vmov s0;
	s0 =	sadd.s32 $0x1, s0;
	(pc) =	sbr.rel @p1 .LBB2_107-.Ltmp58, $4  }
0x2b8: {  	v12 =	vand.u32 $0x7F, v12  }
0x2b9: {  	v12 =	vbroadcast v12, $0x0  }
0x2ba: {  	[tilespmem:v11+s13+$0x0] =	vst.idx.msk vm0, v1  }
0x2bb: {  	v11 =	vor.u32 v6, v12  }
0x2bc: {  	_ =	sdelay $0x4  }
0x2bd: {  	[tilespmem:v11+s13+$0x0] =	vst.idx.msk vm0, v1  }
.LBB2_109:
0x2be: {  	v11 =	vld [tilespmem:s31+$0x1A0];
	_ =	sdelay $0x4  }
0x2bf: {  	vm0 =	veq.s32 v11, $0x0  }
0x2c0: {  	v11 =	vmpcnt.ones.xlane vm0;
	_ =	sdelay $0x1  }
0x2c1: {  	(v2sf) =	vpush v11, $0x0;
	_ =	sdelay $0xe  }
0x2c2: {  	s0 =	spop (v2sf)  }
0x2c3: {  	p1 =	slt.s32 s0, $0x1  }
.Ltmp59:
0x2c4: {  	_ = 	snop;
	(pc) =	sbr.rel @p1 .LBB2_113-.Ltmp59, $2  }
0x2c5: {  	_ =	sdelay $0x2  }
0x2c6: {  	s0 =	simm.s32 $0x0  }
0x2c7: {  	v11 =	vmov s0  }
0x2c8: {  	v11 =	vand.u32 $0x7F, v11  }
0x2c9: {  	v11 =	vbroadcast v11, $0x0;
	_ =	sdelay $0x1  }
0x2ca: {  	s0 =	sadd.s32 $0x1, s0;
	v11 =	vor.u32 v7, v11  }
.LBB2_111:
0x2cb: {  	p1 =	sne.s32 s0, $0x7F  }
.Ltmp60:
0x2cc: {  	v12 =	vmov s0;
	s0 =	sadd.s32 $0x1, s0;
	(pc) =	sbr.rel @p1 .LBB2_111-.Ltmp60, $4  }
0x2cd: {  	v12 =	vand.u32 $0x7F, v12  }
0x2ce: {  	v12 =	vbroadcast v12, $0x0  }
0x2cf: {  	[tilespmem:v11+s13+$0x0] =	vst.idx.msk vm0, v1  }
0x2d0: {  	v11 =	vor.u32 v7, v12  }
0x2d1: {  	_ =	sdelay $0x4  }
0x2d2: {  	[tilespmem:v11+s13+$0x0] =	vst.idx.msk vm0, v1  }
.LBB2_113:
0x2d3: {  	v11 =	vld [tilespmem:s31+$0x1B0];
	_ =	sdelay $0x4  }
0x2d4: {  	vm0 =	veq.s32 v11, $0x0  }
0x2d5: {  	v11 =	vmpcnt.ones.xlane vm0;
	_ =	sdelay $0x1  }
0x2d6: {  	(v2sf) =	vpush v11, $0x0;
	_ =	sdelay $0xe  }
0x2d7: {  	s0 =	spop (v2sf)  }
0x2d8: {  	p1 =	slt.s32 s0, $0x1  }
.Ltmp61:
0x2d9: {  	_ = 	snop;
	(pc) =	sbr.rel @p1 .LBB2_117-.Ltmp61, $2  }
0x2da: {  	_ =	sdelay $0x2  }
0x2db: {  	s0 =	simm.s32 $0x0  }
0x2dc: {  	v11 =	vmov s0  }
0x2dd: {  	v11 =	vand.u32 $0x7F, v11  }
0x2de: {  	v11 =	vbroadcast v11, $0x0;
	_ =	sdelay $0x1  }
0x2df: {  	s0 =	sadd.s32 $0x1, s0;
	v11 =	vor.u32 v8, v11  }
.LBB2_115:
0x2e0: {  	p1 =	sne.s32 s0, $0x7F  }
.Ltmp62:
0x2e1: {  	v12 =	vmov s0;
	s0 =	sadd.s32 $0x1, s0;
	(pc) =	sbr.rel @p1 .LBB2_115-.Ltmp62, $4  }
0x2e2: {  	v12 =	vand.u32 $0x7F, v12  }
0x2e3: {  	v12 =	vbroadcast v12, $0x0  }
0x2e4: {  	[tilespmem:v11+s13+$0x0] =	vst.idx.msk vm0, v1  }
0x2e5: {  	v11 =	vor.u32 v8, v12  }
0x2e6: {  	_ =	sdelay $0x4  }
0x2e7: {  	[tilespmem:v11+s13+$0x0] =	vst.idx.msk vm0, v1  }
.LBB2_117:
0x2e8: {  	v11 =	vld [tilespmem:s31+$0x1C0];
	_ =	sdelay $0x4  }
0x2e9: {  	vm0 =	veq.s32 v11, $0x0  }
0x2ea: {  	v11 =	vmpcnt.ones.xlane vm0;
	_ =	sdelay $0x1  }
0x2eb: {  	(v2sf) =	vpush v11, $0x0;
	_ =	sdelay $0xe  }
0x2ec: {  	s0 =	spop (v2sf)  }
0x2ed: {  	p1 =	slt.s32 s0, $0x1  }
.Ltmp63:
0x2ee: {  	_ = 	snop;
	(pc) =	sbr.rel @p1 .LBB2_121-.Ltmp63, $2  }
0x2ef: {  	_ =	sdelay $0x2  }
0x2f0: {  	s0 =	simm.s32 $0x0  }
0x2f1: {  	v11 =	vmov s0  }
0x2f2: {  	v11 =	vand.u32 $0x7F, v11  }
0x2f3: {  	v11 =	vbroadcast v11, $0x0;
	_ =	sdelay $0x1  }
0x2f4: {  	s0 =	sadd.s32 $0x1, s0;
	v11 =	vor.u32 v9, v11  }
.LBB2_119:
0x2f5: {  	p1 =	sne.s32 s0, $0x7F  }
.Ltmp64:
0x2f6: {  	v12 =	vmov s0;
	s0 =	sadd.s32 $0x1, s0;
	(pc) =	sbr.rel @p1 .LBB2_119-.Ltmp64, $4  }
0x2f7: {  	v12 =	vand.u32 $0x7F, v12  }
0x2f8: {  	v12 =	vbroadcast v12, $0x0  }
0x2f9: {  	[tilespmem:v11+s13+$0x0] =	vst.idx.msk vm0, v1  }
0x2fa: {  	v11 =	vor.u32 v9, v12  }
0x2fb: {  	_ =	sdelay $0x4  }
0x2fc: {  	[tilespmem:v11+s13+$0x0] =	vst.idx.msk vm0, v1  }
.LBB2_121:
0x2fd: {  	v11 =	vld [tilespmem:s31+$0x1D0];
	_ =	sdelay $0x4  }
0x2fe: {  	vm0 =	veq.s32 v11, $0x0  }
0x2ff: {  	v11 =	vmpcnt.ones.xlane vm0;
	_ =	sdelay $0x1  }
0x300: {  	(v2sf) =	vpush v11, $0x0;
	_ =	sdelay $0xe  }
0x301: {  	s0 =	spop (v2sf)  }
0x302: {  	p1 =	slt.s32 s0, $0x1  }
.Ltmp65:
0x303: {  	_ = 	snop;
	(pc) =	sbr.rel @p1 .LBB2_125-.Ltmp65, $2  }
0x304: {  	_ =	sdelay $0x2  }
0x305: {  	s0 =	simm.s32 $0x0  }
0x306: {  	v11 =	vmov s0  }
0x307: {  	v11 =	vand.u32 $0x7F, v11  }
0x308: {  	v11 =	vbroadcast v11, $0x0;
	_ =	sdelay $0x1  }
0x309: {  	s0 =	sadd.s32 $0x1, s0;
	v11 =	vor.u32 v10, v11  }
.LBB2_123:
0x30a: {  	p1 =	sne.s32 s0, $0x7F  }
.Ltmp66:
0x30b: {  	v12 =	vmov s0;
	s0 =	sadd.s32 $0x1, s0;
	(pc) =	sbr.rel @p1 .LBB2_123-.Ltmp66, $4  }
0x30c: {  	v12 =	vand.u32 $0x7F, v12  }
0x30d: {  	v12 =	vbroadcast v12, $0x0  }
0x30e: {  	[tilespmem:v11+s13+$0x0] =	vst.idx.msk vm0, v1  }
0x30f: {  	v11 =	vor.u32 v10, v12  }
0x310: {  	_ =	sdelay $0x4  }
0x311: {  	[tilespmem:v11+s13+$0x0] =	vst.idx.msk vm0, v1  }
.LBB2_125:
0x312: {  	s0 =	sadd.s32 $0x140, s31  }
0x313: {  	s0 =	sadd.s32 s4, s0  }
0x314: {  	s0 =	sshll.u32 s0, $0x4  }
0x315: {  	s0 =	sadd.s32 s3, s0  }
0x316: {  	[hbm4b:s0+s5] =	stream.linear.scatter [tilespmem:s13], [sflag:$0x8], $0x5000, $0x38;
	[tilespmem:$0x1F400] =	vst v63  }
0x317: {  	s0 =	simm.s32 @!p0 $0x7  }
0x318: {  	_ =	swait.ge @!p0 [sflag:s0], $0x5000  }
0x319: {  	[sflag:s0] =	ssyncset.done @!p0 $0x0  }
0x31a: {  	s6 =	simm.s32 @!p0 $0xB400;
	[sflag:s0] =	ssyncadd.s32 @!p0 $0xFFFFB000;
	s0 =	sadd.s32 @!p0 $0x3C0, s1  }
0x31b: {  	[tilespmem:s6], [sflag:$0x2] =	stream.indirect.gather @!p0 [hbm4b:s2+s12], $0x80, s0, s12, $0xb8;
	[tilespmem:$0x1F400] =	vst v63  }
0x31c: {  	_ =	swait.ge [sflag:s19], $0x5000  }
0x31d: {  	s0 =	smul.u32 $0xA0, s29;
	[sflag:s19] =	ssyncset.done $0x0  }
0x31e: {  	[sflag:s19] =	ssyncadd.s32 $0xFFFFB000  }
0x31f: {  	v11 =	vld [tilespmem:s0+$0x0]  }
0x320: {  	v12 =	vld [tilespmem:s0+$0x10]  }
0x321: {  	v13 =	vld [tilespmem:s0+$0x20]  }
0x322: {  	v14 =	vld [tilespmem:s0+$0x30]  }
0x323: {  	v15 =	vld [tilespmem:s0+$0x40]  }
0x324: {  	v16 =	vld [tilespmem:s0+$0x50]  }
0x325: {  	v17 =	vld [tilespmem:s0+$0x60];
	vm0 =	vlt.s32 v11, $0x1;
	vm1 =	vlt.s32 v12, $0x1  }
0x326: {  	s12 =	sand.u32 $0x1FFE0, s0;
	v19 =	vld [tilespmem:s0+$0x70];
	vm7 =	vlt.s32 v13, $0x1;
	v18 =	vnsel vm0, $0x1, v11;
	v12 =	vnsel vm1, $0x1, v12  }
0x327: {  	v55 =	vld [tilespmem:s12+$0x80];
	vm8 =	vlt.s32 v14, $0x1;
	v13 =	vnsel vm7, $0x1, v13;
	v12 =	vadd.s32 v18, v12  }
0x328: {  	v57 =	vld [tilespmem:s0+$0x90];
	vm9 =	vlt.s32 v15, $0x1;
	v56 =	vnsel vm8, $0x1, v14;
	v12 =	vadd.s32 v13, v12  }
0x329: {  	vm10 =	vlt.s32 v16, $0x1;
	v58 =	vnsel vm9, $0x1, v15;
	v12 =	vadd.s32 v56, v12  }
0x32a: {  	vm11 =	vlt.s32 v17, $0x1;
	v59 =	vnsel vm10, $0x1, v16;
	v12 =	vadd.s32 v58, v12  }
0x32b: {  	vm12 =	vlt.s32 v19, $0x1;
	v60 =	vnsel vm11, $0x1, v17;
	v12 =	vadd.s32 v59, v12  }
0x32c: {  	vm13 =	vlt.s32 v55, $0x1;
	v61 =	vnsel vm12, $0x1, v19;
	v12 =	vadd.s32 v60, v12  }
0x32d: {  	vm14 =	vlt.s32 v57, $0x1;
	v62 =	vnsel vm13, $0x1, v55;
	v12 =	vadd.s32 v61, v12  }
0x32e: {  	v63 =	vnsel vm14, $0x1, v57;
	v12 =	vadd.s32 v62, v12  }
0x32f: {  	v12 =	vadd.s32 v63, v12  }
0x330: {  	vm15 =	vlt.s32 v12, $0xA  }
0x331: {  	v12 =	vmpcnt.ones.xlane vm15;
	_ =	sdelay $0x1  }
0x332: {  	(v2sf) =	vpush v12, $0x0;
	_ =	sdelay $0xe  }
0x333: {  	s31 =	spop (v2sf)  }
0x334: {  	p1 =	slt.s32 s31, $0x1  }
.Ltmp67:
0x335: {  	_ = 	snop;
	(pc) =	sbr.rel @p1 .LBB2_166-.Ltmp67, $1  }
0x336: {  	_ =	sdelay $0x3  }
0x337: {  	vm0 =	veq.s32 v11, $0x0  }
0x338: {  	v11 =	vmpcnt.ones.xlane vm0;
	_ =	sdelay $0x1  }
0x339: {  	(v2sf) =	vpush v11, $0x0;
	_ =	sdelay $0xe  }
0x33a: {  	s6 =	spop (v2sf)  }
0x33b: {  	p1 =	slt.s32 s6, $0x1  }
.Ltmp68:
0x33c: {  	_ = 	snop;
	(pc) =	sbr.rel @p1 .LBB2_130-.Ltmp68, $2  }
0x33d: {  	_ =	sdelay $0x2  }
0x33e: {  	s6 =	simm.s32 $0x0  }
0x33f: {  	v11 =	vmov s6  }
0x340: {  	v11 =	vand.u32 $0x7F, v11  }
0x341: {  	v11 =	vbroadcast v11, $0x0;
	_ =	sdelay $0x1  }
0x342: {  	s6 =	sadd.s32 $0x1, s6;
	v11 =	vor.u32 v0, v11  }
.LBB2_128:
0x343: {  	p1 =	sne.s32 s6, $0x7F  }
.Ltmp69:
0x344: {  	v12 =	vmov s6;
	s6 =	sadd.s32 $0x1, s6;
	(pc) =	sbr.rel @p1 .LBB2_128-.Ltmp69, $4  }
0x345: {  	v12 =	vand.u32 $0x7F, v12  }
0x346: {  	v12 =	vbroadcast v12, $0x0  }
0x347: {  	[tilespmem:v11+s14+$0x0] =	vst.idx.msk vm0, v1  }
0x348: {  	v11 =	vor.u32 v0, v12  }
0x349: {  	_ =	sdelay $0x4  }
0x34a: {  	[tilespmem:v11+s14+$0x0] =	vst.idx.msk vm0, v1  }
.LBB2_130:
0x34b: {  	v11 =	vld [tilespmem:s0+$0x10];
	_ =	sdelay $0x4  }
0x34c: {  	vm0 =	veq.s32 v11, $0x0  }
0x34d: {  	v11 =	vmpcnt.ones.xlane vm0;
	_ =	sdelay $0x1  }
0x34e: {  	(v2sf) =	vpush v11, $0x0;
	_ =	sdelay $0xe  }
0x34f: {  	s6 =	spop (v2sf)  }
0x350: {  	p1 =	slt.s32 s6, $0x1  }
.Ltmp70:
0x351: {  	_ = 	snop;
	(pc) =	sbr.rel @p1 .LBB2_134-.Ltmp70, $2  }
0x352: {  	_ =	sdelay $0x2  }
0x353: {  	s6 =	simm.s32 $0x0  }
0x354: {  	v11 =	vmov s6  }
0x355: {  	v11 =	vand.u32 $0x7F, v11  }
0x356: {  	v11 =	vbroadcast v11, $0x0;
	_ =	sdelay $0x1  }
0x357: {  	s6 =	sadd.s32 $0x1, s6;
	v11 =	vor.u32 v2, v11  }
.LBB2_132:
0x358: {  	p1 =	sne.s32 s6, $0x7F  }
.Ltmp71:
0x359: {  	v12 =	vmov s6;
	s6 =	sadd.s32 $0x1, s6;
	(pc) =	sbr.rel @p1 .LBB2_132-.Ltmp71, $4  }
0x35a: {  	v12 =	vand.u32 $0x7F, v12  }
0x35b: {  	v12 =	vbroadcast v12, $0x0  }
0x35c: {  	[tilespmem:v11+s14+$0x0] =	vst.idx.msk vm0, v1  }
0x35d: {  	v11 =	vor.u32 v2, v12  }
0x35e: {  	_ =	sdelay $0x4  }
0x35f: {  	[tilespmem:v11+s14+$0x0] =	vst.idx.msk vm0, v1  }
.LBB2_134:
0x360: {  	v11 =	vld [tilespmem:s0+$0x20];
	_ =	sdelay $0x4  }
0x361: {  	vm0 =	veq.s32 v11, $0x0  }
0x362: {  	v11 =	vmpcnt.ones.xlane vm0;
	_ =	sdelay $0x1  }
0x363: {  	(v2sf) =	vpush v11, $0x0;
	_ =	sdelay $0xe  }
0x364: {  	s6 =	spop (v2sf)  }
0x365: {  	p1 =	slt.s32 s6, $0x1  }
.Ltmp72:
0x366: {  	_ = 	snop;
	(pc) =	sbr.rel @p1 .LBB2_138-.Ltmp72, $2  }
0x367: {  	_ =	sdelay $0x2  }
0x368: {  	s6 =	simm.s32 $0x0  }
0x369: {  	v11 =	vmov s6  }
0x36a: {  	v11 =	vand.u32 $0x7F, v11  }
0x36b: {  	v11 =	vbroadcast v11, $0x0;
	_ =	sdelay $0x1  }
0x36c: {  	s6 =	sadd.s32 $0x1, s6;
	v11 =	vor.u32 v3, v11  }
.LBB2_136:
0x36d: {  	p1 =	sne.s32 s6, $0x7F  }
.Ltmp73:
0x36e: {  	v12 =	vmov s6;
	s6 =	sadd.s32 $0x1, s6;
	(pc) =	sbr.rel @p1 .LBB2_136-.Ltmp73, $4  }
0x36f: {  	v12 =	vand.u32 $0x7F, v12  }
0x370: {  	v12 =	vbroadcast v12, $0x0  }
0x371: {  	[tilespmem:v11+s14+$0x0] =	vst.idx.msk vm0, v1  }
0x372: {  	v11 =	vor.u32 v3, v12  }
0x373: {  	_ =	sdelay $0x4  }
0x374: {  	[tilespmem:v11+s14+$0x0] =	vst.idx.msk vm0, v1  }
.LBB2_138:
0x375: {  	v11 =	vld [tilespmem:s0+$0x30];
	_ =	sdelay $0x4  }
0x376: {  	vm0 =	veq.s32 v11, $0x0  }
0x377: {  	v11 =	vmpcnt.ones.xlane vm0;
	_ =	sdelay $0x1  }
0x378: {  	(v2sf) =	vpush v11, $0x0;
	_ =	sdelay $0xe  }
0x379: {  	s6 =	spop (v2sf)  }
0x37a: {  	p1 =	slt.s32 s6, $0x1  }
.Ltmp74:
0x37b: {  	_ = 	snop;
	(pc) =	sbr.rel @p1 .LBB2_142-.Ltmp74, $2  }
0x37c: {  	_ =	sdelay $0x2  }
0x37d: {  	s6 =	simm.s32 $0x0  }
0x37e: {  	v11 =	vmov s6  }
0x37f: {  	v11 =	vand.u32 $0x7F, v11  }
0x380: {  	v11 =	vbroadcast v11, $0x0;
	_ =	sdelay $0x1  }
0x381: {  	s6 =	sadd.s32 $0x1, s6;
	v11 =	vor.u32 v4, v11  }
.LBB2_140:
0x382: {  	p1 =	sne.s32 s6, $0x7F  }
.Ltmp75:
0x383: {  	v12 =	vmov s6;
	s6 =	sadd.s32 $0x1, s6;
	(pc) =	sbr.rel @p1 .LBB2_140-.Ltmp75, $4  }
0x384: {  	v12 =	vand.u32 $0x7F, v12  }
0x385: {  	v12 =	vbroadcast v12, $0x0  }
0x386: {  	[tilespmem:v11+s14+$0x0] =	vst.idx.msk vm0, v1  }
0x387: {  	v11 =	vor.u32 v4, v12  }
0x388: {  	_ =	sdelay $0x4  }
0x389: {  	[tilespmem:v11+s14+$0x0] =	vst.idx.msk vm0, v1  }
.LBB2_142:
0x38a: {  	v11 =	vld [tilespmem:s0+$0x40];
	_ =	sdelay $0x4  }
0x38b: {  	vm0 =	veq.s32 v11, $0x0  }
0x38c: {  	v11 =	vmpcnt.ones.xlane vm0;
	_ =	sdelay $0x1  }
0x38d: {  	(v2sf) =	vpush v11, $0x0;
	_ =	sdelay $0xe  }
0x38e: {  	s6 =	spop (v2sf)  }
0x38f: {  	p1 =	slt.s32 s6, $0x1  }
.Ltmp76:
0x390: {  	_ = 	snop;
	(pc) =	sbr.rel @p1 .LBB2_146-.Ltmp76, $2  }
0x391: {  	_ =	sdelay $0x2  }
0x392: {  	s6 =	simm.s32 $0x0  }
0x393: {  	v11 =	vmov s6  }
0x394: {  	v11 =	vand.u32 $0x7F, v11  }
0x395: {  	v11 =	vbroadcast v11, $0x0;
	_ =	sdelay $0x1  }
0x396: {  	s6 =	sadd.s32 $0x1, s6;
	v11 =	vor.u32 v5, v11  }
.LBB2_144:
0x397: {  	p1 =	sne.s32 s6, $0x7F  }
.Ltmp77:
0x398: {  	v12 =	vmov s6;
	s6 =	sadd.s32 $0x1, s6;
	(pc) =	sbr.rel @p1 .LBB2_144-.Ltmp77, $4  }
0x399: {  	v12 =	vand.u32 $0x7F, v12  }
0x39a: {  	v12 =	vbroadcast v12, $0x0  }
0x39b: {  	[tilespmem:v11+s14+$0x0] =	vst.idx.msk vm0, v1  }
0x39c: {  	v11 =	vor.u32 v5, v12  }
0x39d: {  	_ =	sdelay $0x4  }
0x39e: {  	[tilespmem:v11+s14+$0x0] =	vst.idx.msk vm0, v1  }
.LBB2_146:
0x39f: {  	v11 =	vld [tilespmem:s0+$0x50];
	_ =	sdelay $0x4  }
0x3a0: {  	vm0 =	veq.s32 v11, $0x0  }
0x3a1: {  	v11 =	vmpcnt.ones.xlane vm0;
	_ =	sdelay $0x1  }
0x3a2: {  	(v2sf) =	vpush v11, $0x0;
	_ =	sdelay $0xe  }
0x3a3: {  	s6 =	spop (v2sf)  }
0x3a4: {  	p1 =	slt.s32 s6, $0x1  }
.Ltmp78:
0x3a5: {  	_ = 	snop;
	(pc) =	sbr.rel @p1 .LBB2_150-.Ltmp78, $2  }
0x3a6: {  	_ =	sdelay $0x2  }
0x3a7: {  	s6 =	simm.s32 $0x0  }
0x3a8: {  	v11 =	vmov s6  }
0x3a9: {  	v11 =	vand.u32 $0x7F, v11  }
0x3aa: {  	v11 =	vbroadcast v11, $0x0;
	_ =	sdelay $0x1  }
0x3ab: {  	s6 =	sadd.s32 $0x1, s6;
	v11 =	vor.u32 v6, v11  }
.LBB2_148:
0x3ac: {  	p1 =	sne.s32 s6, $0x7F  }
.Ltmp79:
0x3ad: {  	v12 =	vmov s6;
	s6 =	sadd.s32 $0x1, s6;
	(pc) =	sbr.rel @p1 .LBB2_148-.Ltmp79, $4  }
0x3ae: {  	v12 =	vand.u32 $0x7F, v12  }
0x3af: {  	v12 =	vbroadcast v12, $0x0  }
0x3b0: {  	[tilespmem:v11+s14+$0x0] =	vst.idx.msk vm0, v1  }
0x3b1: {  	v11 =	vor.u32 v6, v12  }
0x3b2: {  	_ =	sdelay $0x4  }
0x3b3: {  	[tilespmem:v11+s14+$0x0] =	vst.idx.msk vm0, v1  }
.LBB2_150:
0x3b4: {  	v11 =	vld [tilespmem:s0+$0x60];
	_ =	sdelay $0x4  }
0x3b5: {  	vm0 =	veq.s32 v11, $0x0  }
0x3b6: {  	v11 =	vmpcnt.ones.xlane vm0;
	_ =	sdelay $0x1  }
0x3b7: {  	(v2sf) =	vpush v11, $0x0;
	_ =	sdelay $0xe  }
0x3b8: {  	s6 =	spop (v2sf)  }
0x3b9: {  	p1 =	slt.s32 s6, $0x1  }
.Ltmp80:
0x3ba: {  	_ = 	snop;
	(pc) =	sbr.rel @p1 .LBB2_154-.Ltmp80, $2  }
0x3bb: {  	_ =	sdelay $0x2  }
0x3bc: {  	s6 =	simm.s32 $0x0  }
0x3bd: {  	v11 =	vmov s6  }
0x3be: {  	v11 =	vand.u32 $0x7F, v11  }
0x3bf: {  	v11 =	vbroadcast v11, $0x0;
	_ =	sdelay $0x1  }
0x3c0: {  	s6 =	sadd.s32 $0x1, s6;
	v11 =	vor.u32 v7, v11  }
.LBB2_152:
0x3c1: {  	p1 =	sne.s32 s6, $0x7F  }
.Ltmp81:
0x3c2: {  	v12 =	vmov s6;
	s6 =	sadd.s32 $0x1, s6;
	(pc) =	sbr.rel @p1 .LBB2_152-.Ltmp81, $4  }
0x3c3: {  	v12 =	vand.u32 $0x7F, v12  }
0x3c4: {  	v12 =	vbroadcast v12, $0x0  }
0x3c5: {  	[tilespmem:v11+s14+$0x0] =	vst.idx.msk vm0, v1  }
0x3c6: {  	v11 =	vor.u32 v7, v12  }
0x3c7: {  	_ =	sdelay $0x4  }
0x3c8: {  	[tilespmem:v11+s14+$0x0] =	vst.idx.msk vm0, v1  }
.LBB2_154:
0x3c9: {  	v11 =	vld [tilespmem:s0+$0x70];
	_ =	sdelay $0x4  }
0x3ca: {  	vm0 =	veq.s32 v11, $0x0  }
0x3cb: {  	v11 =	vmpcnt.ones.xlane vm0;
	_ =	sdelay $0x1  }
0x3cc: {  	(v2sf) =	vpush v11, $0x0;
	_ =	sdelay $0xe  }
0x3cd: {  	s6 =	spop (v2sf)  }
0x3ce: {  	p1 =	slt.s32 s6, $0x1  }
.Ltmp82:
0x3cf: {  	_ = 	snop;
	(pc) =	sbr.rel @p1 .LBB2_158-.Ltmp82, $2  }
0x3d0: {  	_ =	sdelay $0x2  }
0x3d1: {  	s6 =	simm.s32 $0x0  }
0x3d2: {  	v11 =	vmov s6  }
0x3d3: {  	v11 =	vand.u32 $0x7F, v11  }
0x3d4: {  	v11 =	vbroadcast v11, $0x0;
	_ =	sdelay $0x1  }
0x3d5: {  	s6 =	sadd.s32 $0x1, s6;
	v11 =	vor.u32 v8, v11  }
.LBB2_156:
0x3d6: {  	p1 =	sne.s32 s6, $0x7F  }
.Ltmp83:
0x3d7: {  	v12 =	vmov s6;
	s6 =	sadd.s32 $0x1, s6;
	(pc) =	sbr.rel @p1 .LBB2_156-.Ltmp83, $4  }
0x3d8: {  	v12 =	vand.u32 $0x7F, v12  }
0x3d9: {  	v12 =	vbroadcast v12, $0x0  }
0x3da: {  	[tilespmem:v11+s14+$0x0] =	vst.idx.msk vm0, v1  }
0x3db: {  	v11 =	vor.u32 v8, v12  }
0x3dc: {  	_ =	sdelay $0x4  }
0x3dd: {  	[tilespmem:v11+s14+$0x0] =	vst.idx.msk vm0, v1  }
.LBB2_158:
0x3de: {  	v11 =	vld [tilespmem:s12+$0x80];
	_ =	sdelay $0x4  }
0x3df: {  	vm0 =	veq.s32 v11, $0x0  }
0x3e0: {  	v11 =	vmpcnt.ones.xlane vm0;
	_ =	sdelay $0x1  }
0x3e1: {  	(v2sf) =	vpush v11, $0x0;
	_ =	sdelay $0xe  }
0x3e2: {  	s6 =	spop (v2sf)  }
0x3e3: {  	p1 =	slt.s32 s6, $0x1  }
.Ltmp84:
0x3e4: {  	_ = 	snop;
	(pc) =	sbr.rel @p1 .LBB2_162-.Ltmp84, $2  }
0x3e5: {  	_ =	sdelay $0x2  }
0x3e6: {  	s6 =	simm.s32 $0x0  }
0x3e7: {  	v11 =	vmov s6  }
0x3e8: {  	v11 =	vand.u32 $0x7F, v11  }
0x3e9: {  	v11 =	vbroadcast v11, $0x0;
	_ =	sdelay $0x1  }
0x3ea: {  	s6 =	sadd.s32 $0x1, s6;
	v11 =	vor.u32 v9, v11  }
.LBB2_160:
0x3eb: {  	p1 =	sne.s32 s6, $0x7F  }
.Ltmp85:
0x3ec: {  	v12 =	vmov s6;
	s6 =	sadd.s32 $0x1, s6;
	(pc) =	sbr.rel @p1 .LBB2_160-.Ltmp85, $4  }
0x3ed: {  	v12 =	vand.u32 $0x7F, v12  }
0x3ee: {  	v12 =	vbroadcast v12, $0x0  }
0x3ef: {  	[tilespmem:v11+s14+$0x0] =	vst.idx.msk vm0, v1  }
0x3f0: {  	v11 =	vor.u32 v9, v12  }
0x3f1: {  	_ =	sdelay $0x4  }
0x3f2: {  	[tilespmem:v11+s14+$0x0] =	vst.idx.msk vm0, v1  }
.LBB2_162:
0x3f3: {  	v11 =	vld [tilespmem:s0+$0x90];
	_ =	sdelay $0x4  }
0x3f4: {  	vm0 =	veq.s32 v11, $0x0  }
0x3f5: {  	v11 =	vmpcnt.ones.xlane vm0;
	_ =	sdelay $0x1  }
0x3f6: {  	(v2sf) =	vpush v11, $0x0;
	_ =	sdelay $0xe  }
0x3f7: {  	s6 =	spop (v2sf)  }
0x3f8: {  	p1 =	slt.s32 s6, $0x1  }
.Ltmp86:
0x3f9: {  	_ = 	snop;
	(pc) =	sbr.rel @p1 .LBB2_166-.Ltmp86, $2  }
0x3fa: {  	_ =	sdelay $0x2  }
0x3fb: {  	s6 =	simm.s32 $0x0  }
0x3fc: {  	v11 =	vmov s6  }
0x3fd: {  	v11 =	vand.u32 $0x7F, v11  }
0x3fe: {  	v11 =	vbroadcast v11, $0x0;
	_ =	sdelay $0x1  }
0x3ff: {  	s6 =	sadd.s32 $0x1, s6;
	v11 =	vor.u32 v10, v11  }
.LBB2_164:
0x400: {  	p1 =	sne.s32 s6, $0x7F  }
.Ltmp87:
0x401: {  	v12 =	vmov s6;
	s6 =	sadd.s32 $0x1, s6;
	(pc) =	sbr.rel @p1 .LBB2_164-.Ltmp87, $4  }
0x402: {  	v12 =	vand.u32 $0x7F, v12  }
0x403: {  	v12 =	vbroadcast v12, $0x0  }
0x404: {  	[tilespmem:v11+s14+$0x0] =	vst.idx.msk vm0, v1  }
0x405: {  	v11 =	vor.u32 v10, v12  }
0x406: {  	_ =	sdelay $0x4  }
0x407: {  	[tilespmem:v11+s14+$0x0] =	vst.idx.msk vm0, v1  }
.LBB2_166:
0x408: {  	s0 =	sadd.s32 s4, s0  }
0x409: {  	s0 =	sshll.u32 s0, $0x4  }
0x40a: {  	s0 =	sadd.s32 s3, s0  }
0x40b: {  	[hbm4b:s0+s5] =	stream.linear.scatter [tilespmem:s14], [sflag:$0x9], $0x5000, $0x38;
	[tilespmem:$0x1F400] =	vst v63  }
0x40c: {  	s0 =	simm.s32 @!p0 $0x8  }
0x40d: {  	_ =	swait.ge @!p0 [sflag:s0], $0x5000  }
0x40e: {  	s6 =	simm.s32 @!p0 $0x10400;
	[sflag:s0] =	ssyncset.done @!p0 $0x0  }
0x40f: {  	[sflag:s0] =	ssyncadd.s32 @!p0 $0xFFFFB000;
	s0 =	sadd.s32 @!p0 $0x460, s1;
	s1 =	simm.s32 @!p0 $0xA0  }
0x410: {  	[tilespmem:s6], [sflag:$0x3] =	stream.indirect.gather @!p0 [hbm4b:s2+s1], $0x80, s0, s1, $0xb8;
	[tilespmem:$0x1F400] =	vst v63  }
0x411: {  	_ =	swait.ge [sflag:s20], $0x5000  }
0x412: {  	s0 =	smul.u32 $0xA0, s30;
	[sflag:s20] =	ssyncset.done $0x0  }
0x413: {  	[sflag:s20] =	ssyncadd.s32 $0xFFFFB000  }
0x414: {  	v11 =	vld [tilespmem:s0+$0x0]  }
0x415: {  	v12 =	vld [tilespmem:s0+$0x10]  }
0x416: {  	v13 =	vld [tilespmem:s0+$0x20]  }
0x417: {  	v14 =	vld [tilespmem:s0+$0x30]  }
0x418: {  	v15 =	vld [tilespmem:s0+$0x40]  }
0x419: {  	v16 =	vld [tilespmem:s0+$0x50]  }
0x41a: {  	v17 =	vld [tilespmem:s0+$0x60];
	vm0 =	vlt.s32 v11, $0x1;
	vm1 =	vlt.s32 v12, $0x1  }
0x41b: {  	s1 =	sand.u32 $0x1FFE0, s0;
	v19 =	vld [tilespmem:s0+$0x70];
	vm7 =	vlt.s32 v13, $0x1;
	v18 =	vnsel vm0, $0x1, v11;
	v12 =	vnsel vm1, $0x1, v12  }
0x41c: {  	v55 =	vld [tilespmem:s1+$0x80];
	vm8 =	vlt.s32 v14, $0x1;
	v13 =	vnsel vm7, $0x1, v13;
	v12 =	vadd.s32 v18, v12  }
0x41d: {  	v57 =	vld [tilespmem:s0+$0x90];
	vm9 =	vlt.s32 v15, $0x1;
	v56 =	vnsel vm8, $0x1, v14;
	v12 =	vadd.s32 v13, v12  }
0x41e: {  	vm10 =	vlt.s32 v16, $0x1;
	v58 =	vnsel vm9, $0x1, v15;
	v12 =	vadd.s32 v56, v12  }
0x41f: {  	vm11 =	vlt.s32 v17, $0x1;
	v59 =	vnsel vm10, $0x1, v16;
	v12 =	vadd.s32 v58, v12  }
0x420: {  	vm12 =	vlt.s32 v19, $0x1;
	v60 =	vnsel vm11, $0x1, v17;
	v12 =	vadd.s32 v59, v12  }
0x421: {  	vm13 =	vlt.s32 v55, $0x1;
	v61 =	vnsel vm12, $0x1, v19;
	v12 =	vadd.s32 v60, v12  }
0x422: {  	vm14 =	vlt.s32 v57, $0x1;
	v62 =	vnsel vm13, $0x1, v55;
	v12 =	vadd.s32 v61, v12  }
0x423: {  	v63 =	vnsel vm14, $0x1, v57;
	v12 =	vadd.s32 v62, v12  }
0x424: {  	v12 =	vadd.s32 v63, v12  }
0x425: {  	vm15 =	vlt.s32 v12, $0xA  }
0x426: {  	v12 =	vmpcnt.ones.xlane vm15;
	_ =	sdelay $0x1  }
0x427: {  	(v2sf) =	vpush v12, $0x0;
	_ =	sdelay $0xe  }
0x428: {  	s31 =	spop (v2sf)  }
0x429: {  	p0 =	slt.s32 s31, $0x1  }
.Ltmp88:
0x42a: {  	_ = 	snop;
	(pc) =	sbr.rel @p0 .LBB2_207-.Ltmp88, $1  }
0x42b: {  	_ =	sdelay $0x3  }
0x42c: {  	vm0 =	veq.s32 v11, $0x0  }
0x42d: {  	v11 =	vmpcnt.ones.xlane vm0;
	_ =	sdelay $0x1  }
0x42e: {  	(v2sf) =	vpush v11, $0x0;
	_ =	sdelay $0xe  }
0x42f: {  	s6 =	spop (v2sf)  }
0x430: {  	p0 =	slt.s32 s6, $0x1  }
.Ltmp89:
0x431: {  	_ = 	snop;
	(pc) =	sbr.rel @p0 .LBB2_171-.Ltmp89, $2  }
0x432: {  	_ =	sdelay $0x2  }
0x433: {  	s6 =	simm.s32 $0x0  }
0x434: {  	v11 =	vmov s6  }
0x435: {  	v11 =	vand.u32 $0x7F, v11  }
0x436: {  	v11 =	vbroadcast v11, $0x0;
	_ =	sdelay $0x1  }
0x437: {  	s6 =	sadd.s32 $0x1, s6;
	v11 =	vor.u32 v0, v11  }
.LBB2_169:
0x438: {  	p0 =	sne.s32 s6, $0x7F  }
.Ltmp90:
0x439: {  	v12 =	vmov s6;
	s6 =	sadd.s32 $0x1, s6;
	(pc) =	sbr.rel @p0 .LBB2_169-.Ltmp90, $4  }
0x43a: {  	v12 =	vand.u32 $0x7F, v12  }
0x43b: {  	v12 =	vbroadcast v12, $0x0  }
0x43c: {  	[tilespmem:v11+s16+$0x0] =	vst.idx.msk vm0, v1  }
0x43d: {  	v11 =	vor.u32 v0, v12  }
0x43e: {  	_ =	sdelay $0x4  }
0x43f: {  	[tilespmem:v11+s16+$0x0] =	vst.idx.msk vm0, v1  }
.LBB2_171:
0x440: {  	v11 =	vld [tilespmem:s0+$0x10];
	_ =	sdelay $0x4  }
0x441: {  	vm0 =	veq.s32 v11, $0x0  }
0x442: {  	v11 =	vmpcnt.ones.xlane vm0;
	_ =	sdelay $0x1  }
0x443: {  	(v2sf) =	vpush v11, $0x0;
	_ =	sdelay $0xe  }
0x444: {  	s6 =	spop (v2sf)  }
0x445: {  	p0 =	slt.s32 s6, $0x1  }
.Ltmp91:
0x446: {  	_ = 	snop;
	(pc) =	sbr.rel @p0 .LBB2_175-.Ltmp91, $2  }
0x447: {  	_ =	sdelay $0x2  }
0x448: {  	s6 =	simm.s32 $0x0  }
0x449: {  	v11 =	vmov s6  }
0x44a: {  	v11 =	vand.u32 $0x7F, v11  }
0x44b: {  	v11 =	vbroadcast v11, $0x0;
	_ =	sdelay $0x1  }
0x44c: {  	s6 =	sadd.s32 $0x1, s6;
	v11 =	vor.u32 v2, v11  }
.LBB2_173:
0x44d: {  	p0 =	sne.s32 s6, $0x7F  }
.Ltmp92:
0x44e: {  	v12 =	vmov s6;
	s6 =	sadd.s32 $0x1, s6;
	(pc) =	sbr.rel @p0 .LBB2_173-.Ltmp92, $4  }
0x44f: {  	v12 =	vand.u32 $0x7F, v12  }
0x450: {  	v12 =	vbroadcast v12, $0x0  }
0x451: {  	[tilespmem:v11+s16+$0x0] =	vst.idx.msk vm0, v1  }
0x452: {  	v11 =	vor.u32 v2, v12  }
0x453: {  	_ =	sdelay $0x4  }
0x454: {  	[tilespmem:v11+s16+$0x0] =	vst.idx.msk vm0, v1  }
.LBB2_175:
0x455: {  	v11 =	vld [tilespmem:s0+$0x20];
	_ =	sdelay $0x4  }
0x456: {  	vm0 =	veq.s32 v11, $0x0  }
0x457: {  	v11 =	vmpcnt.ones.xlane vm0;
	_ =	sdelay $0x1  }
0x458: {  	(v2sf) =	vpush v11, $0x0;
	_ =	sdelay $0xe  }
0x459: {  	s6 =	spop (v2sf)  }
0x45a: {  	p0 =	slt.s32 s6, $0x1  }
.Ltmp93:
0x45b: {  	_ = 	snop;
	(pc) =	sbr.rel @p0 .LBB2_179-.Ltmp93, $2  }
0x45c: {  	_ =	sdelay $0x2  }
0x45d: {  	s6 =	simm.s32 $0x0  }
0x45e: {  	v11 =	vmov s6  }
0x45f: {  	v11 =	vand.u32 $0x7F, v11  }
0x460: {  	v11 =	vbroadcast v11, $0x0;
	_ =	sdelay $0x1  }
0x461: {  	s6 =	sadd.s32 $0x1, s6;
	v11 =	vor.u32 v3, v11  }
.LBB2_177:
0x462: {  	p0 =	sne.s32 s6, $0x7F  }
.Ltmp94:
0x463: {  	v12 =	vmov s6;
	s6 =	sadd.s32 $0x1, s6;
	(pc) =	sbr.rel @p0 .LBB2_177-.Ltmp94, $4  }
0x464: {  	v12 =	vand.u32 $0x7F, v12  }
0x465: {  	v12 =	vbroadcast v12, $0x0  }
0x466: {  	[tilespmem:v11+s16+$0x0] =	vst.idx.msk vm0, v1  }
0x467: {  	v11 =	vor.u32 v3, v12  }
0x468: {  	_ =	sdelay $0x4  }
0x469: {  	[tilespmem:v11+s16+$0x0] =	vst.idx.msk vm0, v1  }
.LBB2_179:
0x46a: {  	v11 =	vld [tilespmem:s0+$0x30];
	_ =	sdelay $0x4  }
0x46b: {  	vm0 =	veq.s32 v11, $0x0  }
0x46c: {  	v11 =	vmpcnt.ones.xlane vm0;
	_ =	sdelay $0x1  }
0x46d: {  	(v2sf) =	vpush v11, $0x0;
	_ =	sdelay $0xe  }
0x46e: {  	s6 =	spop (v2sf)  }
0x46f: {  	p0 =	slt.s32 s6, $0x1  }
.Ltmp95:
0x470: {  	_ = 	snop;
	(pc) =	sbr.rel @p0 .LBB2_183-.Ltmp95, $2  }
0x471: {  	_ =	sdelay $0x2  }
0x472: {  	s6 =	simm.s32 $0x0  }
0x473: {  	v11 =	vmov s6  }
0x474: {  	v11 =	vand.u32 $0x7F, v11  }
0x475: {  	v11 =	vbroadcast v11, $0x0;
	_ =	sdelay $0x1  }
0x476: {  	s6 =	sadd.s32 $0x1, s6;
	v11 =	vor.u32 v4, v11  }
.LBB2_181:
0x477: {  	p0 =	sne.s32 s6, $0x7F  }
.Ltmp96:
0x478: {  	v12 =	vmov s6;
	s6 =	sadd.s32 $0x1, s6;
	(pc) =	sbr.rel @p0 .LBB2_181-.Ltmp96, $4  }
0x479: {  	v12 =	vand.u32 $0x7F, v12  }
0x47a: {  	v12 =	vbroadcast v12, $0x0  }
0x47b: {  	[tilespmem:v11+s16+$0x0] =	vst.idx.msk vm0, v1  }
0x47c: {  	v11 =	vor.u32 v4, v12  }
0x47d: {  	_ =	sdelay $0x4  }
0x47e: {  	[tilespmem:v11+s16+$0x0] =	vst.idx.msk vm0, v1  }
.LBB2_183:
0x47f: {  	v11 =	vld [tilespmem:s0+$0x40];
	_ =	sdelay $0x4  }
0x480: {  	vm0 =	veq.s32 v11, $0x0  }
0x481: {  	v11 =	vmpcnt.ones.xlane vm0;
	_ =	sdelay $0x1  }
0x482: {  	(v2sf) =	vpush v11, $0x0;
	_ =	sdelay $0xe  }
0x483: {  	s6 =	spop (v2sf)  }
0x484: {  	p0 =	slt.s32 s6, $0x1  }
.Ltmp97:
0x485: {  	_ = 	snop;
	(pc) =	sbr.rel @p0 .LBB2_187-.Ltmp97, $2  }
0x486: {  	_ =	sdelay $0x2  }
0x487: {  	s6 =	simm.s32 $0x0  }
0x488: {  	v11 =	vmov s6  }
0x489: {  	v11 =	vand.u32 $0x7F, v11  }
0x48a: {  	v11 =	vbroadcast v11, $0x0;
	_ =	sdelay $0x1  }
0x48b: {  	s6 =	sadd.s32 $0x1, s6;
	v11 =	vor.u32 v5, v11  }
.LBB2_185:
0x48c: {  	p0 =	sne.s32 s6, $0x7F  }
.Ltmp98:
0x48d: {  	v12 =	vmov s6;
	s6 =	sadd.s32 $0x1, s6;
	(pc) =	sbr.rel @p0 .LBB2_185-.Ltmp98, $4  }
0x48e: {  	v12 =	vand.u32 $0x7F, v12  }
0x48f: {  	v12 =	vbroadcast v12, $0x0  }
0x490: {  	[tilespmem:v11+s16+$0x0] =	vst.idx.msk vm0, v1  }
0x491: {  	v11 =	vor.u32 v5, v12  }
0x492: {  	_ =	sdelay $0x4  }
0x493: {  	[tilespmem:v11+s16+$0x0] =	vst.idx.msk vm0, v1  }
.LBB2_187:
0x494: {  	v11 =	vld [tilespmem:s0+$0x50];
	_ =	sdelay $0x4  }
0x495: {  	vm0 =	veq.s32 v11, $0x0  }
0x496: {  	v11 =	vmpcnt.ones.xlane vm0;
	_ =	sdelay $0x1  }
0x497: {  	(v2sf) =	vpush v11, $0x0;
	_ =	sdelay $0xe  }
0x498: {  	s6 =	spop (v2sf)  }
0x499: {  	p0 =	slt.s32 s6, $0x1  }
.Ltmp99:
0x49a: {  	_ = 	snop;
	(pc) =	sbr.rel @p0 .LBB2_191-.Ltmp99, $2  }
0x49b: {  	_ =	sdelay $0x2  }
0x49c: {  	s6 =	simm.s32 $0x0  }
0x49d: {  	v11 =	vmov s6  }
0x49e: {  	v11 =	vand.u32 $0x7F, v11  }
0x49f: {  	v11 =	vbroadcast v11, $0x0;
	_ =	sdelay $0x1  }
0x4a0: {  	s6 =	sadd.s32 $0x1, s6;
	v11 =	vor.u32 v6, v11  }
.LBB2_189:
0x4a1: {  	p0 =	sne.s32 s6, $0x7F  }
.Ltmp100:
0x4a2: {  	v12 =	vmov s6;
	s6 =	sadd.s32 $0x1, s6;
	(pc) =	sbr.rel @p0 .LBB2_189-.Ltmp100, $4  }
0x4a3: {  	v12 =	vand.u32 $0x7F, v12  }
0x4a4: {  	v12 =	vbroadcast v12, $0x0  }
0x4a5: {  	[tilespmem:v11+s16+$0x0] =	vst.idx.msk vm0, v1  }
0x4a6: {  	v11 =	vor.u32 v6, v12  }
0x4a7: {  	_ =	sdelay $0x4  }
0x4a8: {  	[tilespmem:v11+s16+$0x0] =	vst.idx.msk vm0, v1  }
.LBB2_191:
0x4a9: {  	v11 =	vld [tilespmem:s0+$0x60];
	_ =	sdelay $0x4  }
0x4aa: {  	vm0 =	veq.s32 v11, $0x0  }
0x4ab: {  	v11 =	vmpcnt.ones.xlane vm0;
	_ =	sdelay $0x1  }
0x4ac: {  	(v2sf) =	vpush v11, $0x0;
	_ =	sdelay $0xe  }
0x4ad: {  	s6 =	spop (v2sf)  }
0x4ae: {  	p0 =	slt.s32 s6, $0x1  }
.Ltmp101:
0x4af: {  	_ = 	snop;
	(pc) =	sbr.rel @p0 .LBB2_195-.Ltmp101, $2  }
0x4b0: {  	_ =	sdelay $0x2  }
0x4b1: {  	s6 =	simm.s32 $0x0  }
0x4b2: {  	v11 =	vmov s6  }
0x4b3: {  	v11 =	vand.u32 $0x7F, v11  }
0x4b4: {  	v11 =	vbroadcast v11, $0x0;
	_ =	sdelay $0x1  }
0x4b5: {  	s6 =	sadd.s32 $0x1, s6;
	v11 =	vor.u32 v7, v11  }
.LBB2_193:
0x4b6: {  	p0 =	sne.s32 s6, $0x7F  }
.Ltmp102:
0x4b7: {  	v12 =	vmov s6;
	s6 =	sadd.s32 $0x1, s6;
	(pc) =	sbr.rel @p0 .LBB2_193-.Ltmp102, $4  }
0x4b8: {  	v12 =	vand.u32 $0x7F, v12  }
0x4b9: {  	v12 =	vbroadcast v12, $0x0  }
0x4ba: {  	[tilespmem:v11+s16+$0x0] =	vst.idx.msk vm0, v1  }
0x4bb: {  	v11 =	vor.u32 v7, v12  }
0x4bc: {  	_ =	sdelay $0x4  }
0x4bd: {  	[tilespmem:v11+s16+$0x0] =	vst.idx.msk vm0, v1  }
.LBB2_195:
0x4be: {  	v11 =	vld [tilespmem:s0+$0x70];
	_ =	sdelay $0x4  }
0x4bf: {  	vm0 =	veq.s32 v11, $0x0  }
0x4c0: {  	v11 =	vmpcnt.ones.xlane vm0;
	_ =	sdelay $0x1  }
0x4c1: {  	(v2sf) =	vpush v11, $0x0;
	_ =	sdelay $0xe  }
0x4c2: {  	s6 =	spop (v2sf)  }
0x4c3: {  	p0 =	slt.s32 s6, $0x1  }
.Ltmp103:
0x4c4: {  	_ = 	snop;
	(pc) =	sbr.rel @p0 .LBB2_199-.Ltmp103, $2  }
0x4c5: {  	_ =	sdelay $0x2  }
0x4c6: {  	s6 =	simm.s32 $0x0  }
0x4c7: {  	v11 =	vmov s6  }
0x4c8: {  	v11 =	vand.u32 $0x7F, v11  }
0x4c9: {  	v11 =	vbroadcast v11, $0x0;
	_ =	sdelay $0x1  }
0x4ca: {  	s6 =	sadd.s32 $0x1, s6;
	v11 =	vor.u32 v8, v11  }
.LBB2_197:
0x4cb: {  	p0 =	sne.s32 s6, $0x7F  }
.Ltmp104:
0x4cc: {  	v12 =	vmov s6;
	s6 =	sadd.s32 $0x1, s6;
	(pc) =	sbr.rel @p0 .LBB2_197-.Ltmp104, $4  }
0x4cd: {  	v12 =	vand.u32 $0x7F, v12  }
0x4ce: {  	v12 =	vbroadcast v12, $0x0  }
0x4cf: {  	[tilespmem:v11+s16+$0x0] =	vst.idx.msk vm0, v1  }
0x4d0: {  	v11 =	vor.u32 v8, v12  }
0x4d1: {  	_ =	sdelay $0x4  }
0x4d2: {  	[tilespmem:v11+s16+$0x0] =	vst.idx.msk vm0, v1  }
.LBB2_199:
0x4d3: {  	v11 =	vld [tilespmem:s1+$0x80];
	_ =	sdelay $0x4  }
0x4d4: {  	vm0 =	veq.s32 v11, $0x0  }
0x4d5: {  	v11 =	vmpcnt.ones.xlane vm0;
	_ =	sdelay $0x1  }
0x4d6: {  	(v2sf) =	vpush v11, $0x0;
	_ =	sdelay $0xe  }
0x4d7: {  	s31 =	spop (v2sf)  }
0x4d8: {  	p0 =	slt.s32 s31, $0x1  }
.Ltmp105:
0x4d9: {  	_ = 	snop;
	(pc) =	sbr.rel @p0 .LBB2_203-.Ltmp105, $2  }
0x4da: {  	_ =	sdelay $0x2  }
0x4db: {  	s1 =	simm.s32 $0x0  }
0x4dc: {  	v11 =	vmov s1  }
0x4dd: {  	v11 =	vand.u32 $0x7F, v11  }
0x4de: {  	v11 =	vbroadcast v11, $0x0;
	_ =	sdelay $0x1  }
0x4df: {  	s1 =	sadd.s32 $0x1, s1;
	v11 =	vor.u32 v9, v11  }
.LBB2_201:
0x4e0: {  	p0 =	sne.s32 s1, $0x7F  }
.Ltmp106:
0x4e1: {  	v12 =	vmov s1;
	s1 =	sadd.s32 $0x1, s1;
	(pc) =	sbr.rel @p0 .LBB2_201-.Ltmp106, $4  }
0x4e2: {  	v12 =	vand.u32 $0x7F, v12  }
0x4e3: {  	v12 =	vbroadcast v12, $0x0  }
0x4e4: {  	[tilespmem:v11+s16+$0x0] =	vst.idx.msk vm0, v1  }
0x4e5: {  	v11 =	vor.u32 v9, v12  }
0x4e6: {  	_ =	sdelay $0x4  }
0x4e7: {  	[tilespmem:v11+s16+$0x0] =	vst.idx.msk vm0, v1  }
.LBB2_203:
0x4e8: {  	v11 =	vld [tilespmem:s0+$0x90];
	_ =	sdelay $0x4  }
0x4e9: {  	vm0 =	veq.s32 v11, $0x0  }
0x4ea: {  	v11 =	vmpcnt.ones.xlane vm0;
	_ =	sdelay $0x1  }
0x4eb: {  	(v2sf) =	vpush v11, $0x0;
	_ =	sdelay $0xe  }
0x4ec: {  	s1 =	spop (v2sf)  }
0x4ed: {  	p0 =	slt.s32 s1, $0x1  }
.Ltmp107:
0x4ee: {  	_ = 	snop;
	(pc) =	sbr.rel @p0 .LBB2_207-.Ltmp107, $2  }
0x4ef: {  	_ =	sdelay $0x2  }
0x4f0: {  	s1 =	simm.s32 $0x0  }
0x4f1: {  	v11 =	vmov s1  }
0x4f2: {  	v11 =	vand.u32 $0x7F, v11  }
0x4f3: {  	v11 =	vbroadcast v11, $0x0;
	_ =	sdelay $0x1  }
0x4f4: {  	s1 =	sadd.s32 $0x1, s1;
	v11 =	vor.u32 v10, v11  }
.LBB2_205:
0x4f5: {  	p0 =	sne.s32 s1, $0x7F  }
.Ltmp108:
0x4f6: {  	v12 =	vmov s1;
	s1 =	sadd.s32 $0x1, s1;
	(pc) =	sbr.rel @p0 .LBB2_205-.Ltmp108, $4  }
0x4f7: {  	v12 =	vand.u32 $0x7F, v12  }
0x4f8: {  	v12 =	vbroadcast v12, $0x0  }
0x4f9: {  	[tilespmem:v11+s16+$0x0] =	vst.idx.msk vm0, v1  }
0x4fa: {  	v11 =	vor.u32 v10, v12  }
0x4fb: {  	_ = 	snop  }
.Ltmp109:
0x4fc: {  	_ = 	snop;
	(pc) =	sbr.rel .LBB2_207-.Ltmp109, $2  }
0x4fd: {  	_ =	sdelay $0x2  }
0x4fe: {  	[tilespmem:v11+s16+$0x0] =	vst.idx.msk vm0, v1  }
.LBB2_209:
0x4ff: {  	_ =	sfence.sel $0x180000  }
0x500: {  	[bflag:$0x0] =	sbarrier.arrive $0xFFFF  }
0x501: {  	_ =	strace $0x90000047  }
0x502: {  	s0 =	stileid.u32;
	[bflag:$0x2] =	sbarrier.arrive $0xFFFF  }
0x503: {  	p0 =	sne.s32 s0, $0x0;
	s0 =	rddreg [dreg:$0x3]  }
0x504: {  	s0 =	sadd.s32 @!p0 $0x100000, s0  }
0x505: {  	[sflag:s0] =	ssyncadd.tile.s32 @!p0 $0x1;
	_ =	shalt  }
.Lfunc_end2:
_tile_overlayer_lowered:
.L_overlay_start_2:
0x506: {  	(tag) =	ssettag $0x2  }
0x507: {  	s0 =	rddreg [dreg:$0x0];
	s2 =	stileid.u32  }
0x508: {  	s1 =	rddreg [dreg:$0x1];
	p0 =	sne.s32 s2, $0x0  }
0x509: {  	s3 =	rddreg [dreg:$0x2];
	[bflag:$0x3] =	sbarrier.arrive $0xFFFF;
	s2 =	simm.s32 @!p0 $0x1C0B  }
0x50a: {  	[timem:s3], [sflag:s2] =	dma.local @!p0 [hbm:s0], s1  }
0x50b: {  	s0 =	simm.s32 @!p0 $0xB  }
0x50c: {  	_ =	swait.ge @!p0 [sflag:s0], s1  }
0x50d: {  	s1 =	ssub.s32 @!p0 $0x0, s1;
	[sflag:s0] =	ssyncset.done @!p0 $0x0  }
0x50e: {  	[sflag:s0] =	ssyncadd.s32 @!p0 s1  }
0x50f: {  	[bflag:$0x3] =	sbarrier.arrive $0xFFFF  }
0x510: {  	_ =	shalt  }

</sc_bundles>
